<compile_context>
chip_gen: v7x
topology: tpu7x:2x2x1
jax: 0.10.2.dev20260603
libtpu: 0.0.44.dev20260713+nightly
codegen_flags: <defaults>
</compile_context>

<pallas_src>
import dataclasses
import functools

import jax
import jax.numpy as jnp
from jax import lax
from jax.experimental import pallas as pl
from jax.experimental.pallas import tpu as pltpu
from jax.experimental.pallas import tpu_sc as plsc

_F32 = jnp.float32
_NTILES = 32
_NSUB = 16
_BLK = 128


def _mesh():
    return plsc.VectorSubcoreMesh(core_axis_name="c", subcore_axis_name="s")


def _cparams(**kw):
    cp = pltpu.CompilerParams()
    fields = pltpu.CompilerParams.__dataclass_fields__
    kw = {k: v for k, v in kw.items() if k in fields}
    return dataclasses.replace(cp, **kw)



def _sc_hist(col2d, npad):
    eb = col2d.shape[0] // _NTILES

    @functools.partial(
        pl.kernel,
        out_type=jax.ShapeDtypeStruct((_NTILES, npad), _F32),
        mesh=_mesh(),
        compiler_params=_cparams(needs_layout_passes=False),
        scratch_types=[
            pltpu.VMEM((eb, _BLK), jnp.int32),
            pltpu.VMEM((npad,), _F32),
        ],
    )
    def k(col_hbm, out_hbm, idx, hist):
        c = lax.axis_index("c")
        s = lax.axis_index("s")
        wid = c * _NSUB + s
        pltpu.sync_copy(col_hbm.at[pl.ds(wid * eb, eb)], idx)

        @pl.loop(0, npad, step=16)
        def _(i):
            hist[pl.ds(i, 16)] = jnp.zeros((16,), _F32)

        ones = jnp.ones((16,), _F32)

        @pl.loop(0, eb)
        def _(j):
            @pl.loop(0, _BLK, step=16)
            def _(t):
                plsc.addupdate_scatter(hist, [idx[j, pl.ds(t, 16)]], ones)

        pltpu.sync_copy(hist, out_hbm.at[wid])

    return k(col2d)


_AGG_DEPTH = 5
_DEC_DEPTH = 4


def _sc_agg(ys, row2d, col2d, zeros_h, npad, dh):
    eb = row2d.shape[0] // _NSUB
    rows = npad // _NSUB
    nd = _AGG_DEPTH

    @functools.partial(
        pl.kernel,
        out_type=jax.ShapeDtypeStruct((2, npad, dh), _F32),
        mesh=_mesh(),
        compiler_params=_cparams(use_tc_tiling_on_sc=False),
        scratch_types=(
            [pltpu.VMEM((eb, _BLK), jnp.int32),
             pltpu.VMEM((eb, _BLK), jnp.int32)]
            + [pltpu.VMEM((_BLK, dh), _F32)] * nd
            + [pltpu.VMEM_SHARED((npad, dh), _F32)]
            + [pltpu.SemaphoreType.DMA] * (2 * nd)
        ),
    )
    def k(y_hbm, r_hbm, c_hbm, z_hbm, out_hbm, ridx, cidx, *rest):
        buf = rest[:nd]
        acc = rest[nd]
        sg = rest[nd + 1:2 * nd + 1]
        ss = rest[2 * nd + 1:]
        c = lax.axis_index("c")
        s = lax.axis_index("s")
        pltpu.sync_copy(z_hbm.at[pl.ds(s * rows, rows)],
                        acc.at[pl.ds(s * rows, rows)])
        pltpu.sync_copy(r_hbm.at[pl.ds(s * eb, eb)], ridx)
        pltpu.sync_copy(c_hbm.at[pl.ds(s * eb, eb)], cidx)
        plsc.subcore_barrier()
        ysel = y_hbm.at[c]

        for b in range(nd):
            pltpu.async_copy(ysel.at[ridx.at[b]], buf[b], sg[b])

        @pl.loop(0, eb - nd, step=nd)
        def _(j):
            for b in range(nd):
                jb = j + b
                pltpu.make_async_copy(ysel.at[ridx.at[jb]], buf[b],
                                      sg[b]).wait()
                pltpu.async_copy(buf[b], acc.at[cidx.at[jb]], ss[b],
                                 add=True)
            for b in range(nd):
                jb = j + b
                pltpu.make_async_copy(buf[b], acc.at[cidx.at[jb]],
                                      ss[b]).wait()
                pltpu.async_copy(ysel.at[ridx.at[jb + nd]], buf[b], sg[b])

        for b in range(nd):
            jb = eb - nd + b
            pltpu.make_async_copy(ysel.at[ridx.at[jb]], buf[b], sg[b]).wait()
            pltpu.async_copy(buf[b], acc.at[cidx.at[jb]], ss[b], add=True)
        for b in range(nd):
            jb = eb - nd + b
            pltpu.make_async_copy(buf[b], acc.at[cidx.at[jb]], ss[b]).wait()

        plsc.subcore_barrier()
        pltpu.sync_copy(acc.at[pl.ds(s * rows, rows)],
                        out_hbm.at[c, pl.ds(s * rows, rows)])

    return k(ys, row2d, col2d, zeros_h)


def _sc_decode(z, src2d, dst2d):
    d = z.shape[1]
    eblk = 64
    lb = src2d.shape[0] // _NTILES
    lpad = src2d.size
    nd = _DEC_DEPTH

    @functools.partial(
        pl.kernel,
        out_type=(jax.ShapeDtypeStruct((lpad, d), _F32),
                  jax.ShapeDtypeStruct((lpad, d), _F32)),
        mesh=_mesh(),
        compiler_params=_cparams(use_tc_tiling_on_sc=False),
        scratch_types=(
            [pltpu.VMEM((lb, eblk), jnp.int32),
             pltpu.VMEM((lb, eblk), jnp.int32)]
            + [pltpu.VMEM((eblk, d), _F32)] * (2 * nd)
            + [pltpu.SemaphoreType.DMA] * (4 * nd)
        ),
    )
    def k(z_hbm, s_hbm, d_hbm, za_hbm, zb_hbm, sidx, didx, *rest):
        bufa = rest[:nd]
        bufb = rest[nd:2 * nd]
        sga = rest[2 * nd:3 * nd]
        sgb = rest[3 * nd:4 * nd]
        swa = rest[4 * nd:5 * nd]
        swb = rest[5 * nd:6 * nd]
        c = lax.axis_index("c")
        s = lax.axis_index("s")
        wid = c * _NSUB + s
        pltpu.sync_copy(s_hbm.at[pl.ds(wid * lb, lb)], sidx)
        pltpu.sync_copy(d_hbm.at[pl.ds(wid * lb, lb)], didx)

        def out_sl(ib):
            return pl.ds((wid * lb + ib) * eblk, eblk)

        for b in range(nd):
            pltpu.async_copy(z_hbm.at[sidx.at[b]], bufa[b], sga[b])
            pltpu.async_copy(z_hbm.at[didx.at[b]], bufb[b], sgb[b])

        @pl.loop(0, lb - nd, step=nd)
        def _(i):
            for b in range(nd):
                ib = i + b
                pltpu.make_async_copy(z_hbm.at[sidx.at[ib]], bufa[b],
                                      sga[b]).wait()
                pltpu.async_copy(bufa[b], za_hbm.at[out_sl(ib)], swa[b])
                pltpu.make_async_copy(z_hbm.at[didx.at[ib]], bufb[b],
                                      sgb[b]).wait()
                pltpu.async_copy(bufb[b], zb_hbm.at[out_sl(ib)], swb[b])
            for b in range(nd):
                ib = i + b
                pltpu.make_async_copy(bufa[b], za_hbm.at[out_sl(ib)],
                                      swa[b]).wait()
                pltpu.make_async_copy(bufb[b], zb_hbm.at[out_sl(ib)],
                                      swb[b]).wait()
                pltpu.async_copy(z_hbm.at[sidx.at[ib + nd]], bufa[b], sga[b])
                pltpu.async_copy(z_hbm.at[didx.at[ib + nd]], bufb[b], sgb[b])

        for b in range(nd):
            ib = lb - nd + b
            pltpu.make_async_copy(z_hbm.at[sidx.at[ib]], bufa[b],
                                  sga[b]).wait()
            pltpu.async_copy(bufa[b], za_hbm.at[out_sl(ib)], swa[b])
            pltpu.make_async_copy(z_hbm.at[didx.at[ib]], bufb[b],
                                  sgb[b]).wait()
            pltpu.async_copy(bufb[b], zb_hbm.at[out_sl(ib)], swb[b])
        for b in range(nd):
            ib = lb - nd + b
            pltpu.make_async_copy(bufa[b], za_hbm.at[out_sl(ib)],
                                  swa[b]).wait()
            pltpu.make_async_copy(bufb[b], zb_hbm.at[out_sl(ib)],
                                  swb[b]).wait()

    return k(z, src2d, dst2d)



_HIGH = jax.lax.Precision.HIGHEST


def _dot(a, b):
    return lax.dot_general(a, b, (((1,), (0,)), ((), ())),
                           precision=_HIGH, preferred_element_type=_F32)


def _dis(cnt_ref):
    deg = 1.0 + jnp.sum(cnt_ref[...], axis=1, keepdims=True)
    return 1.0 / jnp.sqrt(deg)


def _split(h, o_ref):
    dh = h.shape[1] // 2
    o_ref[0] = h[:, :dh]
    o_ref[1] = h[:, dh:]


def _tc_matmul(x, w):
    def body(x_ref, w_ref, o_ref):
        o_ref[...] = _dot(x_ref[...], w_ref[...])
    return pl.pallas_call(
        body, out_shape=jax.ShapeDtypeStruct((x.shape[0], w.shape[1]), _F32),
    )(x, w)


_ROWBLK = 2048


def _tc_prep(xw, cnt_t):
    n, d = xw.shape
    def body(xw_ref, cnt_ref, o_ref):
        _split(xw_ref[...] * _dis(cnt_ref), o_ref)
    return pl.pallas_call(
        body,
        grid=(n // _ROWBLK,),
        in_specs=[pl.BlockSpec((_ROWBLK, d), lambda i: (i, 0)),
                  pl.BlockSpec((_ROWBLK, cnt_t.shape[1]), lambda i: (i, 0))],
        out_specs=pl.BlockSpec((2, _ROWBLK, d // 2), lambda i: (0, i, 0)),
        out_shape=jax.ShapeDtypeStruct((2, n, d // 2), _F32),
    )(xw, cnt_t)


def _tc_layer_mid(ag, ys, cnt_t, b, w2):
    _, n, dh = ys.shape
    def body(a_ref, y_ref, cnt_ref, b_ref, w_ref, o_ref):
        dis = _dis(cnt_ref)
        a = jnp.concatenate([a_ref[0], a_ref[1]], axis=1)
        y = jnp.concatenate([y_ref[0], y_ref[1]], axis=1)
        z = jnp.maximum(dis * (a + y) + b_ref[...], 0.0)
        _split(_dot(z, w_ref[...]) * dis, o_ref)
    return pl.pallas_call(
        body,
        grid=(n // _ROWBLK,),
        in_specs=[pl.BlockSpec((2, _ROWBLK, dh), lambda i: (0, i, 0)),
                  pl.BlockSpec((2, _ROWBLK, dh), lambda i: (0, i, 0)),
                  pl.BlockSpec((_ROWBLK, cnt_t.shape[1]), lambda i: (i, 0)),
                  pl.BlockSpec((1, 2 * dh), lambda i: (0, 0)),
                  pl.BlockSpec((2 * dh, 2 * dh), lambda i: (0, 0))],
        out_specs=pl.BlockSpec((2, _ROWBLK, dh), lambda i: (0, i, 0)),
        out_shape=jax.ShapeDtypeStruct((2, n, dh), _F32),
    )(ag, ys, cnt_t, b, w2)


def _tc_layer_last(ag, ys, cnt_t, b):
    _, n, dh = ys.shape
    def body(a_ref, y_ref, cnt_ref, b_ref, o_ref):
        dis = _dis(cnt_ref)
        a = jnp.concatenate([a_ref[0], a_ref[1]], axis=1)
        y = jnp.concatenate([y_ref[0], y_ref[1]], axis=1)
        o_ref[...] = jnp.maximum(dis * (a + y) + b_ref[...], 0.0)
    return pl.pallas_call(
        body,
        grid=(n // _ROWBLK,),
        in_specs=[pl.BlockSpec((2, _ROWBLK, dh), lambda i: (0, i, 0)),
                  pl.BlockSpec((2, _ROWBLK, dh), lambda i: (0, i, 0)),
                  pl.BlockSpec((_ROWBLK, cnt_t.shape[1]), lambda i: (i, 0)),
                  pl.BlockSpec((1, 2 * dh), lambda i: (0, 0))],
        out_specs=pl.BlockSpec((_ROWBLK, 2 * dh), lambda i: (i, 0)),
        out_shape=jax.ShapeDtypeStruct((n, 2 * dh), _F32),
    )(ag, ys, cnt_t, b)


def _tc_dotred(za, zb):
    blk = 4096
    d = za.shape[1]
    def body(a_ref, b_ref, o_ref):
        o_ref[...] = jnp.sum(a_ref[...] * b_ref[...], axis=1, keepdims=True)
    spec = pl.BlockSpec((blk, d), lambda i: (i, 0))
    return pl.pallas_call(
        body,
        grid=(za.shape[0] // blk,),
        in_specs=[spec, spec],
        out_specs=pl.BlockSpec((blk, 1), lambda i: (i, 0)),
        out_shape=jax.ShapeDtypeStruct((za.shape[0], 1), _F32),
    )(za, zb)



def _pad_idx(a, pad_val, unit, blk=_BLK):
    n = a.shape[0]
    npad = -(-n // unit) * unit
    return jnp.concatenate(
        [a, jnp.full((npad - n,), pad_val, jnp.int32)]).reshape(-1, blk)


def kernel(x, edge_index, edge_label_index, W1, b1, W2, b2):
    n, d = x.shape
    dh = d // 2
    npad = -(-(n + 16) // 2048) * 2048

    row = edge_index[0].astype(jnp.int32)
    col = edge_index[1].astype(jnp.int32)
    src = edge_label_index[0].astype(jnp.int32)
    dst = edge_label_index[1].astype(jnp.int32)
    nlabel = src.shape[0]

    unit = _NTILES * _BLK * 8
    row2d = _pad_idx(row, n, unit)
    col2d = _pad_idx(col, n + 8, unit)
    lunit = _NTILES * 64 * 8
    src2d = _pad_idx(src, 0, lunit, blk=64)
    dst2d = _pad_idx(dst, 0, lunit, blk=64)

    x_p = jnp.pad(x, ((0, npad - n), (0, 0)))
    zeros_h = jnp.zeros((npad, dh), _F32)
    b1r = b1.reshape(1, d)
    b2r = b2.reshape(1, d)

    cnt = _sc_hist(col2d, npad)
    xw1 = _tc_matmul(x_p, W1)
    cnt_t = cnt.T

    ys = _tc_prep(xw1, cnt_t)
    ag1 = _sc_agg(ys, row2d, col2d, zeros_h, npad, dh)
    y2s = _tc_layer_mid(ag1, ys, cnt_t, b1r, W2)
    ag2 = _sc_agg(y2s, row2d, col2d, zeros_h, npad, dh)
    z2 = _tc_layer_last(ag2, y2s, cnt_t, b2r)

    za, zb = _sc_decode(z2, src2d, dst2d)
    scores = _tc_dotred(za, zb)
    return scores[:nlabel, 0]

# --- scband reference (transcript-rebuilt; emitter-appended) ---
"""Pipeline reference for scband-link-predictor-25400436589171 (READ-ONLY COPY).

The authoritative reference and input builder live on the scoring server;
editing this copy changes nothing except your own understanding.
"""

import jax, jax.numpy as jnp
import numpy as np


def _gcn_conv(x, row, col, W, b, num_nodes):
    # GCNConv with add_self_loops=True and symmetric normalization (PyG defaults)
    loop = jnp.arange(num_nodes, dtype=row.dtype)
    row_sl = jnp.concatenate([row, loop])
    col_sl = jnp.concatenate([col, loop])
    ew = jnp.ones(row_sl.shape[0], dtype=x.dtype)
    deg = jnp.zeros((num_nodes,), dtype=x.dtype).at[col_sl].add(ew)
    deg_inv_sqrt = jnp.where(deg > 0, 1.0 / jnp.sqrt(deg), 0.0)
    norm = deg_inv_sqrt[row_sl] * deg_inv_sqrt[col_sl]
    xw = x @ W
    msg = xw[row_sl] * norm[:, None]
    out = jnp.zeros((num_nodes, xw.shape[1]), dtype=x.dtype).at[col_sl].add(msg)
    return out + b


def setup_inputs(seed: int = 0) -> dict:
    key = jax.random.key(seed)
    k1, k2, k3, k4, k5, k6, k7 = jax.random.split(key, 7)
    n_nodes = 10000
    n_edges = 320000
    n_label_edges = 200000
    in_dim = 128
    hidden_dim = 128
    x = jax.random.normal(k1, (n_nodes, in_dim), dtype=jnp.float32)
    edge_index = jax.random.randint(k2, (2, n_edges), 0, n_nodes, dtype=jnp.int64)
    edge_label_index = jax.random.randint(k3, (2, n_label_edges), 0, n_nodes, dtype=jnp.int64)
    s1 = 1.0 / np.sqrt(in_dim)
    s2 = 1.0 / np.sqrt(hidden_dim)
    W1 = jax.random.uniform(k4, (in_dim, hidden_dim), minval=-s1, maxval=s1, dtype=jnp.float32)
    b1 = jax.random.uniform(k5, (hidden_dim,), minval=-s1, maxval=s1, dtype=jnp.float32)
    W2 = jax.random.uniform(k6, (hidden_dim, hidden_dim), minval=-s2, maxval=s2, dtype=jnp.float32)
    b2 = jax.random.uniform(k7, (hidden_dim,), minval=-s2, maxval=s2, dtype=jnp.float32)
    return {"x": x, "edge_index": edge_index, "edge_label_index": edge_label_index,
            "W1": W1, "b1": b1, "W2": W2, "b2": b2}


def reference(x, edge_index, edge_label_index, W1, b1, W2, b2):
    num_nodes = x.shape[0]
    row, col = edge_index[0], edge_index[1]
    # layer 1 + relu (dropout is identity in eval mode)
    z = _gcn_conv(x, row, col, W1, b1, num_nodes)
    z = jax.nn.relu(z)
    # layer 2 + relu
    z = _gcn_conv(z, row, col, W2, b2, num_nodes)
    z = jax.nn.relu(z)
    # decode: dot-product link scores
    src, dst = edge_label_index[0], edge_label_index[1]
    return (z[src] * z[dst]).sum(axis=-1)

if __name__ == "__main__":
    import jax
    _d = setup_inputs()
    print(jax.jit(kernel)(*tuple(_d.values())))

</pallas_src>

<mosaic_0001>
#map = affine_map<(d0, d1) -> (0, 0)>
module attributes {stable_mosaic.version = 14 : i64} {
  func.func @k(%arg0: i32, %arg1: i32, %arg2: memref<10240x128xf32, #tpu.memory_space<hbm>>, %arg3: memref<3328x64xi32, #tpu.memory_space<hbm>>, %arg4: memref<3328x64xi32, #tpu.memory_space<hbm>>, %arg5: memref<212992x128xf32, #tpu.memory_space<hbm>>, %arg6: memref<212992x128xf32, #tpu.memory_space<hbm>>, %arg7: memref<104x64xi32, #tpu.memory_space<vmem>>, %arg8: memref<104x64xi32, #tpu.memory_space<vmem>>, %arg9: memref<64x128xf32, #tpu.memory_space<vmem>>, %arg10: memref<64x128xf32, #tpu.memory_space<vmem>>, %arg11: memref<64x128xf32, #tpu.memory_space<vmem>>, %arg12: memref<64x128xf32, #tpu.memory_space<vmem>>, %arg13: memref<64x128xf32, #tpu.memory_space<vmem>>, %arg14: memref<64x128xf32, #tpu.memory_space<vmem>>, %arg15: memref<64x128xf32, #tpu.memory_space<vmem>>, %arg16: memref<64x128xf32, #tpu.memory_space<vmem>>, %arg17: memref<!tpu.dma_semaphore, #tpu.memory_space<semaphore_mem>>, %arg18: memref<!tpu.dma_semaphore, #tpu.memory_space<semaphore_mem>>, %arg19: memref<!tpu.dma_semaphore, #tpu.memory_space<semaphore_mem>>, %arg20: memref<!tpu.dma_semaphore, #tpu.memory_space<semaphore_mem>>, %arg21: memref<!tpu.dma_semaphore, #tpu.memory_space<semaphore_mem>>, %arg22: memref<!tpu.dma_semaphore, #tpu.memory_space<semaphore_mem>>, %arg23: memref<!tpu.dma_semaphore, #tpu.memory_space<semaphore_mem>>, %arg24: memref<!tpu.dma_semaphore, #tpu.memory_space<semaphore_mem>>, %arg25: memref<!tpu.dma_semaphore, #tpu.memory_space<semaphore_mem>>, %arg26: memref<!tpu.dma_semaphore, #tpu.memory_space<semaphore_mem>>, %arg27: memref<!tpu.dma_semaphore, #tpu.memory_space<semaphore_mem>>, %arg28: memref<!tpu.dma_semaphore, #tpu.memory_space<semaphore_mem>>, %arg29: memref<!tpu.dma_semaphore, #tpu.memory_space<semaphore_mem>>, %arg30: memref<!tpu.dma_semaphore, #tpu.memory_space<semaphore_mem>>, %arg31: memref<!tpu.dma_semaphore, #tpu.memory_space<semaphore_mem>>, %arg32: memref<!tpu.dma_semaphore, #tpu.memory_space<semaphore_mem>>) attributes {dimension_semantics = [#tpu.dimension_semantics<core_parallel>, #tpu.dimension_semantics<subcore_parallel>], iteration_bounds = array<i64: 2, 16>, scalar_prefetch = 0 : i64, scratch_operands = 26 : i64, tpu.core_type = #tpu.core_type<sc_vector_subcore>, window_params = [{transform_indices = #map}, {transform_indices = #map}, {transform_indices = #map}, {transform_indices = #map}, {transform_indices = #map}]} {
    %mul3A = arith.constant 16 : i32
    %mul3A_0 = arith.muli %arg0, %mul3A : i32
    %add3A = arith.addi %mul3A_0, %arg1 : i32
    %mul3A_1 = arith.constant 104 : i32
    %mul3A_2 = arith.muli %add3A, %mul3A_1 : i32
    "tpu.region"() ({
      %run_scoped3A = tpu.sem_alloc : memref<!tpu.dma_semaphore, #tpu.memory_space<semaphore_mem>>
      %dma_start3A_279 = arith.constant 0 : i32
      %dma_start3A_280 = tpu.memref_slice %arg3[%mul3A_2, %dma_start3A_279] : memref<3328x64xi32, #tpu.memory_space<hbm>> -> memref<104x64xi32, #tpu.memory_space<hbm>>
      %dma_start3A_281 = arith.constant 0 : i32
      %dma_start3A_282 = tpu.memref_slice %arg3[%mul3A_2, %dma_start3A_281] : memref<3328x64xi32, #tpu.memory_space<hbm>> -> memref<104x64xi32, #tpu.memory_space<hbm>>
      tpu.enqueue_dma source(%dma_start3A_282 : memref<104x64xi32, #tpu.memory_space<hbm>>) target(%arg7 : memref<104x64xi32, #tpu.memory_space<vmem>>) target_semaphore(%run_scoped3A : memref<!tpu.dma_semaphore, #tpu.memory_space<semaphore_mem>>)
      %dma_wait3A_283 = arith.constant 0 : i32
      %dma_wait3A_284 = tpu.memref_slice %arg3[%mul3A_2, %dma_wait3A_283] : memref<3328x64xi32, #tpu.memory_space<hbm>> -> memref<104x64xi32, #tpu.memory_space<hbm>>
      %dma_wait3A_285 = arith.constant 0 : i32
      %dma_wait3A_286 = tpu.memref_slice %arg3[%mul3A_2, %dma_wait3A_285] : memref<3328x64xi32, #tpu.memory_space<hbm>> -> memref<104x64xi32, #tpu.memory_space<hbm>>
      tpu.wait_dma2 semaphore(%run_scoped3A : memref<!tpu.dma_semaphore, #tpu.memory_space<semaphore_mem>>) src(%dma_wait3A_286 : memref<104x64xi32, #tpu.memory_space<hbm>>) dst(%arg7 : memref<104x64xi32, #tpu.memory_space<vmem>>)
      tpu.yield
    }) : () -> ()
    %mul3A_3 = arith.constant 104 : i32
    %mul3A_4 = arith.muli %add3A, %mul3A_3 : i32
    "tpu.region"() ({
      %run_scoped3A = tpu.sem_alloc : memref<!tpu.dma_semaphore, #tpu.memory_space<semaphore_mem>>
      %dma_start3A_279 = arith.constant 0 : i32
      %dma_start3A_280 = tpu.memref_slice %arg4[%mul3A_4, %dma_start3A_279] : memref<3328x64xi32, #tpu.memory_space<hbm>> -> memref<104x64xi32, #tpu.memory_space<hbm>>
      %dma_start3A_281 = arith.constant 0 : i32
      %dma_start3A_282 = tpu.memref_slice %arg4[%mul3A_4, %dma_start3A_281] : memref<3328x64xi32, #tpu.memory_space<hbm>> -> memref<104x64xi32, #tpu.memory_space<hbm>>
      tpu.enqueue_dma source(%dma_start3A_282 : memref<104x64xi32, #tpu.memory_space<hbm>>) target(%arg8 : memref<104x64xi32, #tpu.memory_space<vmem>>) target_semaphore(%run_scoped3A : memref<!tpu.dma_semaphore, #tpu.memory_space<semaphore_mem>>)
      %dma_wait3A_283 = arith.constant 0 : i32
      %dma_wait3A_284 = tpu.memref_slice %arg4[%mul3A_4, %dma_wait3A_283] : memref<3328x64xi32, #tpu.memory_space<hbm>> -> memref<104x64xi32, #tpu.memory_space<hbm>>
      %dma_wait3A_285 = arith.constant 0 : i32
      %dma_wait3A_286 = tpu.memref_slice %arg4[%mul3A_4, %dma_wait3A_285] : memref<3328x64xi32, #tpu.memory_space<hbm>> -> memref<104x64xi32, #tpu.memory_space<hbm>>
      tpu.wait_dma2 semaphore(%run_scoped3A : memref<!tpu.dma_semaphore, #tpu.memory_space<semaphore_mem>>) src(%dma_wait3A_286 : memref<104x64xi32, #tpu.memory_space<hbm>>) dst(%arg8 : memref<104x64xi32, #tpu.memory_space<vmem>>)
      tpu.yield
    }) : () -> ()
    %dma_start3A = arith.constant 0 : i32
    %dma_start3A_5 = arith.constant 0 : i32
    %dma_start3A_6 = tpu.memref_slice %arg7[%dma_start3A, %dma_start3A_5] : memref<104x64xi32, #tpu.memory_space<vmem>> -> memref<1x64xi32, #tpu.memory_space<vmem>>
    %dma_start3A_7 = tpu.memref_squeeze %dma_start3A_6 : memref<1x64xi32, #tpu.memory_space<vmem>> -> memref<64xi32, #tpu.memory_space<vmem>>
    %dma_start3A_8 = arith.constant 0 : i32
    %dma_start3A_9 = arith.constant 0 : i32
    %dma_start3A_10 = tpu.memref_slice %arg2[%dma_start3A_8, %dma_start3A_9] : memref<10240x128xf32, #tpu.memory_space<hbm>> -> memref<10240x128xf32, #tpu.memory_space<hbm>>
    tpu.enqueue_indirect_dma source(%dma_start3A_10 : memref<10240x128xf32, #tpu.memory_space<hbm>>) target(%arg9 : memref<64x128xf32, #tpu.memory_space<vmem>>) offsets(%dma_start3A_7 : memref<64xi32, #tpu.memory_space<vmem>>) semaphore(%arg17 : memref<!tpu.dma_semaphore, #tpu.memory_space<semaphore_mem>>)
    %dma_start3A_11 = arith.constant 0 : i32
    %dma_start3A_12 = arith.constant 0 : i32
    %dma_start3A_13 = tpu.memref_slice %arg8[%dma_start3A_11, %dma_start3A_12] : memref<104x64xi32, #tpu.memory_space<vmem>> -> memref<1x64xi32, #tpu.memory_space<vmem>>
    %dma_start3A_14 = tpu.memref_squeeze %dma_start3A_13 : memref<1x64xi32, #tpu.memory_space<vmem>> -> memref<64xi32, #tpu.memory_space<vmem>>
    %dma_start3A_15 = arith.constant 0 : i32
    %dma_start3A_16 = arith.constant 0 : i32
    %dma_start3A_17 = tpu.memref_slice %arg2[%dma_start3A_15, %dma_start3A_16] : memref<10240x128xf32, #tpu.memory_space<hbm>> -> memref<10240x128xf32, #tpu.memory_space<hbm>>
    tpu.enqueue_indirect_dma source(%dma_start3A_17 : memref<10240x128xf32, #tpu.memory_space<hbm>>) target(%arg13 : memref<64x128xf32, #tpu.memory_space<vmem>>) offsets(%dma_start3A_14 : memref<64xi32, #tpu.memory_space<vmem>>) semaphore(%arg21 : memref<!tpu.dma_semaphore, #tpu.memory_space<semaphore_mem>>)
    %dma_start3A_18 = arith.constant 1 : i32
    %dma_start3A_19 = arith.constant 0 : i32
    %dma_start3A_20 = tpu.memref_slice %arg7[%dma_start3A_18, %dma_start3A_19] : memref<104x64xi32, #tpu.memory_space<vmem>> -> memref<1x64xi32, #tpu.memory_space<vmem>>
    %dma_start3A_21 = tpu.memref_squeeze %dma_start3A_20 : memref<1x64xi32, #tpu.memory_space<vmem>> -> memref<64xi32, #tpu.memory_space<vmem>>
    %dma_start3A_22 = arith.constant 0 : i32
    %dma_start3A_23 = arith.constant 0 : i32
    %dma_start3A_24 = tpu.memref_slice %arg2[%dma_start3A_22, %dma_start3A_23] : memref<10240x128xf32, #tpu.memory_space<hbm>> -> memref<10240x128xf32, #tpu.memory_space<hbm>>
    tpu.enqueue_indirect_dma source(%dma_start3A_24 : memref<10240x128xf32, #tpu.memory_space<hbm>>) target(%arg10 : memref<64x128xf32, #tpu.memory_space<vmem>>) offsets(%dma_start3A_21 : memref<64xi32, #tpu.memory_space<vmem>>) semaphore(%arg18 : memref<!tpu.dma_semaphore, #tpu.memory_space<semaphore_mem>>)
    %dma_start3A_25 = arith.constant 1 : i32
    %dma_start3A_26 = arith.constant 0 : i32
    %dma_start3A_27 = tpu.memref_slice %arg8[%dma_start3A_25, %dma_start3A_26] : memref<104x64xi32, #tpu.memory_space<vmem>> -> memref<1x64xi32, #tpu.memory_space<vmem>>
    %dma_start3A_28 = tpu.memref_squeeze %dma_start3A_27 : memref<1x64xi32, #tpu.memory_space<vmem>> -> memref<64xi32, #tpu.memory_space<vmem>>
    %dma_start3A_29 = arith.constant 0 : i32
    %dma_start3A_30 = arith.constant 0 : i32
    %dma_start3A_31 = tpu.memref_slice %arg2[%dma_start3A_29, %dma_start3A_30] : memref<10240x128xf32, #tpu.memory_space<hbm>> -> memref<10240x128xf32, #tpu.memory_space<hbm>>
    tpu.enqueue_indirect_dma source(%dma_start3A_31 : memref<10240x128xf32, #tpu.memory_space<hbm>>) target(%arg14 : memref<64x128xf32, #tpu.memory_space<vmem>>) offsets(%dma_start3A_28 : memref<64xi32, #tpu.memory_space<vmem>>) semaphore(%arg22 : memref<!tpu.dma_semaphore, #tpu.memory_space<semaphore_mem>>)
    %dma_start3A_32 = arith.constant 2 : i32
    %dma_start3A_33 = arith.constant 0 : i32
    %dma_start3A_34 = tpu.memref_slice %arg7[%dma_start3A_32, %dma_start3A_33] : memref<104x64xi32, #tpu.memory_space<vmem>> -> memref<1x64xi32, #tpu.memory_space<vmem>>
    %dma_start3A_35 = tpu.memref_squeeze %dma_start3A_34 : memref<1x64xi32, #tpu.memory_space<vmem>> -> memref<64xi32, #tpu.memory_space<vmem>>
    %dma_start3A_36 = arith.constant 0 : i32
    %dma_start3A_37 = arith.constant 0 : i32
    %dma_start3A_38 = tpu.memref_slice %arg2[%dma_start3A_36, %dma_start3A_37] : memref<10240x128xf32, #tpu.memory_space<hbm>> -> memref<10240x128xf32, #tpu.memory_space<hbm>>
    tpu.enqueue_indirect_dma source(%dma_start3A_38 : memref<10240x128xf32, #tpu.memory_space<hbm>>) target(%arg11 : memref<64x128xf32, #tpu.memory_space<vmem>>) offsets(%dma_start3A_35 : memref<64xi32, #tpu.memory_space<vmem>>) semaphore(%arg19 : memref<!tpu.dma_semaphore, #tpu.memory_space<semaphore_mem>>)
    %dma_start3A_39 = arith.constant 2 : i32
    %dma_start3A_40 = arith.constant 0 : i32
    %dma_start3A_41 = tpu.memref_slice %arg8[%dma_start3A_39, %dma_start3A_40] : memref<104x64xi32, #tpu.memory_space<vmem>> -> memref<1x64xi32, #tpu.memory_space<vmem>>
    %dma_start3A_42 = tpu.memref_squeeze %dma_start3A_41 : memref<1x64xi32, #tpu.memory_space<vmem>> -> memref<64xi32, #tpu.memory_space<vmem>>
    %dma_start3A_43 = arith.constant 0 : i32
    %dma_start3A_44 = arith.constant 0 : i32
    %dma_start3A_45 = tpu.memref_slice %arg2[%dma_start3A_43, %dma_start3A_44] : memref<10240x128xf32, #tpu.memory_space<hbm>> -> memref<10240x128xf32, #tpu.memory_space<hbm>>
    tpu.enqueue_indirect_dma source(%dma_start3A_45 : memref<10240x128xf32, #tpu.memory_space<hbm>>) target(%arg15 : memref<64x128xf32, #tpu.memory_space<vmem>>) offsets(%dma_start3A_42 : memref<64xi32, #tpu.memory_space<vmem>>) semaphore(%arg23 : memref<!tpu.dma_semaphore, #tpu.memory_space<semaphore_mem>>)
    %dma_start3A_46 = arith.constant 3 : i32
    %dma_start3A_47 = arith.constant 0 : i32
    %dma_start3A_48 = tpu.memref_slice %arg7[%dma_start3A_46, %dma_start3A_47] : memref<104x64xi32, #tpu.memory_space<vmem>> -> memref<1x64xi32, #tpu.memory_space<vmem>>
    %dma_start3A_49 = tpu.memref_squeeze %dma_start3A_48 : memref<1x64xi32, #tpu.memory_space<vmem>> -> memref<64xi32, #tpu.memory_space<vmem>>
    %dma_start3A_50 = arith.constant 0 : i32
    %dma_start3A_51 = arith.constant 0 : i32
    %dma_start3A_52 = tpu.memref_slice %arg2[%dma_start3A_50, %dma_start3A_51] : memref<10240x128xf32, #tpu.memory_space<hbm>> -> memref<10240x128xf32, #tpu.memory_space<hbm>>
    tpu.enqueue_indirect_dma source(%dma_start3A_52 : memref<10240x128xf32, #tpu.memory_space<hbm>>) target(%arg12 : memref<64x128xf32, #tpu.memory_space<vmem>>) offsets(%dma_start3A_49 : memref<64xi32, #tpu.memory_space<vmem>>) semaphore(%arg20 : memref<!tpu.dma_semaphore, #tpu.memory_space<semaphore_mem>>)
    %dma_start3A_53 = arith.constant 3 : i32
    %dma_start3A_54 = arith.constant 0 : i32
    %dma_start3A_55 = tpu.memref_slice %arg8[%dma_start3A_53, %dma_start3A_54] : memref<104x64xi32, #tpu.memory_space<vmem>> -> memref<1x64xi32, #tpu.memory_space<vmem>>
    %dma_start3A_56 = tpu.memref_squeeze %dma_start3A_55 : memref<1x64xi32, #tpu.memory_space<vmem>> -> memref<64xi32, #tpu.memory_space<vmem>>
    %dma_start3A_57 = arith.constant 0 : i32
    %dma_start3A_58 = arith.constant 0 : i32
    %dma_start3A_59 = tpu.memref_slice %arg2[%dma_start3A_57, %dma_start3A_58] : memref<10240x128xf32, #tpu.memory_space<hbm>> -> memref<10240x128xf32, #tpu.memory_space<hbm>>
    tpu.enqueue_indirect_dma source(%dma_start3A_59 : memref<10240x128xf32, #tpu.memory_space<hbm>>) target(%arg16 : memref<64x128xf32, #tpu.memory_space<vmem>>) offsets(%dma_start3A_56 : memref<64xi32, #tpu.memory_space<vmem>>) semaphore(%arg24 : memref<!tpu.dma_semaphore, #tpu.memory_space<semaphore_mem>>)
    %scan3A = arith.constant 0 : i32
    %scan3A_60 = arith.constant 25 : i32
    %scan3A_61 = arith.addi %scan3A, %scan3A_60 : i32
    %scan3A_62 = arith.constant 1 : i32
    scf.for %scan3A_279 = %scan3A to %scan3A_61 step %scan3A_62  : i32 {
      %mul3A_280 = arith.constant 4 : i32
      %mul3A_281 = arith.muli %scan3A_279, %mul3A_280 : i32
      %add3A_282 = arith.constant 0 : i32
      %add3A_283 = arith.addi %add3A_282, %mul3A_281 : i32
      %add3A_284 = arith.constant 0 : i32
      %add3A_285 = arith.addi %add3A_283, %add3A_284 : i32
      %dma_wait3A_286 = arith.constant 0 : i32
      %dma_wait3A_287 = tpu.memref_slice %arg7[%add3A_285, %dma_wait3A_286] : memref<104x64xi32, #tpu.memory_space<vmem>> -> memref<1x64xi32, #tpu.memory_space<vmem>>
      %dma_wait3A_288 = tpu.memref_squeeze %dma_wait3A_287 : memref<1x64xi32, #tpu.memory_space<vmem>> -> memref<64xi32, #tpu.memory_space<vmem>>
      %dma_wait3A_289 = arith.constant 0 : i32
      %dma_wait3A_290 = arith.constant 0 : i32
      %dma_wait3A_291 = tpu.memref_slice %arg2[%dma_wait3A_289, %dma_wait3A_290] : memref<10240x128xf32, #tpu.memory_space<hbm>> -> memref<10240x128xf32, #tpu.memory_space<hbm>>
      tpu.wait_indirect_dma semaphore(%arg17 : memref<!tpu.dma_semaphore, #tpu.memory_space<semaphore_mem>>) src(%dma_wait3A_291 : memref<10240x128xf32, #tpu.memory_space<hbm>>) dst(%arg9 : memref<64x128xf32, #tpu.memory_space<vmem>>)
      %mul3A_292 = arith.constant 104 : i32
      %mul3A_293 = arith.muli %add3A, %mul3A_292 : i32
      %add3A_294 = arith.addi %mul3A_293, %add3A_285 : i32
      %mul3A_295 = arith.constant 64 : i32
      %mul3A_296 = arith.muli %add3A_294, %mul3A_295 : i32
      %dma_start3A_297 = arith.constant 0 : i32
      %dma_start3A_298 = tpu.memref_slice %arg5[%mul3A_296, %dma_start3A_297] : memref<212992x128xf32, #tpu.memory_space<hbm>> -> memref<64x128xf32, #tpu.memory_space<hbm>>
      %dma_start3A_299 = arith.constant 0 : i32
      %dma_start3A_300 = tpu.memref_slice %arg5[%mul3A_296, %dma_start3A_299] : memref<212992x128xf32, #tpu.memory_space<hbm>> -> memref<64x128xf32, #tpu.memory_space<hbm>>
      tpu.enqueue_dma source(%arg9 : memref<64x128xf32, #tpu.memory_space<vmem>>) target(%dma_start3A_300 : memref<64x128xf32, #tpu.memory_space<hbm>>) target_semaphore(%arg25 : memref<!tpu.dma_semaphore, #tpu.memory_space<semaphore_mem>>)
      %dma_wait3A_301 = arith.constant 0 : i32
      %dma_wait3A_302 = tpu.memref_slice %arg8[%add3A_285, %dma_wait3A_301] : memref<104x64xi32, #tpu.memory_space<vmem>> -> memref<1x64xi32, #tpu.memory_space<vmem>>
      %dma_wait3A_303 = tpu.memref_squeeze %dma_wait3A_302 : memref<1x64xi32, #tpu.memory_space<vmem>> -> memref<64xi32, #tpu.memory_space<vmem>>
      %dma_wait3A_304 = arith.constant 0 : i32
      %dma_wait3A_305 = arith.constant 0 : i32
      %dma_wait3A_306 = tpu.memref_slice %arg2[%dma_wait3A_304, %dma_wait3A_305] : memref<10240x128xf32, #tpu.memory_space<hbm>> -> memref<10240x128xf32, #tpu.memory_space<hbm>>
      tpu.wait_indirect_dma semaphore(%arg21 : memref<!tpu.dma_semaphore, #tpu.memory_space<semaphore_mem>>) src(%dma_wait3A_306 : memref<10240x128xf32, #tpu.memory_space<hbm>>) dst(%arg13 : memref<64x128xf32, #tpu.memory_space<vmem>>)
      %mul3A_307 = arith.constant 104 : i32
      %mul3A_308 = arith.muli %add3A, %mul3A_307 : i32
      %add3A_309 = arith.addi %mul3A_308, %add3A_285 : i32
      %mul3A_310 = arith.constant 64 : i32
      %mul3A_311 = arith.muli %add3A_309, %mul3A_310 : i32
      %dma_start3A_312 = arith.constant 0 : i32
      %dma_start3A_313 = tpu.memref_slice %arg6[%mul3A_311, %dma_start3A_312] : memref<212992x128xf32, #tpu.memory_space<hbm>> -> memref<64x128xf32, #tpu.memory_space<hbm>>
      %dma_start3A_314 = arith.constant 0 : i32
      %dma_start3A_315 = tpu.memref_slice %arg6[%mul3A_311, %dma_start3A_314] : memref<212992x128xf32, #tpu.memory_space<hbm>> -> memref<64x128xf32, #tpu.memory_space<hbm>>
      tpu.enqueue_dma source(%arg13 : memref<64x128xf32, #tpu.memory_space<vmem>>) target(%dma_start3A_315 : memref<64x128xf32, #tpu.memory_space<hbm>>) target_semaphore(%arg29 : memref<!tpu.dma_semaphore, #tpu.memory_space<semaphore_mem>>)
      %add3A_316 = arith.constant 1 : i32
      %add3A_317 = arith.addi %add3A_283, %add3A_316 : i32
      %dma_wait3A_318 = arith.constant 0 : i32
      %dma_wait3A_319 = tpu.memref_slice %arg7[%add3A_317, %dma_wait3A_318] : memref<104x64xi32, #tpu.memory_space<vmem>> -> memref<1x64xi32, #tpu.memory_space<vmem>>
      %dma_wait3A_320 = tpu.memref_squeeze %dma_wait3A_319 : memref<1x64xi32, #tpu.memory_space<vmem>> -> memref<64xi32, #tpu.memory_space<vmem>>
      %dma_wait3A_321 = arith.constant 0 : i32
      %dma_wait3A_322 = arith.constant 0 : i32
      %dma_wait3A_323 = tpu.memref_slice %arg2[%dma_wait3A_321, %dma_wait3A_322] : memref<10240x128xf32, #tpu.memory_space<hbm>> -> memref<10240x128xf32, #tpu.memory_space<hbm>>
      tpu.wait_indirect_dma semaphore(%arg18 : memref<!tpu.dma_semaphore, #tpu.memory_space<semaphore_mem>>) src(%dma_wait3A_323 : memref<10240x128xf32, #tpu.memory_space<hbm>>) dst(%arg10 : memref<64x128xf32, #tpu.memory_space<vmem>>)
      %mul3A_324 = arith.constant 104 : i32
      %mul3A_325 = arith.muli %add3A, %mul3A_324 : i32
      %add3A_326 = arith.addi %mul3A_325, %add3A_317 : i32
      %mul3A_327 = arith.constant 64 : i32
      %mul3A_328 = arith.muli %add3A_326, %mul3A_327 : i32
      %dma_start3A_329 = arith.constant 0 : i32
      %dma_start3A_330 = tpu.memref_slice %arg5[%mul3A_328, %dma_start3A_329] : memref<212992x128xf32, #tpu.memory_space<hbm>> -> memref<64x128xf32, #tpu.memory_space<hbm>>
      %dma_start3A_331 = arith.constant 0 : i32
      %dma_start3A_332 = tpu.memref_slice %arg5[%mul3A_328, %dma_start3A_331] : memref<212992x128xf32, #tpu.memory_space<hbm>> -> memref<64x128xf32, #tpu.memory_space<hbm>>
      tpu.enqueue_dma source(%arg10 : memref<64x128xf32, #tpu.memory_space<vmem>>) target(%dma_start3A_332 : memref<64x128xf32, #tpu.memory_space<hbm>>) target_semaphore(%arg26 : memref<!tpu.dma_semaphore, #tpu.memory_space<semaphore_mem>>)
      %dma_wait3A_333 = arith.constant 0 : i32
      %dma_wait3A_334 = tpu.memref_slice %arg8[%add3A_317, %dma_wait3A_333] : memref<104x64xi32, #tpu.memory_space<vmem>> -> memref<1x64xi32, #tpu.memory_space<vmem>>
      %dma_wait3A_335 = tpu.memref_squeeze %dma_wait3A_334 : memref<1x64xi32, #tpu.memory_space<vmem>> -> memref<64xi32, #tpu.memory_space<vmem>>
      %dma_wait3A_336 = arith.constant 0 : i32
      %dma_wait3A_337 = arith.constant 0 : i32
      %dma_wait3A_338 = tpu.memref_slice %arg2[%dma_wait3A_336, %dma_wait3A_337] : memref<10240x128xf32, #tpu.memory_space<hbm>> -> memref<10240x128xf32, #tpu.memory_space<hbm>>
      tpu.wait_indirect_dma semaphore(%arg22 : memref<!tpu.dma_semaphore, #tpu.memory_space<semaphore_mem>>) src(%dma_wait3A_338 : memref<10240x128xf32, #tpu.memory_space<hbm>>) dst(%arg14 : memref<64x128xf32, #tpu.memory_space<vmem>>)
      %mul3A_339 = arith.constant 104 : i32
      %mul3A_340 = arith.muli %add3A, %mul3A_339 : i32
      %add3A_341 = arith.addi %mul3A_340, %add3A_317 : i32
      %mul3A_342 = arith.constant 64 : i32
      %mul3A_343 = arith.muli %add3A_341, %mul3A_342 : i32
      %dma_start3A_344 = arith.constant 0 : i32
      %dma_start3A_345 = tpu.memref_slice %arg6[%mul3A_343, %dma_start3A_344] : memref<212992x128xf32, #tpu.memory_space<hbm>> -> memref<64x128xf32, #tpu.memory_space<hbm>>
      %dma_start3A_346 = arith.constant 0 : i32
      %dma_start3A_347 = tpu.memref_slice %arg6[%mul3A_343, %dma_start3A_346] : memref<212992x128xf32, #tpu.memory_space<hbm>> -> memref<64x128xf32, #tpu.memory_space<hbm>>
      tpu.enqueue_dma source(%arg14 : memref<64x128xf32, #tpu.memory_space<vmem>>) target(%dma_start3A_347 : memref<64x128xf32, #tpu.memory_space<hbm>>) target_semaphore(%arg30 : memref<!tpu.dma_semaphore, #tpu.memory_space<semaphore_mem>>)
      %add3A_348 = arith.constant 2 : i32
      %add3A_349 = arith.addi %add3A_283, %add3A_348 : i32
      %dma_wait3A_350 = arith.constant 0 : i32
      %dma_wait3A_351 = tpu.memref_slice %arg7[%add3A_349, %dma_wait3A_350] : memref<104x64xi32, #tpu.memory_space<vmem>> -> memref<1x64xi32, #tpu.memory_space<vmem>>
      %dma_wait3A_352 = tpu.memref_squeeze %dma_wait3A_351 : memref<1x64xi32, #tpu.memory_space<vmem>> -> memref<64xi32, #tpu.memory_space<vmem>>
      %dma_wait3A_353 = arith.constant 0 : i32
      %dma_wait3A_354 = arith.constant 0 : i32
      %dma_wait3A_355 = tpu.memref_slice %arg2[%dma_wait3A_353, %dma_wait3A_354] : memref<10240x128xf32, #tpu.memory_space<hbm>> -> memref<10240x128xf32, #tpu.memory_space<hbm>>
      tpu.wait_indirect_dma semaphore(%arg19 : memref<!tpu.dma_semaphore, #tpu.memory_space<semaphore_mem>>) src(%dma_wait3A_355 : memref<10240x128xf32, #tpu.memory_space<hbm>>) dst(%arg11 : memref<64x128xf32, #tpu.memory_space<vmem>>)
      %mul3A_356 = arith.constant 104 : i32
      %mul3A_357 = arith.muli %add3A, %mul3A_356 : i32
      %add3A_358 = arith.addi %mul3A_357, %add3A_349 : i32
      %mul3A_359 = arith.constant 64 : i32
      %mul3A_360 = arith.muli %add3A_358, %mul3A_359 : i32
      %dma_start3A_361 = arith.constant 0 : i32
      %dma_start3A_362 = tpu.memref_slice %arg5[%mul3A_360, %dma_start3A_361] : memref<212992x128xf32, #tpu.memory_space<hbm>> -> memref<64x128xf32, #tpu.memory_space<hbm>>
      %dma_start3A_363 = arith.constant 0 : i32
      %dma_start3A_364 = tpu.memref_slice %arg5[%mul3A_360, %dma_start3A_363] : memref<212992x128xf32, #tpu.memory_space<hbm>> -> memref<64x128xf32, #tpu.memory_space<hbm>>
      tpu.enqueue_dma source(%arg11 : memref<64x128xf32, #tpu.memory_space<vmem>>) target(%dma_start3A_364 : memref<64x128xf32, #tpu.memory_space<hbm>>) target_semaphore(%arg27 : memref<!tpu.dma_semaphore, #tpu.memory_space<semaphore_mem>>)
      %dma_wait3A_365 = arith.constant 0 : i32
      %dma_wait3A_366 = tpu.memref_slice %arg8[%add3A_349, %dma_wait3A_365] : memref<104x64xi32, #tpu.memory_space<vmem>> -> memref<1x64xi32, #tpu.memory_space<vmem>>
      %dma_wait3A_367 = tpu.memref_squeeze %dma_wait3A_366 : memref<1x64xi32, #tpu.memory_space<vmem>> -> memref<64xi32, #tpu.memory_space<vmem>>
      %dma_wait3A_368 = arith.constant 0 : i32
      %dma_wait3A_369 = arith.constant 0 : i32
      %dma_wait3A_370 = tpu.memref_slice %arg2[%dma_wait3A_368, %dma_wait3A_369] : memref<10240x128xf32, #tpu.memory_space<hbm>> -> memref<10240x128xf32, #tpu.memory_space<hbm>>
      tpu.wait_indirect_dma semaphore(%arg23 : memref<!tpu.dma_semaphore, #tpu.memory_space<semaphore_mem>>) src(%dma_wait3A_370 : memref<10240x128xf32, #tpu.memory_space<hbm>>) dst(%arg15 : memref<64x128xf32, #tpu.memory_space<vmem>>)
      %mul3A_371 = arith.constant 104 : i32
      %mul3A_372 = arith.muli %add3A, %mul3A_371 : i32
      %add3A_373 = arith.addi %mul3A_372, %add3A_349 : i32
      %mul3A_374 = arith.constant 64 : i32
      %mul3A_375 = arith.muli %add3A_373, %mul3A_374 : i32
      %dma_start3A_376 = arith.constant 0 : i32
      %dma_start3A_377 = tpu.memref_slice %arg6[%mul3A_375, %dma_start3A_376] : memref<212992x128xf32, #tpu.memory_space<hbm>> -> memref<64x128xf32, #tpu.memory_space<hbm>>
      %dma_start3A_378 = arith.constant 0 : i32
      %dma_start3A_379 = tpu.memref_slice %arg6[%mul3A_375, %dma_start3A_378] : memref<212992x128xf32, #tpu.memory_space<hbm>> -> memref<64x128xf32, #tpu.memory_space<hbm>>
      tpu.enqueue_dma source(%arg15 : memref<64x128xf32, #tpu.memory_space<vmem>>) target(%dma_start3A_379 : memref<64x128xf32, #tpu.memory_space<hbm>>) target_semaphore(%arg31 : memref<!tpu.dma_semaphore, #tpu.memory_space<semaphore_mem>>)
      %add3A_380 = arith.constant 3 : i32
      %add3A_381 = arith.addi %add3A_283, %add3A_380 : i32
      %dma_wait3A_382 = arith.constant 0 : i32
      %dma_wait3A_383 = tpu.memref_slice %arg7[%add3A_381, %dma_wait3A_382] : memref<104x64xi32, #tpu.memory_space<vmem>> -> memref<1x64xi32, #tpu.memory_space<vmem>>
      %dma_wait3A_384 = tpu.memref_squeeze %dma_wait3A_383 : memref<1x64xi32, #tpu.memory_space<vmem>> -> memref<64xi32, #tpu.memory_space<vmem>>
      %dma_wait3A_385 = arith.constant 0 : i32
      %dma_wait3A_386 = arith.constant 0 : i32
      %dma_wait3A_387 = tpu.memref_slice %arg2[%dma_wait3A_385, %dma_wait3A_386] : memref<10240x128xf32, #tpu.memory_space<hbm>> -> memref<10240x128xf32, #tpu.memory_space<hbm>>
      tpu.wait_indirect_dma semaphore(%arg20 : memref<!tpu.dma_semaphore, #tpu.memory_space<semaphore_mem>>) src(%dma_wait3A_387 : memref<10240x128xf32, #tpu.memory_space<hbm>>) dst(%arg12 : memref<64x128xf32, #tpu.memory_space<vmem>>)
      %mul3A_388 = arith.constant 104 : i32
      %mul3A_389 = arith.muli %add3A, %mul3A_388 : i32
      %add3A_390 = arith.addi %mul3A_389, %add3A_381 : i32
      %mul3A_391 = arith.constant 64 : i32
      %mul3A_392 = arith.muli %add3A_390, %mul3A_391 : i32
      %dma_start3A_393 = arith.constant 0 : i32
      %dma_start3A_394 = tpu.memref_slice %arg5[%mul3A_392, %dma_start3A_393] : memref<212992x128xf32, #tpu.memory_space<hbm>> -> memref<64x128xf32, #tpu.memory_space<hbm>>
      %dma_start3A_395 = arith.constant 0 : i32
      %dma_start3A_396 = tpu.memref_slice %arg5[%mul3A_392, %dma_start3A_395] : memref<212992x128xf32, #tpu.memory_space<hbm>> -> memref<64x128xf32, #tpu.memory_space<hbm>>
      tpu.enqueue_dma source(%arg12 : memref<64x128xf32, #tpu.memory_space<vmem>>) target(%dma_start3A_396 : memref<64x128xf32, #tpu.memory_space<hbm>>) target_semaphore(%arg28 : memref<!tpu.dma_semaphore, #tpu.memory_space<semaphore_mem>>)
      %dma_wait3A_397 = arith.constant 0 : i32
      %dma_wait3A_398 = tpu.memref_slice %arg8[%add3A_381, %dma_wait3A_397] : memref<104x64xi32, #tpu.memory_space<vmem>> -> memref<1x64xi32, #tpu.memory_space<vmem>>
      %dma_wait3A_399 = tpu.memref_squeeze %dma_wait3A_398 : memref<1x64xi32, #tpu.memory_space<vmem>> -> memref<64xi32, #tpu.memory_space<vmem>>
      %dma_wait3A_400 = arith.constant 0 : i32
      %dma_wait3A_401 = arith.constant 0 : i32
      %dma_wait3A_402 = tpu.memref_slice %arg2[%dma_wait3A_400, %dma_wait3A_401] : memref<10240x128xf32, #tpu.memory_space<hbm>> -> memref<10240x128xf32, #tpu.memory_space<hbm>>
      tpu.wait_indirect_dma semaphore(%arg24 : memref<!tpu.dma_semaphore, #tpu.memory_space<semaphore_mem>>) src(%dma_wait3A_402 : memref<10240x128xf32, #tpu.memory_space<hbm>>) dst(%arg16 : memref<64x128xf32, #tpu.memory_space<vmem>>)
      %mul3A_403 = arith.constant 104 : i32
      %mul3A_404 = arith.muli %add3A, %mul3A_403 : i32
      %add3A_405 = arith.addi %mul3A_404, %add3A_381 : i32
      %mul3A_406 = arith.constant 64 : i32
      %mul3A_407 = arith.muli %add3A_405, %mul3A_406 : i32
      %dma_start3A_408 = arith.constant 0 : i32
      %dma_start3A_409 = tpu.memref_slice %arg6[%mul3A_407, %dma_start3A_408] : memref<212992x128xf32, #tpu.memory_space<hbm>> -> memref<64x128xf32, #tpu.memory_space<hbm>>
      %dma_start3A_410 = arith.constant 0 : i32
      %dma_start3A_411 = tpu.memref_slice %arg6[%mul3A_407, %dma_start3A_410] : memref<212992x128xf32, #tpu.memory_space<hbm>> -> memref<64x128xf32, #tpu.memory_space<hbm>>
      tpu.enqueue_dma source(%arg16 : memref<64x128xf32, #tpu.memory_space<vmem>>) target(%dma_start3A_411 : memref<64x128xf32, #tpu.memory_space<hbm>>) target_semaphore(%arg32 : memref<!tpu.dma_semaphore, #tpu.memory_space<semaphore_mem>>)
      %add3A_412 = arith.constant 0 : i32
      %add3A_413 = arith.addi %add3A_283, %add3A_412 : i32
      %mul3A_414 = arith.constant 104 : i32
      %mul3A_415 = arith.muli %add3A, %mul3A_414 : i32
      %add3A_416 = arith.addi %mul3A_415, %add3A_413 : i32
      %mul3A_417 = arith.constant 64 : i32
      %mul3A_418 = arith.muli %add3A_416, %mul3A_417 : i32
      %dma_wait3A_419 = arith.constant 0 : i32
      %dma_wait3A_420 = tpu.memref_slice %arg5[%mul3A_418, %dma_wait3A_419] : memref<212992x128xf32, #tpu.memory_space<hbm>> -> memref<64x128xf32, #tpu.memory_space<hbm>>
      %dma_wait3A_421 = arith.constant 0 : i32
      %dma_wait3A_422 = tpu.memref_slice %arg5[%mul3A_418, %dma_wait3A_421] : memref<212992x128xf32, #tpu.memory_space<hbm>> -> memref<64x128xf32, #tpu.memory_space<hbm>>
      tpu.wait_dma2 semaphore(%arg25 : memref<!tpu.dma_semaphore, #tpu.memory_space<semaphore_mem>>) src(%arg9 : memref<64x128xf32, #tpu.memory_space<vmem>>) dst(%dma_wait3A_422 : memref<64x128xf32, #tpu.memory_space<hbm>>)
      %mul3A_423 = arith.constant 104 : i32
      %mul3A_424 = arith.muli %add3A, %mul3A_423 : i32
      %add3A_425 = arith.addi %mul3A_424, %add3A_413 : i32
      %mul3A_426 = arith.constant 64 : i32
      %mul3A_427 = arith.muli %add3A_425, %mul3A_426 : i32
      %dma_wait3A_428 = arith.constant 0 : i32
      %dma_wait3A_429 = tpu.memref_slice %arg6[%mul3A_427, %dma_wait3A_428] : memref<212992x128xf32, #tpu.memory_space<hbm>> -> memref<64x128xf32, #tpu.memory_space<hbm>>
      %dma_wait3A_430 = arith.constant 0 : i32
      %dma_wait3A_431 = tpu.memref_slice %arg6[%mul3A_427, %dma_wait3A_430] : memref<212992x128xf32, #tpu.memory_space<hbm>> -> memref<64x128xf32, #tpu.memory_space<hbm>>
      tpu.wait_dma2 semaphore(%arg29 : memref<!tpu.dma_semaphore, #tpu.memory_space<semaphore_mem>>) src(%arg13 : memref<64x128xf32, #tpu.memory_space<vmem>>) dst(%dma_wait3A_431 : memref<64x128xf32, #tpu.memory_space<hbm>>)
      %add3A_432 = arith.constant 4 : i32
      %add3A_433 = arith.addi %add3A_413, %add3A_432 : i32
      %dma_start3A_434 = arith.constant 0 : i32
      %dma_start3A_435 = tpu.memref_slice %arg7[%add3A_433, %dma_start3A_434] : memref<104x64xi32, #tpu.memory_space<vmem>> -> memref<1x64xi32, #tpu.memory_space<vmem>>
      %dma_start3A_436 = tpu.memref_squeeze %dma_start3A_435 : memref<1x64xi32, #tpu.memory_space<vmem>> -> memref<64xi32, #tpu.memory_space<vmem>>
      %dma_start3A_437 = arith.constant 0 : i32
      %dma_start3A_438 = arith.constant 0 : i32
      %dma_start3A_439 = tpu.memref_slice %arg2[%dma_start3A_437, %dma_start3A_438] : memref<10240x128xf32, #tpu.memory_space<hbm>> -> memref<10240x128xf32, #tpu.memory_space<hbm>>
      tpu.enqueue_indirect_dma source(%dma_start3A_439 : memref<10240x128xf32, #tpu.memory_space<hbm>>) target(%arg9 : memref<64x128xf32, #tpu.memory_space<vmem>>) offsets(%dma_start3A_436 : memref<64xi32, #tpu.memory_space<vmem>>) semaphore(%arg17 : memref<!tpu.dma_semaphore, #tpu.memory_space<semaphore_mem>>)
      %add3A_440 = arith.constant 4 : i32
      %add3A_441 = arith.addi %add3A_413, %add3A_440 : i32
      %dma_start3A_442 = arith.constant 0 : i32
      %dma_start3A_443 = tpu.memref_slice %arg8[%add3A_441, %dma_start3A_442] : memref<104x64xi32, #tpu.memory_space<vmem>> -> memref<1x64xi32, #tpu.memory_space<vmem>>
      %dma_start3A_444 = tpu.memref_squeeze %dma_start3A_443 : memref<1x64xi32, #tpu.memory_space<vmem>> -> memref<64xi32, #tpu.memory_space<vmem>>
      %dma_start3A_445 = arith.constant 0 : i32
      %dma_start3A_446 = arith.constant 0 : i32
      %dma_start3A_447 = tpu.memref_slice %arg2[%dma_start3A_445, %dma_start3A_446] : memref<10240x128xf32, #tpu.memory_space<hbm>> -> memref<10240x128xf32, #tpu.memory_space<hbm>>
      tpu.enqueue_indirect_dma source(%dma_start3A_447 : memref<10240x128xf32, #tpu.memory_space<hbm>>) target(%arg13 : memref<64x128xf32, #tpu.memory_space<vmem>>) offsets(%dma_start3A_444 : memref<64xi32, #tpu.memory_space<vmem>>) semaphore(%arg21 : memref<!tpu.dma_semaphore, #tpu.memory_space<semaphore_mem>>)
      %add3A_448 = arith.constant 1 : i32
      %add3A_449 = arith.addi %add3A_283, %add3A_448 : i32
      %mul3A_450 = arith.constant 104 : i32
      %mul3A_451 = arith.muli %add3A, %mul3A_450 : i32
      %add3A_452 = arith.addi %mul3A_451, %add3A_449 : i32
      %mul3A_453 = arith.constant 64 : i32
      %mul3A_454 = arith.muli %add3A_452, %mul3A_453 : i32
      %dma_wait3A_455 = arith.constant 0 : i32
      %dma_wait3A_456 = tpu.memref_slice %arg5[%mul3A_454, %dma_wait3A_455] : memref<212992x128xf32, #tpu.memory_space<hbm>> -> memref<64x128xf32, #tpu.memory_space<hbm>>
      %dma_wait3A_457 = arith.constant 0 : i32
      %dma_wait3A_458 = tpu.memref_slice %arg5[%mul3A_454, %dma_wait3A_457] : memref<212992x128xf32, #tpu.memory_space<hbm>> -> memref<64x128xf32, #tpu.memory_space<hbm>>
      tpu.wait_dma2 semaphore(%arg26 : memref<!tpu.dma_semaphore, #tpu.memory_space<semaphore_mem>>) src(%arg10 : memref<64x128xf32, #tpu.memory_space<vmem>>) dst(%dma_wait3A_458 : memref<64x128xf32, #tpu.memory_space<hbm>>)
      %mul3A_459 = arith.constant 104 : i32
      %mul3A_460 = arith.muli %add3A, %mul3A_459 : i32
      %add3A_461 = arith.addi %mul3A_460, %add3A_449 : i32
      %mul3A_462 = arith.constant 64 : i32
      %mul3A_463 = arith.muli %add3A_461, %mul3A_462 : i32
      %dma_wait3A_464 = arith.constant 0 : i32
      %dma_wait3A_465 = tpu.memref_slice %arg6[%mul3A_463, %dma_wait3A_464] : memref<212992x128xf32, #tpu.memory_space<hbm>> -> memref<64x128xf32, #tpu.memory_space<hbm>>
      %dma_wait3A_466 = arith.constant 0 : i32
      %dma_wait3A_467 = tpu.memref_slice %arg6[%mul3A_463, %dma_wait3A_466] : memref<212992x128xf32, #tpu.memory_space<hbm>> -> memref<64x128xf32, #tpu.memory_space<hbm>>
      tpu.wait_dma2 semaphore(%arg30 : memref<!tpu.dma_semaphore, #tpu.memory_space<semaphore_mem>>) src(%arg14 : memref<64x128xf32, #tpu.memory_space<vmem>>) dst(%dma_wait3A_467 : memref<64x128xf32, #tpu.memory_space<hbm>>)
      %add3A_468 = arith.constant 4 : i32
      %add3A_469 = arith.addi %add3A_449, %add3A_468 : i32
      %dma_start3A_470 = arith.constant 0 : i32
      %dma_start3A_471 = tpu.memref_slice %arg7[%add3A_469, %dma_start3A_470] : memref<104x64xi32, #tpu.memory_space<vmem>> -> memref<1x64xi32, #tpu.memory_space<vmem>>
      %dma_start3A_472 = tpu.memref_squeeze %dma_start3A_471 : memref<1x64xi32, #tpu.memory_space<vmem>> -> memref<64xi32, #tpu.memory_space<vmem>>
      %dma_start3A_473 = arith.constant 0 : i32
      %dma_start3A_474 = arith.constant 0 : i32
      %dma_start3A_475 = tpu.memref_slice %arg2[%dma_start3A_473, %dma_start3A_474] : memref<10240x128xf32, #tpu.memory_space<hbm>> -> memref<10240x128xf32, #tpu.memory_space<hbm>>
      tpu.enqueue_indirect_dma source(%dma_start3A_475 : memref<10240x128xf32, #tpu.memory_space<hbm>>) target(%arg10 : memref<64x128xf32, #tpu.memory_space<vmem>>) offsets(%dma_start3A_472 : memref<64xi32, #tpu.memory_space<vmem>>) semaphore(%arg18 : memref<!tpu.dma_semaphore, #tpu.memory_space<semaphore_mem>>)
      %add3A_476 = arith.constant 4 : i32
      %add3A_477 = arith.addi %add3A_449, %add3A_476 : i32
      %dma_start3A_478 = arith.constant 0 : i32
      %dma_start3A_479 = tpu.memref_slice %arg8[%add3A_477, %dma_start3A_478] : memref<104x64xi32, #tpu.memory_space<vmem>> -> memref<1x64xi32, #tpu.memory_space<vmem>>
      %dma_start3A_480 = tpu.memref_squeeze %dma_start3A_479 : memref<1x64xi32, #tpu.memory_space<vmem>> -> memref<64xi32, #tpu.memory_space<vmem>>
      %dma_start3A_481 = arith.constant 0 : i32
      %dma_start3A_482 = arith.constant 0 : i32
      %dma_start3A_483 = tpu.memref_slice %arg2[%dma_start3A_481, %dma_start3A_482] : memref<10240x128xf32, #tpu.memory_space<hbm>> -> memref<10240x128xf32, #tpu.memory_space<hbm>>
      tpu.enqueue_indirect_dma source(%dma_start3A_483 : memref<10240x128xf32, #tpu.memory_space<hbm>>) target(%arg14 : memref<64x128xf32, #tpu.memory_space<vmem>>) offsets(%dma_start3A_480 : memref<64xi32, #tpu.memory_space<vmem>>) semaphore(%arg22 : memref<!tpu.dma_semaphore, #tpu.memory_space<semaphore_mem>>)
      %add3A_484 = arith.constant 2 : i32
      %add3A_485 = arith.addi %add3A_283, %add3A_484 : i32
      %mul3A_486 = arith.constant 104 : i32
      %mul3A_487 = arith.muli %add3A, %mul3A_486 : i32
      %add3A_488 = arith.addi %mul3A_487, %add3A_485 : i32
      %mul3A_489 = arith.constant 64 : i32
      %mul3A_490 = arith.muli %add3A_488, %mul3A_489 : i32
      %dma_wait3A_491 = arith.constant 0 : i32
      %dma_wait3A_492 = tpu.memref_slice %arg5[%mul3A_490, %dma_wait3A_491] : memref<212992x128xf32, #tpu.memory_space<hbm>> -> memref<64x128xf32, #tpu.memory_space<hbm>>
      %dma_wait3A_493 = arith.constant 0 : i32
      %dma_wait3A_494 = tpu.memref_slice %arg5[%mul3A_490, %dma_wait3A_493] : memref<212992x128xf32, #tpu.memory_space<hbm>> -> memref<64x128xf32, #tpu.memory_space<hbm>>
      tpu.wait_dma2 semaphore(%arg27 : memref<!tpu.dma_semaphore, #tpu.memory_space<semaphore_mem>>) src(%arg11 : memref<64x128xf32, #tpu.memory_space<vmem>>) dst(%dma_wait3A_494 : memref<64x128xf32, #tpu.memory_space<hbm>>)
      %mul3A_495 = arith.constant 104 : i32
      %mul3A_496 = arith.muli %add3A, %mul3A_495 : i32
      %add3A_497 = arith.addi %mul3A_496, %add3A_485 : i32
      %mul3A_498 = arith.constant 64 : i32
      %mul3A_499 = arith.muli %add3A_497, %mul3A_498 : i32
      %dma_wait3A_500 = arith.constant 0 : i32
      %dma_wait3A_501 = tpu.memref_slice %arg6[%mul3A_499, %dma_wait3A_500] : memref<212992x128xf32, #tpu.memory_space<hbm>> -> memref<64x128xf32, #tpu.memory_space<hbm>>
      %dma_wait3A_502 = arith.constant 0 : i32
      %dma_wait3A_503 = tpu.memref_slice %arg6[%mul3A_499, %dma_wait3A_502] : memref<212992x128xf32, #tpu.memory_space<hbm>> -> memref<64x128xf32, #tpu.memory_space<hbm>>
      tpu.wait_dma2 semaphore(%arg31 : memref<!tpu.dma_semaphore, #tpu.memory_space<semaphore_mem>>) src(%arg15 : memref<64x128xf32, #tpu.memory_space<vmem>>) dst(%dma_wait3A_503 : memref<64x128xf32, #tpu.memory_space<hbm>>)
      %add3A_504 = arith.constant 4 : i32
      %add3A_505 = arith.addi %add3A_485, %add3A_504 : i32
      %dma_start3A_506 = arith.constant 0 : i32
      %dma_start3A_507 = tpu.memref_slice %arg7[%add3A_505, %dma_start3A_506] : memref<104x64xi32, #tpu.memory_space<vmem>> -> memref<1x64xi32, #tpu.memory_space<vmem>>
      %dma_start3A_508 = tpu.memref_squeeze %dma_start3A_507 : memref<1x64xi32, #tpu.memory_space<vmem>> -> memref<64xi32, #tpu.memory_space<vmem>>
      %dma_start3A_509 = arith.constant 0 : i32
      %dma_start3A_510 = arith.constant 0 : i32
      %dma_start3A_511 = tpu.memref_slice %arg2[%dma_start3A_509, %dma_start3A_510] : memref<10240x128xf32, #tpu.memory_space<hbm>> -> memref<10240x128xf32, #tpu.memory_space<hbm>>
      tpu.enqueue_indirect_dma source(%dma_start3A_511 : memref<10240x128xf32, #tpu.memory_space<hbm>>) target(%arg11 : memref<64x128xf32, #tpu.memory_space<vmem>>) offsets(%dma_start3A_508 : memref<64xi32, #tpu.memory_space<vmem>>) semaphore(%arg19 : memref<!tpu.dma_semaphore, #tpu.memory_space<semaphore_mem>>)
      %add3A_512 = arith.constant 4 : i32
      %add3A_513 = arith.addi %add3A_485, %add3A_512 : i32
      %dma_start3A_514 = arith.constant 0 : i32
      %dma_start3A_515 = tpu.memref_slice %arg8[%add3A_513, %dma_start3A_514] : memref<104x64xi32, #tpu.memory_space<vmem>> -> memref<1x64xi32, #tpu.memory_space<vmem>>
      %dma_start3A_516 = tpu.memref_squeeze %dma_start3A_515 : memref<1x64xi32, #tpu.memory_space<vmem>> -> memref<64xi32, #tpu.memory_space<vmem>>
      %dma_start3A_517 = arith.constant 0 : i32
      %dma_start3A_518 = arith.constant 0 : i32
      %dma_start3A_519 = tpu.memref_slice %arg2[%dma_start3A_517, %dma_start3A_518] : memref<10240x128xf32, #tpu.memory_space<hbm>> -> memref<10240x128xf32, #tpu.memory_space<hbm>>
      tpu.enqueue_indirect_dma source(%dma_start3A_519 : memref<10240x128xf32, #tpu.memory_space<hbm>>) target(%arg15 : memref<64x128xf32, #tpu.memory_space<vmem>>) offsets(%dma_start3A_516 : memref<64xi32, #tpu.memory_space<vmem>>) semaphore(%arg23 : memref<!tpu.dma_semaphore, #tpu.memory_space<semaphore_mem>>)
      %add3A_520 = arith.constant 3 : i32
      %add3A_521 = arith.addi %add3A_283, %add3A_520 : i32
      %mul3A_522 = arith.constant 104 : i32
      %mul3A_523 = arith.muli %add3A, %mul3A_522 : i32
      %add3A_524 = arith.addi %mul3A_523, %add3A_521 : i32
      %mul3A_525 = arith.constant 64 : i32
      %mul3A_526 = arith.muli %add3A_524, %mul3A_525 : i32
      %dma_wait3A_527 = arith.constant 0 : i32
      %dma_wait3A_528 = tpu.memref_slice %arg5[%mul3A_526, %dma_wait3A_527] : memref<212992x128xf32, #tpu.memory_space<hbm>> -> memref<64x128xf32, #tpu.memory_space<hbm>>
      %dma_wait3A_529 = arith.constant 0 : i32
      %dma_wait3A_530 = tpu.memref_slice %arg5[%mul3A_526, %dma_wait3A_529] : memref<212992x128xf32, #tpu.memory_space<hbm>> -> memref<64x128xf32, #tpu.memory_space<hbm>>
      tpu.wait_dma2 semaphore(%arg28 : memref<!tpu.dma_semaphore, #tpu.memory_space<semaphore_mem>>) src(%arg12 : memref<64x128xf32, #tpu.memory_space<vmem>>) dst(%dma_wait3A_530 : memref<64x128xf32, #tpu.memory_space<hbm>>)
      %mul3A_531 = arith.constant 104 : i32
      %mul3A_532 = arith.muli %add3A, %mul3A_531 : i32
      %add3A_533 = arith.addi %mul3A_532, %add3A_521 : i32
      %mul3A_534 = arith.constant 64 : i32
      %mul3A_535 = arith.muli %add3A_533, %mul3A_534 : i32
      %dma_wait3A_536 = arith.constant 0 : i32
      %dma_wait3A_537 = tpu.memref_slice %arg6[%mul3A_535, %dma_wait3A_536] : memref<212992x128xf32, #tpu.memory_space<hbm>> -> memref<64x128xf32, #tpu.memory_space<hbm>>
      %dma_wait3A_538 = arith.constant 0 : i32
      %dma_wait3A_539 = tpu.memref_slice %arg6[%mul3A_535, %dma_wait3A_538] : memref<212992x128xf32, #tpu.memory_space<hbm>> -> memref<64x128xf32, #tpu.memory_space<hbm>>
      tpu.wait_dma2 semaphore(%arg32 : memref<!tpu.dma_semaphore, #tpu.memory_space<semaphore_mem>>) src(%arg16 : memref<64x128xf32, #tpu.memory_space<vmem>>) dst(%dma_wait3A_539 : memref<64x128xf32, #tpu.memory_space<hbm>>)
      %add3A_540 = arith.constant 4 : i32
      %add3A_541 = arith.addi %add3A_521, %add3A_540 : i32
      %dma_start3A_542 = arith.constant 0 : i32
      %dma_start3A_543 = tpu.memref_slice %arg7[%add3A_541, %dma_start3A_542] : memref<104x64xi32, #tpu.memory_space<vmem>> -> memref<1x64xi32, #tpu.memory_space<vmem>>
      %dma_start3A_544 = tpu.memref_squeeze %dma_start3A_543 : memref<1x64xi32, #tpu.memory_space<vmem>> -> memref<64xi32, #tpu.memory_space<vmem>>
      %dma_start3A_545 = arith.constant 0 : i32
      %dma_start3A_546 = arith.constant 0 : i32
      %dma_start3A_547 = tpu.memref_slice %arg2[%dma_start3A_545, %dma_start3A_546] : memref<10240x128xf32, #tpu.memory_space<hbm>> -> memref<10240x128xf32, #tpu.memory_space<hbm>>
      tpu.enqueue_indirect_dma source(%dma_start3A_547 : memref<10240x128xf32, #tpu.memory_space<hbm>>) target(%arg12 : memref<64x128xf32, #tpu.memory_space<vmem>>) offsets(%dma_start3A_544 : memref<64xi32, #tpu.memory_space<vmem>>) semaphore(%arg20 : memref<!tpu.dma_semaphore, #tpu.memory_space<semaphore_mem>>)
      %add3A_548 = arith.constant 4 : i32
      %add3A_549 = arith.addi %add3A_521, %add3A_548 : i32
      %dma_start3A_550 = arith.constant 0 : i32
      %dma_start3A_551 = tpu.memref_slice %arg8[%add3A_549, %dma_start3A_550] : memref<104x64xi32, #tpu.memory_space<vmem>> -> memref<1x64xi32, #tpu.memory_space<vmem>>
      %dma_start3A_552 = tpu.memref_squeeze %dma_start3A_551 : memref<1x64xi32, #tpu.memory_space<vmem>> -> memref<64xi32, #tpu.memory_space<vmem>>
      %dma_start3A_553 = arith.constant 0 : i32
      %dma_start3A_554 = arith.constant 0 : i32
      %dma_start3A_555 = tpu.memref_slice %arg2[%dma_start3A_553, %dma_start3A_554] : memref<10240x128xf32, #tpu.memory_space<hbm>> -> memref<10240x128xf32, #tpu.memory_space<hbm>>
      tpu.enqueue_indirect_dma source(%dma_start3A_555 : memref<10240x128xf32, #tpu.memory_space<hbm>>) target(%arg16 : memref<64x128xf32, #tpu.memory_space<vmem>>) offsets(%dma_start3A_552 : memref<64xi32, #tpu.memory_space<vmem>>) semaphore(%arg24 : memref<!tpu.dma_semaphore, #tpu.memory_space<semaphore_mem>>)
    }
    %scan3A_63 = arith.constant 25 : i32
    %dma_wait3A = arith.constant 100 : i32
    %dma_wait3A_64 = arith.constant 0 : i32
    %dma_wait3A_65 = tpu.memref_slice %arg7[%dma_wait3A, %dma_wait3A_64] : memref<104x64xi32, #tpu.memory_space<vmem>> -> memref<1x64xi32, #tpu.memory_space<vmem>>
    %dma_wait3A_66 = tpu.memref_squeeze %dma_wait3A_65 : memref<1x64xi32, #tpu.memory_space<vmem>> -> memref<64xi32, #tpu.memory_space<vmem>>
    %dma_wait3A_67 = arith.constant 0 : i32
    %dma_wait3A_68 = arith.constant 0 : i32
    %dma_wait3A_69 = tpu.memref_slice %arg2[%dma_wait3A_67, %dma_wait3A_68] : memref<10240x128xf32, #tpu.memory_space<hbm>> -> memref<10240x128xf32, #tpu.memory_space<hbm>>
    tpu.wait_indirect_dma semaphore(%arg17 : memref<!tpu.dma_semaphore, #tpu.memory_space<semaphore_mem>>) src(%dma_wait3A_69 : memref<10240x128xf32, #tpu.memory_space<hbm>>) dst(%arg9 : memref<64x128xf32, #tpu.memory_space<vmem>>)
    %mul3A_70 = arith.constant 104 : i32
    %mul3A_71 = arith.muli %add3A, %mul3A_70 : i32
    %add3A_72 = arith.constant 100 : i32
    %add3A_73 = arith.addi %mul3A_71, %add3A_72 : i32
    %mul3A_74 = arith.constant 64 : i32
    %mul3A_75 = arith.muli %add3A_73, %mul3A_74 : i32
    %dma_start3A_76 = arith.constant 0 : i32
    %dma_start3A_77 = tpu.memref_slice %arg5[%mul3A_75, %dma_start3A_76] : memref<212992x128xf32, #tpu.memory_space<hbm>> -> memref<64x128xf32, #tpu.memory_space<hbm>>
    %dma_start3A_78 = arith.constant 0 : i32
    %dma_start3A_79 = tpu.memref_slice %arg5[%mul3A_75, %dma_start3A_78] : memref<212992x128xf32, #tpu.memory_space<hbm>> -> memref<64x128xf32, #tpu.memory_space<hbm>>
    tpu.enqueue_dma source(%arg9 : memref<64x128xf32, #tpu.memory_space<vmem>>) target(%dma_start3A_79 : memref<64x128xf32, #tpu.memory_space<hbm>>) target_semaphore(%arg25 : memref<!tpu.dma_semaphore, #tpu.memory_space<semaphore_mem>>)
    %dma_wait3A_80 = arith.constant 100 : i32
    %dma_wait3A_81 = arith.constant 0 : i32
    %dma_wait3A_82 = tpu.memref_slice %arg8[%dma_wait3A_80, %dma_wait3A_81] : memref<104x64xi32, #tpu.memory_space<vmem>> -> memref<1x64xi32, #tpu.memory_space<vmem>>
    %dma_wait3A_83 = tpu.memref_squeeze %dma_wait3A_82 : memref<1x64xi32, #tpu.memory_space<vmem>> -> memref<64xi32, #tpu.memory_space<vmem>>
    %dma_wait3A_84 = arith.constant 0 : i32
    %dma_wait3A_85 = arith.constant 0 : i32
    %dma_wait3A_86 = tpu.memref_slice %arg2[%dma_wait3A_84, %dma_wait3A_85] : memref<10240x128xf32, #tpu.memory_space<hbm>> -> memref<10240x128xf32, #tpu.memory_space<hbm>>
    tpu.wait_indirect_dma semaphore(%arg21 : memref<!tpu.dma_semaphore, #tpu.memory_space<semaphore_mem>>) src(%dma_wait3A_86 : memref<10240x128xf32, #tpu.memory_space<hbm>>) dst(%arg13 : memref<64x128xf32, #tpu.memory_space<vmem>>)
    %mul3A_87 = arith.constant 104 : i32
    %mul3A_88 = arith.muli %add3A, %mul3A_87 : i32
    %add3A_89 = arith.constant 100 : i32
    %add3A_90 = arith.addi %mul3A_88, %add3A_89 : i32
    %mul3A_91 = arith.constant 64 : i32
    %mul3A_92 = arith.muli %add3A_90, %mul3A_91 : i32
    %dma_start3A_93 = arith.constant 0 : i32
    %dma_start3A_94 = tpu.memref_slice %arg6[%mul3A_92, %dma_start3A_93] : memref<212992x128xf32, #tpu.memory_space<hbm>> -> memref<64x128xf32, #tpu.memory_space<hbm>>
    %dma_start3A_95 = arith.constant 0 : i32
    %dma_start3A_96 = tpu.memref_slice %arg6[%mul3A_92, %dma_start3A_95] : memref<212992x128xf32, #tpu.memory_space<hbm>> -> memref<64x128xf32, #tpu.memory_space<hbm>>
    tpu.enqueue_dma source(%arg13 : memref<64x128xf32, #tpu.memory_space<vmem>>) target(%dma_start3A_96 : memref<64x128xf32, #tpu.memory_space<hbm>>) target_semaphore(%arg29 : memref<!tpu.dma_semaphore, #tpu.memory_space<semaphore_mem>>)
    %dma_wait3A_97 = arith.constant 101 : i32
    %dma_wait3A_98 = arith.constant 0 : i32
    %dma_wait3A_99 = tpu.memref_slice %arg7[%dma_wait3A_97, %dma_wait3A_98] : memref<104x64xi32, #tpu.memory_space<vmem>> -> memref<1x64xi32, #tpu.memory_space<vmem>>
    %dma_wait3A_100 = tpu.memref_squeeze %dma_wait3A_99 : memref<1x64xi32, #tpu.memory_space<vmem>> -> memref<64xi32, #tpu.memory_space<vmem>>
    %dma_wait3A_101 = arith.constant 0 : i32
    %dma_wait3A_102 = arith.constant 0 : i32
    %dma_wait3A_103 = tpu.memref_slice %arg2[%dma_wait3A_101, %dma_wait3A_102] : memref<10240x128xf32, #tpu.memory_space<hbm>> -> memref<10240x128xf32, #tpu.memory_space<hbm>>
    tpu.wait_indirect_dma semaphore(%arg18 : memref<!tpu.dma_semaphore, #tpu.memory_space<semaphore_mem>>) src(%dma_wait3A_103 : memref<10240x128xf32, #tpu.memory_space<hbm>>) dst(%arg10 : memref<64x128xf32, #tpu.memory_space<vmem>>)
    %mul3A_104 = arith.constant 104 : i32
    %mul3A_105 = arith.muli %add3A, %mul3A_104 : i32
    %add3A_106 = arith.constant 101 : i32
    %add3A_107 = arith.addi %mul3A_105, %add3A_106 : i32
    %mul3A_108 = arith.constant 64 : i32
    %mul3A_109 = arith.muli %add3A_107, %mul3A_108 : i32
    %dma_start3A_110 = arith.constant 0 : i32
    %dma_start3A_111 = tpu.memref_slice %arg5[%mul3A_109, %dma_start3A_110] : memref<212992x128xf32, #tpu.memory_space<hbm>> -> memref<64x128xf32, #tpu.memory_space<hbm>>
    %dma_start3A_112 = arith.constant 0 : i32
    %dma_start3A_113 = tpu.memref_slice %arg5[%mul3A_109, %dma_start3A_112] : memref<212992x128xf32, #tpu.memory_space<hbm>> -> memref<64x128xf32, #tpu.memory_space<hbm>>
    tpu.enqueue_dma source(%arg10 : memref<64x128xf32, #tpu.memory_space<vmem>>) target(%dma_start3A_113 : memref<64x128xf32, #tpu.memory_space<hbm>>) target_semaphore(%arg26 : memref<!tpu.dma_semaphore, #tpu.memory_space<semaphore_mem>>)
    %dma_wait3A_114 = arith.constant 101 : i32
    %dma_wait3A_115 = arith.constant 0 : i32
    %dma_wait3A_116 = tpu.memref_slice %arg8[%dma_wait3A_114, %dma_wait3A_115] : memref<104x64xi32, #tpu.memory_space<vmem>> -> memref<1x64xi32, #tpu.memory_space<vmem>>
    %dma_wait3A_117 = tpu.memref_squeeze %dma_wait3A_116 : memref<1x64xi32, #tpu.memory_space<vmem>> -> memref<64xi32, #tpu.memory_space<vmem>>
    %dma_wait3A_118 = arith.constant 0 : i32
    %dma_wait3A_119 = arith.constant 0 : i32
    %dma_wait3A_120 = tpu.memref_slice %arg2[%dma_wait3A_118, %dma_wait3A_119] : memref<10240x128xf32, #tpu.memory_space<hbm>> -> memref<10240x128xf32, #tpu.memory_space<hbm>>
    tpu.wait_indirect_dma semaphore(%arg22 : memref<!tpu.dma_semaphore, #tpu.memory_space<semaphore_mem>>) src(%dma_wait3A_120 : memref<10240x128xf32, #tpu.memory_space<hbm>>) dst(%arg14 : memref<64x128xf32, #tpu.memory_space<vmem>>)
    %mul3A_121 = arith.constant 104 : i32
    %mul3A_122 = arith.muli %add3A, %mul3A_121 : i32
    %add3A_123 = arith.constant 101 : i32
    %add3A_124 = arith.addi %mul3A_122, %add3A_123 : i32
    %mul3A_125 = arith.constant 64 : i32
    %mul3A_126 = arith.muli %add3A_124, %mul3A_125 : i32
    %dma_start3A_127 = arith.constant 0 : i32
    %dma_start3A_128 = tpu.memref_slice %arg6[%mul3A_126, %dma_start3A_127] : memref<212992x128xf32, #tpu.memory_space<hbm>> -> memref<64x128xf32, #tpu.memory_space<hbm>>
    %dma_start3A_129 = arith.constant 0 : i32
    %dma_start3A_130 = tpu.memref_slice %arg6[%mul3A_126, %dma_start3A_129] : memref<212992x128xf32, #tpu.memory_space<hbm>> -> memref<64x128xf32, #tpu.memory_space<hbm>>
    tpu.enqueue_dma source(%arg14 : memref<64x128xf32, #tpu.memory_space<vmem>>) target(%dma_start3A_130 : memref<64x128xf32, #tpu.memory_space<hbm>>) target_semaphore(%arg30 : memref<!tpu.dma_semaphore, #tpu.memory_space<semaphore_mem>>)
    %dma_wait3A_131 = arith.constant 102 : i32
    %dma_wait3A_132 = arith.constant 0 : i32
    %dma_wait3A_133 = tpu.memref_slice %arg7[%dma_wait3A_131, %dma_wait3A_132] : memref<104x64xi32, #tpu.memory_space<vmem>> -> memref<1x64xi32, #tpu.memory_space<vmem>>
    %dma_wait3A_134 = tpu.memref_squeeze %dma_wait3A_133 : memref<1x64xi32, #tpu.memory_space<vmem>> -> memref<64xi32, #tpu.memory_space<vmem>>
    %dma_wait3A_135 = arith.constant 0 : i32
    %dma_wait3A_136 = arith.constant 0 : i32
    %dma_wait3A_137 = tpu.memref_slice %arg2[%dma_wait3A_135, %dma_wait3A_136] : memref<10240x128xf32, #tpu.memory_space<hbm>> -> memref<10240x128xf32, #tpu.memory_space<hbm>>
    tpu.wait_indirect_dma semaphore(%arg19 : memref<!tpu.dma_semaphore, #tpu.memory_space<semaphore_mem>>) src(%dma_wait3A_137 : memref<10240x128xf32, #tpu.memory_space<hbm>>) dst(%arg11 : memref<64x128xf32, #tpu.memory_space<vmem>>)
    %mul3A_138 = arith.constant 104 : i32
    %mul3A_139 = arith.muli %add3A, %mul3A_138 : i32
    %add3A_140 = arith.constant 102 : i32
    %add3A_141 = arith.addi %mul3A_139, %add3A_140 : i32
    %mul3A_142 = arith.constant 64 : i32
    %mul3A_143 = arith.muli %add3A_141, %mul3A_142 : i32
    %dma_start3A_144 = arith.constant 0 : i32
    %dma_start3A_145 = tpu.memref_slice %arg5[%mul3A_143, %dma_start3A_144] : memref<212992x128xf32, #tpu.memory_space<hbm>> -> memref<64x128xf32, #tpu.memory_space<hbm>>
    %dma_start3A_146 = arith.constant 0 : i32
    %dma_start3A_147 = tpu.memref_slice %arg5[%mul3A_143, %dma_start3A_146] : memref<212992x128xf32, #tpu.memory_space<hbm>> -> memref<64x128xf32, #tpu.memory_space<hbm>>
    tpu.enqueue_dma source(%arg11 : memref<64x128xf32, #tpu.memory_space<vmem>>) target(%dma_start3A_147 : memref<64x128xf32, #tpu.memory_space<hbm>>) target_semaphore(%arg27 : memref<!tpu.dma_semaphore, #tpu.memory_space<semaphore_mem>>)
    %dma_wait3A_148 = arith.constant 102 : i32
    %dma_wait3A_149 = arith.constant 0 : i32
    %dma_wait3A_150 = tpu.memref_slice %arg8[%dma_wait3A_148, %dma_wait3A_149] : memref<104x64xi32, #tpu.memory_space<vmem>> -> memref<1x64xi32, #tpu.memory_space<vmem>>
    %dma_wait3A_151 = tpu.memref_squeeze %dma_wait3A_150 : memref<1x64xi32, #tpu.memory_space<vmem>> -> memref<64xi32, #tpu.memory_space<vmem>>
    %dma_wait3A_152 = arith.constant 0 : i32
    %dma_wait3A_153 = arith.constant 0 : i32
    %dma_wait3A_154 = tpu.memref_slice %arg2[%dma_wait3A_152, %dma_wait3A_153] : memref<10240x128xf32, #tpu.memory_space<hbm>> -> memref<10240x128xf32, #tpu.memory_space<hbm>>
    tpu.wait_indirect_dma semaphore(%arg23 : memref<!tpu.dma_semaphore, #tpu.memory_space<semaphore_mem>>) src(%dma_wait3A_154 : memref<10240x128xf32, #tpu.memory_space<hbm>>) dst(%arg15 : memref<64x128xf32, #tpu.memory_space<vmem>>)
    %mul3A_155 = arith.constant 104 : i32
    %mul3A_156 = arith.muli %add3A, %mul3A_155 : i32
    %add3A_157 = arith.constant 102 : i32
    %add3A_158 = arith.addi %mul3A_156, %add3A_157 : i32
    %mul3A_159 = arith.constant 64 : i32
    %mul3A_160 = arith.muli %add3A_158, %mul3A_159 : i32
    %dma_start3A_161 = arith.constant 0 : i32
    %dma_start3A_162 = tpu.memref_slice %arg6[%mul3A_160, %dma_start3A_161] : memref<212992x128xf32, #tpu.memory_space<hbm>> -> memref<64x128xf32, #tpu.memory_space<hbm>>
    %dma_start3A_163 = arith.constant 0 : i32
    %dma_start3A_164 = tpu.memref_slice %arg6[%mul3A_160, %dma_start3A_163] : memref<212992x128xf32, #tpu.memory_space<hbm>> -> memref<64x128xf32, #tpu.memory_space<hbm>>
    tpu.enqueue_dma source(%arg15 : memref<64x128xf32, #tpu.memory_space<vmem>>) target(%dma_start3A_164 : memref<64x128xf32, #tpu.memory_space<hbm>>) target_semaphore(%arg31 : memref<!tpu.dma_semaphore, #tpu.memory_space<semaphore_mem>>)
    %dma_wait3A_165 = arith.constant 103 : i32
    %dma_wait3A_166 = arith.constant 0 : i32
    %dma_wait3A_167 = tpu.memref_slice %arg7[%dma_wait3A_165, %dma_wait3A_166] : memref<104x64xi32, #tpu.memory_space<vmem>> -> memref<1x64xi32, #tpu.memory_space<vmem>>
    %dma_wait3A_168 = tpu.memref_squeeze %dma_wait3A_167 : memref<1x64xi32, #tpu.memory_space<vmem>> -> memref<64xi32, #tpu.memory_space<vmem>>
    %dma_wait3A_169 = arith.constant 0 : i32
    %dma_wait3A_170 = arith.constant 0 : i32
    %dma_wait3A_171 = tpu.memref_slice %arg2[%dma_wait3A_169, %dma_wait3A_170] : memref<10240x128xf32, #tpu.memory_space<hbm>> -> memref<10240x128xf32, #tpu.memory_space<hbm>>
    tpu.wait_indirect_dma semaphore(%arg20 : memref<!tpu.dma_semaphore, #tpu.memory_space<semaphore_mem>>) src(%dma_wait3A_171 : memref<10240x128xf32, #tpu.memory_space<hbm>>) dst(%arg12 : memref<64x128xf32, #tpu.memory_space<vmem>>)
    %mul3A_172 = arith.constant 104 : i32
    %mul3A_173 = arith.muli %add3A, %mul3A_172 : i32
    %add3A_174 = arith.constant 103 : i32
    %add3A_175 = arith.addi %mul3A_173, %add3A_174 : i32
    %mul3A_176 = arith.constant 64 : i32
    %mul3A_177 = arith.muli %add3A_175, %mul3A_176 : i32
    %dma_start3A_178 = arith.constant 0 : i32
    %dma_start3A_179 = tpu.memref_slice %arg5[%mul3A_177, %dma_start3A_178] : memref<212992x128xf32, #tpu.memory_space<hbm>> -> memref<64x128xf32, #tpu.memory_space<hbm>>
    %dma_start3A_180 = arith.constant 0 : i32
    %dma_start3A_181 = tpu.memref_slice %arg5[%mul3A_177, %dma_start3A_180] : memref<212992x128xf32, #tpu.memory_space<hbm>> -> memref<64x128xf32, #tpu.memory_space<hbm>>
    tpu.enqueue_dma source(%arg12 : memref<64x128xf32, #tpu.memory_space<vmem>>) target(%dma_start3A_181 : memref<64x128xf32, #tpu.memory_space<hbm>>) target_semaphore(%arg28 : memref<!tpu.dma_semaphore, #tpu.memory_space<semaphore_mem>>)
    %dma_wait3A_182 = arith.constant 103 : i32
    %dma_wait3A_183 = arith.constant 0 : i32
    %dma_wait3A_184 = tpu.memref_slice %arg8[%dma_wait3A_182, %dma_wait3A_183] : memref<104x64xi32, #tpu.memory_space<vmem>> -> memref<1x64xi32, #tpu.memory_space<vmem>>
    %dma_wait3A_185 = tpu.memref_squeeze %dma_wait3A_184 : memref<1x64xi32, #tpu.memory_space<vmem>> -> memref<64xi32, #tpu.memory_space<vmem>>
    %dma_wait3A_186 = arith.constant 0 : i32
    %dma_wait3A_187 = arith.constant 0 : i32
    %dma_wait3A_188 = tpu.memref_slice %arg2[%dma_wait3A_186, %dma_wait3A_187] : memref<10240x128xf32, #tpu.memory_space<hbm>> -> memref<10240x128xf32, #tpu.memory_space<hbm>>
    tpu.wait_indirect_dma semaphore(%arg24 : memref<!tpu.dma_semaphore, #tpu.memory_space<semaphore_mem>>) src(%dma_wait3A_188 : memref<10240x128xf32, #tpu.memory_space<hbm>>) dst(%arg16 : memref<64x128xf32, #tpu.memory_space<vmem>>)
    %mul3A_189 = arith.constant 104 : i32
    %mul3A_190 = arith.muli %add3A, %mul3A_189 : i32
    %add3A_191 = arith.constant 103 : i32
    %add3A_192 = arith.addi %mul3A_190, %add3A_191 : i32
    %mul3A_193 = arith.constant 64 : i32
    %mul3A_194 = arith.muli %add3A_192, %mul3A_193 : i32
    %dma_start3A_195 = arith.constant 0 : i32
    %dma_start3A_196 = tpu.memref_slice %arg6[%mul3A_194, %dma_start3A_195] : memref<212992x128xf32, #tpu.memory_space<hbm>> -> memref<64x128xf32, #tpu.memory_space<hbm>>
    %dma_start3A_197 = arith.constant 0 : i32
    %dma_start3A_198 = tpu.memref_slice %arg6[%mul3A_194, %dma_start3A_197] : memref<212992x128xf32, #tpu.memory_space<hbm>> -> memref<64x128xf32, #tpu.memory_space<hbm>>
    tpu.enqueue_dma source(%arg16 : memref<64x128xf32, #tpu.memory_space<vmem>>) target(%dma_start3A_198 : memref<64x128xf32, #tpu.memory_space<hbm>>) target_semaphore(%arg32 : memref<!tpu.dma_semaphore, #tpu.memory_space<semaphore_mem>>)
    %mul3A_199 = arith.constant 104 : i32
    %mul3A_200 = arith.muli %add3A, %mul3A_199 : i32
    %add3A_201 = arith.constant 100 : i32
    %add3A_202 = arith.addi %mul3A_200, %add3A_201 : i32
    %mul3A_203 = arith.constant 64 : i32
    %mul3A_204 = arith.muli %add3A_202, %mul3A_203 : i32
    %dma_wait3A_205 = arith.constant 0 : i32
    %dma_wait3A_206 = tpu.memref_slice %arg5[%mul3A_204, %dma_wait3A_205] : memref<212992x128xf32, #tpu.memory_space<hbm>> -> memref<64x128xf32, #tpu.memory_space<hbm>>
    %dma_wait3A_207 = arith.constant 0 : i32
    %dma_wait3A_208 = tpu.memref_slice %arg5[%mul3A_204, %dma_wait3A_207] : memref<212992x128xf32, #tpu.memory_space<hbm>> -> memref<64x128xf32, #tpu.memory_space<hbm>>
    tpu.wait_dma2 semaphore(%arg25 : memref<!tpu.dma_semaphore, #tpu.memory_space<semaphore_mem>>) src(%arg9 : memref<64x128xf32, #tpu.memory_space<vmem>>) dst(%dma_wait3A_208 : memref<64x128xf32, #tpu.memory_space<hbm>>)
    %mul3A_209 = arith.constant 104 : i32
    %mul3A_210 = arith.muli %add3A, %mul3A_209 : i32
    %add3A_211 = arith.constant 100 : i32
    %add3A_212 = arith.addi %mul3A_210, %add3A_211 : i32
    %mul3A_213 = arith.constant 64 : i32
    %mul3A_214 = arith.muli %add3A_212, %mul3A_213 : i32
    %dma_wait3A_215 = arith.constant 0 : i32
    %dma_wait3A_216 = tpu.memref_slice %arg6[%mul3A_214, %dma_wait3A_215] : memref<212992x128xf32, #tpu.memory_space<hbm>> -> memref<64x128xf32, #tpu.memory_space<hbm>>
    %dma_wait3A_217 = arith.constant 0 : i32
    %dma_wait3A_218 = tpu.memref_slice %arg6[%mul3A_214, %dma_wait3A_217] : memref<212992x128xf32, #tpu.memory_space<hbm>> -> memref<64x128xf32, #tpu.memory_space<hbm>>
    tpu.wait_dma2 semaphore(%arg29 : memref<!tpu.dma_semaphore, #tpu.memory_space<semaphore_mem>>) src(%arg13 : memref<64x128xf32, #tpu.memory_space<vmem>>) dst(%dma_wait3A_218 : memref<64x128xf32, #tpu.memory_space<hbm>>)
    %mul3A_219 = arith.constant 104 : i32
    %mul3A_220 = arith.muli %add3A, %mul3A_219 : i32
    %add3A_221 = arith.constant 101 : i32
    %add3A_222 = arith.addi %mul3A_220, %add3A_221 : i32
    %mul3A_223 = arith.constant 64 : i32
    %mul3A_224 = arith.muli %add3A_222, %mul3A_223 : i32
    %dma_wait3A_225 = arith.constant 0 : i32
    %dma_wait3A_226 = tpu.memref_slice %arg5[%mul3A_224, %dma_wait3A_225] : memref<212992x128xf32, #tpu.memory_space<hbm>> -> memref<64x128xf32, #tpu.memory_space<hbm>>
    %dma_wait3A_227 = arith.constant 0 : i32
    %dma_wait3A_228 = tpu.memref_slice %arg5[%mul3A_224, %dma_wait3A_227] : memref<212992x128xf32, #tpu.memory_space<hbm>> -> memref<64x128xf32, #tpu.memory_space<hbm>>
    tpu.wait_dma2 semaphore(%arg26 : memref<!tpu.dma_semaphore, #tpu.memory_space<semaphore_mem>>) src(%arg10 : memref<64x128xf32, #tpu.memory_space<vmem>>) dst(%dma_wait3A_228 : memref<64x128xf32, #tpu.memory_space<hbm>>)
    %mul3A_229 = arith.constant 104 : i32
    %mul3A_230 = arith.muli %add3A, %mul3A_229 : i32
    %add3A_231 = arith.constant 101 : i32
    %add3A_232 = arith.addi %mul3A_230, %add3A_231 : i32
    %mul3A_233 = arith.constant 64 : i32
    %mul3A_234 = arith.muli %add3A_232, %mul3A_233 : i32
    %dma_wait3A_235 = arith.constant 0 : i32
    %dma_wait3A_236 = tpu.memref_slice %arg6[%mul3A_234, %dma_wait3A_235] : memref<212992x128xf32, #tpu.memory_space<hbm>> -> memref<64x128xf32, #tpu.memory_space<hbm>>
    %dma_wait3A_237 = arith.constant 0 : i32
    %dma_wait3A_238 = tpu.memref_slice %arg6[%mul3A_234, %dma_wait3A_237] : memref<212992x128xf32, #tpu.memory_space<hbm>> -> memref<64x128xf32, #tpu.memory_space<hbm>>
    tpu.wait_dma2 semaphore(%arg30 : memref<!tpu.dma_semaphore, #tpu.memory_space<semaphore_mem>>) src(%arg14 : memref<64x128xf32, #tpu.memory_space<vmem>>) dst(%dma_wait3A_238 : memref<64x128xf32, #tpu.memory_space<hbm>>)
    %mul3A_239 = arith.constant 104 : i32
    %mul3A_240 = arith.muli %add3A, %mul3A_239 : i32
    %add3A_241 = arith.constant 102 : i32
    %add3A_242 = arith.addi %mul3A_240, %add3A_241 : i32
    %mul3A_243 = arith.constant 64 : i32
    %mul3A_244 = arith.muli %add3A_242, %mul3A_243 : i32
    %dma_wait3A_245 = arith.constant 0 : i32
    %dma_wait3A_246 = tpu.memref_slice %arg5[%mul3A_244, %dma_wait3A_245] : memref<212992x128xf32, #tpu.memory_space<hbm>> -> memref<64x128xf32, #tpu.memory_space<hbm>>
    %dma_wait3A_247 = arith.constant 0 : i32
    %dma_wait3A_248 = tpu.memref_slice %arg5[%mul3A_244, %dma_wait3A_247] : memref<212992x128xf32, #tpu.memory_space<hbm>> -> memref<64x128xf32, #tpu.memory_space<hbm>>
    tpu.wait_dma2 semaphore(%arg27 : memref<!tpu.dma_semaphore, #tpu.memory_space<semaphore_mem>>) src(%arg11 : memref<64x128xf32, #tpu.memory_space<vmem>>) dst(%dma_wait3A_248 : memref<64x128xf32, #tpu.memory_space<hbm>>)
    %mul3A_249 = arith.constant 104 : i32
    %mul3A_250 = arith.muli %add3A, %mul3A_249 : i32
    %add3A_251 = arith.constant 102 : i32
    %add3A_252 = arith.addi %mul3A_250, %add3A_251 : i32
    %mul3A_253 = arith.constant 64 : i32
    %mul3A_254 = arith.muli %add3A_252, %mul3A_253 : i32
    %dma_wait3A_255 = arith.constant 0 : i32
    %dma_wait3A_256 = tpu.memref_slice %arg6[%mul3A_254, %dma_wait3A_255] : memref<212992x128xf32, #tpu.memory_space<hbm>> -> memref<64x128xf32, #tpu.memory_space<hbm>>
    %dma_wait3A_257 = arith.constant 0 : i32
    %dma_wait3A_258 = tpu.memref_slice %arg6[%mul3A_254, %dma_wait3A_257] : memref<212992x128xf32, #tpu.memory_space<hbm>> -> memref<64x128xf32, #tpu.memory_space<hbm>>
    tpu.wait_dma2 semaphore(%arg31 : memref<!tpu.dma_semaphore, #tpu.memory_space<semaphore_mem>>) src(%arg15 : memref<64x128xf32, #tpu.memory_space<vmem>>) dst(%dma_wait3A_258 : memref<64x128xf32, #tpu.memory_space<hbm>>)
    %mul3A_259 = arith.constant 104 : i32
    %mul3A_260 = arith.muli %add3A, %mul3A_259 : i32
    %add3A_261 = arith.constant 103 : i32
    %add3A_262 = arith.addi %mul3A_260, %add3A_261 : i32
    %mul3A_263 = arith.constant 64 : i32
    %mul3A_264 = arith.muli %add3A_262, %mul3A_263 : i32
    %dma_wait3A_265 = arith.constant 0 : i32
    %dma_wait3A_266 = tpu.memref_slice %arg5[%mul3A_264, %dma_wait3A_265] : memref<212992x128xf32, #tpu.memory_space<hbm>> -> memref<64x128xf32, #tpu.memory_space<hbm>>
    %dma_wait3A_267 = arith.constant 0 : i32
    %dma_wait3A_268 = tpu.memref_slice %arg5[%mul3A_264, %dma_wait3A_267] : memref<212992x128xf32, #tpu.memory_space<hbm>> -> memref<64x128xf32, #tpu.memory_space<hbm>>
    tpu.wait_dma2 semaphore(%arg28 : memref<!tpu.dma_semaphore, #tpu.memory_space<semaphore_mem>>) src(%arg12 : memref<64x128xf32, #tpu.memory_space<vmem>>) dst(%dma_wait3A_268 : memref<64x128xf32, #tpu.memory_space<hbm>>)
    %mul3A_269 = arith.constant 104 : i32
    %mul3A_270 = arith.muli %add3A, %mul3A_269 : i32
    %add3A_271 = arith.constant 103 : i32
    %add3A_272 = arith.addi %mul3A_270, %add3A_271 : i32
    %mul3A_273 = arith.constant 64 : i32
    %mul3A_274 = arith.muli %add3A_272, %mul3A_273 : i32
    %dma_wait3A_275 = arith.constant 0 : i32
    %dma_wait3A_276 = tpu.memref_slice %arg6[%mul3A_274, %dma_wait3A_275] : memref<212992x128xf32, #tpu.memory_space<hbm>> -> memref<64x128xf32, #tpu.memory_space<hbm>>
    %dma_wait3A_277 = arith.constant 0 : i32
    %dma_wait3A_278 = tpu.memref_slice %arg6[%mul3A_274, %dma_wait3A_277] : memref<212992x128xf32, #tpu.memory_space<hbm>> -> memref<64x128xf32, #tpu.memory_space<hbm>>
    tpu.wait_dma2 semaphore(%arg32 : memref<!tpu.dma_semaphore, #tpu.memory_space<semaphore_mem>>) src(%arg16 : memref<64x128xf32, #tpu.memory_space<vmem>>) dst(%dma_wait3A_278 : memref<64x128xf32, #tpu.memory_space<hbm>>)
    return
  }
}

#map = affine_map<(d0, d1) -> (0, 0)>
module attributes {stable_mosaic.version = 14 : i64} {
  func.func @k(%arg0: i32, %arg1: i32, %arg2: memref<2560x128xi32, #tpu.memory_space<hbm>>, %arg3: memref<32x10240xf32, #tpu.memory_space<hbm>>, %arg4: memref<80x128xi32, #tpu.memory_space<vmem>>, %arg5: memref<10240xf32, #tpu.memory_space<vmem>>) attributes {dimension_semantics = [#tpu.dimension_semantics<core_parallel>, #tpu.dimension_semantics<subcore_parallel>], iteration_bounds = array<i64: 2, 16>, scalar_prefetch = 0 : i64, scratch_operands = 2 : i64, tpu.core_type = #tpu.core_type<sc_vector_subcore>, window_params = [{transform_indices = #map}, {transform_indices = #map}]} {
    %mul3A = arith.constant 16 : i32
    %mul3A_0 = arith.muli %arg0, %mul3A : i32
    %add3A = arith.addi %mul3A_0, %arg1 : i32
    %mul3A_1 = arith.constant 80 : i32
    %mul3A_2 = arith.muli %add3A, %mul3A_1 : i32
    "tpu.region"() ({
      %run_scoped3A = tpu.sem_alloc : memref<!tpu.dma_semaphore, #tpu.memory_space<semaphore_mem>>
      %dma_start3A = arith.constant 0 : i32
      %dma_start3A_13 = tpu.memref_slice %arg2[%mul3A_2, %dma_start3A] : memref<2560x128xi32, #tpu.memory_space<hbm>> -> memref<80x128xi32, #tpu.memory_space<hbm>>
      %dma_start3A_14 = arith.constant 0 : i32
      %dma_start3A_15 = tpu.memref_slice %arg2[%mul3A_2, %dma_start3A_14] : memref<2560x128xi32, #tpu.memory_space<hbm>> -> memref<80x128xi32, #tpu.memory_space<hbm>>
      tpu.enqueue_dma source(%dma_start3A_15 : memref<80x128xi32, #tpu.memory_space<hbm>>) target(%arg4 : memref<80x128xi32, #tpu.memory_space<vmem>>) target_semaphore(%run_scoped3A : memref<!tpu.dma_semaphore, #tpu.memory_space<semaphore_mem>>)
      %dma_wait3A = arith.constant 0 : i32
      %dma_wait3A_16 = tpu.memref_slice %arg2[%mul3A_2, %dma_wait3A] : memref<2560x128xi32, #tpu.memory_space<hbm>> -> memref<80x128xi32, #tpu.memory_space<hbm>>
      %dma_wait3A_17 = arith.constant 0 : i32
      %dma_wait3A_18 = tpu.memref_slice %arg2[%mul3A_2, %dma_wait3A_17] : memref<2560x128xi32, #tpu.memory_space<hbm>> -> memref<80x128xi32, #tpu.memory_space<hbm>>
      tpu.wait_dma2 semaphore(%run_scoped3A : memref<!tpu.dma_semaphore, #tpu.memory_space<semaphore_mem>>) src(%dma_wait3A_18 : memref<80x128xi32, #tpu.memory_space<hbm>>) dst(%arg4 : memref<80x128xi32, #tpu.memory_space<vmem>>)
      tpu.yield
    }) : () -> ()
    %scan3A = arith.constant 0 : i32
    %scan3A_3 = arith.constant 640 : i32
    %scan3A_4 = arith.addi %scan3A, %scan3A_3 : i32
    %scan3A_5 = arith.constant 1 : i32
    scf.for %scan3A_13 = %scan3A to %scan3A_4 step %scan3A_5  : i32 {
      %mul3A_14 = arith.constant 16 : i32
      %mul3A_15 = arith.muli %scan3A_13, %mul3A_14 : i32
      %add3A_16 = arith.constant 0 : i32
      %add3A_17 = arith.addi %add3A_16, %mul3A_15 : i32
      %broadcast_in_dim3A_18 = arith.constant 0.000000e+00 : f32
      %broadcast_in_dim3A_19 = vector.broadcast %broadcast_in_dim3A_18 : f32 to vector<16xf32>
      %swap3A = arith.index_cast %add3A_17 : i32 to index
      %swap3A_20 = tpu.vector_load %arg5[%swap3A] {strides = array<i32>} : memref<10240xf32, #tpu.memory_space<vmem>>, vector<16xf32>,
      tpu.vector_store %arg5[%swap3A], %broadcast_in_dim3A_19 {strides = array<i32>} : memref<10240xf32, #tpu.memory_space<vmem>>, vector<16xf32>,
    }
    %scan3A_6 = arith.constant 640 : i32
    %broadcast_in_dim3A = arith.constant 1.000000e+00 : f32
    %broadcast_in_dim3A_7 = vector.broadcast %broadcast_in_dim3A : f32 to vector<16xf32>
    %scan3A_8 = arith.constant 0 : i32
    %scan3A_9 = arith.constant 80 : i32
    %scan3A_10 = arith.addi %scan3A_8, %scan3A_9 : i32
    %scan3A_11 = arith.constant 1 : i32
    scf.for %scan3A_13 = %scan3A_8 to %scan3A_10 step %scan3A_11  : i32 {
      %mul3A_14 = arith.constant 1 : i32
      %mul3A_15 = arith.muli %scan3A_13, %mul3A_14 : i32
      %add3A_16 = arith.constant 0 : i32
      %add3A_17 = arith.addi %add3A_16, %mul3A_15 : i32
      %scan3A_18 = arith.constant 0 : i32
      %scan3A_19 = arith.constant 8 : i32
      %scan3A_20 = arith.addi %scan3A_18, %scan3A_19 : i32
      %scan3A_21 = arith.constant 1 : i32
      scf.for %scan3A_23 = %scan3A_18 to %scan3A_20 step %scan3A_21  : i32 {
        %mul3A_24 = arith.constant 16 : i32
        %mul3A_25 = arith.muli %scan3A_23, %mul3A_24 : i32
        %add3A_26 = arith.constant 0 : i32
        %add3A_27 = arith.addi %add3A_26, %mul3A_25 : i32
        %get3A = arith.index_cast %add3A_17 : i32 to index
        %get3A_28 = arith.index_cast %add3A_27 : i32 to index
        %get3A_29 = tpu.vector_load %arg4[%get3A, %get3A_28] {strides = array<i32>} : memref<80x128xi32, #tpu.memory_space<vmem>>, vector<16xi32>,
        tpu.vector_store_idx %arg5[%get3A_29], %broadcast_in_dim3A_7 {add = true} : memref<10240xf32, #tpu.memory_space<vmem>>[vector<16xi32>], vector<16xf32>,
      }
      %scan3A_22 = arith.constant 8 : i32
    }
    %scan3A_12 = arith.constant 80 : i32
    "tpu.region"() ({
      %run_scoped3A = tpu.sem_alloc : memref<!tpu.dma_semaphore, #tpu.memory_space<semaphore_mem>>
      %dma_start3A = arith.constant 0 : i32
      %dma_start3A_13 = tpu.memref_slice %arg3[%add3A, %dma_start3A] : memref<32x10240xf32, #tpu.memory_space<hbm>> -> memref<1x10240xf32, #tpu.memory_space<hbm>>
      %dma_start3A_14 = tpu.memref_squeeze %dma_start3A_13 : memref<1x10240xf32, #tpu.memory_space<hbm>> -> memref<10240xf32, #tpu.memory_space<hbm>>
      %dma_start3A_15 = arith.constant 0 : i32
      %dma_start3A_16 = tpu.memref_slice %arg3[%add3A, %dma_start3A_15] : memref<32x10240xf32, #tpu.memory_space<hbm>> -> memref<1x10240xf32, #tpu.memory_space<hbm>>
      %dma_start3A_17 = tpu.memref_squeeze %dma_start3A_16 : memref<1x10240xf32, #tpu.memory_space<hbm>> -> memref<10240xf32, #tpu.memory_space<hbm>>
      tpu.enqueue_dma source(%arg5 : memref<10240xf32, #tpu.memory_space<vmem>>) target(%dma_start3A_17 : memref<10240xf32, #tpu.memory_space<hbm>>) target_semaphore(%run_scoped3A : memref<!tpu.dma_semaphore, #tpu.memory_space<semaphore_mem>>)
      %dma_wait3A = arith.constant 0 : i32
      %dma_wait3A_18 = tpu.memref_slice %arg3[%add3A, %dma_wait3A] : memref<32x10240xf32, #tpu.memory_space<hbm>> -> memref<1x10240xf32, #tpu.memory_space<hbm>>
      %dma_wait3A_19 = tpu.memref_squeeze %dma_wait3A_18 : memref<1x10240xf32, #tpu.memory_space<hbm>> -> memref<10240xf32, #tpu.memory_space<hbm>>
      %dma_wait3A_20 = arith.constant 0 : i32
      %dma_wait3A_21 = tpu.memref_slice %arg3[%add3A, %dma_wait3A_20] : memref<32x10240xf32, #tpu.memory_space<hbm>> -> memref<1x10240xf32, #tpu.memory_space<hbm>>
      %dma_wait3A_22 = tpu.memref_squeeze %dma_wait3A_21 : memref<1x10240xf32, #tpu.memory_space<hbm>> -> memref<10240xf32, #tpu.memory_space<hbm>>
      tpu.wait_dma2 semaphore(%run_scoped3A : memref<!tpu.dma_semaphore, #tpu.memory_space<semaphore_mem>>) src(%arg5 : memref<10240xf32, #tpu.memory_space<vmem>>) dst(%dma_wait3A_22 : memref<10240xf32, #tpu.memory_space<hbm>>)
      tpu.yield
    }) : () -> ()
    return
  }
}

#map = affine_map<(d0, d1) -> (0, 0, 0)>
#map1 = affine_map<(d0, d1) -> (0, 0)>
module attributes {stable_mosaic.version = 14 : i64} {
  func.func @k(%arg0: i32, %arg1: i32, %arg2: memref<2x10240x64xf32, #tpu.memory_space<hbm>>, %arg3: memref<2560x128xi32, #tpu.memory_space<hbm>>, %arg4: memref<2560x128xi32, #tpu.memory_space<hbm>>, %arg5: memref<10240x64xf32, #tpu.memory_space<hbm>>, %arg6: memref<2x10240x64xf32, #tpu.memory_space<hbm>>, %arg7: memref<160x128xi32, #tpu.memory_space<vmem>>, %arg8: memref<160x128xi32, #tpu.memory_space<vmem>>, %arg9: memref<128x64xf32, #tpu.memory_space<vmem>>, %arg10: memref<128x64xf32, #tpu.memory_space<vmem>>, %arg11: memref<128x64xf32, #tpu.memory_space<vmem>>, %arg12: memref<128x64xf32, #tpu.memory_space<vmem>>, %arg13: memref<128x64xf32, #tpu.memory_space<vmem>>, %arg14: memref<10240x64xf32, #tpu.memory_space<vmem_shared>>, %arg15: memref<!tpu.dma_semaphore, #tpu.memory_space<semaphore_mem>>, %arg16: memref<!tpu.dma_semaphore, #tpu.memory_space<semaphore_mem>>, %arg17: memref<!tpu.dma_semaphore, #tpu.memory_space<semaphore_mem>>, %arg18: memref<!tpu.dma_semaphore, #tpu.memory_space<semaphore_mem>>, %arg19: memref<!tpu.dma_semaphore, #tpu.memory_space<semaphore_mem>>, %arg20: memref<!tpu.dma_semaphore, #tpu.memory_space<semaphore_mem>>, %arg21: memref<!tpu.dma_semaphore, #tpu.memory_space<semaphore_mem>>, %arg22: memref<!tpu.dma_semaphore, #tpu.memory_space<semaphore_mem>>, %arg23: memref<!tpu.dma_semaphore, #tpu.memory_space<semaphore_mem>>, %arg24: memref<!tpu.dma_semaphore, #tpu.memory_space<semaphore_mem>>) attributes {dimension_semantics = [#tpu.dimension_semantics<core_parallel>, #tpu.dimension_semantics<subcore_parallel>], iteration_bounds = array<i64: 2, 16>, scalar_prefetch = 0 : i64, scratch_operands = 18 : i64, tpu.core_type = #tpu.core_type<sc_vector_subcore>, window_params = [{transform_indices = #map}, {transform_indices = #map1}, {transform_indices = #map1}, {transform_indices = #map1}, {transform_indices = #map}]} {
    %mul3A = arith.constant 640 : i32
    %mul3A_0 = arith.muli %arg1, %mul3A : i32
    %mul3A_1 = arith.constant 640 : i32
    %mul3A_2 = arith.muli %arg1, %mul3A_1 : i32
    "tpu.region"() ({
      %run_scoped3A = tpu.sem_alloc : memref<!tpu.dma_semaphore, #tpu.memory_space<semaphore_mem>>
      %dma_start3A_194 = arith.constant 0 : i32
      %dma_start3A_195 = tpu.memref_slice %arg14[%mul3A_2, %dma_start3A_194] : memref<10240x64xf32, #tpu.memory_space<vmem_shared>> -> memref<640x64xf32, #tpu.memory_space<vmem_shared>>
      %dma_start3A_196 = arith.constant 0 : i32
      %dma_start3A_197 = tpu.memref_slice %arg5[%mul3A_0, %dma_start3A_196] : memref<10240x64xf32, #tpu.memory_space<hbm>> -> memref<640x64xf32, #tpu.memory_space<hbm>>
      tpu.enqueue_dma source(%dma_start3A_197 : memref<640x64xf32, #tpu.memory_space<hbm>>) target(%dma_start3A_195 : memref<640x64xf32, #tpu.memory_space<vmem_shared>>) target_semaphore(%run_scoped3A : memref<!tpu.dma_semaphore, #tpu.memory_space<semaphore_mem>>)
      %dma_wait3A_198 = arith.constant 0 : i32
      %dma_wait3A_199 = tpu.memref_slice %arg14[%mul3A_2, %dma_wait3A_198] : memref<10240x64xf32, #tpu.memory_space<vmem_shared>> -> memref<640x64xf32, #tpu.memory_space<vmem_shared>>
      %dma_wait3A_200 = arith.constant 0 : i32
      %dma_wait3A_201 = tpu.memref_slice %arg5[%mul3A_0, %dma_wait3A_200] : memref<10240x64xf32, #tpu.memory_space<hbm>> -> memref<640x64xf32, #tpu.memory_space<hbm>>
      tpu.wait_dma2 semaphore(%run_scoped3A : memref<!tpu.dma_semaphore, #tpu.memory_space<semaphore_mem>>) src(%dma_wait3A_201 : memref<640x64xf32, #tpu.memory_space<hbm>>) dst(%dma_wait3A_199 : memref<640x64xf32, #tpu.memory_space<vmem_shared>>)
      tpu.yield
    }) : () -> ()
    %mul3A_3 = arith.constant 160 : i32
    %mul3A_4 = arith.muli %arg1, %mul3A_3 : i32
    "tpu.region"() ({
      %run_scoped3A = tpu.sem_alloc : memref<!tpu.dma_semaphore, #tpu.memory_space<semaphore_mem>>
      %dma_start3A_194 = arith.constant 0 : i32
      %dma_start3A_195 = tpu.memref_slice %arg3[%mul3A_4, %dma_start3A_194] : memref<2560x128xi32, #tpu.memory_space<hbm>> -> memref<160x128xi32, #tpu.memory_space<hbm>>
      %dma_start3A_196 = arith.constant 0 : i32
      %dma_start3A_197 = tpu.memref_slice %arg3[%mul3A_4, %dma_start3A_196] : memref<2560x128xi32, #tpu.memory_space<hbm>> -> memref<160x128xi32, #tpu.memory_space<hbm>>
      tpu.enqueue_dma source(%dma_start3A_197 : memref<160x128xi32, #tpu.memory_space<hbm>>) target(%arg7 : memref<160x128xi32, #tpu.memory_space<vmem>>) target_semaphore(%run_scoped3A : memref<!tpu.dma_semaphore, #tpu.memory_space<semaphore_mem>>)
      %dma_wait3A_198 = arith.constant 0 : i32
      %dma_wait3A_199 = tpu.memref_slice %arg3[%mul3A_4, %dma_wait3A_198] : memref<2560x128xi32, #tpu.memory_space<hbm>> -> memref<160x128xi32, #tpu.memory_space<hbm>>
      %dma_wait3A_200 = arith.constant 0 : i32
      %dma_wait3A_201 = tpu.memref_slice %arg3[%mul3A_4, %dma_wait3A_200] : memref<2560x128xi32, #tpu.memory_space<hbm>> -> memref<160x128xi32, #tpu.memory_space<hbm>>
      tpu.wait_dma2 semaphore(%run_scoped3A : memref<!tpu.dma_semaphore, #tpu.memory_space<semaphore_mem>>) src(%dma_wait3A_201 : memref<160x128xi32, #tpu.memory_space<hbm>>) dst(%arg7 : memref<160x128xi32, #tpu.memory_space<vmem>>)
      tpu.yield
    }) : () -> ()
    %mul3A_5 = arith.constant 160 : i32
    %mul3A_6 = arith.muli %arg1, %mul3A_5 : i32
    "tpu.region"() ({
      %run_scoped3A = tpu.sem_alloc : memref<!tpu.dma_semaphore, #tpu.memory_space<semaphore_mem>>
      %dma_start3A_194 = arith.constant 0 : i32
      %dma_start3A_195 = tpu.memref_slice %arg4[%mul3A_6, %dma_start3A_194] : memref<2560x128xi32, #tpu.memory_space<hbm>> -> memref<160x128xi32, #tpu.memory_space<hbm>>
      %dma_start3A_196 = arith.constant 0 : i32
      %dma_start3A_197 = tpu.memref_slice %arg4[%mul3A_6, %dma_start3A_196] : memref<2560x128xi32, #tpu.memory_space<hbm>> -> memref<160x128xi32, #tpu.memory_space<hbm>>
      tpu.enqueue_dma source(%dma_start3A_197 : memref<160x128xi32, #tpu.memory_space<hbm>>) target(%arg8 : memref<160x128xi32, #tpu.memory_space<vmem>>) target_semaphore(%run_scoped3A : memref<!tpu.dma_semaphore, #tpu.memory_space<semaphore_mem>>)
      %dma_wait3A_198 = arith.constant 0 : i32
      %dma_wait3A_199 = tpu.memref_slice %arg4[%mul3A_6, %dma_wait3A_198] : memref<2560x128xi32, #tpu.memory_space<hbm>> -> memref<160x128xi32, #tpu.memory_space<hbm>>
      %dma_wait3A_200 = arith.constant 0 : i32
      %dma_wait3A_201 = tpu.memref_slice %arg4[%mul3A_6, %dma_wait3A_200] : memref<2560x128xi32, #tpu.memory_space<hbm>> -> memref<160x128xi32, #tpu.memory_space<hbm>>
      tpu.wait_dma2 semaphore(%run_scoped3A : memref<!tpu.dma_semaphore, #tpu.memory_space<semaphore_mem>>) src(%dma_wait3A_201 : memref<160x128xi32, #tpu.memory_space<hbm>>) dst(%arg8 : memref<160x128xi32, #tpu.memory_space<vmem>>)
      tpu.yield
    }) : () -> ()
    %barrier3A = arith.constant 0 : index
    tpu.barrier barrier_id(%barrier3A)
    %dma_start3A = arith.constant 0 : i32
    %dma_start3A_7 = arith.constant 0 : i32
    %dma_start3A_8 = tpu.memref_slice %arg7[%dma_start3A, %dma_start3A_7] : memref<160x128xi32, #tpu.memory_space<vmem>> -> memref<1x128xi32, #tpu.memory_space<vmem>>
    %dma_start3A_9 = tpu.memref_squeeze %dma_start3A_8 : memref<1x128xi32, #tpu.memory_space<vmem>> -> memref<128xi32, #tpu.memory_space<vmem>>
    %dma_start3A_10 = arith.constant 0 : i32
    %dma_start3A_11 = arith.constant 0 : i32
    %dma_start3A_12 = tpu.memref_slice %arg2[%arg0, %dma_start3A_10, %dma_start3A_11] : memref<2x10240x64xf32, #tpu.memory_space<hbm>> -> memref<1x10240x64xf32, #tpu.memory_space<hbm>>
    %dma_start3A_13 = tpu.memref_squeeze %dma_start3A_12 : memref<1x10240x64xf32, #tpu.memory_space<hbm>> -> memref<10240x64xf32, #tpu.memory_space<hbm>>
    %dma_start3A_14 = arith.constant 0 : i32
    %dma_start3A_15 = arith.constant 0 : i32
    %dma_start3A_16 = tpu.memref_slice %dma_start3A_13[%dma_start3A_14, %dma_start3A_15] : memref<10240x64xf32, #tpu.memory_space<hbm>> -> memref<10240x64xf32, #tpu.memory_space<hbm>>
    tpu.enqueue_indirect_dma source(%dma_start3A_16 : memref<10240x64xf32, #tpu.memory_space<hbm>>) target(%arg9 : memref<128x64xf32, #tpu.memory_space<vmem>>) offsets(%dma_start3A_9 : memref<128xi32, #tpu.memory_space<vmem>>) semaphore(%arg15 : memref<!tpu.dma_semaphore, #tpu.memory_space<semaphore_mem>>)
    %dma_start3A_17 = arith.constant 1 : i32
    %dma_start3A_18 = arith.constant 0 : i32
    %dma_start3A_19 = tpu.memref_slice %arg7[%dma_start3A_17, %dma_start3A_18] : memref<160x128xi32, #tpu.memory_space<vmem>> -> memref<1x128xi32, #tpu.memory_space<vmem>>
    %dma_start3A_20 = tpu.memref_squeeze %dma_start3A_19 : memref<1x128xi32, #tpu.memory_space<vmem>> -> memref<128xi32, #tpu.memory_space<vmem>>
    %dma_start3A_21 = arith.constant 0 : i32
    %dma_start3A_22 = arith.constant 0 : i32
    %dma_start3A_23 = tpu.memref_slice %arg2[%arg0, %dma_start3A_21, %dma_start3A_22] : memref<2x10240x64xf32, #tpu.memory_space<hbm>> -> memref<1x10240x64xf32, #tpu.memory_space<hbm>>
    %dma_start3A_24 = tpu.memref_squeeze %dma_start3A_23 : memref<1x10240x64xf32, #tpu.memory_space<hbm>> -> memref<10240x64xf32, #tpu.memory_space<hbm>>
    %dma_start3A_25 = arith.constant 0 : i32
    %dma_start3A_26 = arith.constant 0 : i32
    %dma_start3A_27 = tpu.memref_slice %dma_start3A_24[%dma_start3A_25, %dma_start3A_26] : memref<10240x64xf32, #tpu.memory_space<hbm>> -> memref<10240x64xf32, #tpu.memory_space<hbm>>
    tpu.enqueue_indirect_dma source(%dma_start3A_27 : memref<10240x64xf32, #tpu.memory_space<hbm>>) target(%arg10 : memref<128x64xf32, #tpu.memory_space<vmem>>) offsets(%dma_start3A_20 : memref<128xi32, #tpu.memory_space<vmem>>) semaphore(%arg16 : memref<!tpu.dma_semaphore, #tpu.memory_space<semaphore_mem>>)
    %dma_start3A_28 = arith.constant 2 : i32
    %dma_start3A_29 = arith.constant 0 : i32
    %dma_start3A_30 = tpu.memref_slice %arg7[%dma_start3A_28, %dma_start3A_29] : memref<160x128xi32, #tpu.memory_space<vmem>> -> memref<1x128xi32, #tpu.memory_space<vmem>>
    %dma_start3A_31 = tpu.memref_squeeze %dma_start3A_30 : memref<1x128xi32, #tpu.memory_space<vmem>> -> memref<128xi32, #tpu.memory_space<vmem>>
    %dma_start3A_32 = arith.constant 0 : i32
    %dma_start3A_33 = arith.constant 0 : i32
    %dma_start3A_34 = tpu.memref_slice %arg2[%arg0, %dma_start3A_32, %dma_start3A_33] : memref<2x10240x64xf32, #tpu.memory_space<hbm>> -> memref<1x10240x64xf32, #tpu.memory_space<hbm>>
    %dma_start3A_35 = tpu.memref_squeeze %dma_start3A_34 : memref<1x10240x64xf32, #tpu.memory_space<hbm>> -> memref<10240x64xf32, #tpu.memory_space<hbm>>
    %dma_start3A_36 = arith.constant 0 : i32
    %dma_start3A_37 = arith.constant 0 : i32
    %dma_start3A_38 = tpu.memref_slice %dma_start3A_35[%dma_start3A_36, %dma_start3A_37] : memref<10240x64xf32, #tpu.memory_space<hbm>> -> memref<10240x64xf32, #tpu.memory_space<hbm>>
    tpu.enqueue_indirect_dma source(%dma_start3A_38 : memref<10240x64xf32, #tpu.memory_space<hbm>>) target(%arg11 : memref<128x64xf32, #tpu.memory_space<vmem>>) offsets(%dma_start3A_31 : memref<128xi32, #tpu.memory_space<vmem>>) semaphore(%arg17 : memref<!tpu.dma_semaphore, #tpu.memory_space<semaphore_mem>>)
    %dma_start3A_39 = arith.constant 3 : i32
    %dma_start3A_40 = arith.constant 0 : i32
    %dma_start3A_41 = tpu.memref_slice %arg7[%dma_start3A_39, %dma_start3A_40] : memref<160x128xi32, #tpu.memory_space<vmem>> -> memref<1x128xi32, #tpu.memory_space<vmem>>
    %dma_start3A_42 = tpu.memref_squeeze %dma_start3A_41 : memref<1x128xi32, #tpu.memory_space<vmem>> -> memref<128xi32, #tpu.memory_space<vmem>>
    %dma_start3A_43 = arith.constant 0 : i32
    %dma_start3A_44 = arith.constant 0 : i32
    %dma_start3A_45 = tpu.memref_slice %arg2[%arg0, %dma_start3A_43, %dma_start3A_44] : memref<2x10240x64xf32, #tpu.memory_space<hbm>> -> memref<1x10240x64xf32, #tpu.memory_space<hbm>>
    %dma_start3A_46 = tpu.memref_squeeze %dma_start3A_45 : memref<1x10240x64xf32, #tpu.memory_space<hbm>> -> memref<10240x64xf32, #tpu.memory_space<hbm>>
    %dma_start3A_47 = arith.constant 0 : i32
    %dma_start3A_48 = arith.constant 0 : i32
    %dma_start3A_49 = tpu.memref_slice %dma_start3A_46[%dma_start3A_47, %dma_start3A_48] : memref<10240x64xf32, #tpu.memory_space<hbm>> -> memref<10240x64xf32, #tpu.memory_space<hbm>>
    tpu.enqueue_indirect_dma source(%dma_start3A_49 : memref<10240x64xf32, #tpu.memory_space<hbm>>) target(%arg12 : memref<128x64xf32, #tpu.memory_space<vmem>>) offsets(%dma_start3A_42 : memref<128xi32, #tpu.memory_space<vmem>>) semaphore(%arg18 : memref<!tpu.dma_semaphore, #tpu.memory_space<semaphore_mem>>)
    %dma_start3A_50 = arith.constant 4 : i32
    %dma_start3A_51 = arith.constant 0 : i32
    %dma_start3A_52 = tpu.memref_slice %arg7[%dma_start3A_50, %dma_start3A_51] : memref<160x128xi32, #tpu.memory_space<vmem>> -> memref<1x128xi32, #tpu.memory_space<vmem>>
    %dma_start3A_53 = tpu.memref_squeeze %dma_start3A_52 : memref<1x128xi32, #tpu.memory_space<vmem>> -> memref<128xi32, #tpu.memory_space<vmem>>
    %dma_start3A_54 = arith.constant 0 : i32
    %dma_start3A_55 = arith.constant 0 : i32
    %dma_start3A_56 = tpu.memref_slice %arg2[%arg0, %dma_start3A_54, %dma_start3A_55] : memref<2x10240x64xf32, #tpu.memory_space<hbm>> -> memref<1x10240x64xf32, #tpu.memory_space<hbm>>
    %dma_start3A_57 = tpu.memref_squeeze %dma_start3A_56 : memref<1x10240x64xf32, #tpu.memory_space<hbm>> -> memref<10240x64xf32, #tpu.memory_space<hbm>>
    %dma_start3A_58 = arith.constant 0 : i32
    %dma_start3A_59 = arith.constant 0 : i32
    %dma_start3A_60 = tpu.memref_slice %dma_start3A_57[%dma_start3A_58, %dma_start3A_59] : memref<10240x64xf32, #tpu.memory_space<hbm>> -> memref<10240x64xf32, #tpu.memory_space<hbm>>
    tpu.enqueue_indirect_dma source(%dma_start3A_60 : memref<10240x64xf32, #tpu.memory_space<hbm>>) target(%arg13 : memref<128x64xf32, #tpu.memory_space<vmem>>) offsets(%dma_start3A_53 : memref<128xi32, #tpu.memory_space<vmem>>) semaphore(%arg19 : memref<!tpu.dma_semaphore, #tpu.memory_space<semaphore_mem>>)
    %scan3A = arith.constant 0 : i32
    %scan3A_61 = arith.constant 31 : i32
    %scan3A_62 = arith.addi %scan3A, %scan3A_61 : i32
    %scan3A_63 = arith.constant 1 : i32
    scf.for %scan3A_194 = %scan3A to %scan3A_62 step %scan3A_63  : i32 {
      %mul3A_195 = arith.constant 5 : i32
      %mul3A_196 = arith.muli %scan3A_194, %mul3A_195 : i32
      %add3A = arith.constant 0 : i32
      %add3A_197 = arith.addi %add3A, %mul3A_196 : i32
      %add3A_198 = arith.constant 0 : i32
      %add3A_199 = arith.addi %add3A_197, %add3A_198 : i32
      %dma_wait3A_200 = arith.constant 0 : i32
      %dma_wait3A_201 = tpu.memref_slice %arg7[%add3A_199, %dma_wait3A_200] : memref<160x128xi32, #tpu.memory_space<vmem>> -> memref<1x128xi32, #tpu.memory_space<vmem>>
      %dma_wait3A_202 = tpu.memref_squeeze %dma_wait3A_201 : memref<1x128xi32, #tpu.memory_space<vmem>> -> memref<128xi32, #tpu.memory_space<vmem>>
      %dma_wait3A_203 = arith.constant 0 : i32
      %dma_wait3A_204 = arith.constant 0 : i32
      %dma_wait3A_205 = tpu.memref_slice %arg2[%arg0, %dma_wait3A_203, %dma_wait3A_204] : memref<2x10240x64xf32, #tpu.memory_space<hbm>> -> memref<1x10240x64xf32, #tpu.memory_space<hbm>>
      %dma_wait3A_206 = tpu.memref_squeeze %dma_wait3A_205 : memref<1x10240x64xf32, #tpu.memory_space<hbm>> -> memref<10240x64xf32, #tpu.memory_space<hbm>>
      %dma_wait3A_207 = arith.constant 0 : i32
      %dma_wait3A_208 = arith.constant 0 : i32
      %dma_wait3A_209 = tpu.memref_slice %dma_wait3A_206[%dma_wait3A_207, %dma_wait3A_208] : memref<10240x64xf32, #tpu.memory_space<hbm>> -> memref<10240x64xf32, #tpu.memory_space<hbm>>
      tpu.wait_indirect_dma semaphore(%arg15 : memref<!tpu.dma_semaphore, #tpu.memory_space<semaphore_mem>>) src(%dma_wait3A_209 : memref<10240x64xf32, #tpu.memory_space<hbm>>) dst(%arg9 : memref<128x64xf32, #tpu.memory_space<vmem>>)
      %dma_start3A_210 = arith.constant 0 : i32
      %dma_start3A_211 = tpu.memref_slice %arg8[%add3A_199, %dma_start3A_210] : memref<160x128xi32, #tpu.memory_space<vmem>> -> memref<1x128xi32, #tpu.memory_space<vmem>>
      %dma_start3A_212 = tpu.memref_squeeze %dma_start3A_211 : memref<1x128xi32, #tpu.memory_space<vmem>> -> memref<128xi32, #tpu.memory_space<vmem>>
      %dma_start3A_213 = arith.constant 0 : i32
      %dma_start3A_214 = arith.constant 0 : i32
      %dma_start3A_215 = tpu.memref_slice %arg14[%dma_start3A_213, %dma_start3A_214] : memref<10240x64xf32, #tpu.memory_space<vmem_shared>> -> memref<10240x64xf32, #tpu.memory_space<vmem_shared>>
      tpu.enqueue_indirect_dma source(%arg9 : memref<128x64xf32, #tpu.memory_space<vmem>>) target(%dma_start3A_215 : memref<10240x64xf32, #tpu.memory_space<vmem_shared>>) offsets(%dma_start3A_212 : memref<128xi32, #tpu.memory_space<vmem>>) semaphore(%arg20 : memref<!tpu.dma_semaphore, #tpu.memory_space<semaphore_mem>>) {add = true}
      %add3A_216 = arith.constant 1 : i32
      %add3A_217 = arith.addi %add3A_197, %add3A_216 : i32
      %dma_wait3A_218 = arith.constant 0 : i32
      %dma_wait3A_219 = tpu.memref_slice %arg7[%add3A_217, %dma_wait3A_218] : memref<160x128xi32, #tpu.memory_space<vmem>> -> memref<1x128xi32, #tpu.memory_space<vmem>>
      %dma_wait3A_220 = tpu.memref_squeeze %dma_wait3A_219 : memref<1x128xi32, #tpu.memory_space<vmem>> -> memref<128xi32, #tpu.memory_space<vmem>>
      %dma_wait3A_221 = arith.constant 0 : i32
      %dma_wait3A_222 = arith.constant 0 : i32
      %dma_wait3A_223 = tpu.memref_slice %arg2[%arg0, %dma_wait3A_221, %dma_wait3A_222] : memref<2x10240x64xf32, #tpu.memory_space<hbm>> -> memref<1x10240x64xf32, #tpu.memory_space<hbm>>
      %dma_wait3A_224 = tpu.memref_squeeze %dma_wait3A_223 : memref<1x10240x64xf32, #tpu.memory_space<hbm>> -> memref<10240x64xf32, #tpu.memory_space<hbm>>
      %dma_wait3A_225 = arith.constant 0 : i32
      %dma_wait3A_226 = arith.constant 0 : i32
      %dma_wait3A_227 = tpu.memref_slice %dma_wait3A_224[%dma_wait3A_225, %dma_wait3A_226] : memref<10240x64xf32, #tpu.memory_space<hbm>> -> memref<10240x64xf32, #tpu.memory_space<hbm>>
      tpu.wait_indirect_dma semaphore(%arg16 : memref<!tpu.dma_semaphore, #tpu.memory_space<semaphore_mem>>) src(%dma_wait3A_227 : memref<10240x64xf32, #tpu.memory_space<hbm>>) dst(%arg10 : memref<128x64xf32, #tpu.memory_space<vmem>>)
      %dma_start3A_228 = arith.constant 0 : i32
      %dma_start3A_229 = tpu.memref_slice %arg8[%add3A_217, %dma_start3A_228] : memref<160x128xi32, #tpu.memory_space<vmem>> -> memref<1x128xi32, #tpu.memory_space<vmem>>
      %dma_start3A_230 = tpu.memref_squeeze %dma_start3A_229 : memref<1x128xi32, #tpu.memory_space<vmem>> -> memref<128xi32, #tpu.memory_space<vmem>>
      %dma_start3A_231 = arith.constant 0 : i32
      %dma_start3A_232 = arith.constant 0 : i32
      %dma_start3A_233 = tpu.memref_slice %arg14[%dma_start3A_231, %dma_start3A_232] : memref<10240x64xf32, #tpu.memory_space<vmem_shared>> -> memref<10240x64xf32, #tpu.memory_space<vmem_shared>>
      tpu.enqueue_indirect_dma source(%arg10 : memref<128x64xf32, #tpu.memory_space<vmem>>) target(%dma_start3A_233 : memref<10240x64xf32, #tpu.memory_space<vmem_shared>>) offsets(%dma_start3A_230 : memref<128xi32, #tpu.memory_space<vmem>>) semaphore(%arg21 : memref<!tpu.dma_semaphore, #tpu.memory_space<semaphore_mem>>) {add = true}
      %add3A_234 = arith.constant 2 : i32
      %add3A_235 = arith.addi %add3A_197, %add3A_234 : i32
      %dma_wait3A_236 = arith.constant 0 : i32
      %dma_wait3A_237 = tpu.memref_slice %arg7[%add3A_235, %dma_wait3A_236] : memref<160x128xi32, #tpu.memory_space<vmem>> -> memref<1x128xi32, #tpu.memory_space<vmem>>
      %dma_wait3A_238 = tpu.memref_squeeze %dma_wait3A_237 : memref<1x128xi32, #tpu.memory_space<vmem>> -> memref<128xi32, #tpu.memory_space<vmem>>
      %dma_wait3A_239 = arith.constant 0 : i32
      %dma_wait3A_240 = arith.constant 0 : i32
      %dma_wait3A_241 = tpu.memref_slice %arg2[%arg0, %dma_wait3A_239, %dma_wait3A_240] : memref<2x10240x64xf32, #tpu.memory_space<hbm>> -> memref<1x10240x64xf32, #tpu.memory_space<hbm>>
      %dma_wait3A_242 = tpu.memref_squeeze %dma_wait3A_241 : memref<1x10240x64xf32, #tpu.memory_space<hbm>> -> memref<10240x64xf32, #tpu.memory_space<hbm>>
      %dma_wait3A_243 = arith.constant 0 : i32
      %dma_wait3A_244 = arith.constant 0 : i32
      %dma_wait3A_245 = tpu.memref_slice %dma_wait3A_242[%dma_wait3A_243, %dma_wait3A_244] : memref<10240x64xf32, #tpu.memory_space<hbm>> -> memref<10240x64xf32, #tpu.memory_space<hbm>>
      tpu.wait_indirect_dma semaphore(%arg17 : memref<!tpu.dma_semaphore, #tpu.memory_space<semaphore_mem>>) src(%dma_wait3A_245 : memref<10240x64xf32, #tpu.memory_space<hbm>>) dst(%arg11 : memref<128x64xf32, #tpu.memory_space<vmem>>)
      %dma_start3A_246 = arith.constant 0 : i32
      %dma_start3A_247 = tpu.memref_slice %arg8[%add3A_235, %dma_start3A_246] : memref<160x128xi32, #tpu.memory_space<vmem>> -> memref<1x128xi32, #tpu.memory_space<vmem>>
      %dma_start3A_248 = tpu.memref_squeeze %dma_start3A_247 : memref<1x128xi32, #tpu.memory_space<vmem>> -> memref<128xi32, #tpu.memory_space<vmem>>
      %dma_start3A_249 = arith.constant 0 : i32
      %dma_start3A_250 = arith.constant 0 : i32
      %dma_start3A_251 = tpu.memref_slice %arg14[%dma_start3A_249, %dma_start3A_250] : memref<10240x64xf32, #tpu.memory_space<vmem_shared>> -> memref<10240x64xf32, #tpu.memory_space<vmem_shared>>
      tpu.enqueue_indirect_dma source(%arg11 : memref<128x64xf32, #tpu.memory_space<vmem>>) target(%dma_start3A_251 : memref<10240x64xf32, #tpu.memory_space<vmem_shared>>) offsets(%dma_start3A_248 : memref<128xi32, #tpu.memory_space<vmem>>) semaphore(%arg22 : memref<!tpu.dma_semaphore, #tpu.memory_space<semaphore_mem>>) {add = true}
      %add3A_252 = arith.constant 3 : i32
      %add3A_253 = arith.addi %add3A_197, %add3A_252 : i32
      %dma_wait3A_254 = arith.constant 0 : i32
      %dma_wait3A_255 = tpu.memref_slice %arg7[%add3A_253, %dma_wait3A_254] : memref<160x128xi32, #tpu.memory_space<vmem>> -> memref<1x128xi32, #tpu.memory_space<vmem>>
      %dma_wait3A_256 = tpu.memref_squeeze %dma_wait3A_255 : memref<1x128xi32, #tpu.memory_space<vmem>> -> memref<128xi32, #tpu.memory_space<vmem>>
      %dma_wait3A_257 = arith.constant 0 : i32
      %dma_wait3A_258 = arith.constant 0 : i32
      %dma_wait3A_259 = tpu.memref_slice %arg2[%arg0, %dma_wait3A_257, %dma_wait3A_258] : memref<2x10240x64xf32, #tpu.memory_space<hbm>> -> memref<1x10240x64xf32, #tpu.memory_space<hbm>>
      %dma_wait3A_260 = tpu.memref_squeeze %dma_wait3A_259 : memref<1x10240x64xf32, #tpu.memory_space<hbm>> -> memref<10240x64xf32, #tpu.memory_space<hbm>>
      %dma_wait3A_261 = arith.constant 0 : i32
      %dma_wait3A_262 = arith.constant 0 : i32
      %dma_wait3A_263 = tpu.memref_slice %dma_wait3A_260[%dma_wait3A_261, %dma_wait3A_262] : memref<10240x64xf32, #tpu.memory_space<hbm>> -> memref<10240x64xf32, #tpu.memory_space<hbm>>
      tpu.wait_indirect_dma semaphore(%arg18 : memref<!tpu.dma_semaphore, #tpu.memory_space<semaphore_mem>>) src(%dma_wait3A_263 : memref<10240x64xf32, #tpu.memory_space<hbm>>) dst(%arg12 : memref<128x64xf32, #tpu.memory_space<vmem>>)
      %dma_start3A_264 = arith.constant 0 : i32
      %dma_start3A_265 = tpu.memref_slice %arg8[%add3A_253, %dma_start3A_264] : memref<160x128xi32, #tpu.memory_space<vmem>> -> memref<1x128xi32, #tpu.memory_space<vmem>>
      %dma_start3A_266 = tpu.memref_squeeze %dma_start3A_265 : memref<1x128xi32, #tpu.memory_space<vmem>> -> memref<128xi32, #tpu.memory_space<vmem>>
      %dma_start3A_267 = arith.constant 0 : i32
      %dma_start3A_268 = arith.constant 0 : i32
      %dma_start3A_269 = tpu.memref_slice %arg14[%dma_start3A_267, %dma_start3A_268] : memref<10240x64xf32, #tpu.memory_space<vmem_shared>> -> memref<10240x64xf32, #tpu.memory_space<vmem_shared>>
      tpu.enqueue_indirect_dma source(%arg12 : memref<128x64xf32, #tpu.memory_space<vmem>>) target(%dma_start3A_269 : memref<10240x64xf32, #tpu.memory_space<vmem_shared>>) offsets(%dma_start3A_266 : memref<128xi32, #tpu.memory_space<vmem>>) semaphore(%arg23 : memref<!tpu.dma_semaphore, #tpu.memory_space<semaphore_mem>>) {add = true}
      %add3A_270 = arith.constant 4 : i32
      %add3A_271 = arith.addi %add3A_197, %add3A_270 : i32
      %dma_wait3A_272 = arith.constant 0 : i32
      %dma_wait3A_273 = tpu.memref_slice %arg7[%add3A_271, %dma_wait3A_272] : memref<160x128xi32, #tpu.memory_space<vmem>> -> memref<1x128xi32, #tpu.memory_space<vmem>>
      %dma_wait3A_274 = tpu.memref_squeeze %dma_wait3A_273 : memref<1x128xi32, #tpu.memory_space<vmem>> -> memref<128xi32, #tpu.memory_space<vmem>>
      %dma_wait3A_275 = arith.constant 0 : i32
      %dma_wait3A_276 = arith.constant 0 : i32
      %dma_wait3A_277 = tpu.memref_slice %arg2[%arg0, %dma_wait3A_275, %dma_wait3A_276] : memref<2x10240x64xf32, #tpu.memory_space<hbm>> -> memref<1x10240x64xf32, #tpu.memory_space<hbm>>
      %dma_wait3A_278 = tpu.memref_squeeze %dma_wait3A_277 : memref<1x10240x64xf32, #tpu.memory_space<hbm>> -> memref<10240x64xf32, #tpu.memory_space<hbm>>
      %dma_wait3A_279 = arith.constant 0 : i32
      %dma_wait3A_280 = arith.constant 0 : i32
      %dma_wait3A_281 = tpu.memref_slice %dma_wait3A_278[%dma_wait3A_279, %dma_wait3A_280] : memref<10240x64xf32, #tpu.memory_space<hbm>> -> memref<10240x64xf32, #tpu.memory_space<hbm>>
      tpu.wait_indirect_dma semaphore(%arg19 : memref<!tpu.dma_semaphore, #tpu.memory_space<semaphore_mem>>) src(%dma_wait3A_281 : memref<10240x64xf32, #tpu.memory_space<hbm>>) dst(%arg13 : memref<128x64xf32, #tpu.memory_space<vmem>>)
      %dma_start3A_282 = arith.constant 0 : i32
      %dma_start3A_283 = tpu.memref_slice %arg8[%add3A_271, %dma_start3A_282] : memref<160x128xi32, #tpu.memory_space<vmem>> -> memref<1x128xi32, #tpu.memory_space<vmem>>
      %dma_start3A_284 = tpu.memref_squeeze %dma_start3A_283 : memref<1x128xi32, #tpu.memory_space<vmem>> -> memref<128xi32, #tpu.memory_space<vmem>>
      %dma_start3A_285 = arith.constant 0 : i32
      %dma_start3A_286 = arith.constant 0 : i32
      %dma_start3A_287 = tpu.memref_slice %arg14[%dma_start3A_285, %dma_start3A_286] : memref<10240x64xf32, #tpu.memory_space<vmem_shared>> -> memref<10240x64xf32, #tpu.memory_space<vmem_shared>>
      tpu.enqueue_indirect_dma source(%arg13 : memref<128x64xf32, #tpu.memory_space<vmem>>) target(%dma_start3A_287 : memref<10240x64xf32, #tpu.memory_space<vmem_shared>>) offsets(%dma_start3A_284 : memref<128xi32, #tpu.memory_space<vmem>>) semaphore(%arg24 : memref<!tpu.dma_semaphore, #tpu.memory_space<semaphore_mem>>) {add = true}
      %add3A_288 = arith.constant 0 : i32
      %add3A_289 = arith.addi %add3A_197, %add3A_288 : i32
      %dma_wait3A_290 = arith.constant 0 : i32
      %dma_wait3A_291 = tpu.memref_slice %arg8[%add3A_289, %dma_wait3A_290] : memref<160x128xi32, #tpu.memory_space<vmem>> -> memref<1x128xi32, #tpu.memory_space<vmem>>
      %dma_wait3A_292 = tpu.memref_squeeze %dma_wait3A_291 : memref<1x128xi32, #tpu.memory_space<vmem>> -> memref<128xi32, #tpu.memory_space<vmem>>
      %dma_wait3A_293 = arith.constant 0 : i32
      %dma_wait3A_294 = arith.constant 0 : i32
      %dma_wait3A_295 = tpu.memref_slice %arg14[%dma_wait3A_293, %dma_wait3A_294] : memref<10240x64xf32, #tpu.memory_space<vmem_shared>> -> memref<10240x64xf32, #tpu.memory_space<vmem_shared>>
      tpu.wait_indirect_dma semaphore(%arg20 : memref<!tpu.dma_semaphore, #tpu.memory_space<semaphore_mem>>) src(%arg9 : memref<128x64xf32, #tpu.memory_space<vmem>>) dst(%dma_wait3A_295 : memref<10240x64xf32, #tpu.memory_space<vmem_shared>>)
      %add3A_296 = arith.constant 5 : i32
      %add3A_297 = arith.addi %add3A_289, %add3A_296 : i32
      %dma_start3A_298 = arith.constant 0 : i32
      %dma_start3A_299 = tpu.memref_slice %arg7[%add3A_297, %dma_start3A_298] : memref<160x128xi32, #tpu.memory_space<vmem>> -> memref<1x128xi32, #tpu.memory_space<vmem>>
      %dma_start3A_300 = tpu.memref_squeeze %dma_start3A_299 : memref<1x128xi32, #tpu.memory_space<vmem>> -> memref<128xi32, #tpu.memory_space<vmem>>
      %dma_start3A_301 = arith.constant 0 : i32
      %dma_start3A_302 = arith.constant 0 : i32
      %dma_start3A_303 = tpu.memref_slice %arg2[%arg0, %dma_start3A_301, %dma_start3A_302] : memref<2x10240x64xf32, #tpu.memory_space<hbm>> -> memref<1x10240x64xf32, #tpu.memory_space<hbm>>
      %dma_start3A_304 = tpu.memref_squeeze %dma_start3A_303 : memref<1x10240x64xf32, #tpu.memory_space<hbm>> -> memref<10240x64xf32, #tpu.memory_space<hbm>>
      %dma_start3A_305 = arith.constant 0 : i32
      %dma_start3A_306 = arith.constant 0 : i32
      %dma_start3A_307 = tpu.memref_slice %dma_start3A_304[%dma_start3A_305, %dma_start3A_306] : memref<10240x64xf32, #tpu.memory_space<hbm>> -> memref<10240x64xf32, #tpu.memory_space<hbm>>
      tpu.enqueue_indirect_dma source(%dma_start3A_307 : memref<10240x64xf32, #tpu.memory_space<hbm>>) target(%arg9 : memref<128x64xf32, #tpu.memory_space<vmem>>) offsets(%dma_start3A_300 : memref<128xi32, #tpu.memory_space<vmem>>) semaphore(%arg15 : memref<!tpu.dma_semaphore, #tpu.memory_space<semaphore_mem>>)
      %add3A_308 = arith.constant 1 : i32
      %add3A_309 = arith.addi %add3A_197, %add3A_308 : i32
      %dma_wait3A_310 = arith.constant 0 : i32
      %dma_wait3A_311 = tpu.memref_slice %arg8[%add3A_309, %dma_wait3A_310] : memref<160x128xi32, #tpu.memory_space<vmem>> -> memref<1x128xi32, #tpu.memory_space<vmem>>
      %dma_wait3A_312 = tpu.memref_squeeze %dma_wait3A_311 : memref<1x128xi32, #tpu.memory_space<vmem>> -> memref<128xi32, #tpu.memory_space<vmem>>
      %dma_wait3A_313 = arith.constant 0 : i32
      %dma_wait3A_314 = arith.constant 0 : i32
      %dma_wait3A_315 = tpu.memref_slice %arg14[%dma_wait3A_313, %dma_wait3A_314] : memref<10240x64xf32, #tpu.memory_space<vmem_shared>> -> memref<10240x64xf32, #tpu.memory_space<vmem_shared>>
      tpu.wait_indirect_dma semaphore(%arg21 : memref<!tpu.dma_semaphore, #tpu.memory_space<semaphore_mem>>) src(%arg10 : memref<128x64xf32, #tpu.memory_space<vmem>>) dst(%dma_wait3A_315 : memref<10240x64xf32, #tpu.memory_space<vmem_shared>>)
      %add3A_316 = arith.constant 5 : i32
      %add3A_317 = arith.addi %add3A_309, %add3A_316 : i32
      %dma_start3A_318 = arith.constant 0 : i32
      %dma_start3A_319 = tpu.memref_slice %arg7[%add3A_317, %dma_start3A_318] : memref<160x128xi32, #tpu.memory_space<vmem>> -> memref<1x128xi32, #tpu.memory_space<vmem>>
      %dma_start3A_320 = tpu.memref_squeeze %dma_start3A_319 : memref<1x128xi32, #tpu.memory_space<vmem>> -> memref<128xi32, #tpu.memory_space<vmem>>
      %dma_start3A_321 = arith.constant 0 : i32
      %dma_start3A_322 = arith.constant 0 : i32
      %dma_start3A_323 = tpu.memref_slice %arg2[%arg0, %dma_start3A_321, %dma_start3A_322] : memref<2x10240x64xf32, #tpu.memory_space<hbm>> -> memref<1x10240x64xf32, #tpu.memory_space<hbm>>
      %dma_start3A_324 = tpu.memref_squeeze %dma_start3A_323 : memref<1x10240x64xf32, #tpu.memory_space<hbm>> -> memref<10240x64xf32, #tpu.memory_space<hbm>>
      %dma_start3A_325 = arith.constant 0 : i32
      %dma_start3A_326 = arith.constant 0 : i32
      %dma_start3A_327 = tpu.memref_slice %dma_start3A_324[%dma_start3A_325, %dma_start3A_326] : memref<10240x64xf32, #tpu.memory_space<hbm>> -> memref<10240x64xf32, #tpu.memory_space<hbm>>
      tpu.enqueue_indirect_dma source(%dma_start3A_327 : memref<10240x64xf32, #tpu.memory_space<hbm>>) target(%arg10 : memref<128x64xf32, #tpu.memory_space<vmem>>) offsets(%dma_start3A_320 : memref<128xi32, #tpu.memory_space<vmem>>) semaphore(%arg16 : memref<!tpu.dma_semaphore, #tpu.memory_space<semaphore_mem>>)
      %add3A_328 = arith.constant 2 : i32
      %add3A_329 = arith.addi %add3A_197, %add3A_328 : i32
      %dma_wait3A_330 = arith.constant 0 : i32
      %dma_wait3A_331 = tpu.memref_slice %arg8[%add3A_329, %dma_wait3A_330] : memref<160x128xi32, #tpu.memory_space<vmem>> -> memref<1x128xi32, #tpu.memory_space<vmem>>
      %dma_wait3A_332 = tpu.memref_squeeze %dma_wait3A_331 : memref<1x128xi32, #tpu.memory_space<vmem>> -> memref<128xi32, #tpu.memory_space<vmem>>
      %dma_wait3A_333 = arith.constant 0 : i32
      %dma_wait3A_334 = arith.constant 0 : i32
      %dma_wait3A_335 = tpu.memref_slice %arg14[%dma_wait3A_333, %dma_wait3A_334] : memref<10240x64xf32, #tpu.memory_space<vmem_shared>> -> memref<10240x64xf32, #tpu.memory_space<vmem_shared>>
      tpu.wait_indirect_dma semaphore(%arg22 : memref<!tpu.dma_semaphore, #tpu.memory_space<semaphore_mem>>) src(%arg11 : memref<128x64xf32, #tpu.memory_space<vmem>>) dst(%dma_wait3A_335 : memref<10240x64xf32, #tpu.memory_space<vmem_shared>>)
      %add3A_336 = arith.constant 5 : i32
      %add3A_337 = arith.addi %add3A_329, %add3A_336 : i32
      %dma_start3A_338 = arith.constant 0 : i32
      %dma_start3A_339 = tpu.memref_slice %arg7[%add3A_337, %dma_start3A_338] : memref<160x128xi32, #tpu.memory_space<vmem>> -> memref<1x128xi32, #tpu.memory_space<vmem>>
      %dma_start3A_340 = tpu.memref_squeeze %dma_start3A_339 : memref<1x128xi32, #tpu.memory_space<vmem>> -> memref<128xi32, #tpu.memory_space<vmem>>
      %dma_start3A_341 = arith.constant 0 : i32
      %dma_start3A_342 = arith.constant 0 : i32
      %dma_start3A_343 = tpu.memref_slice %arg2[%arg0, %dma_start3A_341, %dma_start3A_342] : memref<2x10240x64xf32, #tpu.memory_space<hbm>> -> memref<1x10240x64xf32, #tpu.memory_space<hbm>>
      %dma_start3A_344 = tpu.memref_squeeze %dma_start3A_343 : memref<1x10240x64xf32, #tpu.memory_space<hbm>> -> memref<10240x64xf32, #tpu.memory_space<hbm>>
      %dma_start3A_345 = arith.constant 0 : i32
      %dma_start3A_346 = arith.constant 0 : i32
      %dma_start3A_347 = tpu.memref_slice %dma_start3A_344[%dma_start3A_345, %dma_start3A_346] : memref<10240x64xf32, #tpu.memory_space<hbm>> -> memref<10240x64xf32, #tpu.memory_space<hbm>>
      tpu.enqueue_indirect_dma source(%dma_start3A_347 : memref<10240x64xf32, #tpu.memory_space<hbm>>) target(%arg11 : memref<128x64xf32, #tpu.memory_space<vmem>>) offsets(%dma_start3A_340 : memref<128xi32, #tpu.memory_space<vmem>>) semaphore(%arg17 : memref<!tpu.dma_semaphore, #tpu.memory_space<semaphore_mem>>)
      %add3A_348 = arith.constant 3 : i32
      %add3A_349 = arith.addi %add3A_197, %add3A_348 : i32
      %dma_wait3A_350 = arith.constant 0 : i32
      %dma_wait3A_351 = tpu.memref_slice %arg8[%add3A_349, %dma_wait3A_350] : memref<160x128xi32, #tpu.memory_space<vmem>> -> memref<1x128xi32, #tpu.memory_space<vmem>>
      %dma_wait3A_352 = tpu.memref_squeeze %dma_wait3A_351 : memref<1x128xi32, #tpu.memory_space<vmem>> -> memref<128xi32, #tpu.memory_space<vmem>>
      %dma_wait3A_353 = arith.constant 0 : i32
      %dma_wait3A_354 = arith.constant 0 : i32
      %dma_wait3A_355 = tpu.memref_slice %arg14[%dma_wait3A_353, %dma_wait3A_354] : memref<10240x64xf32, #tpu.memory_space<vmem_shared>> -> memref<10240x64xf32, #tpu.memory_space<vmem_shared>>
      tpu.wait_indirect_dma semaphore(%arg23 : memref<!tpu.dma_semaphore, #tpu.memory_space<semaphore_mem>>) src(%arg12 : memref<128x64xf32, #tpu.memory_space<vmem>>) dst(%dma_wait3A_355 : memref<10240x64xf32, #tpu.memory_space<vmem_shared>>)
      %add3A_356 = arith.constant 5 : i32
      %add3A_357 = arith.addi %add3A_349, %add3A_356 : i32
      %dma_start3A_358 = arith.constant 0 : i32
      %dma_start3A_359 = tpu.memref_slice %arg7[%add3A_357, %dma_start3A_358] : memref<160x128xi32, #tpu.memory_space<vmem>> -> memref<1x128xi32, #tpu.memory_space<vmem>>
      %dma_start3A_360 = tpu.memref_squeeze %dma_start3A_359 : memref<1x128xi32, #tpu.memory_space<vmem>> -> memref<128xi32, #tpu.memory_space<vmem>>
      %dma_start3A_361 = arith.constant 0 : i32
      %dma_start3A_362 = arith.constant 0 : i32
      %dma_start3A_363 = tpu.memref_slice %arg2[%arg0, %dma_start3A_361, %dma_start3A_362] : memref<2x10240x64xf32, #tpu.memory_space<hbm>> -> memref<1x10240x64xf32, #tpu.memory_space<hbm>>
      %dma_start3A_364 = tpu.memref_squeeze %dma_start3A_363 : memref<1x10240x64xf32, #tpu.memory_space<hbm>> -> memref<10240x64xf32, #tpu.memory_space<hbm>>
      %dma_start3A_365 = arith.constant 0 : i32
      %dma_start3A_366 = arith.constant 0 : i32
      %dma_start3A_367 = tpu.memref_slice %dma_start3A_364[%dma_start3A_365, %dma_start3A_366] : memref<10240x64xf32, #tpu.memory_space<hbm>> -> memref<10240x64xf32, #tpu.memory_space<hbm>>
      tpu.enqueue_indirect_dma source(%dma_start3A_367 : memref<10240x64xf32, #tpu.memory_space<hbm>>) target(%arg12 : memref<128x64xf32, #tpu.memory_space<vmem>>) offsets(%dma_start3A_360 : memref<128xi32, #tpu.memory_space<vmem>>) semaphore(%arg18 : memref<!tpu.dma_semaphore, #tpu.memory_space<semaphore_mem>>)
      %add3A_368 = arith.constant 4 : i32
      %add3A_369 = arith.addi %add3A_197, %add3A_368 : i32
      %dma_wait3A_370 = arith.constant 0 : i32
      %dma_wait3A_371 = tpu.memref_slice %arg8[%add3A_369, %dma_wait3A_370] : memref<160x128xi32, #tpu.memory_space<vmem>> -> memref<1x128xi32, #tpu.memory_space<vmem>>
      %dma_wait3A_372 = tpu.memref_squeeze %dma_wait3A_371 : memref<1x128xi32, #tpu.memory_space<vmem>> -> memref<128xi32, #tpu.memory_space<vmem>>
      %dma_wait3A_373 = arith.constant 0 : i32
      %dma_wait3A_374 = arith.constant 0 : i32
      %dma_wait3A_375 = tpu.memref_slice %arg14[%dma_wait3A_373, %dma_wait3A_374] : memref<10240x64xf32, #tpu.memory_space<vmem_shared>> -> memref<10240x64xf32, #tpu.memory_space<vmem_shared>>
      tpu.wait_indirect_dma semaphore(%arg24 : memref<!tpu.dma_semaphore, #tpu.memory_space<semaphore_mem>>) src(%arg13 : memref<128x64xf32, #tpu.memory_space<vmem>>) dst(%dma_wait3A_375 : memref<10240x64xf32, #tpu.memory_space<vmem_shared>>)
      %add3A_376 = arith.constant 5 : i32
      %add3A_377 = arith.addi %add3A_369, %add3A_376 : i32
      %dma_start3A_378 = arith.constant 0 : i32
      %dma_start3A_379 = tpu.memref_slice %arg7[%add3A_377, %dma_start3A_378] : memref<160x128xi32, #tpu.memory_space<vmem>> -> memref<1x128xi32, #tpu.memory_space<vmem>>
      %dma_start3A_380 = tpu.memref_squeeze %dma_start3A_379 : memref<1x128xi32, #tpu.memory_space<vmem>> -> memref<128xi32, #tpu.memory_space<vmem>>
      %dma_start3A_381 = arith.constant 0 : i32
      %dma_start3A_382 = arith.constant 0 : i32
      %dma_start3A_383 = tpu.memref_slice %arg2[%arg0, %dma_start3A_381, %dma_start3A_382] : memref<2x10240x64xf32, #tpu.memory_space<hbm>> -> memref<1x10240x64xf32, #tpu.memory_space<hbm>>
      %dma_start3A_384 = tpu.memref_squeeze %dma_start3A_383 : memref<1x10240x64xf32, #tpu.memory_space<hbm>> -> memref<10240x64xf32, #tpu.memory_space<hbm>>
      %dma_start3A_385 = arith.constant 0 : i32
      %dma_start3A_386 = arith.constant 0 : i32
      %dma_start3A_387 = tpu.memref_slice %dma_start3A_384[%dma_start3A_385, %dma_start3A_386] : memref<10240x64xf32, #tpu.memory_space<hbm>> -> memref<10240x64xf32, #tpu.memory_space<hbm>>
      tpu.enqueue_indirect_dma source(%dma_start3A_387 : memref<10240x64xf32, #tpu.memory_space<hbm>>) target(%arg13 : memref<128x64xf32, #tpu.memory_space<vmem>>) offsets(%dma_start3A_380 : memref<128xi32, #tpu.memory_space<vmem>>) semaphore(%arg19 : memref<!tpu.dma_semaphore, #tpu.memory_space<semaphore_mem>>)
    }
    %scan3A_64 = arith.constant 31 : i32
    %dma_wait3A = arith.constant 155 : i32
    %dma_wait3A_65 = arith.constant 0 : i32
    %dma_wait3A_66 = tpu.memref_slice %arg7[%dma_wait3A, %dma_wait3A_65] : memref<160x128xi32, #tpu.memory_space<vmem>> -> memref<1x128xi32, #tpu.memory_space<vmem>>
    %dma_wait3A_67 = tpu.memref_squeeze %dma_wait3A_66 : memref<1x128xi32, #tpu.memory_space<vmem>> -> memref<128xi32, #tpu.memory_space<vmem>>
    %dma_wait3A_68 = arith.constant 0 : i32
    %dma_wait3A_69 = arith.constant 0 : i32
    %dma_wait3A_70 = tpu.memref_slice %arg2[%arg0, %dma_wait3A_68, %dma_wait3A_69] : memref<2x10240x64xf32, #tpu.memory_space<hbm>> -> memref<1x10240x64xf32, #tpu.memory_space<hbm>>
    %dma_wait3A_71 = tpu.memref_squeeze %dma_wait3A_70 : memref<1x10240x64xf32, #tpu.memory_space<hbm>> -> memref<10240x64xf32, #tpu.memory_space<hbm>>
    %dma_wait3A_72 = arith.constant 0 : i32
    %dma_wait3A_73 = arith.constant 0 : i32
    %dma_wait3A_74 = tpu.memref_slice %dma_wait3A_71[%dma_wait3A_72, %dma_wait3A_73] : memref<10240x64xf32, #tpu.memory_space<hbm>> -> memref<10240x64xf32, #tpu.memory_space<hbm>>
    tpu.wait_indirect_dma semaphore(%arg15 : memref<!tpu.dma_semaphore, #tpu.memory_space<semaphore_mem>>) src(%dma_wait3A_74 : memref<10240x64xf32, #tpu.memory_space<hbm>>) dst(%arg9 : memref<128x64xf32, #tpu.memory_space<vmem>>)
    %dma_start3A_75 = arith.constant 155 : i32
    %dma_start3A_76 = arith.constant 0 : i32
    %dma_start3A_77 = tpu.memref_slice %arg8[%dma_start3A_75, %dma_start3A_76] : memref<160x128xi32, #tpu.memory_space<vmem>> -> memref<1x128xi32, #tpu.memory_space<vmem>>
    %dma_start3A_78 = tpu.memref_squeeze %dma_start3A_77 : memref<1x128xi32, #tpu.memory_space<vmem>> -> memref<128xi32, #tpu.memory_space<vmem>>
    %dma_start3A_79 = arith.constant 0 : i32
    %dma_start3A_80 = arith.constant 0 : i32
    %dma_start3A_81 = tpu.memref_slice %arg14[%dma_start3A_79, %dma_start3A_80] : memref<10240x64xf32, #tpu.memory_space<vmem_shared>> -> memref<10240x64xf32, #tpu.memory_space<vmem_shared>>
    tpu.enqueue_indirect_dma source(%arg9 : memref<128x64xf32, #tpu.memory_space<vmem>>) target(%dma_start3A_81 : memref<10240x64xf32, #tpu.memory_space<vmem_shared>>) offsets(%dma_start3A_78 : memref<128xi32, #tpu.memory_space<vmem>>) semaphore(%arg20 : memref<!tpu.dma_semaphore, #tpu.memory_space<semaphore_mem>>) {add = true}
    %dma_wait3A_82 = arith.constant 156 : i32
    %dma_wait3A_83 = arith.constant 0 : i32
    %dma_wait3A_84 = tpu.memref_slice %arg7[%dma_wait3A_82, %dma_wait3A_83] : memref<160x128xi32, #tpu.memory_space<vmem>> -> memref<1x128xi32, #tpu.memory_space<vmem>>
    %dma_wait3A_85 = tpu.memref_squeeze %dma_wait3A_84 : memref<1x128xi32, #tpu.memory_space<vmem>> -> memref<128xi32, #tpu.memory_space<vmem>>
    %dma_wait3A_86 = arith.constant 0 : i32
    %dma_wait3A_87 = arith.constant 0 : i32
    %dma_wait3A_88 = tpu.memref_slice %arg2[%arg0, %dma_wait3A_86, %dma_wait3A_87] : memref<2x10240x64xf32, #tpu.memory_space<hbm>> -> memref<1x10240x64xf32, #tpu.memory_space<hbm>>
    %dma_wait3A_89 = tpu.memref_squeeze %dma_wait3A_88 : memref<1x10240x64xf32, #tpu.memory_space<hbm>> -> memref<10240x64xf32, #tpu.memory_space<hbm>>
    %dma_wait3A_90 = arith.constant 0 : i32
    %dma_wait3A_91 = arith.constant 0 : i32
    %dma_wait3A_92 = tpu.memref_slice %dma_wait3A_89[%dma_wait3A_90, %dma_wait3A_91] : memref<10240x64xf32, #tpu.memory_space<hbm>> -> memref<10240x64xf32, #tpu.memory_space<hbm>>
    tpu.wait_indirect_dma semaphore(%arg16 : memref<!tpu.dma_semaphore, #tpu.memory_space<semaphore_mem>>) src(%dma_wait3A_92 : memref<10240x64xf32, #tpu.memory_space<hbm>>) dst(%arg10 : memref<128x64xf32, #tpu.memory_space<vmem>>)
    %dma_start3A_93 = arith.constant 156 : i32
    %dma_start3A_94 = arith.constant 0 : i32
    %dma_start3A_95 = tpu.memref_slice %arg8[%dma_start3A_93, %dma_start3A_94] : memref<160x128xi32, #tpu.memory_space<vmem>> -> memref<1x128xi32, #tpu.memory_space<vmem>>
    %dma_start3A_96 = tpu.memref_squeeze %dma_start3A_95 : memref<1x128xi32, #tpu.memory_space<vmem>> -> memref<128xi32, #tpu.memory_space<vmem>>
    %dma_start3A_97 = arith.constant 0 : i32
    %dma_start3A_98 = arith.constant 0 : i32
    %dma_start3A_99 = tpu.memref_slice %arg14[%dma_start3A_97, %dma_start3A_98] : memref<10240x64xf32, #tpu.memory_space<vmem_shared>> -> memref<10240x64xf32, #tpu.memory_space<vmem_shared>>
    tpu.enqueue_indirect_dma source(%arg10 : memref<128x64xf32, #tpu.memory_space<vmem>>) target(%dma_start3A_99 : memref<10240x64xf32, #tpu.memory_space<vmem_shared>>) offsets(%dma_start3A_96 : memref<128xi32, #tpu.memory_space<vmem>>) semaphore(%arg21 : memref<!tpu.dma_semaphore, #tpu.memory_space<semaphore_mem>>) {add = true}
    %dma_wait3A_100 = arith.constant 157 : i32
    %dma_wait3A_101 = arith.constant 0 : i32
    %dma_wait3A_102 = tpu.memref_slice %arg7[%dma_wait3A_100, %dma_wait3A_101] : memref<160x128xi32, #tpu.memory_space<vmem>> -> memref<1x128xi32, #tpu.memory_space<vmem>>
    %dma_wait3A_103 = tpu.memref_squeeze %dma_wait3A_102 : memref<1x128xi32, #tpu.memory_space<vmem>> -> memref<128xi32, #tpu.memory_space<vmem>>
    %dma_wait3A_104 = arith.constant 0 : i32
    %dma_wait3A_105 = arith.constant 0 : i32
    %dma_wait3A_106 = tpu.memref_slice %arg2[%arg0, %dma_wait3A_104, %dma_wait3A_105] : memref<2x10240x64xf32, #tpu.memory_space<hbm>> -> memref<1x10240x64xf32, #tpu.memory_space<hbm>>
    %dma_wait3A_107 = tpu.memref_squeeze %dma_wait3A_106 : memref<1x10240x64xf32, #tpu.memory_space<hbm>> -> memref<10240x64xf32, #tpu.memory_space<hbm>>
    %dma_wait3A_108 = arith.constant 0 : i32
    %dma_wait3A_109 = arith.constant 0 : i32
    %dma_wait3A_110 = tpu.memref_slice %dma_wait3A_107[%dma_wait3A_108, %dma_wait3A_109] : memref<10240x64xf32, #tpu.memory_space<hbm>> -> memref<10240x64xf32, #tpu.memory_space<hbm>>
    tpu.wait_indirect_dma semaphore(%arg17 : memref<!tpu.dma_semaphore, #tpu.memory_space<semaphore_mem>>) src(%dma_wait3A_110 : memref<10240x64xf32, #tpu.memory_space<hbm>>) dst(%arg11 : memref<128x64xf32, #tpu.memory_space<vmem>>)
    %dma_start3A_111 = arith.constant 157 : i32
    %dma_start3A_112 = arith.constant 0 : i32
    %dma_start3A_113 = tpu.memref_slice %arg8[%dma_start3A_111, %dma_start3A_112] : memref<160x128xi32, #tpu.memory_space<vmem>> -> memref<1x128xi32, #tpu.memory_space<vmem>>
    %dma_start3A_114 = tpu.memref_squeeze %dma_start3A_113 : memref<1x128xi32, #tpu.memory_space<vmem>> -> memref<128xi32, #tpu.memory_space<vmem>>
    %dma_start3A_115 = arith.constant 0 : i32
    %dma_start3A_116 = arith.constant 0 : i32
    %dma_start3A_117 = tpu.memref_slice %arg14[%dma_start3A_115, %dma_start3A_116] : memref<10240x64xf32, #tpu.memory_space<vmem_shared>> -> memref<10240x64xf32, #tpu.memory_space<vmem_shared>>
    tpu.enqueue_indirect_dma source(%arg11 : memref<128x64xf32, #tpu.memory_space<vmem>>) target(%dma_start3A_117 : memref<10240x64xf32, #tpu.memory_space<vmem_shared>>) offsets(%dma_start3A_114 : memref<128xi32, #tpu.memory_space<vmem>>) semaphore(%arg22 : memref<!tpu.dma_semaphore, #tpu.memory_space<semaphore_mem>>) {add = true}
    %dma_wait3A_118 = arith.constant 158 : i32
    %dma_wait3A_119 = arith.constant 0 : i32
    %dma_wait3A_120 = tpu.memref_slice %arg7[%dma_wait3A_118, %dma_wait3A_119] : memref<160x128xi32, #tpu.memory_space<vmem>> -> memref<1x128xi32, #tpu.memory_space<vmem>>
    %dma_wait3A_121 = tpu.memref_squeeze %dma_wait3A_120 : memref<1x128xi32, #tpu.memory_space<vmem>> -> memref<128xi32, #tpu.memory_space<vmem>>
    %dma_wait3A_122 = arith.constant 0 : i32
    %dma_wait3A_123 = arith.constant 0 : i32
    %dma_wait3A_124 = tpu.memref_slice %arg2[%arg0, %dma_wait3A_122, %dma_wait3A_123] : memref<2x10240x64xf32, #tpu.memory_space<hbm>> -> memref<1x10240x64xf32, #tpu.memory_space<hbm>>
    %dma_wait3A_125 = tpu.memref_squeeze %dma_wait3A_124 : memref<1x10240x64xf32, #tpu.memory_space<hbm>> -> memref<10240x64xf32, #tpu.memory_space<hbm>>
    %dma_wait3A_126 = arith.constant 0 : i32
    %dma_wait3A_127 = arith.constant 0 : i32
    %dma_wait3A_128 = tpu.memref_slice %dma_wait3A_125[%dma_wait3A_126, %dma_wait3A_127] : memref<10240x64xf32, #tpu.memory_space<hbm>> -> memref<10240x64xf32, #tpu.memory_space<hbm>>
    tpu.wait_indirect_dma semaphore(%arg18 : memref<!tpu.dma_semaphore, #tpu.memory_space<semaphore_mem>>) src(%dma_wait3A_128 : memref<10240x64xf32, #tpu.memory_space<hbm>>) dst(%arg12 : memref<128x64xf32, #tpu.memory_space<vmem>>)
    %dma_start3A_129 = arith.constant 158 : i32
    %dma_start3A_130 = arith.constant 0 : i32
    %dma_start3A_131 = tpu.memref_slice %arg8[%dma_start3A_129, %dma_start3A_130] : memref<160x128xi32, #tpu.memory_space<vmem>> -> memref<1x128xi32, #tpu.memory_space<vmem>>
    %dma_start3A_132 = tpu.memref_squeeze %dma_start3A_131 : memref<1x128xi32, #tpu.memory_space<vmem>> -> memref<128xi32, #tpu.memory_space<vmem>>
    %dma_start3A_133 = arith.constant 0 : i32
    %dma_start3A_134 = arith.constant 0 : i32
    %dma_start3A_135 = tpu.memref_slice %arg14[%dma_start3A_133, %dma_start3A_134] : memref<10240x64xf32, #tpu.memory_space<vmem_shared>> -> memref<10240x64xf32, #tpu.memory_space<vmem_shared>>
    tpu.enqueue_indirect_dma source(%arg12 : memref<128x64xf32, #tpu.memory_space<vmem>>) target(%dma_start3A_135 : memref<10240x64xf32, #tpu.memory_space<vmem_shared>>) offsets(%dma_start3A_132 : memref<128xi32, #tpu.memory_space<vmem>>) semaphore(%arg23 : memref<!tpu.dma_semaphore, #tpu.memory_space<semaphore_mem>>) {add = true}
    %dma_wait3A_136 = arith.constant 159 : i32
    %dma_wait3A_137 = arith.constant 0 : i32
    %dma_wait3A_138 = tpu.memref_slice %arg7[%dma_wait3A_136, %dma_wait3A_137] : memref<160x128xi32, #tpu.memory_space<vmem>> -> memref<1x128xi32, #tpu.memory_space<vmem>>
    %dma_wait3A_139 = tpu.memref_squeeze %dma_wait3A_138 : memref<1x128xi32, #tpu.memory_space<vmem>> -> memref<128xi32, #tpu.memory_space<vmem>>
    %dma_wait3A_140 = arith.constant 0 : i32
    %dma_wait3A_141 = arith.constant 0 : i32
    %dma_wait3A_142 = tpu.memref_slice %arg2[%arg0, %dma_wait3A_140, %dma_wait3A_141] : memref<2x10240x64xf32, #tpu.memory_space<hbm>> -> memref<1x10240x64xf32, #tpu.memory_space<hbm>>
    %dma_wait3A_143 = tpu.memref_squeeze %dma_wait3A_142 : memref<1x10240x64xf32, #tpu.memory_space<hbm>> -> memref<10240x64xf32, #tpu.memory_space<hbm>>
    %dma_wait3A_144 = arith.constant 0 : i32
    %dma_wait3A_145 = arith.constant 0 : i32
    %dma_wait3A_146 = tpu.memref_slice %dma_wait3A_143[%dma_wait3A_144, %dma_wait3A_145] : memref<10240x64xf32, #tpu.memory_space<hbm>> -> memref<10240x64xf32, #tpu.memory_space<hbm>>
    tpu.wait_indirect_dma semaphore(%arg19 : memref<!tpu.dma_semaphore, #tpu.memory_space<semaphore_mem>>) src(%dma_wait3A_146 : memref<10240x64xf32, #tpu.memory_space<hbm>>) dst(%arg13 : memref<128x64xf32, #tpu.memory_space<vmem>>)
    %dma_start3A_147 = arith.constant 159 : i32
    %dma_start3A_148 = arith.constant 0 : i32
    %dma_start3A_149 = tpu.memref_slice %arg8[%dma_start3A_147, %dma_start3A_148] : memref<160x128xi32, #tpu.memory_space<vmem>> -> memref<1x128xi32, #tpu.memory_space<vmem>>
    %dma_start3A_150 = tpu.memref_squeeze %dma_start3A_149 : memref<1x128xi32, #tpu.memory_space<vmem>> -> memref<128xi32, #tpu.memory_space<vmem>>
    %dma_start3A_151 = arith.constant 0 : i32
    %dma_start3A_152 = arith.constant 0 : i32
    %dma_start3A_153 = tpu.memref_slice %arg14[%dma_start3A_151, %dma_start3A_152] : memref<10240x64xf32, #tpu.memory_space<vmem_shared>> -> memref<10240x64xf32, #tpu.memory_space<vmem_shared>>
    tpu.enqueue_indirect_dma source(%arg13 : memref<128x64xf32, #tpu.memory_space<vmem>>) target(%dma_start3A_153 : memref<10240x64xf32, #tpu.memory_space<vmem_shared>>) offsets(%dma_start3A_150 : memref<128xi32, #tpu.memory_space<vmem>>) semaphore(%arg24 : memref<!tpu.dma_semaphore, #tpu.memory_space<semaphore_mem>>) {add = true}
    %dma_wait3A_154 = arith.constant 155 : i32
    %dma_wait3A_155 = arith.constant 0 : i32
    %dma_wait3A_156 = tpu.memref_slice %arg8[%dma_wait3A_154, %dma_wait3A_155] : memref<160x128xi32, #tpu.memory_space<vmem>> -> memref<1x128xi32, #tpu.memory_space<vmem>>
    %dma_wait3A_157 = tpu.memref_squeeze %dma_wait3A_156 : memref<1x128xi32, #tpu.memory_space<vmem>> -> memref<128xi32, #tpu.memory_space<vmem>>
    %dma_wait3A_158 = arith.constant 0 : i32
    %dma_wait3A_159 = arith.constant 0 : i32
    %dma_wait3A_160 = tpu.memref_slice %arg14[%dma_wait3A_158, %dma_wait3A_159] : memref<10240x64xf32, #tpu.memory_space<vmem_shared>> -> memref<10240x64xf32, #tpu.memory_space<vmem_shared>>
    tpu.wait_indirect_dma semaphore(%arg20 : memref<!tpu.dma_semaphore, #tpu.memory_space<semaphore_mem>>) src(%arg9 : memref<128x64xf32, #tpu.memory_space<vmem>>) dst(%dma_wait3A_160 : memref<10240x64xf32, #tpu.memory_space<vmem_shared>>)
    %dma_wait3A_161 = arith.constant 156 : i32
    %dma_wait3A_162 = arith.constant 0 : i32
    %dma_wait3A_163 = tpu.memref_slice %arg8[%dma_wait3A_161, %dma_wait3A_162] : memref<160x128xi32, #tpu.memory_space<vmem>> -> memref<1x128xi32, #tpu.memory_space<vmem>>
    %dma_wait3A_164 = tpu.memref_squeeze %dma_wait3A_163 : memref<1x128xi32, #tpu.memory_space<vmem>> -> memref<128xi32, #tpu.memory_space<vmem>>
    %dma_wait3A_165 = arith.constant 0 : i32
    %dma_wait3A_166 = arith.constant 0 : i32
    %dma_wait3A_167 = tpu.memref_slice %arg14[%dma_wait3A_165, %dma_wait3A_166] : memref<10240x64xf32, #tpu.memory_space<vmem_shared>> -> memref<10240x64xf32, #tpu.memory_space<vmem_shared>>
    tpu.wait_indirect_dma semaphore(%arg21 : memref<!tpu.dma_semaphore, #tpu.memory_space<semaphore_mem>>) src(%arg10 : memref<128x64xf32, #tpu.memory_space<vmem>>) dst(%dma_wait3A_167 : memref<10240x64xf32, #tpu.memory_space<vmem_shared>>)
    %dma_wait3A_168 = arith.constant 157 : i32
    %dma_wait3A_169 = arith.constant 0 : i32
    %dma_wait3A_170 = tpu.memref_slice %arg8[%dma_wait3A_168, %dma_wait3A_169] : memref<160x128xi32, #tpu.memory_space<vmem>> -> memref<1x128xi32, #tpu.memory_space<vmem>>
    %dma_wait3A_171 = tpu.memref_squeeze %dma_wait3A_170 : memref<1x128xi32, #tpu.memory_space<vmem>> -> memref<128xi32, #tpu.memory_space<vmem>>
    %dma_wait3A_172 = arith.constant 0 : i32
    %dma_wait3A_173 = arith.constant 0 : i32
    %dma_wait3A_174 = tpu.memref_slice %arg14[%dma_wait3A_172, %dma_wait3A_173] : memref<10240x64xf32, #tpu.memory_space<vmem_shared>> -> memref<10240x64xf32, #tpu.memory_space<vmem_shared>>
    tpu.wait_indirect_dma semaphore(%arg22 : memref<!tpu.dma_semaphore, #tpu.memory_space<semaphore_mem>>) src(%arg11 : memref<128x64xf32, #tpu.memory_space<vmem>>) dst(%dma_wait3A_174 : memref<10240x64xf32, #tpu.memory_space<vmem_shared>>)
    %dma_wait3A_175 = arith.constant 158 : i32
    %dma_wait3A_176 = arith.constant 0 : i32
    %dma_wait3A_177 = tpu.memref_slice %arg8[%dma_wait3A_175, %dma_wait3A_176] : memref<160x128xi32, #tpu.memory_space<vmem>> -> memref<1x128xi32, #tpu.memory_space<vmem>>
    %dma_wait3A_178 = tpu.memref_squeeze %dma_wait3A_177 : memref<1x128xi32, #tpu.memory_space<vmem>> -> memref<128xi32, #tpu.memory_space<vmem>>
    %dma_wait3A_179 = arith.constant 0 : i32
    %dma_wait3A_180 = arith.constant 0 : i32
    %dma_wait3A_181 = tpu.memref_slice %arg14[%dma_wait3A_179, %dma_wait3A_180] : memref<10240x64xf32, #tpu.memory_space<vmem_shared>> -> memref<10240x64xf32, #tpu.memory_space<vmem_shared>>
    tpu.wait_indirect_dma semaphore(%arg23 : memref<!tpu.dma_semaphore, #tpu.memory_space<semaphore_mem>>) src(%arg12 : memref<128x64xf32, #tpu.memory_space<vmem>>) dst(%dma_wait3A_181 : memref<10240x64xf32, #tpu.memory_space<vmem_shared>>)
    %dma_wait3A_182 = arith.constant 159 : i32
    %dma_wait3A_183 = arith.constant 0 : i32
    %dma_wait3A_184 = tpu.memref_slice %arg8[%dma_wait3A_182, %dma_wait3A_183] : memref<160x128xi32, #tpu.memory_space<vmem>> -> memref<1x128xi32, #tpu.memory_space<vmem>>
    %dma_wait3A_185 = tpu.memref_squeeze %dma_wait3A_184 : memref<1x128xi32, #tpu.memory_space<vmem>> -> memref<128xi32, #tpu.memory_space<vmem>>
    %dma_wait3A_186 = arith.constant 0 : i32
    %dma_wait3A_187 = arith.constant 0 : i32
    %dma_wait3A_188 = tpu.memref_slice %arg14[%dma_wait3A_186, %dma_wait3A_187] : memref<10240x64xf32, #tpu.memory_space<vmem_shared>> -> memref<10240x64xf32, #tpu.memory_space<vmem_shared>>
    tpu.wait_indirect_dma semaphore(%arg24 : memref<!tpu.dma_semaphore, #tpu.memory_space<semaphore_mem>>) src(%arg13 : memref<128x64xf32, #tpu.memory_space<vmem>>) dst(%dma_wait3A_188 : memref<10240x64xf32, #tpu.memory_space<vmem_shared>>)
    %barrier3A_189 = arith.constant 0 : index
    tpu.barrier barrier_id(%barrier3A_189)
    %mul3A_190 = arith.constant 640 : i32
    %mul3A_191 = arith.muli %arg1, %mul3A_190 : i32
    %mul3A_192 = arith.constant 640 : i32
    %mul3A_193 = arith.muli %arg1, %mul3A_192 : i32
    "tpu.region"() ({
      %run_scoped3A = tpu.sem_alloc : memref<!tpu.dma_semaphore, #tpu.memory_space<semaphore_mem>>
      %dma_start3A_194 = arith.constant 0 : i32
      %dma_start3A_195 = tpu.memref_slice %arg6[%arg0, %mul3A_193, %dma_start3A_194] : memref<2x10240x64xf32, #tpu.memory_space<hbm>> -> memref<1x640x64xf32, #tpu.memory_space<hbm>>
      %dma_start3A_196 = tpu.memref_squeeze %dma_start3A_195 : memref<1x640x64xf32, #tpu.memory_space<hbm>> -> memref<640x64xf32, #tpu.memory_space<hbm>>
      %dma_start3A_197 = arith.constant 0 : i32
      %dma_start3A_198 = tpu.memref_slice %arg14[%mul3A_191, %dma_start3A_197] : memref<10240x64xf32, #tpu.memory_space<vmem_shared>> -> memref<640x64xf32, #tpu.memory_space<vmem_shared>>
      tpu.enqueue_dma source(%dma_start3A_198 : memref<640x64xf32, #tpu.memory_space<vmem_shared>>) target(%dma_start3A_196 : memref<640x64xf32, #tpu.memory_space<hbm>>) target_semaphore(%run_scoped3A : memref<!tpu.dma_semaphore, #tpu.memory_space<semaphore_mem>>)
      %dma_wait3A_199 = arith.constant 0 : i32
      %dma_wait3A_200 = tpu.memref_slice %arg6[%arg0, %mul3A_193, %dma_wait3A_199] : memref<2x10240x64xf32, #tpu.memory_space<hbm>> -> memref<1x640x64xf32, #tpu.memory_space<hbm>>
      %dma_wait3A_201 = tpu.memref_squeeze %dma_wait3A_200 : memref<1x640x64xf32, #tpu.memory_space<hbm>> -> memref<640x64xf32, #tpu.memory_space<hbm>>
      %dma_wait3A_202 = arith.constant 0 : i32
      %dma_wait3A_203 = tpu.memref_slice %arg14[%mul3A_191, %dma_wait3A_202] : memref<10240x64xf32, #tpu.memory_space<vmem_shared>> -> memref<640x64xf32, #tpu.memory_space<vmem_shared>>
      tpu.wait_dma2 semaphore(%run_scoped3A : memref<!tpu.dma_semaphore, #tpu.memory_space<semaphore_mem>>) src(%dma_wait3A_203 : memref<640x64xf32, #tpu.memory_space<vmem_shared>>) dst(%dma_wait3A_201 : memref<640x64xf32, #tpu.memory_space<hbm>>)
      tpu.yield
    }) : () -> ()
    return
  }
}

#map = affine_map<(d0, d1) -> (0, 0, 0)>
#map1 = affine_map<(d0, d1) -> (0, 0)>
module attributes {stable_mosaic.version = 14 : i64} {
  func.func @k(%arg0: i32, %arg1: i32, %arg2: memref<2x10240x64xf32, #tpu.memory_space<hbm>>, %arg3: memref<2560x128xi32, #tpu.memory_space<hbm>>, %arg4: memref<2560x128xi32, #tpu.memory_space<hbm>>, %arg5: memref<10240x64xf32, #tpu.memory_space<hbm>>, %arg6: memref<2x10240x64xf32, #tpu.memory_space<hbm>>, %arg7: memref<160x128xi32, #tpu.memory_space<vmem>>, %arg8: memref<160x128xi32, #tpu.memory_space<vmem>>, %arg9: memref<128x64xf32, #tpu.memory_space<vmem>>, %arg10: memref<128x64xf32, #tpu.memory_space<vmem>>, %arg11: memref<128x64xf32, #tpu.memory_space<vmem>>, %arg12: memref<128x64xf32, #tpu.memory_space<vmem>>, %arg13: memref<128x64xf32, #tpu.memory_space<vmem>>, %arg14: memref<10240x64xf32, #tpu.memory_space<vmem_shared>>, %arg15: memref<!tpu.dma_semaphore, #tpu.memory_space<semaphore_mem>>, %arg16: memref<!tpu.dma_semaphore, #tpu.memory_space<semaphore_mem>>, %arg17: memref<!tpu.dma_semaphore, #tpu.memory_space<semaphore_mem>>, %arg18: memref<!tpu.dma_semaphore, #tpu.memory_space<semaphore_mem>>, %arg19: memref<!tpu.dma_semaphore, #tpu.memory_space<semaphore_mem>>, %arg20: memref<!tpu.dma_semaphore, #tpu.memory_space<semaphore_mem>>, %arg21: memref<!tpu.dma_semaphore, #tpu.memory_space<semaphore_mem>>, %arg22: memref<!tpu.dma_semaphore, #tpu.memory_space<semaphore_mem>>, %arg23: memref<!tpu.dma_semaphore, #tpu.memory_space<semaphore_mem>>, %arg24: memref<!tpu.dma_semaphore, #tpu.memory_space<semaphore_mem>>) attributes {dimension_semantics = [#tpu.dimension_semantics<core_parallel>, #tpu.dimension_semantics<subcore_parallel>], iteration_bounds = array<i64: 2, 16>, scalar_prefetch = 0 : i64, scratch_operands = 18 : i64, tpu.core_type = #tpu.core_type<sc_vector_subcore>, window_params = [{transform_indices = #map}, {transform_indices = #map1}, {transform_indices = #map1}, {transform_indices = #map1}, {transform_indices = #map}]} {
    %mul3A = arith.constant 640 : i32
    %mul3A_0 = arith.muli %arg1, %mul3A : i32
    %mul3A_1 = arith.constant 640 : i32
    %mul3A_2 = arith.muli %arg1, %mul3A_1 : i32
    "tpu.region"() ({
      %run_scoped3A = tpu.sem_alloc : memref<!tpu.dma_semaphore, #tpu.memory_space<semaphore_mem>>
      %dma_start3A_194 = arith.constant 0 : i32
      %dma_start3A_195 = tpu.memref_slice %arg14[%mul3A_2, %dma_start3A_194] : memref<10240x64xf32, #tpu.memory_space<vmem_shared>> -> memref<640x64xf32, #tpu.memory_space<vmem_shared>>
      %dma_start3A_196 = arith.constant 0 : i32
      %dma_start3A_197 = tpu.memref_slice %arg5[%mul3A_0, %dma_start3A_196] : memref<10240x64xf32, #tpu.memory_space<hbm>> -> memref<640x64xf32, #tpu.memory_space<hbm>>
      tpu.enqueue_dma source(%dma_start3A_197 : memref<640x64xf32, #tpu.memory_space<hbm>>) target(%dma_start3A_195 : memref<640x64xf32, #tpu.memory_space<vmem_shared>>) target_semaphore(%run_scoped3A : memref<!tpu.dma_semaphore, #tpu.memory_space<semaphore_mem>>)
      %dma_wait3A_198 = arith.constant 0 : i32
      %dma_wait3A_199 = tpu.memref_slice %arg14[%mul3A_2, %dma_wait3A_198] : memref<10240x64xf32, #tpu.memory_space<vmem_shared>> -> memref<640x64xf32, #tpu.memory_space<vmem_shared>>
      %dma_wait3A_200 = arith.constant 0 : i32
      %dma_wait3A_201 = tpu.memref_slice %arg5[%mul3A_0, %dma_wait3A_200] : memref<10240x64xf32, #tpu.memory_space<hbm>> -> memref<640x64xf32, #tpu.memory_space<hbm>>
      tpu.wait_dma2 semaphore(%run_scoped3A : memref<!tpu.dma_semaphore, #tpu.memory_space<semaphore_mem>>) src(%dma_wait3A_201 : memref<640x64xf32, #tpu.memory_space<hbm>>) dst(%dma_wait3A_199 : memref<640x64xf32, #tpu.memory_space<vmem_shared>>)
      tpu.yield
    }) : () -> ()
    %mul3A_3 = arith.constant 160 : i32
    %mul3A_4 = arith.muli %arg1, %mul3A_3 : i32
    "tpu.region"() ({
      %run_scoped3A = tpu.sem_alloc : memref<!tpu.dma_semaphore, #tpu.memory_space<semaphore_mem>>
      %dma_start3A_194 = arith.constant 0 : i32
      %dma_start3A_195 = tpu.memref_slice %arg3[%mul3A_4, %dma_start3A_194] : memref<2560x128xi32, #tpu.memory_space<hbm>> -> memref<160x128xi32, #tpu.memory_space<hbm>>
      %dma_start3A_196 = arith.constant 0 : i32
      %dma_start3A_197 = tpu.memref_slice %arg3[%mul3A_4, %dma_start3A_196] : memref<2560x128xi32, #tpu.memory_space<hbm>> -> memref<160x128xi32, #tpu.memory_space<hbm>>
      tpu.enqueue_dma source(%dma_start3A_197 : memref<160x128xi32, #tpu.memory_space<hbm>>) target(%arg7 : memref<160x128xi32, #tpu.memory_space<vmem>>) target_semaphore(%run_scoped3A : memref<!tpu.dma_semaphore, #tpu.memory_space<semaphore_mem>>)
      %dma_wait3A_198 = arith.constant 0 : i32
      %dma_wait3A_199 = tpu.memref_slice %arg3[%mul3A_4, %dma_wait3A_198] : memref<2560x128xi32, #tpu.memory_space<hbm>> -> memref<160x128xi32, #tpu.memory_space<hbm>>
      %dma_wait3A_200 = arith.constant 0 : i32
      %dma_wait3A_201 = tpu.memref_slice %arg3[%mul3A_4, %dma_wait3A_200] : memref<2560x128xi32, #tpu.memory_space<hbm>> -> memref<160x128xi32, #tpu.memory_space<hbm>>
      tpu.wait_dma2 semaphore(%run_scoped3A : memref<!tpu.dma_semaphore, #tpu.memory_space<semaphore_mem>>) src(%dma_wait3A_201 : memref<160x128xi32, #tpu.memory_space<hbm>>) dst(%arg7 : memref<160x128xi32, #tpu.memory_space<vmem>>)
      tpu.yield
    }) : () -> ()
    %mul3A_5 = arith.constant 160 : i32
    %mul3A_6 = arith.muli %arg1, %mul3A_5 : i32
    "tpu.region"() ({
      %run_scoped3A = tpu.sem_alloc : memref<!tpu.dma_semaphore, #tpu.memory_space<semaphore_mem>>
      %dma_start3A_194 = arith.constant 0 : i32
      %dma_start3A_195 = tpu.memref_slice %arg4[%mul3A_6, %dma_start3A_194] : memref<2560x128xi32, #tpu.memory_space<hbm>> -> memref<160x128xi32, #tpu.memory_space<hbm>>
      %dma_start3A_196 = arith.constant 0 : i32
      %dma_start3A_197 = tpu.memref_slice %arg4[%mul3A_6, %dma_start3A_196] : memref<2560x128xi32, #tpu.memory_space<hbm>> -> memref<160x128xi32, #tpu.memory_space<hbm>>
      tpu.enqueue_dma source(%dma_start3A_197 : memref<160x128xi32, #tpu.memory_space<hbm>>) target(%arg8 : memref<160x128xi32, #tpu.memory_space<vmem>>) target_semaphore(%run_scoped3A : memref<!tpu.dma_semaphore, #tpu.memory_space<semaphore_mem>>)
      %dma_wait3A_198 = arith.constant 0 : i32
      %dma_wait3A_199 = tpu.memref_slice %arg4[%mul3A_6, %dma_wait3A_198] : memref<2560x128xi32, #tpu.memory_space<hbm>> -> memref<160x128xi32, #tpu.memory_space<hbm>>
      %dma_wait3A_200 = arith.constant 0 : i32
      %dma_wait3A_201 = tpu.memref_slice %arg4[%mul3A_6, %dma_wait3A_200] : memref<2560x128xi32, #tpu.memory_space<hbm>> -> memref<160x128xi32, #tpu.memory_space<hbm>>
      tpu.wait_dma2 semaphore(%run_scoped3A : memref<!tpu.dma_semaphore, #tpu.memory_space<semaphore_mem>>) src(%dma_wait3A_201 : memref<160x128xi32, #tpu.memory_space<hbm>>) dst(%arg8 : memref<160x128xi32, #tpu.memory_space<vmem>>)
      tpu.yield
    }) : () -> ()
    %barrier3A = arith.constant 0 : index
    tpu.barrier barrier_id(%barrier3A)
    %dma_start3A = arith.constant 0 : i32
    %dma_start3A_7 = arith.constant 0 : i32
    %dma_start3A_8 = tpu.memref_slice %arg7[%dma_start3A, %dma_start3A_7] : memref<160x128xi32, #tpu.memory_space<vmem>> -> memref<1x128xi32, #tpu.memory_space<vmem>>
    %dma_start3A_9 = tpu.memref_squeeze %dma_start3A_8 : memref<1x128xi32, #tpu.memory_space<vmem>> -> memref<128xi32, #tpu.memory_space<vmem>>
    %dma_start3A_10 = arith.constant 0 : i32
    %dma_start3A_11 = arith.constant 0 : i32
    %dma_start3A_12 = tpu.memref_slice %arg2[%arg0, %dma_start3A_10, %dma_start3A_11] : memref<2x10240x64xf32, #tpu.memory_space<hbm>> -> memref<1x10240x64xf32, #tpu.memory_space<hbm>>
    %dma_start3A_13 = tpu.memref_squeeze %dma_start3A_12 : memref<1x10240x64xf32, #tpu.memory_space<hbm>> -> memref<10240x64xf32, #tpu.memory_space<hbm>>
    %dma_start3A_14 = arith.constant 0 : i32
    %dma_start3A_15 = arith.constant 0 : i32
    %dma_start3A_16 = tpu.memref_slice %dma_start3A_13[%dma_start3A_14, %dma_start3A_15] : memref<10240x64xf32, #tpu.memory_space<hbm>> -> memref<10240x64xf32, #tpu.memory_space<hbm>>
    tpu.enqueue_indirect_dma source(%dma_start3A_16 : memref<10240x64xf32, #tpu.memory_space<hbm>>) target(%arg9 : memref<128x64xf32, #tpu.memory_space<vmem>>) offsets(%dma_start3A_9 : memref<128xi32, #tpu.memory_space<vmem>>) semaphore(%arg15 : memref<!tpu.dma_semaphore, #tpu.memory_space<semaphore_mem>>)
    %dma_start3A_17 = arith.constant 1 : i32
    %dma_start3A_18 = arith.constant 0 : i32
    %dma_start3A_19 = tpu.memref_slice %arg7[%dma_start3A_17, %dma_start3A_18] : memref<160x128xi32, #tpu.memory_space<vmem>> -> memref<1x128xi32, #tpu.memory_space<vmem>>
    %dma_start3A_20 = tpu.memref_squeeze %dma_start3A_19 : memref<1x128xi32, #tpu.memory_space<vmem>> -> memref<128xi32, #tpu.memory_space<vmem>>
    %dma_start3A_21 = arith.constant 0 : i32
    %dma_start3A_22 = arith.constant 0 : i32
    %dma_start3A_23 = tpu.memref_slice %arg2[%arg0, %dma_start3A_21, %dma_start3A_22] : memref<2x10240x64xf32, #tpu.memory_space<hbm>> -> memref<1x10240x64xf32, #tpu.memory_space<hbm>>
    %dma_start3A_24 = tpu.memref_squeeze %dma_start3A_23 : memref<1x10240x64xf32, #tpu.memory_space<hbm>> -> memref<10240x64xf32, #tpu.memory_space<hbm>>
    %dma_start3A_25 = arith.constant 0 : i32
    %dma_start3A_26 = arith.constant 0 : i32
    %dma_start3A_27 = tpu.memref_slice %dma_start3A_24[%dma_start3A_25, %dma_start3A_26] : memref<10240x64xf32, #tpu.memory_space<hbm>> -> memref<10240x64xf32, #tpu.memory_space<hbm>>
    tpu.enqueue_indirect_dma source(%dma_start3A_27 : memref<10240x64xf32, #tpu.memory_space<hbm>>) target(%arg10 : memref<128x64xf32, #tpu.memory_space<vmem>>) offsets(%dma_start3A_20 : memref<128xi32, #tpu.memory_space<vmem>>) semaphore(%arg16 : memref<!tpu.dma_semaphore, #tpu.memory_space<semaphore_mem>>)
    %dma_start3A_28 = arith.constant 2 : i32
    %dma_start3A_29 = arith.constant 0 : i32
    %dma_start3A_30 = tpu.memref_slice %arg7[%dma_start3A_28, %dma_start3A_29] : memref<160x128xi32, #tpu.memory_space<vmem>> -> memref<1x128xi32, #tpu.memory_space<vmem>>
    %dma_start3A_31 = tpu.memref_squeeze %dma_start3A_30 : memref<1x128xi32, #tpu.memory_space<vmem>> -> memref<128xi32, #tpu.memory_space<vmem>>
    %dma_start3A_32 = arith.constant 0 : i32
    %dma_start3A_33 = arith.constant 0 : i32
    %dma_start3A_34 = tpu.memref_slice %arg2[%arg0, %dma_start3A_32, %dma_start3A_33] : memref<2x10240x64xf32, #tpu.memory_space<hbm>> -> memref<1x10240x64xf32, #tpu.memory_space<hbm>>
    %dma_start3A_35 = tpu.memref_squeeze %dma_start3A_34 : memref<1x10240x64xf32, #tpu.memory_space<hbm>> -> memref<10240x64xf32, #tpu.memory_space<hbm>>
    %dma_start3A_36 = arith.constant 0 : i32
    %dma_start3A_37 = arith.constant 0 : i32
    %dma_start3A_38 = tpu.memref_slice %dma_start3A_35[%dma_start3A_36, %dma_start3A_37] : memref<10240x64xf32, #tpu.memory_space<hbm>> -> memref<10240x64xf32, #tpu.memory_space<hbm>>
    tpu.enqueue_indirect_dma source(%dma_start3A_38 : memref<10240x64xf32, #tpu.memory_space<hbm>>) target(%arg11 : memref<128x64xf32, #tpu.memory_space<vmem>>) offsets(%dma_start3A_31 : memref<128xi32, #tpu.memory_space<vmem>>) semaphore(%arg17 : memref<!tpu.dma_semaphore, #tpu.memory_space<semaphore_mem>>)
    %dma_start3A_39 = arith.constant 3 : i32
    %dma_start3A_40 = arith.constant 0 : i32
    %dma_start3A_41 = tpu.memref_slice %arg7[%dma_start3A_39, %dma_start3A_40] : memref<160x128xi32, #tpu.memory_space<vmem>> -> memref<1x128xi32, #tpu.memory_space<vmem>>
    %dma_start3A_42 = tpu.memref_squeeze %dma_start3A_41 : memref<1x128xi32, #tpu.memory_space<vmem>> -> memref<128xi32, #tpu.memory_space<vmem>>
    %dma_start3A_43 = arith.constant 0 : i32
    %dma_start3A_44 = arith.constant 0 : i32
    %dma_start3A_45 = tpu.memref_slice %arg2[%arg0, %dma_start3A_43, %dma_start3A_44] : memref<2x10240x64xf32, #tpu.memory_space<hbm>> -> memref<1x10240x64xf32, #tpu.memory_space<hbm>>
    %dma_start3A_46 = tpu.memref_squeeze %dma_start3A_45 : memref<1x10240x64xf32, #tpu.memory_space<hbm>> -> memref<10240x64xf32, #tpu.memory_space<hbm>>
    %dma_start3A_47 = arith.constant 0 : i32
    %dma_start3A_48 = arith.constant 0 : i32
    %dma_start3A_49 = tpu.memref_slice %dma_start3A_46[%dma_start3A_47, %dma_start3A_48] : memref<10240x64xf32, #tpu.memory_space<hbm>> -> memref<10240x64xf32, #tpu.memory_space<hbm>>
    tpu.enqueue_indirect_dma source(%dma_start3A_49 : memref<10240x64xf32, #tpu.memory_space<hbm>>) target(%arg12 : memref<128x64xf32, #tpu.memory_space<vmem>>) offsets(%dma_start3A_42 : memref<128xi32, #tpu.memory_space<vmem>>) semaphore(%arg18 : memref<!tpu.dma_semaphore, #tpu.memory_space<semaphore_mem>>)
    %dma_start3A_50 = arith.constant 4 : i32
    %dma_start3A_51 = arith.constant 0 : i32
    %dma_start3A_52 = tpu.memref_slice %arg7[%dma_start3A_50, %dma_start3A_51] : memref<160x128xi32, #tpu.memory_space<vmem>> -> memref<1x128xi32, #tpu.memory_space<vmem>>
    %dma_start3A_53 = tpu.memref_squeeze %dma_start3A_52 : memref<1x128xi32, #tpu.memory_space<vmem>> -> memref<128xi32, #tpu.memory_space<vmem>>
    %dma_start3A_54 = arith.constant 0 : i32
    %dma_start3A_55 = arith.constant 0 : i32
    %dma_start3A_56 = tpu.memref_slice %arg2[%arg0, %dma_start3A_54, %dma_start3A_55] : memref<2x10240x64xf32, #tpu.memory_space<hbm>> -> memref<1x10240x64xf32, #tpu.memory_space<hbm>>
    %dma_start3A_57 = tpu.memref_squeeze %dma_start3A_56 : memref<1x10240x64xf32, #tpu.memory_space<hbm>> -> memref<10240x64xf32, #tpu.memory_space<hbm>>
    %dma_start3A_58 = arith.constant 0 : i32
    %dma_start3A_59 = arith.constant 0 : i32
    %dma_start3A_60 = tpu.memref_slice %dma_start3A_57[%dma_start3A_58, %dma_start3A_59] : memref<10240x64xf32, #tpu.memory_space<hbm>> -> memref<10240x64xf32, #tpu.memory_space<hbm>>
    tpu.enqueue_indirect_dma source(%dma_start3A_60 : memref<10240x64xf32, #tpu.memory_space<hbm>>) target(%arg13 : memref<128x64xf32, #tpu.memory_space<vmem>>) offsets(%dma_start3A_53 : memref<128xi32, #tpu.memory_space<vmem>>) semaphore(%arg19 : memref<!tpu.dma_semaphore, #tpu.memory_space<semaphore_mem>>)
    %scan3A = arith.constant 0 : i32
    %scan3A_61 = arith.constant 31 : i32
    %scan3A_62 = arith.addi %scan3A, %scan3A_61 : i32
    %scan3A_63 = arith.constant 1 : i32
    scf.for %scan3A_194 = %scan3A to %scan3A_62 step %scan3A_63  : i32 {
      %mul3A_195 = arith.constant 5 : i32
      %mul3A_196 = arith.muli %scan3A_194, %mul3A_195 : i32
      %add3A = arith.constant 0 : i32
      %add3A_197 = arith.addi %add3A, %mul3A_196 : i32
      %add3A_198 = arith.constant 0 : i32
      %add3A_199 = arith.addi %add3A_197, %add3A_198 : i32
      %dma_wait3A_200 = arith.constant 0 : i32
      %dma_wait3A_201 = tpu.memref_slice %arg7[%add3A_199, %dma_wait3A_200] : memref<160x128xi32, #tpu.memory_space<vmem>> -> memref<1x128xi32, #tpu.memory_space<vmem>>
      %dma_wait3A_202 = tpu.memref_squeeze %dma_wait3A_201 : memref<1x128xi32, #tpu.memory_space<vmem>> -> memref<128xi32, #tpu.memory_space<vmem>>
      %dma_wait3A_203 = arith.constant 0 : i32
      %dma_wait3A_204 = arith.constant 0 : i32
      %dma_wait3A_205 = tpu.memref_slice %arg2[%arg0, %dma_wait3A_203, %dma_wait3A_204] : memref<2x10240x64xf32, #tpu.memory_space<hbm>> -> memref<1x10240x64xf32, #tpu.memory_space<hbm>>
      %dma_wait3A_206 = tpu.memref_squeeze %dma_wait3A_205 : memref<1x10240x64xf32, #tpu.memory_space<hbm>> -> memref<10240x64xf32, #tpu.memory_space<hbm>>
      %dma_wait3A_207 = arith.constant 0 : i32
      %dma_wait3A_208 = arith.constant 0 : i32
      %dma_wait3A_209 = tpu.memref_slice %dma_wait3A_206[%dma_wait3A_207, %dma_wait3A_208] : memref<10240x64xf32, #tpu.memory_space<hbm>> -> memref<10240x64xf32, #tpu.memory_space<hbm>>
      tpu.wait_indirect_dma semaphore(%arg15 : memref<!tpu.dma_semaphore, #tpu.memory_space<semaphore_mem>>) src(%dma_wait3A_209 : memref<10240x64xf32, #tpu.memory_space<hbm>>) dst(%arg9 : memref<128x64xf32, #tpu.memory_space<vmem>>)
      %dma_start3A_210 = arith.constant 0 : i32
      %dma_start3A_211 = tpu.memref_slice %arg8[%add3A_199, %dma_start3A_210] : memref<160x128xi32, #tpu.memory_space<vmem>> -> memref<1x128xi32, #tpu.memory_space<vmem>>
      %dma_start3A_212 = tpu.memref_squeeze %dma_start3A_211 : memref<1x128xi32, #tpu.memory_space<vmem>> -> memref<128xi32, #tpu.memory_space<vmem>>
      %dma_start3A_213 = arith.constant 0 : i32
      %dma_start3A_214 = arith.constant 0 : i32
      %dma_start3A_215 = tpu.memref_slice %arg14[%dma_start3A_213, %dma_start3A_214] : memref<10240x64xf32, #tpu.memory_space<vmem_shared>> -> memref<10240x64xf32, #tpu.memory_space<vmem_shared>>
      tpu.enqueue_indirect_dma source(%arg9 : memref<128x64xf32, #tpu.memory_space<vmem>>) target(%dma_start3A_215 : memref<10240x64xf32, #tpu.memory_space<vmem_shared>>) offsets(%dma_start3A_212 : memref<128xi32, #tpu.memory_space<vmem>>) semaphore(%arg20 : memref<!tpu.dma_semaphore, #tpu.memory_space<semaphore_mem>>) {add = true}
      %add3A_216 = arith.constant 1 : i32
      %add3A_217 = arith.addi %add3A_197, %add3A_216 : i32
      %dma_wait3A_218 = arith.constant 0 : i32
      %dma_wait3A_219 = tpu.memref_slice %arg7[%add3A_217, %dma_wait3A_218] : memref<160x128xi32, #tpu.memory_space<vmem>> -> memref<1x128xi32, #tpu.memory_space<vmem>>
      %dma_wait3A_220 = tpu.memref_squeeze %dma_wait3A_219 : memref<1x128xi32, #tpu.memory_space<vmem>> -> memref<128xi32, #tpu.memory_space<vmem>>
      %dma_wait3A_221 = arith.constant 0 : i32
      %dma_wait3A_222 = arith.constant 0 : i32
      %dma_wait3A_223 = tpu.memref_slice %arg2[%arg0, %dma_wait3A_221, %dma_wait3A_222] : memref<2x10240x64xf32, #tpu.memory_space<hbm>> -> memref<1x10240x64xf32, #tpu.memory_space<hbm>>
      %dma_wait3A_224 = tpu.memref_squeeze %dma_wait3A_223 : memref<1x10240x64xf32, #tpu.memory_space<hbm>> -> memref<10240x64xf32, #tpu.memory_space<hbm>>
      %dma_wait3A_225 = arith.constant 0 : i32
      %dma_wait3A_226 = arith.constant 0 : i32
      %dma_wait3A_227 = tpu.memref_slice %dma_wait3A_224[%dma_wait3A_225, %dma_wait3A_226] : memref<10240x64xf32, #tpu.memory_space<hbm>> -> memref<10240x64xf32, #tpu.memory_space<hbm>>
      tpu.wait_indirect_dma semaphore(%arg16 : memref<!tpu.dma_semaphore, #tpu.memory_space<semaphore_mem>>) src(%dma_wait3A_227 : memref<10240x64xf32, #tpu.memory_space<hbm>>) dst(%arg10 : memref<128x64xf32, #tpu.memory_space<vmem>>)
      %dma_start3A_228 = arith.constant 0 : i32
      %dma_start3A_229 = tpu.memref_slice %arg8[%add3A_217, %dma_start3A_228] : memref<160x128xi32, #tpu.memory_space<vmem>> -> memref<1x128xi32, #tpu.memory_space<vmem>>
      %dma_start3A_230 = tpu.memref_squeeze %dma_start3A_229 : memref<1x128xi32, #tpu.memory_space<vmem>> -> memref<128xi32, #tpu.memory_space<vmem>>
      %dma_start3A_231 = arith.constant 0 : i32
      %dma_start3A_232 = arith.constant 0 : i32
      %dma_start3A_233 = tpu.memref_slice %arg14[%dma_start3A_231, %dma_start3A_232] : memref<10240x64xf32, #tpu.memory_space<vmem_shared>> -> memref<10240x64xf32, #tpu.memory_space<vmem_shared>>
      tpu.enqueue_indirect_dma source(%arg10 : memref<128x64xf32, #tpu.memory_space<vmem>>) target(%dma_start3A_233 : memref<10240x64xf32, #tpu.memory_space<vmem_shared>>) offsets(%dma_start3A_230 : memref<128xi32, #tpu.memory_space<vmem>>) semaphore(%arg21 : memref<!tpu.dma_semaphore, #tpu.memory_space<semaphore_mem>>) {add = true}
      %add3A_234 = arith.constant 2 : i32
      %add3A_235 = arith.addi %add3A_197, %add3A_234 : i32
      %dma_wait3A_236 = arith.constant 0 : i32
      %dma_wait3A_237 = tpu.memref_slice %arg7[%add3A_235, %dma_wait3A_236] : memref<160x128xi32, #tpu.memory_space<vmem>> -> memref<1x128xi32, #tpu.memory_space<vmem>>
      %dma_wait3A_238 = tpu.memref_squeeze %dma_wait3A_237 : memref<1x128xi32, #tpu.memory_space<vmem>> -> memref<128xi32, #tpu.memory_space<vmem>>
      %dma_wait3A_239 = arith.constant 0 : i32
      %dma_wait3A_240 = arith.constant 0 : i32
      %dma_wait3A_241 = tpu.memref_slice %arg2[%arg0, %dma_wait3A_239, %dma_wait3A_240] : memref<2x10240x64xf32, #tpu.memory_space<hbm>> -> memref<1x10240x64xf32, #tpu.memory_space<hbm>>
      %dma_wait3A_242 = tpu.memref_squeeze %dma_wait3A_241 : memref<1x10240x64xf32, #tpu.memory_space<hbm>> -> memref<10240x64xf32, #tpu.memory_space<hbm>>
      %dma_wait3A_243 = arith.constant 0 : i32
      %dma_wait3A_244 = arith.constant 0 : i32
      %dma_wait3A_245 = tpu.memref_slice %dma_wait3A_242[%dma_wait3A_243, %dma_wait3A_244] : memref<10240x64xf32, #tpu.memory_space<hbm>> -> memref<10240x64xf32, #tpu.memory_space<hbm>>
      tpu.wait_indirect_dma semaphore(%arg17 : memref<!tpu.dma_semaphore, #tpu.memory_space<semaphore_mem>>) src(%dma_wait3A_245 : memref<10240x64xf32, #tpu.memory_space<hbm>>) dst(%arg11 : memref<128x64xf32, #tpu.memory_space<vmem>>)
      %dma_start3A_246 = arith.constant 0 : i32
      %dma_start3A_247 = tpu.memref_slice %arg8[%add3A_235, %dma_start3A_246] : memref<160x128xi32, #tpu.memory_space<vmem>> -> memref<1x128xi32, #tpu.memory_space<vmem>>
      %dma_start3A_248 = tpu.memref_squeeze %dma_start3A_247 : memref<1x128xi32, #tpu.memory_space<vmem>> -> memref<128xi32, #tpu.memory_space<vmem>>
      %dma_start3A_249 = arith.constant 0 : i32
      %dma_start3A_250 = arith.constant 0 : i32
      %dma_start3A_251 = tpu.memref_slice %arg14[%dma_start3A_249, %dma_start3A_250] : memref<10240x64xf32, #tpu.memory_space<vmem_shared>> -> memref<10240x64xf32, #tpu.memory_space<vmem_shared>>
      tpu.enqueue_indirect_dma source(%arg11 : memref<128x64xf32, #tpu.memory_space<vmem>>) target(%dma_start3A_251 : memref<10240x64xf32, #tpu.memory_space<vmem_shared>>) offsets(%dma_start3A_248 : memref<128xi32, #tpu.memory_space<vmem>>) semaphore(%arg22 : memref<!tpu.dma_semaphore, #tpu.memory_space<semaphore_mem>>) {add = true}
      %add3A_252 = arith.constant 3 : i32
      %add3A_253 = arith.addi %add3A_197, %add3A_252 : i32
      %dma_wait3A_254 = arith.constant 0 : i32
      %dma_wait3A_255 = tpu.memref_slice %arg7[%add3A_253, %dma_wait3A_254] : memref<160x128xi32, #tpu.memory_space<vmem>> -> memref<1x128xi32, #tpu.memory_space<vmem>>
      %dma_wait3A_256 = tpu.memref_squeeze %dma_wait3A_255 : memref<1x128xi32, #tpu.memory_space<vmem>> -> memref<128xi32, #tpu.memory_space<vmem>>
      %dma_wait3A_257 = arith.constant 0 : i32
      %dma_wait3A_258 = arith.constant 0 : i32
      %dma_wait3A_259 = tpu.memref_slice %arg2[%arg0, %dma_wait3A_257, %dma_wait3A_258] : memref<2x10240x64xf32, #tpu.memory_space<hbm>> -> memref<1x10240x64xf32, #tpu.memory_space<hbm>>
      %dma_wait3A_260 = tpu.memref_squeeze %dma_wait3A_259 : memref<1x10240x64xf32, #tpu.memory_space<hbm>> -> memref<10240x64xf32, #tpu.memory_space<hbm>>
      %dma_wait3A_261 = arith.constant 0 : i32
      %dma_wait3A_262 = arith.constant 0 : i32
      %dma_wait3A_263 = tpu.memref_slice %dma_wait3A_260[%dma_wait3A_261, %dma_wait3A_262] : memref<10240x64xf32, #tpu.memory_space<hbm>> -> memref<10240x64xf32, #tpu.memory_space<hbm>>
      tpu.wait_indirect_dma semaphore(%arg18 : memref<!tpu.dma_semaphore, #tpu.memory_space<semaphore_mem>>) src(%dma_wait3A_263 : memref<10240x64xf32, #tpu.memory_space<hbm>>) dst(%arg12 : memref<128x64xf32, #tpu.memory_space<vmem>>)
      %dma_start3A_264 = arith.constant 0 : i32
      %dma_start3A_265 = tpu.memref_slice %arg8[%add3A_253, %dma_start3A_264] : memref<160x128xi32, #tpu.memory_space<vmem>> -> memref<1x128xi32, #tpu.memory_space<vmem>>
      %dma_start3A_266 = tpu.memref_squeeze %dma_start3A_265 : memref<1x128xi32, #tpu.memory_space<vmem>> -> memref<128xi32, #tpu.memory_space<vmem>>
      %dma_start3A_267 = arith.constant 0 : i32
      %dma_start3A_268 = arith.constant 0 : i32
      %dma_start3A_269 = tpu.memref_slice %arg14[%dma_start3A_267, %dma_start3A_268] : memref<10240x64xf32, #tpu.memory_space<vmem_shared>> -> memref<10240x64xf32, #tpu.memory_space<vmem_shared>>
      tpu.enqueue_indirect_dma source(%arg12 : memref<128x64xf32, #tpu.memory_space<vmem>>) target(%dma_start3A_269 : memref<10240x64xf32, #tpu.memory_space<vmem_shared>>) offsets(%dma_start3A_266 : memref<128xi32, #tpu.memory_space<vmem>>) semaphore(%arg23 : memref<!tpu.dma_semaphore, #tpu.memory_space<semaphore_mem>>) {add = true}
      %add3A_270 = arith.constant 4 : i32
      %add3A_271 = arith.addi %add3A_197, %add3A_270 : i32
      %dma_wait3A_272 = arith.constant 0 : i32
      %dma_wait3A_273 = tpu.memref_slice %arg7[%add3A_271, %dma_wait3A_272] : memref<160x128xi32, #tpu.memory_space<vmem>> -> memref<1x128xi32, #tpu.memory_space<vmem>>
      %dma_wait3A_274 = tpu.memref_squeeze %dma_wait3A_273 : memref<1x128xi32, #tpu.memory_space<vmem>> -> memref<128xi32, #tpu.memory_space<vmem>>
      %dma_wait3A_275 = arith.constant 0 : i32
      %dma_wait3A_276 = arith.constant 0 : i32
      %dma_wait3A_277 = tpu.memref_slice %arg2[%arg0, %dma_wait3A_275, %dma_wait3A_276] : memref<2x10240x64xf32, #tpu.memory_space<hbm>> -> memref<1x10240x64xf32, #tpu.memory_space<hbm>>
      %dma_wait3A_278 = tpu.memref_squeeze %dma_wait3A_277 : memref<1x10240x64xf32, #tpu.memory_space<hbm>> -> memref<10240x64xf32, #tpu.memory_space<hbm>>
      %dma_wait3A_279 = arith.constant 0 : i32
      %dma_wait3A_280 = arith.constant 0 : i32
      %dma_wait3A_281 = tpu.memref_slice %dma_wait3A_278[%dma_wait3A_279, %dma_wait3A_280] : memref<10240x64xf32, #tpu.memory_space<hbm>> -> memref<10240x64xf32, #tpu.memory_space<hbm>>
      tpu.wait_indirect_dma semaphore(%arg19 : memref<!tpu.dma_semaphore, #tpu.memory_space<semaphore_mem>>) src(%dma_wait3A_281 : memref<10240x64xf32, #tpu.memory_space<hbm>>) dst(%arg13 : memref<128x64xf32, #tpu.memory_space<vmem>>)
      %dma_start3A_282 = arith.constant 0 : i32
      %dma_start3A_283 = tpu.memref_slice %arg8[%add3A_271, %dma_start3A_282] : memref<160x128xi32, #tpu.memory_space<vmem>> -> memref<1x128xi32, #tpu.memory_space<vmem>>
      %dma_start3A_284 = tpu.memref_squeeze %dma_start3A_283 : memref<1x128xi32, #tpu.memory_space<vmem>> -> memref<128xi32, #tpu.memory_space<vmem>>
      %dma_start3A_285 = arith.constant 0 : i32
      %dma_start3A_286 = arith.constant 0 : i32
      %dma_start3A_287 = tpu.memref_slice %arg14[%dma_start3A_285, %dma_start3A_286] : memref<10240x64xf32, #tpu.memory_space<vmem_shared>> -> memref<10240x64xf32, #tpu.memory_space<vmem_shared>>
      tpu.enqueue_indirect_dma source(%arg13 : memref<128x64xf32, #tpu.memory_space<vmem>>) target(%dma_start3A_287 : memref<10240x64xf32, #tpu.memory_space<vmem_shared>>) offsets(%dma_start3A_284 : memref<128xi32, #tpu.memory_space<vmem>>) semaphore(%arg24 : memref<!tpu.dma_semaphore, #tpu.memory_space<semaphore_mem>>) {add = true}
      %add3A_288 = arith.constant 0 : i32
      %add3A_289 = arith.addi %add3A_197, %add3A_288 : i32
      %dma_wait3A_290 = arith.constant 0 : i32
      %dma_wait3A_291 = tpu.memref_slice %arg8[%add3A_289, %dma_wait3A_290] : memref<160x128xi32, #tpu.memory_space<vmem>> -> memref<1x128xi32, #tpu.memory_space<vmem>>
      %dma_wait3A_292 = tpu.memref_squeeze %dma_wait3A_291 : memref<1x128xi32, #tpu.memory_space<vmem>> -> memref<128xi32, #tpu.memory_space<vmem>>
      %dma_wait3A_293 = arith.constant 0 : i32
      %dma_wait3A_294 = arith.constant 0 : i32
      %dma_wait3A_295 = tpu.memref_slice %arg14[%dma_wait3A_293, %dma_wait3A_294] : memref<10240x64xf32, #tpu.memory_space<vmem_shared>> -> memref<10240x64xf32, #tpu.memory_space<vmem_shared>>
      tpu.wait_indirect_dma semaphore(%arg20 : memref<!tpu.dma_semaphore, #tpu.memory_space<semaphore_mem>>) src(%arg9 : memref<128x64xf32, #tpu.memory_space<vmem>>) dst(%dma_wait3A_295 : memref<10240x64xf32, #tpu.memory_space<vmem_shared>>)
      %add3A_296 = arith.constant 5 : i32
      %add3A_297 = arith.addi %add3A_289, %add3A_296 : i32
      %dma_start3A_298 = arith.constant 0 : i32
      %dma_start3A_299 = tpu.memref_slice %arg7[%add3A_297, %dma_start3A_298] : memref<160x128xi32, #tpu.memory_space<vmem>> -> memref<1x128xi32, #tpu.memory_space<vmem>>
      %dma_start3A_300 = tpu.memref_squeeze %dma_start3A_299 : memref<1x128xi32, #tpu.memory_space<vmem>> -> memref<128xi32, #tpu.memory_space<vmem>>
      %dma_start3A_301 = arith.constant 0 : i32
      %dma_start3A_302 = arith.constant 0 : i32
      %dma_start3A_303 = tpu.memref_slice %arg2[%arg0, %dma_start3A_301, %dma_start3A_302] : memref<2x10240x64xf32, #tpu.memory_space<hbm>> -> memref<1x10240x64xf32, #tpu.memory_space<hbm>>
      %dma_start3A_304 = tpu.memref_squeeze %dma_start3A_303 : memref<1x10240x64xf32, #tpu.memory_space<hbm>> -> memref<10240x64xf32, #tpu.memory_space<hbm>>
      %dma_start3A_305 = arith.constant 0 : i32
      %dma_start3A_306 = arith.constant 0 : i32
      %dma_start3A_307 = tpu.memref_slice %dma_start3A_304[%dma_start3A_305, %dma_start3A_306] : memref<10240x64xf32, #tpu.memory_space<hbm>> -> memref<10240x64xf32, #tpu.memory_space<hbm>>
      tpu.enqueue_indirect_dma source(%dma_start3A_307 : memref<10240x64xf32, #tpu.memory_space<hbm>>) target(%arg9 : memref<128x64xf32, #tpu.memory_space<vmem>>) offsets(%dma_start3A_300 : memref<128xi32, #tpu.memory_space<vmem>>) semaphore(%arg15 : memref<!tpu.dma_semaphore, #tpu.memory_space<semaphore_mem>>)
      %add3A_308 = arith.constant 1 : i32
      %add3A_309 = arith.addi %add3A_197, %add3A_308 : i32
      %dma_wait3A_310 = arith.constant 0 : i32
      %dma_wait3A_311 = tpu.memref_slice %arg8[%add3A_309, %dma_wait3A_310] : memref<160x128xi32, #tpu.memory_space<vmem>> -> memref<1x128xi32, #tpu.memory_space<vmem>>
      %dma_wait3A_312 = tpu.memref_squeeze %dma_wait3A_311 : memref<1x128xi32, #tpu.memory_space<vmem>> -> memref<128xi32, #tpu.memory_space<vmem>>
      %dma_wait3A_313 = arith.constant 0 : i32
      %dma_wait3A_314 = arith.constant 0 : i32
      %dma_wait3A_315 = tpu.memref_slice %arg14[%dma_wait3A_313, %dma_wait3A_314] : memref<10240x64xf32, #tpu.memory_space<vmem_shared>> -> memref<10240x64xf32, #tpu.memory_space<vmem_shared>>
      tpu.wait_indirect_dma semaphore(%arg21 : memref<!tpu.dma_semaphore, #tpu.memory_space<semaphore_mem>>) src(%arg10 : memref<128x64xf32, #tpu.memory_space<vmem>>) dst(%dma_wait3A_315 : memref<10240x64xf32, #tpu.memory_space<vmem_shared>>)
      %add3A_316 = arith.constant 5 : i32
      %add3A_317 = arith.addi %add3A_309, %add3A_316 : i32
      %dma_start3A_318 = arith.constant 0 : i32
      %dma_start3A_319 = tpu.memref_slice %arg7[%add3A_317, %dma_start3A_318] : memref<160x128xi32, #tpu.memory_space<vmem>> -> memref<1x128xi32, #tpu.memory_space<vmem>>
      %dma_start3A_320 = tpu.memref_squeeze %dma_start3A_319 : memref<1x128xi32, #tpu.memory_space<vmem>> -> memref<128xi32, #tpu.memory_space<vmem>>
      %dma_start3A_321 = arith.constant 0 : i32
      %dma_start3A_322 = arith.constant 0 : i32
      %dma_start3A_323 = tpu.memref_slice %arg2[%arg0, %dma_start3A_321, %dma_start3A_322] : memref<2x10240x64xf32, #tpu.memory_space<hbm>> -> memref<1x10240x64xf32, #tpu.memory_space<hbm>>
      %dma_start3A_324 = tpu.memref_squeeze %dma_start3A_323 : memref<1x10240x64xf32, #tpu.memory_space<hbm>> -> memref<10240x64xf32, #tpu.memory_space<hbm>>
      %dma_start3A_325 = arith.constant 0 : i32
      %dma_start3A_326 = arith.constant 0 : i32
      %dma_start3A_327 = tpu.memref_slice %dma_start3A_324[%dma_start3A_325, %dma_start3A_326] : memref<10240x64xf32, #tpu.memory_space<hbm>> -> memref<10240x64xf32, #tpu.memory_space<hbm>>
      tpu.enqueue_indirect_dma source(%dma_start3A_327 : memref<10240x64xf32, #tpu.memory_space<hbm>>) target(%arg10 : memref<128x64xf32, #tpu.memory_space<vmem>>) offsets(%dma_start3A_320 : memref<128xi32, #tpu.memory_space<vmem>>) semaphore(%arg16 : memref<!tpu.dma_semaphore, #tpu.memory_space<semaphore_mem>>)
      %add3A_328 = arith.constant 2 : i32
      %add3A_329 = arith.addi %add3A_197, %add3A_328 : i32
      %dma_wait3A_330 = arith.constant 0 : i32
      %dma_wait3A_331 = tpu.memref_slice %arg8[%add3A_329, %dma_wait3A_330] : memref<160x128xi32, #tpu.memory_space<vmem>> -> memref<1x128xi32, #tpu.memory_space<vmem>>
      %dma_wait3A_332 = tpu.memref_squeeze %dma_wait3A_331 : memref<1x128xi32, #tpu.memory_space<vmem>> -> memref<128xi32, #tpu.memory_space<vmem>>
      %dma_wait3A_333 = arith.constant 0 : i32
      %dma_wait3A_334 = arith.constant 0 : i32
      %dma_wait3A_335 = tpu.memref_slice %arg14[%dma_wait3A_333, %dma_wait3A_334] : memref<10240x64xf32, #tpu.memory_space<vmem_shared>> -> memref<10240x64xf32, #tpu.memory_space<vmem_shared>>
      tpu.wait_indirect_dma semaphore(%arg22 : memref<!tpu.dma_semaphore, #tpu.memory_space<semaphore_mem>>) src(%arg11 : memref<128x64xf32, #tpu.memory_space<vmem>>) dst(%dma_wait3A_335 : memref<10240x64xf32, #tpu.memory_space<vmem_shared>>)
      %add3A_336 = arith.constant 5 : i32
      %add3A_337 = arith.addi %add3A_329, %add3A_336 : i32
      %dma_start3A_338 = arith.constant 0 : i32
      %dma_start3A_339 = tpu.memref_slice %arg7[%add3A_337, %dma_start3A_338] : memref<160x128xi32, #tpu.memory_space<vmem>> -> memref<1x128xi32, #tpu.memory_space<vmem>>
      %dma_start3A_340 = tpu.memref_squeeze %dma_start3A_339 : memref<1x128xi32, #tpu.memory_space<vmem>> -> memref<128xi32, #tpu.memory_space<vmem>>
      %dma_start3A_341 = arith.constant 0 : i32
      %dma_start3A_342 = arith.constant 0 : i32
      %dma_start3A_343 = tpu.memref_slice %arg2[%arg0, %dma_start3A_341, %dma_start3A_342] : memref<2x10240x64xf32, #tpu.memory_space<hbm>> -> memref<1x10240x64xf32, #tpu.memory_space<hbm>>
      %dma_start3A_344 = tpu.memref_squeeze %dma_start3A_343 : memref<1x10240x64xf32, #tpu.memory_space<hbm>> -> memref<10240x64xf32, #tpu.memory_space<hbm>>
      %dma_start3A_345 = arith.constant 0 : i32
      %dma_start3A_346 = arith.constant 0 : i32
      %dma_start3A_347 = tpu.memref_slice %dma_start3A_344[%dma_start3A_345, %dma_start3A_346] : memref<10240x64xf32, #tpu.memory_space<hbm>> -> memref<10240x64xf32, #tpu.memory_space<hbm>>
      tpu.enqueue_indirect_dma source(%dma_start3A_347 : memref<10240x64xf32, #tpu.memory_space<hbm>>) target(%arg11 : memref<128x64xf32, #tpu.memory_space<vmem>>) offsets(%dma_start3A_340 : memref<128xi32, #tpu.memory_space<vmem>>) semaphore(%arg17 : memref<!tpu.dma_semaphore, #tpu.memory_space<semaphore_mem>>)
      %add3A_348 = arith.constant 3 : i32
      %add3A_349 = arith.addi %add3A_197, %add3A_348 : i32
      %dma_wait3A_350 = arith.constant 0 : i32
      %dma_wait3A_351 = tpu.memref_slice %arg8[%add3A_349, %dma_wait3A_350] : memref<160x128xi32, #tpu.memory_space<vmem>> -> memref<1x128xi32, #tpu.memory_space<vmem>>
      %dma_wait3A_352 = tpu.memref_squeeze %dma_wait3A_351 : memref<1x128xi32, #tpu.memory_space<vmem>> -> memref<128xi32, #tpu.memory_space<vmem>>
      %dma_wait3A_353 = arith.constant 0 : i32
      %dma_wait3A_354 = arith.constant 0 : i32
      %dma_wait3A_355 = tpu.memref_slice %arg14[%dma_wait3A_353, %dma_wait3A_354] : memref<10240x64xf32, #tpu.memory_space<vmem_shared>> -> memref<10240x64xf32, #tpu.memory_space<vmem_shared>>
      tpu.wait_indirect_dma semaphore(%arg23 : memref<!tpu.dma_semaphore, #tpu.memory_space<semaphore_mem>>) src(%arg12 : memref<128x64xf32, #tpu.memory_space<vmem>>) dst(%dma_wait3A_355 : memref<10240x64xf32, #tpu.memory_space<vmem_shared>>)
      %add3A_356 = arith.constant 5 : i32
      %add3A_357 = arith.addi %add3A_349, %add3A_356 : i32
      %dma_start3A_358 = arith.constant 0 : i32
      %dma_start3A_359 = tpu.memref_slice %arg7[%add3A_357, %dma_start3A_358] : memref<160x128xi32, #tpu.memory_space<vmem>> -> memref<1x128xi32, #tpu.memory_space<vmem>>
      %dma_start3A_360 = tpu.memref_squeeze %dma_start3A_359 : memref<1x128xi32, #tpu.memory_space<vmem>> -> memref<128xi32, #tpu.memory_space<vmem>>
      %dma_start3A_361 = arith.constant 0 : i32
      %dma_start3A_362 = arith.constant 0 : i32
      %dma_start3A_363 = tpu.memref_slice %arg2[%arg0, %dma_start3A_361, %dma_start3A_362] : memref<2x10240x64xf32, #tpu.memory_space<hbm>> -> memref<1x10240x64xf32, #tpu.memory_space<hbm>>
      %dma_start3A_364 = tpu.memref_squeeze %dma_start3A_363 : memref<1x10240x64xf32, #tpu.memory_space<hbm>> -> memref<10240x64xf32, #tpu.memory_space<hbm>>
      %dma_start3A_365 = arith.constant 0 : i32
      %dma_start3A_366 = arith.constant 0 : i32
      %dma_start3A_367 = tpu.memref_slice %dma_start3A_364[%dma_start3A_365, %dma_start3A_366] : memref<10240x64xf32, #tpu.memory_space<hbm>> -> memref<10240x64xf32, #tpu.memory_space<hbm>>
      tpu.enqueue_indirect_dma source(%dma_start3A_367 : memref<10240x64xf32, #tpu.memory_space<hbm>>) target(%arg12 : memref<128x64xf32, #tpu.memory_space<vmem>>) offsets(%dma_start3A_360 : memref<128xi32, #tpu.memory_space<vmem>>) semaphore(%arg18 : memref<!tpu.dma_semaphore, #tpu.memory_space<semaphore_mem>>)
      %add3A_368 = arith.constant 4 : i32
      %add3A_369 = arith.addi %add3A_197, %add3A_368 : i32
      %dma_wait3A_370 = arith.constant 0 : i32
      %dma_wait3A_371 = tpu.memref_slice %arg8[%add3A_369, %dma_wait3A_370] : memref<160x128xi32, #tpu.memory_space<vmem>> -> memref<1x128xi32, #tpu.memory_space<vmem>>
      %dma_wait3A_372 = tpu.memref_squeeze %dma_wait3A_371 : memref<1x128xi32, #tpu.memory_space<vmem>> -> memref<128xi32, #tpu.memory_space<vmem>>
      %dma_wait3A_373 = arith.constant 0 : i32
      %dma_wait3A_374 = arith.constant 0 : i32
      %dma_wait3A_375 = tpu.memref_slice %arg14[%dma_wait3A_373, %dma_wait3A_374] : memref<10240x64xf32, #tpu.memory_space<vmem_shared>> -> memref<10240x64xf32, #tpu.memory_space<vmem_shared>>
      tpu.wait_indirect_dma semaphore(%arg24 : memref<!tpu.dma_semaphore, #tpu.memory_space<semaphore_mem>>) src(%arg13 : memref<128x64xf32, #tpu.memory_space<vmem>>) dst(%dma_wait3A_375 : memref<10240x64xf32, #tpu.memory_space<vmem_shared>>)
      %add3A_376 = arith.constant 5 : i32
      %add3A_377 = arith.addi %add3A_369, %add3A_376 : i32
      %dma_start3A_378 = arith.constant 0 : i32
      %dma_start3A_379 = tpu.memref_slice %arg7[%add3A_377, %dma_start3A_378] : memref<160x128xi32, #tpu.memory_space<vmem>> -> memref<1x128xi32, #tpu.memory_space<vmem>>
      %dma_start3A_380 = tpu.memref_squeeze %dma_start3A_379 : memref<1x128xi32, #tpu.memory_space<vmem>> -> memref<128xi32, #tpu.memory_space<vmem>>
      %dma_start3A_381 = arith.constant 0 : i32
      %dma_start3A_382 = arith.constant 0 : i32
      %dma_start3A_383 = tpu.memref_slice %arg2[%arg0, %dma_start3A_381, %dma_start3A_382] : memref<2x10240x64xf32, #tpu.memory_space<hbm>> -> memref<1x10240x64xf32, #tpu.memory_space<hbm>>
      %dma_start3A_384 = tpu.memref_squeeze %dma_start3A_383 : memref<1x10240x64xf32, #tpu.memory_space<hbm>> -> memref<10240x64xf32, #tpu.memory_space<hbm>>
      %dma_start3A_385 = arith.constant 0 : i32
      %dma_start3A_386 = arith.constant 0 : i32
      %dma_start3A_387 = tpu.memref_slice %dma_start3A_384[%dma_start3A_385, %dma_start3A_386] : memref<10240x64xf32, #tpu.memory_space<hbm>> -> memref<10240x64xf32, #tpu.memory_space<hbm>>
      tpu.enqueue_indirect_dma source(%dma_start3A_387 : memref<10240x64xf32, #tpu.memory_space<hbm>>) target(%arg13 : memref<128x64xf32, #tpu.memory_space<vmem>>) offsets(%dma_start3A_380 : memref<128xi32, #tpu.memory_space<vmem>>) semaphore(%arg19 : memref<!tpu.dma_semaphore, #tpu.memory_space<semaphore_mem>>)
    }
    %scan3A_64 = arith.constant 31 : i32
    %dma_wait3A = arith.constant 155 : i32
    %dma_wait3A_65 = arith.constant 0 : i32
    %dma_wait3A_66 = tpu.memref_slice %arg7[%dma_wait3A, %dma_wait3A_65] : memref<160x128xi32, #tpu.memory_space<vmem>> -> memref<1x128xi32, #tpu.memory_space<vmem>>
    %dma_wait3A_67 = tpu.memref_squeeze %dma_wait3A_66 : memref<1x128xi32, #tpu.memory_space<vmem>> -> memref<128xi32, #tpu.memory_space<vmem>>
    %dma_wait3A_68 = arith.constant 0 : i32
    %dma_wait3A_69 = arith.constant 0 : i32
    %dma_wait3A_70 = tpu.memref_slice %arg2[%arg0, %dma_wait3A_68, %dma_wait3A_69] : memref<2x10240x64xf32, #tpu.memory_space<hbm>> -> memref<1x10240x64xf32, #tpu.memory_space<hbm>>
    %dma_wait3A_71 = tpu.memref_squeeze %dma_wait3A_70 : memref<1x10240x64xf32, #tpu.memory_space<hbm>> -> memref<10240x64xf32, #tpu.memory_space<hbm>>
    %dma_wait3A_72 = arith.constant 0 : i32
    %dma_wait3A_73 = arith.constant 0 : i32
    %dma_wait3A_74 = tpu.memref_slice %dma_wait3A_71[%dma_wait3A_72, %dma_wait3A_73] : memref<10240x64xf32, #tpu.memory_space<hbm>> -> memref<10240x64xf32, #tpu.memory_space<hbm>>
    tpu.wait_indirect_dma semaphore(%arg15 : memref<!tpu.dma_semaphore, #tpu.memory_space<semaphore_mem>>) src(%dma_wait3A_74 : memref<10240x64xf32, #tpu.memory_space<hbm>>) dst(%arg9 : memref<128x64xf32, #tpu.memory_space<vmem>>)
    %dma_start3A_75 = arith.constant 155 : i32
    %dma_start3A_76 = arith.constant 0 : i32
    %dma_start3A_77 = tpu.memref_slice %arg8[%dma_start3A_75, %dma_start3A_76] : memref<160x128xi32, #tpu.memory_space<vmem>> -> memref<1x128xi32, #tpu.memory_space<vmem>>
    %dma_start3A_78 = tpu.memref_squeeze %dma_start3A_77 : memref<1x128xi32, #tpu.memory_space<vmem>> -> memref<128xi32, #tpu.memory_space<vmem>>
    %dma_start3A_79 = arith.constant 0 : i32
    %dma_start3A_80 = arith.constant 0 : i32
    %dma_start3A_81 = tpu.memref_slice %arg14[%dma_start3A_79, %dma_start3A_80] : memref<10240x64xf32, #tpu.memory_space<vmem_shared>> -> memref<10240x64xf32, #tpu.memory_space<vmem_shared>>
    tpu.enqueue_indirect_dma source(%arg9 : memref<128x64xf32, #tpu.memory_space<vmem>>) target(%dma_start3A_81 : memref<10240x64xf32, #tpu.memory_space<vmem_shared>>) offsets(%dma_start3A_78 : memref<128xi32, #tpu.memory_space<vmem>>) semaphore(%arg20 : memref<!tpu.dma_semaphore, #tpu.memory_space<semaphore_mem>>) {add = true}
    %dma_wait3A_82 = arith.constant 156 : i32
    %dma_wait3A_83 = arith.constant 0 : i32
    %dma_wait3A_84 = tpu.memref_slice %arg7[%dma_wait3A_82, %dma_wait3A_83] : memref<160x128xi32, #tpu.memory_space<vmem>> -> memref<1x128xi32, #tpu.memory_space<vmem>>
    %dma_wait3A_85 = tpu.memref_squeeze %dma_wait3A_84 : memref<1x128xi32, #tpu.memory_space<vmem>> -> memref<128xi32, #tpu.memory_space<vmem>>
    %dma_wait3A_86 = arith.constant 0 : i32
    %dma_wait3A_87 = arith.constant 0 : i32
    %dma_wait3A_88 = tpu.memref_slice %arg2[%arg0, %dma_wait3A_86, %dma_wait3A_87] : memref<2x10240x64xf32, #tpu.memory_space<hbm>> -> memref<1x10240x64xf32, #tpu.memory_space<hbm>>
    %dma_wait3A_89 = tpu.memref_squeeze %dma_wait3A_88 : memref<1x10240x64xf32, #tpu.memory_space<hbm>> -> memref<10240x64xf32, #tpu.memory_space<hbm>>
    %dma_wait3A_90 = arith.constant 0 : i32
    %dma_wait3A_91 = arith.constant 0 : i32
    %dma_wait3A_92 = tpu.memref_slice %dma_wait3A_89[%dma_wait3A_90, %dma_wait3A_91] : memref<10240x64xf32, #tpu.memory_space<hbm>> -> memref<10240x64xf32, #tpu.memory_space<hbm>>
    tpu.wait_indirect_dma semaphore(%arg16 : memref<!tpu.dma_semaphore, #tpu.memory_space<semaphore_mem>>) src(%dma_wait3A_92 : memref<10240x64xf32, #tpu.memory_space<hbm>>) dst(%arg10 : memref<128x64xf32, #tpu.memory_space<vmem>>)
    %dma_start3A_93 = arith.constant 156 : i32
    %dma_start3A_94 = arith.constant 0 : i32
    %dma_start3A_95 = tpu.memref_slice %arg8[%dma_start3A_93, %dma_start3A_94] : memref<160x128xi32, #tpu.memory_space<vmem>> -> memref<1x128xi32, #tpu.memory_space<vmem>>
    %dma_start3A_96 = tpu.memref_squeeze %dma_start3A_95 : memref<1x128xi32, #tpu.memory_space<vmem>> -> memref<128xi32, #tpu.memory_space<vmem>>
    %dma_start3A_97 = arith.constant 0 : i32
    %dma_start3A_98 = arith.constant 0 : i32
    %dma_start3A_99 = tpu.memref_slice %arg14[%dma_start3A_97, %dma_start3A_98] : memref<10240x64xf32, #tpu.memory_space<vmem_shared>> -> memref<10240x64xf32, #tpu.memory_space<vmem_shared>>
    tpu.enqueue_indirect_dma source(%arg10 : memref<128x64xf32, #tpu.memory_space<vmem>>) target(%dma_start3A_99 : memref<10240x64xf32, #tpu.memory_space<vmem_shared>>) offsets(%dma_start3A_96 : memref<128xi32, #tpu.memory_space<vmem>>) semaphore(%arg21 : memref<!tpu.dma_semaphore, #tpu.memory_space<semaphore_mem>>) {add = true}
    %dma_wait3A_100 = arith.constant 157 : i32
    %dma_wait3A_101 = arith.constant 0 : i32
    %dma_wait3A_102 = tpu.memref_slice %arg7[%dma_wait3A_100, %dma_wait3A_101] : memref<160x128xi32, #tpu.memory_space<vmem>> -> memref<1x128xi32, #tpu.memory_space<vmem>>
    %dma_wait3A_103 = tpu.memref_squeeze %dma_wait3A_102 : memref<1x128xi32, #tpu.memory_space<vmem>> -> memref<128xi32, #tpu.memory_space<vmem>>
    %dma_wait3A_104 = arith.constant 0 : i32
    %dma_wait3A_105 = arith.constant 0 : i32
    %dma_wait3A_106 = tpu.memref_slice %arg2[%arg0, %dma_wait3A_104, %dma_wait3A_105] : memref<2x10240x64xf32, #tpu.memory_space<hbm>> -> memref<1x10240x64xf32, #tpu.memory_space<hbm>>
    %dma_wait3A_107 = tpu.memref_squeeze %dma_wait3A_106 : memref<1x10240x64xf32, #tpu.memory_space<hbm>> -> memref<10240x64xf32, #tpu.memory_space<hbm>>
    %dma_wait3A_108 = arith.constant 0 : i32
    %dma_wait3A_109 = arith.constant 0 : i32
    %dma_wait3A_110 = tpu.memref_slice %dma_wait3A_107[%dma_wait3A_108, %dma_wait3A_109] : memref<10240x64xf32, #tpu.memory_space<hbm>> -> memref<10240x64xf32, #tpu.memory_space<hbm>>
    tpu.wait_indirect_dma semaphore(%arg17 : memref<!tpu.dma_semaphore, #tpu.memory_space<semaphore_mem>>) src(%dma_wait3A_110 : memref<10240x64xf32, #tpu.memory_space<hbm>>) dst(%arg11 : memref<128x64xf32, #tpu.memory_space<vmem>>)
    %dma_start3A_111 = arith.constant 157 : i32
    %dma_start3A_112 = arith.constant 0 : i32
    %dma_start3A_113 = tpu.memref_slice %arg8[%dma_start3A_111, %dma_start3A_112] : memref<160x128xi32, #tpu.memory_space<vmem>> -> memref<1x128xi32, #tpu.memory_space<vmem>>
    %dma_start3A_114 = tpu.memref_squeeze %dma_start3A_113 : memref<1x128xi32, #tpu.memory_space<vmem>> -> memref<128xi32, #tpu.memory_space<vmem>>
    %dma_start3A_115 = arith.constant 0 : i32
    %dma_start3A_116 = arith.constant 0 : i32
    %dma_start3A_117 = tpu.memref_slice %arg14[%dma_start3A_115, %dma_start3A_116] : memref<10240x64xf32, #tpu.memory_space<vmem_shared>> -> memref<10240x64xf32, #tpu.memory_space<vmem_shared>>
    tpu.enqueue_indirect_dma source(%arg11 : memref<128x64xf32, #tpu.memory_space<vmem>>) target(%dma_start3A_117 : memref<10240x64xf32, #tpu.memory_space<vmem_shared>>) offsets(%dma_start3A_114 : memref<128xi32, #tpu.memory_space<vmem>>) semaphore(%arg22 : memref<!tpu.dma_semaphore, #tpu.memory_space<semaphore_mem>>) {add = true}
    %dma_wait3A_118 = arith.constant 158 : i32
    %dma_wait3A_119 = arith.constant 0 : i32
    %dma_wait3A_120 = tpu.memref_slice %arg7[%dma_wait3A_118, %dma_wait3A_119] : memref<160x128xi32, #tpu.memory_space<vmem>> -> memref<1x128xi32, #tpu.memory_space<vmem>>
    %dma_wait3A_121 = tpu.memref_squeeze %dma_wait3A_120 : memref<1x128xi32, #tpu.memory_space<vmem>> -> memref<128xi32, #tpu.memory_space<vmem>>
    %dma_wait3A_122 = arith.constant 0 : i32
    %dma_wait3A_123 = arith.constant 0 : i32
    %dma_wait3A_124 = tpu.memref_slice %arg2[%arg0, %dma_wait3A_122, %dma_wait3A_123] : memref<2x10240x64xf32, #tpu.memory_space<hbm>> -> memref<1x10240x64xf32, #tpu.memory_space<hbm>>
    %dma_wait3A_125 = tpu.memref_squeeze %dma_wait3A_124 : memref<1x10240x64xf32, #tpu.memory_space<hbm>> -> memref<10240x64xf32, #tpu.memory_space<hbm>>
    %dma_wait3A_126 = arith.constant 0 : i32
    %dma_wait3A_127 = arith.constant 0 : i32
    %dma_wait3A_128 = tpu.memref_slice %dma_wait3A_125[%dma_wait3A_126, %dma_wait3A_127] : memref<10240x64xf32, #tpu.memory_space<hbm>> -> memref<10240x64xf32, #tpu.memory_space<hbm>>
    tpu.wait_indirect_dma semaphore(%arg18 : memref<!tpu.dma_semaphore, #tpu.memory_space<semaphore_mem>>) src(%dma_wait3A_128 : memref<10240x64xf32, #tpu.memory_space<hbm>>) dst(%arg12 : memref<128x64xf32, #tpu.memory_space<vmem>>)
    %dma_start3A_129 = arith.constant 158 : i32
    %dma_start3A_130 = arith.constant 0 : i32
    %dma_start3A_131 = tpu.memref_slice %arg8[%dma_start3A_129, %dma_start3A_130] : memref<160x128xi32, #tpu.memory_space<vmem>> -> memref<1x128xi32, #tpu.memory_space<vmem>>
    %dma_start3A_132 = tpu.memref_squeeze %dma_start3A_131 : memref<1x128xi32, #tpu.memory_space<vmem>> -> memref<128xi32, #tpu.memory_space<vmem>>
    %dma_start3A_133 = arith.constant 0 : i32
    %dma_start3A_134 = arith.constant 0 : i32
    %dma_start3A_135 = tpu.memref_slice %arg14[%dma_start3A_133, %dma_start3A_134] : memref<10240x64xf32, #tpu.memory_space<vmem_shared>> -> memref<10240x64xf32, #tpu.memory_space<vmem_shared>>
    tpu.enqueue_indirect_dma source(%arg12 : memref<128x64xf32, #tpu.memory_space<vmem>>) target(%dma_start3A_135 : memref<10240x64xf32, #tpu.memory_space<vmem_shared>>) offsets(%dma_start3A_132 : memref<128xi32, #tpu.memory_space<vmem>>) semaphore(%arg23 : memref<!tpu.dma_semaphore, #tpu.memory_space<semaphore_mem>>) {add = true}
    %dma_wait3A_136 = arith.constant 159 : i32
    %dma_wait3A_137 = arith.constant 0 : i32
    %dma_wait3A_138 = tpu.memref_slice %arg7[%dma_wait3A_136, %dma_wait3A_137] : memref<160x128xi32, #tpu.memory_space<vmem>> -> memref<1x128xi32, #tpu.memory_space<vmem>>
    %dma_wait3A_139 = tpu.memref_squeeze %dma_wait3A_138 : memref<1x128xi32, #tpu.memory_space<vmem>> -> memref<128xi32, #tpu.memory_space<vmem>>
    %dma_wait3A_140 = arith.constant 0 : i32
    %dma_wait3A_141 = arith.constant 0 : i32
    %dma_wait3A_142 = tpu.memref_slice %arg2[%arg0, %dma_wait3A_140, %dma_wait3A_141] : memref<2x10240x64xf32, #tpu.memory_space<hbm>> -> memref<1x10240x64xf32, #tpu.memory_space<hbm>>
    %dma_wait3A_143 = tpu.memref_squeeze %dma_wait3A_142 : memref<1x10240x64xf32, #tpu.memory_space<hbm>> -> memref<10240x64xf32, #tpu.memory_space<hbm>>
    %dma_wait3A_144 = arith.constant 0 : i32
    %dma_wait3A_145 = arith.constant 0 : i32
    %dma_wait3A_146 = tpu.memref_slice %dma_wait3A_143[%dma_wait3A_144, %dma_wait3A_145] : memref<10240x64xf32, #tpu.memory_space<hbm>> -> memref<10240x64xf32, #tpu.memory_space<hbm>>
    tpu.wait_indirect_dma semaphore(%arg19 : memref<!tpu.dma_semaphore, #tpu.memory_space<semaphore_mem>>) src(%dma_wait3A_146 : memref<10240x64xf32, #tpu.memory_space<hbm>>) dst(%arg13 : memref<128x64xf32, #tpu.memory_space<vmem>>)
    %dma_start3A_147 = arith.constant 159 : i32
    %dma_start3A_148 = arith.constant 0 : i32
    %dma_start3A_149 = tpu.memref_slice %arg8[%dma_start3A_147, %dma_start3A_148] : memref<160x128xi32, #tpu.memory_space<vmem>> -> memref<1x128xi32, #tpu.memory_space<vmem>>
    %dma_start3A_150 = tpu.memref_squeeze %dma_start3A_149 : memref<1x128xi32, #tpu.memory_space<vmem>> -> memref<128xi32, #tpu.memory_space<vmem>>
    %dma_start3A_151 = arith.constant 0 : i32
    %dma_start3A_152 = arith.constant 0 : i32
    %dma_start3A_153 = tpu.memref_slice %arg14[%dma_start3A_151, %dma_start3A_152] : memref<10240x64xf32, #tpu.memory_space<vmem_shared>> -> memref<10240x64xf32, #tpu.memory_space<vmem_shared>>
    tpu.enqueue_indirect_dma source(%arg13 : memref<128x64xf32, #tpu.memory_space<vmem>>) target(%dma_start3A_153 : memref<10240x64xf32, #tpu.memory_space<vmem_shared>>) offsets(%dma_start3A_150 : memref<128xi32, #tpu.memory_space<vmem>>) semaphore(%arg24 : memref<!tpu.dma_semaphore, #tpu.memory_space<semaphore_mem>>) {add = true}
    %dma_wait3A_154 = arith.constant 155 : i32
    %dma_wait3A_155 = arith.constant 0 : i32
    %dma_wait3A_156 = tpu.memref_slice %arg8[%dma_wait3A_154, %dma_wait3A_155] : memref<160x128xi32, #tpu.memory_space<vmem>> -> memref<1x128xi32, #tpu.memory_space<vmem>>
    %dma_wait3A_157 = tpu.memref_squeeze %dma_wait3A_156 : memref<1x128xi32, #tpu.memory_space<vmem>> -> memref<128xi32, #tpu.memory_space<vmem>>
    %dma_wait3A_158 = arith.constant 0 : i32
    %dma_wait3A_159 = arith.constant 0 : i32
    %dma_wait3A_160 = tpu.memref_slice %arg14[%dma_wait3A_158, %dma_wait3A_159] : memref<10240x64xf32, #tpu.memory_space<vmem_shared>> -> memref<10240x64xf32, #tpu.memory_space<vmem_shared>>
    tpu.wait_indirect_dma semaphore(%arg20 : memref<!tpu.dma_semaphore, #tpu.memory_space<semaphore_mem>>) src(%arg9 : memref<128x64xf32, #tpu.memory_space<vmem>>) dst(%dma_wait3A_160 : memref<10240x64xf32, #tpu.memory_space<vmem_shared>>)
    %dma_wait3A_161 = arith.constant 156 : i32
    %dma_wait3A_162 = arith.constant 0 : i32
    %dma_wait3A_163 = tpu.memref_slice %arg8[%dma_wait3A_161, %dma_wait3A_162] : memref<160x128xi32, #tpu.memory_space<vmem>> -> memref<1x128xi32, #tpu.memory_space<vmem>>
    %dma_wait3A_164 = tpu.memref_squeeze %dma_wait3A_163 : memref<1x128xi32, #tpu.memory_space<vmem>> -> memref<128xi32, #tpu.memory_space<vmem>>
    %dma_wait3A_165 = arith.constant 0 : i32
    %dma_wait3A_166 = arith.constant 0 : i32
    %dma_wait3A_167 = tpu.memref_slice %arg14[%dma_wait3A_165, %dma_wait3A_166] : memref<10240x64xf32, #tpu.memory_space<vmem_shared>> -> memref<10240x64xf32, #tpu.memory_space<vmem_shared>>
    tpu.wait_indirect_dma semaphore(%arg21 : memref<!tpu.dma_semaphore, #tpu.memory_space<semaphore_mem>>) src(%arg10 : memref<128x64xf32, #tpu.memory_space<vmem>>) dst(%dma_wait3A_167 : memref<10240x64xf32, #tpu.memory_space<vmem_shared>>)
    %dma_wait3A_168 = arith.constant 157 : i32
    %dma_wait3A_169 = arith.constant 0 : i32
    %dma_wait3A_170 = tpu.memref_slice %arg8[%dma_wait3A_168, %dma_wait3A_169] : memref<160x128xi32, #tpu.memory_space<vmem>> -> memref<1x128xi32, #tpu.memory_space<vmem>>
    %dma_wait3A_171 = tpu.memref_squeeze %dma_wait3A_170 : memref<1x128xi32, #tpu.memory_space<vmem>> -> memref<128xi32, #tpu.memory_space<vmem>>
    %dma_wait3A_172 = arith.constant 0 : i32
    %dma_wait3A_173 = arith.constant 0 : i32
    %dma_wait3A_174 = tpu.memref_slice %arg14[%dma_wait3A_172, %dma_wait3A_173] : memref<10240x64xf32, #tpu.memory_space<vmem_shared>> -> memref<10240x64xf32, #tpu.memory_space<vmem_shared>>
    tpu.wait_indirect_dma semaphore(%arg22 : memref<!tpu.dma_semaphore, #tpu.memory_space<semaphore_mem>>) src(%arg11 : memref<128x64xf32, #tpu.memory_space<vmem>>) dst(%dma_wait3A_174 : memref<10240x64xf32, #tpu.memory_space<vmem_shared>>)
    %dma_wait3A_175 = arith.constant 158 : i32
    %dma_wait3A_176 = arith.constant 0 : i32
    %dma_wait3A_177 = tpu.memref_slice %arg8[%dma_wait3A_175, %dma_wait3A_176] : memref<160x128xi32, #tpu.memory_space<vmem>> -> memref<1x128xi32, #tpu.memory_space<vmem>>
    %dma_wait3A_178 = tpu.memref_squeeze %dma_wait3A_177 : memref<1x128xi32, #tpu.memory_space<vmem>> -> memref<128xi32, #tpu.memory_space<vmem>>
    %dma_wait3A_179 = arith.constant 0 : i32
    %dma_wait3A_180 = arith.constant 0 : i32
    %dma_wait3A_181 = tpu.memref_slice %arg14[%dma_wait3A_179, %dma_wait3A_180] : memref<10240x64xf32, #tpu.memory_space<vmem_shared>> -> memref<10240x64xf32, #tpu.memory_space<vmem_shared>>
    tpu.wait_indirect_dma semaphore(%arg23 : memref<!tpu.dma_semaphore, #tpu.memory_space<semaphore_mem>>) src(%arg12 : memref<128x64xf32, #tpu.memory_space<vmem>>) dst(%dma_wait3A_181 : memref<10240x64xf32, #tpu.memory_space<vmem_shared>>)
    %dma_wait3A_182 = arith.constant 159 : i32
    %dma_wait3A_183 = arith.constant 0 : i32
    %dma_wait3A_184 = tpu.memref_slice %arg8[%dma_wait3A_182, %dma_wait3A_183] : memref<160x128xi32, #tpu.memory_space<vmem>> -> memref<1x128xi32, #tpu.memory_space<vmem>>
    %dma_wait3A_185 = tpu.memref_squeeze %dma_wait3A_184 : memref<1x128xi32, #tpu.memory_space<vmem>> -> memref<128xi32, #tpu.memory_space<vmem>>
    %dma_wait3A_186 = arith.constant 0 : i32
    %dma_wait3A_187 = arith.constant 0 : i32
    %dma_wait3A_188 = tpu.memref_slice %arg14[%dma_wait3A_186, %dma_wait3A_187] : memref<10240x64xf32, #tpu.memory_space<vmem_shared>> -> memref<10240x64xf32, #tpu.memory_space<vmem_shared>>
    tpu.wait_indirect_dma semaphore(%arg24 : memref<!tpu.dma_semaphore, #tpu.memory_space<semaphore_mem>>) src(%arg13 : memref<128x64xf32, #tpu.memory_space<vmem>>) dst(%dma_wait3A_188 : memref<10240x64xf32, #tpu.memory_space<vmem_shared>>)
    %barrier3A_189 = arith.constant 0 : index
    tpu.barrier barrier_id(%barrier3A_189)
    %mul3A_190 = arith.constant 640 : i32
    %mul3A_191 = arith.muli %arg1, %mul3A_190 : i32
    %mul3A_192 = arith.constant 640 : i32
    %mul3A_193 = arith.muli %arg1, %mul3A_192 : i32
    "tpu.region"() ({
      %run_scoped3A = tpu.sem_alloc : memref<!tpu.dma_semaphore, #tpu.memory_space<semaphore_mem>>
      %dma_start3A_194 = arith.constant 0 : i32
      %dma_start3A_195 = tpu.memref_slice %arg6[%arg0, %mul3A_193, %dma_start3A_194] : memref<2x10240x64xf32, #tpu.memory_space<hbm>> -> memref<1x640x64xf32, #tpu.memory_space<hbm>>
      %dma_start3A_196 = tpu.memref_squeeze %dma_start3A_195 : memref<1x640x64xf32, #tpu.memory_space<hbm>> -> memref<640x64xf32, #tpu.memory_space<hbm>>
      %dma_start3A_197 = arith.constant 0 : i32
      %dma_start3A_198 = tpu.memref_slice %arg14[%mul3A_191, %dma_start3A_197] : memref<10240x64xf32, #tpu.memory_space<vmem_shared>> -> memref<640x64xf32, #tpu.memory_space<vmem_shared>>
      tpu.enqueue_dma source(%dma_start3A_198 : memref<640x64xf32, #tpu.memory_space<vmem_shared>>) target(%dma_start3A_196 : memref<640x64xf32, #tpu.memory_space<hbm>>) target_semaphore(%run_scoped3A : memref<!tpu.dma_semaphore, #tpu.memory_space<semaphore_mem>>)
      %dma_wait3A_199 = arith.constant 0 : i32
      %dma_wait3A_200 = tpu.memref_slice %arg6[%arg0, %mul3A_193, %dma_wait3A_199] : memref<2x10240x64xf32, #tpu.memory_space<hbm>> -> memref<1x640x64xf32, #tpu.memory_space<hbm>>
      %dma_wait3A_201 = tpu.memref_squeeze %dma_wait3A_200 : memref<1x640x64xf32, #tpu.memory_space<hbm>> -> memref<640x64xf32, #tpu.memory_space<hbm>>
      %dma_wait3A_202 = arith.constant 0 : i32
      %dma_wait3A_203 = tpu.memref_slice %arg14[%mul3A_191, %dma_wait3A_202] : memref<10240x64xf32, #tpu.memory_space<vmem_shared>> -> memref<640x64xf32, #tpu.memory_space<vmem_shared>>
      tpu.wait_dma2 semaphore(%run_scoped3A : memref<!tpu.dma_semaphore, #tpu.memory_space<semaphore_mem>>) src(%dma_wait3A_203 : memref<640x64xf32, #tpu.memory_space<vmem_shared>>) dst(%dma_wait3A_201 : memref<640x64xf32, #tpu.memory_space<hbm>>)
      tpu.yield
    }) : () -> ()
    return
  }
}

module attributes {stable_mosaic.version = 14 : i64} {
  func.func @body(%arg0: memref<10240x128xf32, #tpu.memory_space<vmem>>, %arg1: memref<128x128xf32, #tpu.memory_space<vmem>>, %arg2: memref<10240x128xf32, #tpu.memory_space<vmem>>) attributes {dimension_semantics = [], scalar_prefetch = 0 : i64, scratch_operands = 0 : i64, tpu.core_type = #tpu.core_type<tc>} {
    %get3A = arith.constant 0 : index
    %get3A_0 = arith.constant 0 : index
    %get3A_1 = vector.load %arg0[%get3A, %get3A_0] : memref<10240x128xf32, #tpu.memory_space<vmem>>, vector<10240x128xf32>
    %get3A_2 = arith.constant 0 : index
    %get3A_3 = arith.constant 0 : index
    %get3A_4 = vector.load %arg1[%get3A_2, %get3A_3] : memref<128x128xf32, #tpu.memory_space<vmem>>, vector<128x128xf32>
    %dot_general3A = arith.constant dense<0.000000e+00> : vector<10240x128xf32>
    %dot_general3A_5 = tpu.matmul %get3A_1, %get3A_4, %dot_general3A {dimension_numbers = #tpu.dot_dimension_numbers<[1], [0], [0], [1], [0, 0, 1, 1], [], []>, precision = #tpu.contract_precision<fp32>, transpose_lhs_hint = false} : vector<10240x128xf32>, vector<128x128xf32>, vector<10240x128xf32> -> vector<10240x128xf32>
    %swap3A = arith.constant 0 : index
    %swap3A_6 = arith.constant 0 : index
    %swap3A_7 = vector.load %arg2[%swap3A, %swap3A_6] : memref<10240x128xf32, #tpu.memory_space<vmem>>, vector<10240x128xf32>
    tpu.vector_store %arg2[%swap3A, %swap3A_6], %dot_general3A_5 {strides = array<i32>} : memref<10240x128xf32, #tpu.memory_space<vmem>>, vector<10240x128xf32>,
    return
  }
}

module attributes {stable_mosaic.version = 14 : i64} {
  func.func @body(%arg0: i32, %arg1: memref<2048x128xf32, #tpu.memory_space<vmem>>, %arg2: memref<2048x32xf32, #tpu.memory_space<vmem>>, %arg3: memref<2x2048x64xf32, #tpu.memory_space<vmem>>) attributes {dimension_semantics = [#tpu.dimension_semantics<arbitrary>], iteration_bounds = array<i64: 5>, scalar_prefetch = 0 : i64, scratch_operands = 0 : i64, tpu.core_type = #tpu.core_type<tc>, window_params = [{transform_indices = @transform_0, window_bounds = array<i64: 2048, 128>}, {transform_indices = @transform_1, window_bounds = array<i64: 2048, 32>}, {transform_indices = @transform_2, window_bounds = array<i64: 2, 2048, 64>}]} {
    %get3A = arith.constant 0 : index
    %get3A_0 = arith.constant 0 : index
    %get3A_1 = vector.load %arg1[%get3A, %get3A_0] : memref<2048x128xf32, #tpu.memory_space<vmem>>, vector<2048x128xf32>
    %get3A_2 = arith.constant 0 : index
    %get3A_3 = arith.constant 0 : index
    %get3A_4 = vector.load %arg2[%get3A_2, %get3A_3] : memref<2048x32xf32, #tpu.memory_space<vmem>>, vector<2048x32xf32>
    %reduce_sum3A = arith.constant dense<0.000000e+00> : vector<2048xf32>
    %reduce_sum3A_5 = vector.multi_reduction <add>, %get3A_4, %reduce_sum3A [1] : vector<2048x32xf32> to vector<2048xf32>
    %broadcast_in_dim3A = vector.shape_cast %reduce_sum3A_5 : vector<2048xf32> to vector<2048x1xf32>
    %add3A = arith.constant 1.000000e+00 : f32
    %add3A_6 = vector.broadcast %add3A : f32 to vector<2048x1xf32>
    %add3A_7 = arith.addf %add3A_6, %broadcast_in_dim3A : vector<2048x1xf32>
    %sqrt3A = math.sqrt %add3A_7 : vector<2048x1xf32>
    %div3A = arith.constant 1.000000e+00 : f32
    %div3A_8 = vector.broadcast %div3A : f32 to vector<2048x1xf32>
    %div3A_9 = arith.divf %div3A_8, %sqrt3A : vector<2048x1xf32>
    %mul3A = vector.broadcast %div3A_9 : vector<2048x1xf32> to vector<2048x128xf32>
    %mul3A_10 = arith.mulf %get3A_1, %mul3A : vector<2048x128xf32>
    %slice3A = vector.extract_strided_slice %mul3A_10 {offsets = [0, 0], sizes = [2048, 64], strides = [1, 1]} : vector<2048x128xf32> to vector<2048x64xf32>
    %swap3A = arith.constant 0 : index
    %swap3A_11 = arith.constant 0 : index
    %swap3A_12 = arith.constant 0 : index
    %swap3A_13 = vector.load %arg3[%swap3A, %swap3A_11, %swap3A_12] : memref<2x2048x64xf32, #tpu.memory_space<vmem>>, vector<1x2048x64xf32>
    %swap3A_14 = vector.shape_cast %swap3A_13 : vector<1x2048x64xf32> to vector<2048x64xf32>
    %swap3A_15 = vector.shape_cast %slice3A : vector<2048x64xf32> to vector<1x2048x64xf32>
    tpu.vector_store %arg3[%swap3A, %swap3A_11, %swap3A_12], %swap3A_15 {strides = array<i32>} : memref<2x2048x64xf32, #tpu.memory_space<vmem>>, vector<1x2048x64xf32>,
    %slice3A_16 = vector.extract_strided_slice %mul3A_10 {offsets = [0, 64], sizes = [2048, 64], strides = [1, 1]} : vector<2048x128xf32> to vector<2048x64xf32>
    %swap3A_17 = arith.constant 1 : index
    %swap3A_18 = arith.constant 0 : index
    %swap3A_19 = arith.constant 0 : index
    %swap3A_20 = vector.load %arg3[%swap3A_17, %swap3A_18, %swap3A_19] : memref<2x2048x64xf32, #tpu.memory_space<vmem>>, vector<1x2048x64xf32>
    %swap3A_21 = vector.shape_cast %swap3A_20 : vector<1x2048x64xf32> to vector<2048x64xf32>
    %swap3A_22 = vector.shape_cast %slice3A_16 : vector<2048x64xf32> to vector<1x2048x64xf32>
    tpu.vector_store %arg3[%swap3A_17, %swap3A_18, %swap3A_19], %swap3A_22 {strides = array<i32>} : memref<2x2048x64xf32, #tpu.memory_space<vmem>>, vector<1x2048x64xf32>,
    return
  }
  func.func @transform_0(%arg0: i32) -> (i32, i32) {
    %c0_i32 = arith.constant 0 : i32
    %c0_i32_0 = arith.constant 0 : i32
    return %arg0, %c0_i32 : i32, i32
  }
  func.func @transform_1(%arg0: i32) -> (i32, i32) {
    %c0_i32 = arith.constant 0 : i32
    %c0_i32_0 = arith.constant 0 : i32
    return %arg0, %c0_i32 : i32, i32
  }
  func.func @transform_2(%arg0: i32) -> (i32, i32, i32) {
    %c0_i32 = arith.constant 0 : i32
    %c0_i32_0 = arith.constant 0 : i32
    %c0_i32_1 = arith.constant 0 : i32
    return %c0_i32, %arg0, %c0_i32_0 : i32, i32, i32
  }
}

module attributes {stable_mosaic.version = 14 : i64} {
  func.func @body(%arg0: i32, %arg1: memref<2x2048x64xf32, #tpu.memory_space<vmem>>, %arg2: memref<2x2048x64xf32, #tpu.memory_space<vmem>>, %arg3: memref<2048x32xf32, #tpu.memory_space<vmem>>, %arg4: memref<1x128xf32, #tpu.memory_space<vmem>>, %arg5: memref<128x128xf32, #tpu.memory_space<vmem>>, %arg6: memref<2x2048x64xf32, #tpu.memory_space<vmem>>) attributes {dimension_semantics = [#tpu.dimension_semantics<arbitrary>], iteration_bounds = array<i64: 5>, scalar_prefetch = 0 : i64, scratch_operands = 0 : i64, tpu.core_type = #tpu.core_type<tc>, window_params = [{transform_indices = @transform_0, window_bounds = array<i64: 2, 2048, 64>}, {transform_indices = @transform_1, window_bounds = array<i64: 2, 2048, 64>}, {transform_indices = @transform_2, window_bounds = array<i64: 2048, 32>}, {pipeline_mode = #tpu.pipeline_mode<synchronous>, transform_indices = @transform_3, window_bounds = array<i64: 1, 128>}, {pipeline_mode = #tpu.pipeline_mode<synchronous>, transform_indices = @transform_4, window_bounds = array<i64: 128, 128>}, {transform_indices = @transform_5, window_bounds = array<i64: 2, 2048, 64>}]} {
    %get3A = arith.constant 0 : index
    %get3A_0 = arith.constant 0 : index
    %get3A_1 = vector.load %arg3[%get3A, %get3A_0] : memref<2048x32xf32, #tpu.memory_space<vmem>>, vector<2048x32xf32>
    %reduce_sum3A = arith.constant dense<0.000000e+00> : vector<2048xf32>
    %reduce_sum3A_2 = vector.multi_reduction <add>, %get3A_1, %reduce_sum3A [1] : vector<2048x32xf32> to vector<2048xf32>
    %broadcast_in_dim3A = vector.shape_cast %reduce_sum3A_2 : vector<2048xf32> to vector<2048x1xf32>
    %add3A = arith.constant 1.000000e+00 : f32
    %add3A_3 = vector.broadcast %add3A : f32 to vector<2048x1xf32>
    %add3A_4 = arith.addf %add3A_3, %broadcast_in_dim3A : vector<2048x1xf32>
    %sqrt3A = math.sqrt %add3A_4 : vector<2048x1xf32>
    %div3A = arith.constant 1.000000e+00 : f32
    %div3A_5 = vector.broadcast %div3A : f32 to vector<2048x1xf32>
    %div3A_6 = arith.divf %div3A_5, %sqrt3A : vector<2048x1xf32>
    %get3A_7 = arith.constant 0 : index
    %get3A_8 = arith.constant 0 : index
    %get3A_9 = arith.constant 0 : index
    %get3A_10 = vector.load %arg1[%get3A_7, %get3A_8, %get3A_9] : memref<2x2048x64xf32, #tpu.memory_space<vmem>>, vector<1x2048x64xf32>
    %get3A_11 = vector.shape_cast %get3A_10 : vector<1x2048x64xf32> to vector<2048x64xf32>
    %get3A_12 = arith.constant 1 : index
    %get3A_13 = arith.constant 0 : index
    %get3A_14 = arith.constant 0 : index
    %get3A_15 = vector.load %arg1[%get3A_12, %get3A_13, %get3A_14] : memref<2x2048x64xf32, #tpu.memory_space<vmem>>, vector<1x2048x64xf32>
    %get3A_16 = vector.shape_cast %get3A_15 : vector<1x2048x64xf32> to vector<2048x64xf32>
    %concatenate3A = tpu.concatenate %get3A_11, %get3A_16 in 1 : vector<2048x64xf32>, vector<2048x64xf32> -> vector<2048x128xf32>
    %get3A_17 = arith.constant 0 : index
    %get3A_18 = arith.constant 0 : index
    %get3A_19 = arith.constant 0 : index
    %get3A_20 = vector.load %arg2[%get3A_17, %get3A_18, %get3A_19] : memref<2x2048x64xf32, #tpu.memory_space<vmem>>, vector<1x2048x64xf32>
    %get3A_21 = vector.shape_cast %get3A_20 : vector<1x2048x64xf32> to vector<2048x64xf32>
    %get3A_22 = arith.constant 1 : index
    %get3A_23 = arith.constant 0 : index
    %get3A_24 = arith.constant 0 : index
    %get3A_25 = vector.load %arg2[%get3A_22, %get3A_23, %get3A_24] : memref<2x2048x64xf32, #tpu.memory_space<vmem>>, vector<1x2048x64xf32>
    %get3A_26 = vector.shape_cast %get3A_25 : vector<1x2048x64xf32> to vector<2048x64xf32>
    %concatenate3A_27 = tpu.concatenate %get3A_21, %get3A_26 in 1 : vector<2048x64xf32>, vector<2048x64xf32> -> vector<2048x128xf32>
    %add3A_28 = arith.addf %concatenate3A, %concatenate3A_27 : vector<2048x128xf32>
    %mul3A = vector.broadcast %div3A_6 : vector<2048x1xf32> to vector<2048x128xf32>
    %mul3A_29 = arith.mulf %mul3A, %add3A_28 : vector<2048x128xf32>
    %get3A_30 = arith.constant 0 : index
    %get3A_31 = arith.constant 0 : index
    %get3A_32 = vector.load %arg4[%get3A_30, %get3A_31] : memref<1x128xf32, #tpu.memory_space<vmem>>, vector<1x128xf32>
    %add3A_33 = vector.broadcast %get3A_32 : vector<1x128xf32> to vector<2048x128xf32>
    %add3A_34 = arith.addf %mul3A_29, %add3A_33 : vector<2048x128xf32>
    %max3A = arith.constant 0.000000e+00 : f32
    %max3A_35 = vector.broadcast %max3A : f32 to vector<2048x128xf32>
    %max3A_36 = arith.maximumf %add3A_34, %max3A_35 : vector<2048x128xf32>
    %get3A_37 = arith.constant 0 : index
    %get3A_38 = arith.constant 0 : index
    %get3A_39 = vector.load %arg5[%get3A_37, %get3A_38] : memref<128x128xf32, #tpu.memory_space<vmem>>, vector<128x128xf32>
    %dot_general3A = arith.constant dense<0.000000e+00> : vector<2048x128xf32>
    %dot_general3A_40 = tpu.matmul %max3A_36, %get3A_39, %dot_general3A {dimension_numbers = #tpu.dot_dimension_numbers<[1], [0], [0], [1], [0, 0, 1, 1], [], []>, precision = #tpu.contract_precision<fp32>, transpose_lhs_hint = false} : vector<2048x128xf32>, vector<128x128xf32>, vector<2048x128xf32> -> vector<2048x128xf32>
    %mul3A_41 = vector.broadcast %div3A_6 : vector<2048x1xf32> to vector<2048x128xf32>
    %mul3A_42 = arith.mulf %dot_general3A_40, %mul3A_41 : vector<2048x128xf32>
    %slice3A = vector.extract_strided_slice %mul3A_42 {offsets = [0, 0], sizes = [2048, 64], strides = [1, 1]} : vector<2048x128xf32> to vector<2048x64xf32>
    %swap3A = arith.constant 0 : index
    %swap3A_43 = arith.constant 0 : index
    %swap3A_44 = arith.constant 0 : index
    %swap3A_45 = vector.load %arg6[%swap3A, %swap3A_43, %swap3A_44] : memref<2x2048x64xf32, #tpu.memory_space<vmem>>, vector<1x2048x64xf32>
    %swap3A_46 = vector.shape_cast %swap3A_45 : vector<1x2048x64xf32> to vector<2048x64xf32>
    %swap3A_47 = vector.shape_cast %slice3A : vector<2048x64xf32> to vector<1x2048x64xf32>
    tpu.vector_store %arg6[%swap3A, %swap3A_43, %swap3A_44], %swap3A_47 {strides = array<i32>} : memref<2x2048x64xf32, #tpu.memory_space<vmem>>, vector<1x2048x64xf32>,
    %slice3A_48 = vector.extract_strided_slice %mul3A_42 {offsets = [0, 64], sizes = [2048, 64], strides = [1, 1]} : vector<2048x128xf32> to vector<2048x64xf32>
    %swap3A_49 = arith.constant 1 : index
    %swap3A_50 = arith.constant 0 : index
    %swap3A_51 = arith.constant 0 : index
    %swap3A_52 = vector.load %arg6[%swap3A_49, %swap3A_50, %swap3A_51] : memref<2x2048x64xf32, #tpu.memory_space<vmem>>, vector<1x2048x64xf32>
    %swap3A_53 = vector.shape_cast %swap3A_52 : vector<1x2048x64xf32> to vector<2048x64xf32>
    %swap3A_54 = vector.shape_cast %slice3A_48 : vector<2048x64xf32> to vector<1x2048x64xf32>
    tpu.vector_store %arg6[%swap3A_49, %swap3A_50, %swap3A_51], %swap3A_54 {strides = array<i32>} : memref<2x2048x64xf32, #tpu.memory_space<vmem>>, vector<1x2048x64xf32>,
    return
  }
  func.func @transform_0(%arg0: i32) -> (i32, i32, i32) {
    %c0_i32 = arith.constant 0 : i32
    %c0_i32_0 = arith.constant 0 : i32
    %c0_i32_1 = arith.constant 0 : i32
    return %c0_i32, %arg0, %c0_i32_0 : i32, i32, i32
  }
  func.func @transform_1(%arg0: i32) -> (i32, i32, i32) {
    %c0_i32 = arith.constant 0 : i32
    %c0_i32_0 = arith.constant 0 : i32
    %c0_i32_1 = arith.constant 0 : i32
    return %c0_i32, %arg0, %c0_i32_0 : i32, i32, i32
  }
  func.func @transform_2(%arg0: i32) -> (i32, i32) {
    %c0_i32 = arith.constant 0 : i32
    %c0_i32_0 = arith.constant 0 : i32
    return %arg0, %c0_i32 : i32, i32
  }
  func.func @transform_3(%arg0: i32) -> (i32, i32) {
    %c0_i32 = arith.constant 0 : i32
    %c0_i32_0 = arith.constant 0 : i32
    %c0_i32_1 = arith.constant 0 : i32
    return %c0_i32, %c0_i32_0 : i32, i32
  }
  func.func @transform_4(%arg0: i32) -> (i32, i32) {
    %c0_i32 = arith.constant 0 : i32
    %c0_i32_0 = arith.constant 0 : i32
    %c0_i32_1 = arith.constant 0 : i32
    return %c0_i32, %c0_i32_0 : i32, i32
  }
  func.func @transform_5(%arg0: i32) -> (i32, i32, i32) {
    %c0_i32 = arith.constant 0 : i32
    %c0_i32_0 = arith.constant 0 : i32
    %c0_i32_1 = arith.constant 0 : i32
    return %c0_i32, %arg0, %c0_i32_0 : i32, i32, i32
  }
}

module attributes {stable_mosaic.version = 14 : i64} {
  func.func @body(%arg0: i32, %arg1: memref<2x2048x64xf32, #tpu.memory_space<vmem>>, %arg2: memref<2x2048x64xf32, #tpu.memory_space<vmem>>, %arg3: memref<2048x32xf32, #tpu.memory_space<vmem>>, %arg4: memref<1x128xf32, #tpu.memory_space<vmem>>, %arg5: memref<2048x128xf32, #tpu.memory_space<vmem>>) attributes {dimension_semantics = [#tpu.dimension_semantics<arbitrary>], iteration_bounds = array<i64: 5>, scalar_prefetch = 0 : i64, scratch_operands = 0 : i64, tpu.core_type = #tpu.core_type<tc>, window_params = [{transform_indices = @transform_0, window_bounds = array<i64: 2, 2048, 64>}, {transform_indices = @transform_1, window_bounds = array<i64: 2, 2048, 64>}, {transform_indices = @transform_2, window_bounds = array<i64: 2048, 32>}, {pipeline_mode = #tpu.pipeline_mode<synchronous>, transform_indices = @transform_3, window_bounds = array<i64: 1, 128>}, {transform_indices = @transform_4, window_bounds = array<i64: 2048, 128>}]} {
    %get3A = arith.constant 0 : index
    %get3A_0 = arith.constant 0 : index
    %get3A_1 = vector.load %arg3[%get3A, %get3A_0] : memref<2048x32xf32, #tpu.memory_space<vmem>>, vector<2048x32xf32>
    %reduce_sum3A = arith.constant dense<0.000000e+00> : vector<2048xf32>
    %reduce_sum3A_2 = vector.multi_reduction <add>, %get3A_1, %reduce_sum3A [1] : vector<2048x32xf32> to vector<2048xf32>
    %broadcast_in_dim3A = vector.shape_cast %reduce_sum3A_2 : vector<2048xf32> to vector<2048x1xf32>
    %add3A = arith.constant 1.000000e+00 : f32
    %add3A_3 = vector.broadcast %add3A : f32 to vector<2048x1xf32>
    %add3A_4 = arith.addf %add3A_3, %broadcast_in_dim3A : vector<2048x1xf32>
    %sqrt3A = math.sqrt %add3A_4 : vector<2048x1xf32>
    %div3A = arith.constant 1.000000e+00 : f32
    %div3A_5 = vector.broadcast %div3A : f32 to vector<2048x1xf32>
    %div3A_6 = arith.divf %div3A_5, %sqrt3A : vector<2048x1xf32>
    %get3A_7 = arith.constant 0 : index
    %get3A_8 = arith.constant 0 : index
    %get3A_9 = arith.constant 0 : index
    %get3A_10 = vector.load %arg1[%get3A_7, %get3A_8, %get3A_9] : memref<2x2048x64xf32, #tpu.memory_space<vmem>>, vector<1x2048x64xf32>
    %get3A_11 = vector.shape_cast %get3A_10 : vector<1x2048x64xf32> to vector<2048x64xf32>
    %get3A_12 = arith.constant 1 : index
    %get3A_13 = arith.constant 0 : index
    %get3A_14 = arith.constant 0 : index
    %get3A_15 = vector.load %arg1[%get3A_12, %get3A_13, %get3A_14] : memref<2x2048x64xf32, #tpu.memory_space<vmem>>, vector<1x2048x64xf32>
    %get3A_16 = vector.shape_cast %get3A_15 : vector<1x2048x64xf32> to vector<2048x64xf32>
    %concatenate3A = tpu.concatenate %get3A_11, %get3A_16 in 1 : vector<2048x64xf32>, vector<2048x64xf32> -> vector<2048x128xf32>
    %get3A_17 = arith.constant 0 : index
    %get3A_18 = arith.constant 0 : index
    %get3A_19 = arith.constant 0 : index
    %get3A_20 = vector.load %arg2[%get3A_17, %get3A_18, %get3A_19] : memref<2x2048x64xf32, #tpu.memory_space<vmem>>, vector<1x2048x64xf32>
    %get3A_21 = vector.shape_cast %get3A_20 : vector<1x2048x64xf32> to vector<2048x64xf32>
    %get3A_22 = arith.constant 1 : index
    %get3A_23 = arith.constant 0 : index
    %get3A_24 = arith.constant 0 : index
    %get3A_25 = vector.load %arg2[%get3A_22, %get3A_23, %get3A_24] : memref<2x2048x64xf32, #tpu.memory_space<vmem>>, vector<1x2048x64xf32>
    %get3A_26 = vector.shape_cast %get3A_25 : vector<1x2048x64xf32> to vector<2048x64xf32>
    %concatenate3A_27 = tpu.concatenate %get3A_21, %get3A_26 in 1 : vector<2048x64xf32>, vector<2048x64xf32> -> vector<2048x128xf32>
    %add3A_28 = arith.addf %concatenate3A, %concatenate3A_27 : vector<2048x128xf32>
    %mul3A = vector.broadcast %div3A_6 : vector<2048x1xf32> to vector<2048x128xf32>
    %mul3A_29 = arith.mulf %mul3A, %add3A_28 : vector<2048x128xf32>
    %get3A_30 = arith.constant 0 : index
    %get3A_31 = arith.constant 0 : index
    %get3A_32 = vector.load %arg4[%get3A_30, %get3A_31] : memref<1x128xf32, #tpu.memory_space<vmem>>, vector<1x128xf32>
    %add3A_33 = vector.broadcast %get3A_32 : vector<1x128xf32> to vector<2048x128xf32>
    %add3A_34 = arith.addf %mul3A_29, %add3A_33 : vector<2048x128xf32>
    %max3A = arith.constant 0.000000e+00 : f32
    %max3A_35 = vector.broadcast %max3A : f32 to vector<2048x128xf32>
    %max3A_36 = arith.maximumf %add3A_34, %max3A_35 : vector<2048x128xf32>
    %swap3A = arith.constant 0 : index
    %swap3A_37 = arith.constant 0 : index
    %swap3A_38 = vector.load %arg5[%swap3A, %swap3A_37] : memref<2048x128xf32, #tpu.memory_space<vmem>>, vector<2048x128xf32>
    tpu.vector_store %arg5[%swap3A, %swap3A_37], %max3A_36 {strides = array<i32>} : memref<2048x128xf32, #tpu.memory_space<vmem>>, vector<2048x128xf32>,
    return
  }
  func.func @transform_0(%arg0: i32) -> (i32, i32, i32) {
    %c0_i32 = arith.constant 0 : i32
    %c0_i32_0 = arith.constant 0 : i32
    %c0_i32_1 = arith.constant 0 : i32
    return %c0_i32, %arg0, %c0_i32_0 : i32, i32, i32
  }
  func.func @transform_1(%arg0: i32) -> (i32, i32, i32) {
    %c0_i32 = arith.constant 0 : i32
    %c0_i32_0 = arith.constant 0 : i32
    %c0_i32_1 = arith.constant 0 : i32
    return %c0_i32, %arg0, %c0_i32_0 : i32, i32, i32
  }
  func.func @transform_2(%arg0: i32) -> (i32, i32) {
    %c0_i32 = arith.constant 0 : i32
    %c0_i32_0 = arith.constant 0 : i32
    return %arg0, %c0_i32 : i32, i32
  }
  func.func @transform_3(%arg0: i32) -> (i32, i32) {
    %c0_i32 = arith.constant 0 : i32
    %c0_i32_0 = arith.constant 0 : i32
    %c0_i32_1 = arith.constant 0 : i32
    return %c0_i32, %c0_i32_0 : i32, i32
  }
  func.func @transform_4(%arg0: i32) -> (i32, i32) {
    %c0_i32 = arith.constant 0 : i32
    %c0_i32_0 = arith.constant 0 : i32
    return %arg0, %c0_i32 : i32, i32
  }
}

module attributes {stable_mosaic.version = 14 : i64} {
  func.func @body(%arg0: i32, %arg1: memref<4096x128xf32, #tpu.memory_space<vmem>>, %arg2: memref<4096x128xf32, #tpu.memory_space<vmem>>, %arg3: memref<4096x1xf32, #tpu.memory_space<vmem>>) attributes {dimension_semantics = [#tpu.dimension_semantics<arbitrary>], iteration_bounds = array<i64: 52>, scalar_prefetch = 0 : i64, scratch_operands = 0 : i64, tpu.core_type = #tpu.core_type<tc>, window_params = [{transform_indices = @transform_0, window_bounds = array<i64: 4096, 128>}, {transform_indices = @transform_1, window_bounds = array<i64: 4096, 128>}, {transform_indices = @transform_2, window_bounds = array<i64: 4096, 1>}]} {
    %get3A = arith.constant 0 : index
    %get3A_0 = arith.constant 0 : index
    %get3A_1 = vector.load %arg1[%get3A, %get3A_0] : memref<4096x128xf32, #tpu.memory_space<vmem>>, vector<4096x128xf32>
    %get3A_2 = arith.constant 0 : index
    %get3A_3 = arith.constant 0 : index
    %get3A_4 = vector.load %arg2[%get3A_2, %get3A_3] : memref<4096x128xf32, #tpu.memory_space<vmem>>, vector<4096x128xf32>
    %mul3A = arith.mulf %get3A_1, %get3A_4 : vector<4096x128xf32>
    %reduce_sum3A = arith.constant dense<0.000000e+00> : vector<4096xf32>
    %reduce_sum3A_5 = vector.multi_reduction <add>, %mul3A, %reduce_sum3A [1] : vector<4096x128xf32> to vector<4096xf32>
    %broadcast_in_dim3A = vector.shape_cast %reduce_sum3A_5 : vector<4096xf32> to vector<4096x1xf32>
    %swap3A = arith.constant 0 : index
    %swap3A_6 = arith.constant 0 : index
    %swap3A_7 = vector.load %arg3[%swap3A, %swap3A_6] : memref<4096x1xf32, #tpu.memory_space<vmem>>, vector<4096x1xf32>
    tpu.vector_store %arg3[%swap3A, %swap3A_6], %broadcast_in_dim3A {strides = array<i32>} : memref<4096x1xf32, #tpu.memory_space<vmem>>, vector<4096x1xf32>,
    return
  }
  func.func @transform_0(%arg0: i32) -> (i32, i32) {
    %c0_i32 = arith.constant 0 : i32
    %c0_i32_0 = arith.constant 0 : i32
    return %arg0, %c0_i32 : i32, i32
  }
  func.func @transform_1(%arg0: i32) -> (i32, i32) {
    %c0_i32 = arith.constant 0 : i32
    %c0_i32_0 = arith.constant 0 : i32
    return %arg0, %c0_i32 : i32, i32
  }
  func.func @transform_2(%arg0: i32) -> (i32, i32) {
    %c0_i32 = arith.constant 0 : i32
    %c0_i32_0 = arith.constant 0 : i32
    return %arg0, %c0_i32 : i32, i32
  }
}

</mosaic_0001>

<sc_bundles>
// kernel: kernel.11.cloned.1.call-start
scs
__scs_entry_jumppad:
0x0: {  	(pc) =	sbr.rel $0x88, $3  }
0x1: {  	(tag) =	ssettag $0x0;
	lr =	simm.s32 $0x1  }
0x2: {  	[smem:$0x3F9A] =	sst lr;
	_ =	strace $0xD0000000  }
0x3: {  	_ = 	snop  }
0x4: {  	_ = 	snop  }
0x5: {  	_ = 	snop  }
0x6: {  	_ = 	snop  }
0x7: {  	_ = 	snop  }
__scs_overlays_trampoline_lowered:
0x8: {  	[smem:$0x3FA9] =	sst s0  }
0x9: {  	[smem:$0x3FAA] =	sst s1  }
0xa: {  	[smem:$0x3FAB] =	sst s2  }
0xb: {  	[smem:$0x3FAC] =	sst s3  }
0xc: {  	[smem:$0x3FAD] =	sst s4  }
0xd: {  	[smem:$0x3FAE] =	sst s5  }
0xe: {  	[smem:$0x3FAF] =	sst s6  }
0xf: {  	[smem:$0x3FB0] =	sst s7  }
0x10: {  	[smem:$0x3FB1] =	sst s8  }
0x11: {  	[smem:$0x3FB2] =	sst s9;
	s0 =	simm.s32 @!p0 $0x0  }
0x12: {  	s1 =	sld [smem:$0x3F98];
	s0 =	simm.s32 @p0 $0x1  }
0x13: {  	[smem:$0x3FB3] =	sst s0;
	s0 =	simm.s32 @!p1 $0x0  }
0x14: {  	s2 =	sld [smem:$0x3F97];
	s0 =	simm.s32 @p1 $0x1  }
0x15: {  	[smem:$0x3FB4] =	sst s0;
	s0 =	simm.s32 @!p2 $0x0  }
0x16: {  	s3 =	sld [smem:$0x3FDB];
	s0 =	simm.s32 @p2 $0x1  }
0x17: {  	s4 =	simm.s32 $0x1BF5;
	[smem:$0x3FB6] =	sst s0  }
0x18: {  	s0 =	sld [smem:$0x3F99];
	_ =	swait.ge [sflag:s4], $0x0  }
0x19: {  	s7 =	sld [smem:$0x3F9A]  }
0x1a: {  	s8 =	sadd.s32 $0xFFFFE003, lr  }
0x1b: {  	s9 =	sadd.s32 $0xFFFFFEF7, lr;
	s5 =	simm.s32 $0xFFFFFFFF;
	p2 =	slt.u32 s8, $0xFFFFF086  }
0x1c: {  	p1 =	slt.u32 s9, $0xF7A;
	s5 =	simm.s32 @!p2 $0x0  }
0x1d: {  	s5 =	simm.s32 @p1 $0x1;
	p0 =	seq.s32 s7, s2  }
0x1e: {  	s7 =	smul.u32 @!p0 $0xF7A, s2;
	p2 =	seq.s32 @!p0 s5, $0x0  }
0x1f: {  	s9 =	smul.u32 $0xF7A, s1;
	s8 =	simm.s32 @!p0 $0x1BF5;
	p2 =	por !p2, p0  }
0x20: {  	[sflag:s8] =	ssyncset.s32 @!p0 $0xFFFFF086;
	s6 =	sadd.s32 @!p0 s3, s7;
	s7 =	simm.s32 @!p0 $0x108  }
0x21: {  	s3 =	sadd.s32 s3, s9;
	s6 =	sadd.s32 @!p0 $0x88, s6;
	s7 =	simm.s32 @p2 $0x1082  }
0x22: {  	[simem:s7], [sflag:s8] =	dma.local @!p0 [hbm:s6], $0xF7A  }
0x23: {  	s9 =	sor.u32 $0xD0000000, s2;
	s6 =	simm.s32 $0x108;
	_ =	swait.ge @!p0 [sflag:s8], $0x0  }
0x24: {  	s3 =	sadd.s32 $0x88, s3;
	s6 =	simm.s32 @!p1 $0x1082;
	[sflag:s4] =	ssyncset.s32 $0xFFFFF086  }
0x25: {  	[simem:s6], [sflag:s4] =	dma.local [hbm:s3], $0xF7A  }
0x26: {  	[smem:$0x3F9A] =	sst s1;
	(tag) =	ssettag s2;
	_ =	strace s9  }
0x27: {  	s1 =	sld [smem:$0x3FAA]  }
0x28: {  	s2 =	sld [smem:$0x3FAB]  }
0x29: {  	s4 =	sld [smem:$0x3FAD]  }
0x2a: {  	p0 =	seq.s32 s5, $0x0;
	s5 =	sld [smem:$0x3FAE]  }
0x2b: {  	s6 =	sld [smem:$0x3FAF]  }
0x2c: {  	s7 =	sld [smem:$0x3FB0]  }
0x2d: {  	s3 =	simm.s32 $0x108;
	s8 =	sld [smem:$0x3FB1]  }
0x2e: {  	s3 =	simm.s32 @!p0 $0x1082;
	s9 =	sld [smem:$0x3FB2]  }
0x2f: {  	lr =	sadd.s32 s0, s3;
	s0 =	sld [smem:$0x3FA9]  }
0x30: {  	s3 =	sld [smem:$0x3FAC]  }
0x31: {  	[smem:$0x3FB5] =	sst s10  }
0x32: {  	s10 =	sld [smem:$0x3FB3];
	_ =	sdelay $0x3  }
0x33: {  	p0 =	seq.s32 s10, $0x1;
	s10 =	sld [smem:$0x3FB5];
	_ =	sdelay $0x3  }
0x34: {  	[smem:$0x3FB5] =	sst s10  }
0x35: {  	s10 =	sld [smem:$0x3FB4];
	_ =	sdelay $0x3  }
0x36: {  	p1 =	seq.s32 s10, $0x1;
	s10 =	sld [smem:$0x3FB5];
	_ =	sdelay $0x3  }
0x37: {  	[smem:$0x3FB5] =	sst s10  }
0x38: {  	s10 =	sld [smem:$0x3FB6]  }
0x39: {  	_ = 	snop;
	(pc) =	sbr.ind lr, $3  }
0x3a: {  	_ = 	snop  }
0x3b: {  	_ = 	snop  }
0x3c: {  	p2 =	seq.s32 s10, $0x1;
	s10 =	sld [smem:$0x3FB5]  }
0x3d: {  	_ =	shalt  }
0x3e: {  	_ =	shalt  }
0x3f: {  	_ =	shalt  }
0x40: {  	_ =	shalt  }
0x41: {  	_ =	shalt  }
0x42: {  	_ =	shalt  }
0x43: {  	_ =	shalt  }
0x44: {  	_ =	shalt  }
0x45: {  	_ =	shalt  }
0x46: {  	_ =	shalt  }
0x47: {  	_ =	shalt  }
0x48: {  	_ =	shalt  }
0x49: {  	_ =	shalt  }
0x4a: {  	_ =	shalt  }
0x4b: {  	_ =	shalt  }
0x4c: {  	_ =	shalt  }
0x4d: {  	_ =	shalt  }
0x4e: {  	_ =	shalt  }
0x4f: {  	_ =	shalt  }
0x50: {  	_ =	shalt  }
0x51: {  	_ =	shalt  }
0x52: {  	_ =	shalt  }
0x53: {  	_ =	shalt  }
0x54: {  	_ =	shalt  }
0x55: {  	_ =	shalt  }
0x56: {  	_ =	shalt  }
0x57: {  	_ =	shalt  }
0x58: {  	_ =	shalt  }
0x59: {  	_ =	shalt  }
0x5a: {  	_ =	shalt  }
0x5b: {  	_ =	shalt  }
0x5c: {  	_ =	shalt  }
0x5d: {  	_ =	shalt  }
0x5e: {  	_ =	shalt  }
0x5f: {  	_ =	shalt  }
0x60: {  	_ =	shalt  }
0x61: {  	_ =	shalt  }
0x62: {  	_ =	shalt  }
0x63: {  	_ =	shalt  }
0x64: {  	_ =	shalt  }
0x65: {  	_ =	shalt  }
0x66: {  	_ =	shalt  }
0x67: {  	_ =	shalt  }
0x68: {  	_ =	shalt  }
0x69: {  	_ =	shalt  }
0x6a: {  	_ =	shalt  }
0x6b: {  	_ =	shalt  }
0x6c: {  	_ =	shalt  }
0x6d: {  	_ =	shalt  }
0x6e: {  	_ =	shalt  }
0x6f: {  	_ =	shalt  }
0x70: {  	_ =	shalt  }
0x71: {  	_ =	shalt  }
0x72: {  	_ =	shalt  }
0x73: {  	_ =	shalt  }
0x74: {  	_ =	shalt  }
0x75: {  	_ =	shalt  }
0x76: {  	_ =	shalt  }
0x77: {  	_ =	shalt  }
0x78: {  	_ =	shalt  }
0x79: {  	_ =	shalt  }
0x7a: {  	_ =	shalt  }
0x7b: {  	_ =	shalt  }
0x7c: {  	_ =	shalt  }
0x7d: {  	_ =	shalt  }
0x7e: {  	_ =	shalt  }
0x7f: {  	_ =	shalt  }
0x80: {  	_ =	shalt  }
0x81: {  	_ =	shalt  }
0x82: {  	_ =	shalt  }
0x83: {  	_ =	shalt  }
0x84: {  	_ =	shalt  }
0x85: {  	_ =	shalt  }
0x86: {  	_ =	shalt  }
0x87: {  	_ =	shalt  }
.Lfunc_end0:
.L_simem_size_0:
called_computation_lowered:
.L_overlay_start_0:
0x88: {  	s2 =	sld [smem:$0x3FD9]  }
0x89: {  	s3 =	sld [smem:$0x3FFE];
	_ =	sdelay $0x1  }
0x8a: {  	s1 =	srdreg.scid  }
0x8b: {  	s0 =	sand.u32 $0x1, s1  }
0x8c: {  	s16 =	sshll.u32 s0, $0xA;
	s2 =	sadd.s32 s3, s2  }
0x8d: {  	s2 =	sadd.s32 s2, s16  }
0x8e: {  	[smem:$0x3FC1] =	sst s2  }
0x8f: {  	_ = 	snop  }
0x90: {  	(tm) =	ssettm $0x1  }
0x91: {  	s17 =	sld [smem:$0x3FFB];
	_ =	sdelay $0x3  }
0x92: {  	_ =	strace s17  }
0x93: {  	s2 =	sld [smem:$0x3FFC];
	_ =	sdelay $0x3  }
0x94: {  	_ =	strace s2  }
0x95: {  	s2 =	sld [smem:$0x3FFD];
	_ =	sdelay $0x3  }
0x96: {  	_ =	strace s2  }
0x97: {  	_ =	strace $0x8FFFFFFF  }
0x98: {  	s18 =	sld [smem:$0x3FDB];
	_ =	sdelay $0x1  }
0x99: {  	s19 =	simm.s32 $_scs_section_size  }
0x9a: {  	s4 =	simm.s32 $_size__tile_overlayer_lowered;
	s5 =	simm.s32 $_tile_overlayer_lowered  }
0x9b: {  	s22 =	simm.s32 $0x1BFF;
	s21 =	sshll.u32 s5, $0x1;
	s2 =	sadd.s32 s19, s18  }
0x9c: {  	s6 =	simm.s32 $0x0;
	s20 =	sshll.u32 s4, $0x1;
	s4 =	sadd.s32 s21, s2  }
0x9d: {  	[timem:s6], [sflag:s22] =	dma.local [hbm:s4], s20  }
0x9e: {  	_ =	swait.ge [sflag:s22], s20  }
0x9f: {  	s3 =	ssub.s32 $0x0, s20;
	[sflag:s22] =	ssyncset.done $0x0  }
0xa0: {  	[sflag:s22] =	ssyncadd.s32 s3;
	_ =	sdelay $0x1  }
0xa1: {  	s23 =	simm.s32 $0x1B8B  }
0xa2: {  	_ =	swait.ge [sflag:s23], $0x1  }
0xa3: {  	[sflag:s23] =	ssyncset.done $0x0  }
0xa4: {  	s25 =	simm.s32 $0x1B8E;
	s24 =	sld [smem:$0x3FFE];
	[sflag:s23] =	ssyncadd.s32 $0xFFFFFFFF  }
0xa5: {  	s26 =	simm.s32 $execute0_lowered;
	[smem:$0x3FD2] =	sst s25  }
0xa6: {  	s4 =	sshll.u32 s26, $0x1;
	_ =	strace $0x80000046;
	[dreg:$0x1] =	wrdreg $0xFFFFFFFF  }
0xa7: {  	s28 =	simm.s32 $_size_execute0_lowered;
	s2 =	sadd.s32 s2, s4;
	[dreg:$0x0] =	wrdreg $0x0  }
0xa8: {  	s4 =	sshll.u32 s28, $0x1;
	[dreg:$0x2] =	wrdreg s2  }
0xa9: {  	[dreg:$0x3] =	wrdreg s4  }
0xaa: {  	[dreg:$0x4] =	wrdreg $0xC0  }
0xab: {  	_ =	task [dreg:s6], $0x5FFFF  }
0xac: {  	[dreg:$0x1] =	wrdreg $0xFFFFFFFF  }
0xad: {  	[dreg:$0x0] =	wrdreg $0x60  }
0xae: {  	[dreg:$0x2] =	wrdreg s24  }
0xaf: {  	[dreg:$0x3] =	wrdreg $0x9  }
0xb0: {  	_ =	task.clear_ibuf [dreg:s6], $0x4FFFF;
	_ =	strace $0x90000046  }
0xb1: {  	s29 =	simm.s32 $0x9;
	_ =	strace $0x80000048  }
0xb2: {  	_ =	swait.ge [sflag:s29], $0x1  }
0xb3: {  	[sflag:s29] =	ssyncadd.s32 $0xFFFFFFFF  }
0xb4: {  	_ =	strace $0x90000048  }
0xb5: {  	_ =	sfence  }
0xb6: {  	s30 =	sld [smem:$0x0];
	_ =	sdelay $0x2  }
0xb7: {  	s31 =	sshll.u32 s1, $0xD;
	s1 =	sshrl.u32 s1, $0x2  }
0xb8: {  	s3 =	sand.u32 $0x4000, s31;
	s1 =	sadd.s32 s1, s30  }
0xb9: {  	s0 =	sor.u32 s3, s0;
	s1 =	sshll.u32 s1, $0x11  }
0xba: {  	s0 =	sor.u32 s1, s0  }
0xbb: {  	s0 =	sadd.s32 $0x8F2B, s0  }
0xbc: {  	[sflag:s0] =	ssyncadd.remote.s32 $0x1  }
0xbd: {  	_ =	sfence.sel $0xFFFF  }
0xbe: {  	[dreg:$0x0] =	wrdreg $0xFFFFFFFF;
	(pc) =	sbr.abs _section_cstart, $3  }
0xbf: {  	[dreg:$0x1] =	wrdreg $0xFFFFFFFF  }
0xc0: {  	_ =	task.clear_ibuf [dreg:s6], $0x2FFFF;
	_ =	strace $0x9FFFFFFF  }
0xc1: {  	(tm) =	ssettm $0x7FFFFFFF  }
tec
execute0_lowered:
.L_overlay_start_1:
0x0: {  	(tag) =	ssettag $0x1  }
0x1: {  	s0 =	srdreg.scid  }
0x2: {  	s5 =	rddreg [dreg:$0x0];
	s3 =	sand.u32 $0x1, s0  }
0x3: {  	s2 =	simm.s32 $0x0;
	s0 =	stileid.u32;
	s1 =	sshll.u32 s3, $0x4  }
0x4: {  	s8 =	simm.s32 $0x80;
	s9 =	simm.s32 $0x400;
	s4 =	sor.u32 s0, s1  }
0x5: {  	s10 =	simm.s32 $0x0;
	[smem:$0x7FF] =	sst s2;
	s1 =	sshrl.u32 s4, $0x3  }
0x6: {  	s7 =	sshll.u32 s0, $0x7;
	s3 =	ssub.s32 $0x2, s3;
	s6 =	smul.u32 $0x14000, s1  }
0x7: {  	s7 =	sand.u32 $0x380, s7;
	s31 =	sshrl.u32 s3, $0x1;
	s4 =	smul.u32 $0x500, s4  }
0x8: {  	s1 =	rddreg [dreg:$0x1];
	_ =	strace $0x80000047;
	s6 =	sor.u32 s7, s6  }
0x9: {  	s4 =	sadd.s32 s4, s5;
	s7 =	simm.s32 $0x2800;
	s6 =	sshrl.u32 s6, $0x3  }
0xa: {  	s5 =	sadd.s32 s6, s5;
	s6 =	ssub.s32 s3, s31;
	s3 =	sadd.s32 $0x2000, s4  }
0xb: {  	v0 =	vimm.f32 $0.0e+00;
	v1 =	vimm.f32 $1.000000000e+00;
	s4 =	sadd.s32 $0x16000, s5;
	s5 =	smax.u32 s6, $0x1;
	s6 =	simm.s32 $0x1  }
.LBB2_1:
0xc: {  	[tilespmem:s2], [sflag:$0x1] =	stream.linear.gather [hbm4b:s3+s2], $0x2800, $0x38;
	[tilespmem:$0x5000] =	vst v63  }
0xd: {  	_ =	swait.ge [sflag:s6], $0x2800  }
0xe: {  	[sflag:s6] =	ssyncset.done $0x0  }
0xf: {  	s11 =	simm.s32 $0x0;
	[sflag:s6] =	ssyncadd.s32 $0xFFFFD800  }
.LBB2_2:
0x10: {  	p0 =	sne.s32 s11, $0x9FC0  }
.Ltmp0:
0x11: {  	_ = 	snop;
	(pc) =	sbr.rel @p0 .LBB2_2-.Ltmp0, $3  }
0x12: {  	_ =	sdelay $0x1  }
0x13: {  	s12 =	sshra.s32 s11, $0x2  }
0x14: {  	s11 =	sadd.s32 $0x40, s11;
	[tilespmem:s12+$0x2800] =	vst v0  }
0x15: {  	s11 =	simm.s32 $0x1C0  }
.LBB2_4:
0x16: {  	s12 =	sshra.s32 s11, $0x2  }
0x17: {  	v2 =	vld [tilespmem:s12+$0xFFFFFF90];
	_ =	sdelay $0x7  }
0x18: {  	[tilespmem:v2+s7+$0x0] =	vst.idx.add.f32.msk $0xffff, v1  }
0x19: {  	v2 =	vld [tilespmem:s12+$0xFFFFFFA0];
	_ =	sdelay $0x7  }
0x1a: {  	[tilespmem:v2+s7+$0x0] =	vst.idx.add.f32.msk $0xffff, v1  }
0x1b: {  	v2 =	vld [tilespmem:s12+$0xFFFFFFB0];
	_ =	sdelay $0x7  }
0x1c: {  	[tilespmem:v2+s7+$0x0] =	vst.idx.add.f32.msk $0xffff, v1  }
0x1d: {  	v2 =	vld [tilespmem:s12+$0xFFFFFFC0];
	_ =	sdelay $0x7  }
0x1e: {  	[tilespmem:v2+s7+$0x0] =	vst.idx.add.f32.msk $0xffff, v1  }
0x1f: {  	v2 =	vld [tilespmem:s12+$0xFFFFFFD0];
	_ =	sdelay $0x7  }
0x20: {  	[tilespmem:v2+s7+$0x0] =	vst.idx.add.f32.msk $0xffff, v1  }
0x21: {  	v2 =	vld [tilespmem:s12+$0xFFFFFFE0];
	_ =	sdelay $0x7  }
0x22: {  	[tilespmem:v2+s7+$0x0] =	vst.idx.add.f32.msk $0xffff, v1  }
0x23: {  	v2 =	vld [tilespmem:s12+$0xFFFFFFF0];
	_ =	sdelay $0x7  }
0x24: {  	[tilespmem:v2+s7+$0x0] =	vst.idx.add.f32.msk $0xffff, v1  }
0x25: {  	v2 =	vld [tilespmem:s12+$0x0];
	_ =	sdelay $0x2  }
0x26: {  	p0 =	sne.s32 s11, $0x9FC0  }
.Ltmp1:
0x27: {  	_ = 	snop;
	(pc) =	sbr.rel @p0 .LBB2_4-.Ltmp1, $2  }
0x28: {  	_ =	sdelay $0x2  }
0x29: {  	s11 =	sadd.s32 $0x200, s11;
	[tilespmem:v2+s7+$0x0] =	vst.idx.add.f32.msk $0xffff, v1  }
0x2a: {  	s10 =	sadd.s32 $0x1, s10  }
0x2b: {  	p0 =	sne.s32 s10, s5  }
.Ltmp2:
0x2c: {  	_ = 	snop;
	(pc) =	sbr.rel @p0 .LBB2_1-.Ltmp2, $4  }
0x2d: {  	[hbm4b:s4+s8] =	stream.strided.scatter [tilespmem:s7], [sflag:$0x1], $0x2800, s9, s8, $0x38;
	[tilespmem:$0x5000] =	vst v63  }
0x2e: {  	_ =	swait.ge [sflag:s6], $0x2800  }
0x2f: {  	[sflag:s6] =	ssyncset.done $0x0  }
0x30: {  	[sflag:s6] =	ssyncadd.s32 $0xFFFFD800  }
0x31: {  	_ =	sfence.sel $0x180000  }
0x32: {  	[bflag:$0x0] =	sbarrier.arrive $0xFFFF  }
0x33: {  	p0 =	sne.s32 s0, $0x0;
	_ =	strace $0x90000047  }
0x34: {  	s0 =	sadd.s32 @!p0 $0x100000, s1;
	[bflag:$0x2] =	sbarrier.arrive $0xFFFF  }
0x35: {  	[sflag:s0] =	ssyncadd.tile.s32 @!p0 $0x1;
	_ =	shalt  }
.Lfunc_end2:
_tile_overlayer_lowered:
.L_overlay_start_2:
0x36: {  	(tag) =	ssettag $0x2  }
0x37: {  	s0 =	rddreg [dreg:$0x0];
	s2 =	stileid.u32  }
0x38: {  	s1 =	rddreg [dreg:$0x1];
	p0 =	sne.s32 s2, $0x0  }
0x39: {  	s3 =	rddreg [dreg:$0x2];
	[bflag:$0x3] =	sbarrier.arrive $0xFFFF;
	s2 =	simm.s32 @!p0 $0x1C01  }
0x3a: {  	[timem:s3], [sflag:s2] =	dma.local @!p0 [hbm:s0], s1  }
0x3b: {  	s0 =	simm.s32 @!p0 $0x1  }
0x3c: {  	_ =	swait.ge @!p0 [sflag:s0], s1  }
0x3d: {  	s1 =	ssub.s32 @!p0 $0x0, s1;
	[sflag:s0] =	ssyncset.done @!p0 $0x0  }
0x3e: {  	[sflag:s0] =	ssyncadd.s32 @!p0 s1  }
0x3f: {  	[bflag:$0x3] =	sbarrier.arrive $0xFFFF  }
0x40: {  	_ =	shalt  }

// kernel: kernel.14.cloned.1.call-start
scs
__scs_entry_jumppad:
0x0: {  	(pc) =	sbr.rel $0x88, $3  }
0x1: {  	(tag) =	ssettag $0x0;
	lr =	simm.s32 $0x1  }
0x2: {  	[smem:$0x3F9A] =	sst lr;
	_ =	strace $0xD0000000  }
0x3: {  	_ = 	snop  }
0x4: {  	_ = 	snop  }
0x5: {  	_ = 	snop  }
0x6: {  	_ = 	snop  }
0x7: {  	_ = 	snop  }
__scs_overlays_trampoline_lowered:
0x8: {  	[smem:$0x3FA9] =	sst s0  }
0x9: {  	[smem:$0x3FAA] =	sst s1  }
0xa: {  	[smem:$0x3FAB] =	sst s2  }
0xb: {  	[smem:$0x3FAC] =	sst s3  }
0xc: {  	[smem:$0x3FAD] =	sst s4  }
0xd: {  	[smem:$0x3FAE] =	sst s5  }
0xe: {  	[smem:$0x3FAF] =	sst s6  }
0xf: {  	[smem:$0x3FB0] =	sst s7  }
0x10: {  	[smem:$0x3FB1] =	sst s8  }
0x11: {  	[smem:$0x3FB2] =	sst s9;
	s0 =	simm.s32 @!p0 $0x0  }
0x12: {  	s1 =	sld [smem:$0x3F98];
	s0 =	simm.s32 @p0 $0x1  }
0x13: {  	[smem:$0x3FB3] =	sst s0;
	s0 =	simm.s32 @!p1 $0x0  }
0x14: {  	s2 =	sld [smem:$0x3F97];
	s0 =	simm.s32 @p1 $0x1  }
0x15: {  	[smem:$0x3FB4] =	sst s0;
	s0 =	simm.s32 @!p2 $0x0  }
0x16: {  	s3 =	sld [smem:$0x3FDB];
	s0 =	simm.s32 @p2 $0x1  }
0x17: {  	s4 =	simm.s32 $0x1BF5;
	[smem:$0x3FB6] =	sst s0  }
0x18: {  	s0 =	sld [smem:$0x3F99];
	_ =	swait.ge [sflag:s4], $0x0  }
0x19: {  	s7 =	sld [smem:$0x3F9A]  }
0x1a: {  	s8 =	sadd.s32 $0xFFFFE003, lr  }
0x1b: {  	s9 =	sadd.s32 $0xFFFFFEF7, lr;
	s5 =	simm.s32 $0xFFFFFFFF;
	p2 =	slt.u32 s8, $0xFFFFF086  }
0x1c: {  	p1 =	slt.u32 s9, $0xF7A;
	s5 =	simm.s32 @!p2 $0x0  }
0x1d: {  	s5 =	simm.s32 @p1 $0x1;
	p0 =	seq.s32 s7, s2  }
0x1e: {  	s7 =	smul.u32 @!p0 $0xF7A, s2;
	p2 =	seq.s32 @!p0 s5, $0x0  }
0x1f: {  	s9 =	smul.u32 $0xF7A, s1;
	s8 =	simm.s32 @!p0 $0x1BF5;
	p2 =	por !p2, p0  }
0x20: {  	[sflag:s8] =	ssyncset.s32 @!p0 $0xFFFFF086;
	s6 =	sadd.s32 @!p0 s3, s7;
	s7 =	simm.s32 @!p0 $0x108  }
0x21: {  	s3 =	sadd.s32 s3, s9;
	s6 =	sadd.s32 @!p0 $0x88, s6;
	s7 =	simm.s32 @p2 $0x1082  }
0x22: {  	[simem:s7], [sflag:s8] =	dma.local @!p0 [hbm:s6], $0xF7A  }
0x23: {  	s9 =	sor.u32 $0xD0000000, s2;
	s6 =	simm.s32 $0x108;
	_ =	swait.ge @!p0 [sflag:s8], $0x0  }
0x24: {  	s3 =	sadd.s32 $0x88, s3;
	s6 =	simm.s32 @!p1 $0x1082;
	[sflag:s4] =	ssyncset.s32 $0xFFFFF086  }
0x25: {  	[simem:s6], [sflag:s4] =	dma.local [hbm:s3], $0xF7A  }
0x26: {  	[smem:$0x3F9A] =	sst s1;
	(tag) =	ssettag s2;
	_ =	strace s9  }
0x27: {  	s1 =	sld [smem:$0x3FAA]  }
0x28: {  	s2 =	sld [smem:$0x3FAB]  }
0x29: {  	s4 =	sld [smem:$0x3FAD]  }
0x2a: {  	p0 =	seq.s32 s5, $0x0;
	s5 =	sld [smem:$0x3FAE]  }
0x2b: {  	s6 =	sld [smem:$0x3FAF]  }
0x2c: {  	s7 =	sld [smem:$0x3FB0]  }
0x2d: {  	s3 =	simm.s32 $0x108;
	s8 =	sld [smem:$0x3FB1]  }
0x2e: {  	s3 =	simm.s32 @!p0 $0x1082;
	s9 =	sld [smem:$0x3FB2]  }
0x2f: {  	lr =	sadd.s32 s0, s3;
	s0 =	sld [smem:$0x3FA9]  }
0x30: {  	s3 =	sld [smem:$0x3FAC]  }
0x31: {  	[smem:$0x3FB5] =	sst s10  }
0x32: {  	s10 =	sld [smem:$0x3FB3];
	_ =	sdelay $0x3  }
0x33: {  	p0 =	seq.s32 s10, $0x1;
	s10 =	sld [smem:$0x3FB5];
	_ =	sdelay $0x3  }
0x34: {  	[smem:$0x3FB5] =	sst s10  }
0x35: {  	s10 =	sld [smem:$0x3FB4];
	_ =	sdelay $0x3  }
0x36: {  	p1 =	seq.s32 s10, $0x1;
	s10 =	sld [smem:$0x3FB5];
	_ =	sdelay $0x3  }
0x37: {  	[smem:$0x3FB5] =	sst s10  }
0x38: {  	s10 =	sld [smem:$0x3FB6]  }
0x39: {  	_ = 	snop;
	(pc) =	sbr.ind lr, $3  }
0x3a: {  	_ = 	snop  }
0x3b: {  	_ = 	snop  }
0x3c: {  	p2 =	seq.s32 s10, $0x1;
	s10 =	sld [smem:$0x3FB5]  }
0x3d: {  	_ =	shalt  }
0x3e: {  	_ =	shalt  }
0x3f: {  	_ =	shalt  }
0x40: {  	_ =	shalt  }
0x41: {  	_ =	shalt  }
0x42: {  	_ =	shalt  }
0x43: {  	_ =	shalt  }
0x44: {  	_ =	shalt  }
0x45: {  	_ =	shalt  }
0x46: {  	_ =	shalt  }
0x47: {  	_ =	shalt  }
0x48: {  	_ =	shalt  }
0x49: {  	_ =	shalt  }
0x4a: {  	_ =	shalt  }
0x4b: {  	_ =	shalt  }
0x4c: {  	_ =	shalt  }
0x4d: {  	_ =	shalt  }
0x4e: {  	_ =	shalt  }
0x4f: {  	_ =	shalt  }
0x50: {  	_ =	shalt  }
0x51: {  	_ =	shalt  }
0x52: {  	_ =	shalt  }
0x53: {  	_ =	shalt  }
0x54: {  	_ =	shalt  }
0x55: {  	_ =	shalt  }
0x56: {  	_ =	shalt  }
0x57: {  	_ =	shalt  }
0x58: {  	_ =	shalt  }
0x59: {  	_ =	shalt  }
0x5a: {  	_ =	shalt  }
0x5b: {  	_ =	shalt  }
0x5c: {  	_ =	shalt  }
0x5d: {  	_ =	shalt  }
0x5e: {  	_ =	shalt  }
0x5f: {  	_ =	shalt  }
0x60: {  	_ =	shalt  }
0x61: {  	_ =	shalt  }
0x62: {  	_ =	shalt  }
0x63: {  	_ =	shalt  }
0x64: {  	_ =	shalt  }
0x65: {  	_ =	shalt  }
0x66: {  	_ =	shalt  }
0x67: {  	_ =	shalt  }
0x68: {  	_ =	shalt  }
0x69: {  	_ =	shalt  }
0x6a: {  	_ =	shalt  }
0x6b: {  	_ =	shalt  }
0x6c: {  	_ =	shalt  }
0x6d: {  	_ =	shalt  }
0x6e: {  	_ =	shalt  }
0x6f: {  	_ =	shalt  }
0x70: {  	_ =	shalt  }
0x71: {  	_ =	shalt  }
0x72: {  	_ =	shalt  }
0x73: {  	_ =	shalt  }
0x74: {  	_ =	shalt  }
0x75: {  	_ =	shalt  }
0x76: {  	_ =	shalt  }
0x77: {  	_ =	shalt  }
0x78: {  	_ =	shalt  }
0x79: {  	_ =	shalt  }
0x7a: {  	_ =	shalt  }
0x7b: {  	_ =	shalt  }
0x7c: {  	_ =	shalt  }
0x7d: {  	_ =	shalt  }
0x7e: {  	_ =	shalt  }
0x7f: {  	_ =	shalt  }
0x80: {  	_ =	shalt  }
0x81: {  	_ =	shalt  }
0x82: {  	_ =	shalt  }
0x83: {  	_ =	shalt  }
0x84: {  	_ =	shalt  }
0x85: {  	_ =	shalt  }
0x86: {  	_ =	shalt  }
0x87: {  	_ =	shalt  }
.Lfunc_end0:
.L_simem_size_0:
called_computation.1_lowered:
.L_overlay_start_0:
0x88: {  	s2 =	sld [smem:$0x3FD9]  }
0x89: {  	s3 =	sld [smem:$0x3FFE];
	_ =	sdelay $0x1  }
0x8a: {  	s1 =	srdreg.scid  }
0x8b: {  	s0 =	sand.u32 $0x1, s1  }
0x8c: {  	s16 =	sshll.u32 s0, $0xA;
	s2 =	sadd.s32 s3, s2  }
0x8d: {  	s2 =	sadd.s32 s2, s16  }
0x8e: {  	[smem:$0x3FC1] =	sst s2  }
0x8f: {  	_ = 	snop  }
0x90: {  	(tm) =	ssettm $0x1  }
0x91: {  	s17 =	sld [smem:$0x3FFB];
	_ =	sdelay $0x3  }
0x92: {  	_ =	strace s17  }
0x93: {  	s2 =	sld [smem:$0x3FFC];
	_ =	sdelay $0x3  }
0x94: {  	_ =	strace s2  }
0x95: {  	s2 =	sld [smem:$0x3FFD];
	_ =	sdelay $0x3  }
0x96: {  	_ =	strace s2  }
0x97: {  	_ =	strace $0x8FFFFFFF  }
0x98: {  	s18 =	sld [smem:$0x3FDB];
	_ =	sdelay $0x1  }
0x99: {  	s19 =	simm.s32 $_scs_section_size  }
0x9a: {  	s4 =	simm.s32 $_size__tile_overlayer_lowered;
	s5 =	simm.s32 $_tile_overlayer_lowered  }
0x9b: {  	s22 =	simm.s32 $0x1BFF;
	s21 =	sshll.u32 s5, $0x1;
	s2 =	sadd.s32 s19, s18  }
0x9c: {  	s6 =	simm.s32 $0x0;
	s20 =	sshll.u32 s4, $0x1;
	s4 =	sadd.s32 s21, s2  }
0x9d: {  	[timem:s6], [sflag:s22] =	dma.local [hbm:s4], s20  }
0x9e: {  	_ =	swait.ge [sflag:s22], s20  }
0x9f: {  	s3 =	ssub.s32 $0x0, s20;
	[sflag:s22] =	ssyncset.done $0x0  }
0xa0: {  	[sflag:s22] =	ssyncadd.s32 s3;
	_ =	sdelay $0x1  }
0xa1: {  	s23 =	simm.s32 $0x1B8B  }
0xa2: {  	_ =	swait.ge [sflag:s23], $0x1  }
0xa3: {  	[sflag:s23] =	ssyncset.done $0x0  }
0xa4: {  	s25 =	simm.s32 $0x1B8E;
	s24 =	sld [smem:$0x3FFE];
	[sflag:s23] =	ssyncadd.s32 $0xFFFFFFFF  }
0xa5: {  	s26 =	simm.s32 $execute0_lowered;
	[smem:$0x3FD2] =	sst s25  }
0xa6: {  	s4 =	sshll.u32 s26, $0x1;
	_ =	strace $0x80000049;
	[dreg:$0x1] =	wrdreg $0xFFFFFFFF  }
0xa7: {  	s28 =	simm.s32 $_size_execute0_lowered;
	s2 =	sadd.s32 s2, s4;
	[dreg:$0x0] =	wrdreg $0x0  }
0xa8: {  	s4 =	sshll.u32 s28, $0x1;
	[dreg:$0x2] =	wrdreg s2  }
0xa9: {  	[dreg:$0x3] =	wrdreg s4  }
0xaa: {  	[dreg:$0x4] =	wrdreg $0xC0  }
0xab: {  	_ =	task [dreg:s6], $0x5FFFF  }
0xac: {  	[dreg:$0x1] =	wrdreg $0xFFFFFFFF  }
0xad: {  	[dreg:$0x0] =	wrdreg $0x60  }
0xae: {  	[dreg:$0x2] =	wrdreg s24  }
0xaf: {  	[dreg:$0x3] =	wrdreg $0x140000  }
0xb0: {  	[dreg:$0x4] =	wrdreg $0x9  }
0xb1: {  	_ =	task.clear_ibuf [dreg:s6], $0x5FFFF;
	_ =	strace $0x90000049  }
0xb2: {  	s29 =	simm.s32 $0x9;
	_ =	strace $0x8000004B  }
0xb3: {  	_ =	swait.ge [sflag:s29], $0x1  }
0xb4: {  	[sflag:s29] =	ssyncadd.s32 $0xFFFFFFFF  }
0xb5: {  	_ =	strace $0x9000004B  }
0xb6: {  	_ =	sfence  }
0xb7: {  	s30 =	sld [smem:$0x0];
	_ =	sdelay $0x2  }
0xb8: {  	s31 =	sshll.u32 s1, $0xD;
	s1 =	sshrl.u32 s1, $0x2  }
0xb9: {  	s3 =	sand.u32 $0x4000, s31;
	s1 =	sadd.s32 s1, s30  }
0xba: {  	s0 =	sor.u32 s3, s0;
	s1 =	sshll.u32 s1, $0x11  }
0xbb: {  	s0 =	sor.u32 s1, s0  }
0xbc: {  	s0 =	sadd.s32 $0x8F2B, s0  }
0xbd: {  	[sflag:s0] =	ssyncadd.remote.s32 $0x1  }
0xbe: {  	_ =	sfence.sel $0xFFFF  }
0xbf: {  	[dreg:$0x0] =	wrdreg $0xFFFFFFFF;
	(pc) =	sbr.abs _section_cstart, $3  }
0xc0: {  	[dreg:$0x1] =	wrdreg $0xFFFFFFFF  }
0xc1: {  	_ =	task.clear_ibuf [dreg:s6], $0x2FFFF;
	_ =	strace $0x9FFFFFFF  }
0xc2: {  	(tm) =	ssettm $0x7FFFFFFF  }
0xc3: {  	_ =	shalt  }
tec
execute0_lowered:
.L_overlay_start_1:
0x0: {  	(tag) =	ssettag $0x1  }
0x1: {  	s0 =	rddreg [dreg:$0x0];
	s1 =	srdreg.scid  }
0x2: {  	s2 =	rddreg [dreg:$0x1];
	s10 =	stileid.u32;
	s3 =	simm.s32 $0x0  }
0x3: {  	s12 =	simm.s32 $0xB;
	s14 =	simm.s32 $0x80;
	s15 =	simm.s32 $0xA000  }
0x4: {  	s16 =	simm.s32 $0xC000;
	s18 =	simm.s32 $0xE000;
	s20 =	simm.s32 $0x10000  }
0x5: {  	s22 =	simm.s32 $0x12000;
	s23 =	simm.s32 $0x1;
	s28 =	simm.s32 $0x5  }
0x6: {  	s29 =	simm.s32 $0x6;
	s30 =	simm.s32 $0x7;
	s31 =	simm.s32 $0x8  }
0x7: {  	s17 =	simm.s32 $0x0;
	s1 =	sand.u32 $0x1, s1;
	s5 =	smul.u32 $0xA00, s10  }
0x8: {  	[smem:$0x7FF] =	sst s3;
	s7 =	smul.u32 $0xA000, s10;
	s26 =	sshll.u32 s10, $0x6  }
0x9: {  	s4 =	smul.u32 $0xA0000, s1;
	_ =	strace $0x8000004A;
	s1 =	ssub.s32 $0x2, s1  }
0xa: {  	s9 =	sadd.s32 s5, s0;
	s24 =	sshrl.u32 s7, $0x3;
	s25 =	sshrl.u32 s1, $0x1  }
0xb: {  	s11 =	sadd.s32 s7, s2;
	s6 =	sshrl.u32 s4, $0x3;
	s4 =	sadd.s32 s7, s4  }
0xc: {  	s5 =	sadd.s32 s24, s0;
	s1 =	ssub.s32 s1, s25;
	s7 =	sadd.s32 $0xC000, s9  }
0xd: {  	s11 =	sshrl.u32 s11, $0x3;
	s24 =	simm.s32 $0x2;
	s25 =	simm.s32 $0x3  }
0xe: {  	s8 =	sadd.s32 s6, s0;
	s4 =	sshrl.u32 s4, $0x3;
	s6 =	sadd.s32 $0x20000, s9  }
0xf: {  	s10 =	smax.u32 s1, $0x1;
	s1 =	simm.s32 $0xA;
	s0 =	sadd.s32 s4, s0  }
0x10: {  	s4 =	sadd.s32 $0xCA000, s5;
	s5 =	sor.u32 $0x1C0B, s26;
	s8 =	sadd.s32 $0xA2000, s8  }
0x11: {  	s26 =	simm.s32 $0x4;
	s9 =	sadd.s32 $0xDE000, s0;
	s0 =	simm.s32 $0x9  }
.LBB2_1:
0x12: {  	[spmem:s11], [sflag:s5] =	dma.local [hbm:s4], $0x1400  }
0x13: {  	_ =	swait.ge [sflag:s12], $0x1400  }
0x14: {  	[sflag:s12] =	ssyncset.done $0x0  }
0x15: {  	[sflag:s12] =	ssyncadd.s32 $0xFFFFEC00  }
0x16: {  	[tilespmem:s3], [sflag:$0xB] =	stream.linear.gather [hbm4b:s6+s3], $0x5000, $0x38;
	[tilespmem:$0x1E000] =	vst v63  }
0x17: {  	_ =	swait.ge [sflag:s12], $0x5000  }
0x18: {  	[sflag:s12] =	ssyncset.done $0x0  }
0x19: {  	s13 =	simm.s32 $0x5000;
	[sflag:s12] =	ssyncadd.s32 $0xFFFFB000  }
0x1a: {  	[tilespmem:s13], [sflag:$0xB] =	stream.linear.gather [hbm4b:s7+s3], $0x5000, $0x38;
	[tilespmem:$0x1E000] =	vst v63  }
0x1b: {  	_ =	swait.ge [sflag:s12], $0x5000  }
0x1c: {  	[sflag:s12] =	ssyncset.done $0x0  }
0x1d: {  	[sflag:s12] =	ssyncadd.s32 $0xFFFFB000  }
0x1e: {  	[bflag:$0x0] =	sbarrier.arrive $0xFFFF  }
0x1f: {  	[tilespmem:s15], [sflag:$0x1] =	stream.indirect.gather [hbm4b:s8+s14], $0x40, s3, s14, $0xb8;
	[tilespmem:$0x1E000] =	vst v63  }
0x20: {  	_ = 	snop  }
0x21: {  	[tilespmem:s16], [sflag:$0x2] =	stream.indirect.gather [hbm4b:s8+s14], $0x40, s14, s14, $0xb8;
	[tilespmem:$0x1E000] =	vst v63  }
0x22: {  	s21 =	simm.s32 $0x100  }
0x23: {  	[tilespmem:s18], [sflag:$0x3] =	stream.indirect.gather [hbm4b:s8+s14], $0x40, s21, s14, $0xb8;
	[tilespmem:$0x1E000] =	vst v63  }
0x24: {  	s19 =	simm.s32 $0x180  }
0x25: {  	[tilespmem:s20], [sflag:$0x4] =	stream.indirect.gather [hbm4b:s8+s14], $0x40, s19, s14, $0xb8;
	[tilespmem:$0x1E000] =	vst v63  }
0x26: {  	s21 =	simm.s32 $0x200  }
0x27: {  	[tilespmem:s22], [sflag:$0x5] =	stream.indirect.gather [hbm4b:s8+s14], $0x40, s21, s14, $0xb8;
	[tilespmem:$0x1E000] =	vst v63  }
0x28: {  	_ =	swait.ge [sflag:s23], $0x2000  }
0x29: {  	[sflag:s23] =	ssyncset.done $0x0  }
0x2a: {  	s19 =	simm.s32 $0x5000;
	[sflag:s23] =	ssyncadd.s32 $0xFFFFE000  }
0x2b: {  	[spmem:s2] =	stream.indirect.scatter.add.f32 [tilespmem:s15], [sflag:$0x6], $0x40, s19, s14, $0xb8;
	[tilespmem:$0x1E000] =	vst v63  }
0x2c: {  	_ =	swait.ge [sflag:s24], $0x2000  }
0x2d: {  	[sflag:s24] =	ssyncset.done $0x0  }
0x2e: {  	s13 =	simm.s32 $0x5080;
	[sflag:s24] =	ssyncadd.s32 $0xFFFFE000  }
0x2f: {  	[spmem:s2] =	stream.indirect.scatter.add.f32 [tilespmem:s16], [sflag:$0x7], $0x40, s13, s14, $0xb8;
	[tilespmem:$0x1E000] =	vst v63  }
0x30: {  	_ =	swait.ge [sflag:s25], $0x2000  }
0x31: {  	[sflag:s25] =	ssyncset.done $0x0  }
0x32: {  	s21 =	simm.s32 $0x5100;
	[sflag:s25] =	ssyncadd.s32 $0xFFFFE000  }
0x33: {  	[spmem:s2] =	stream.indirect.scatter.add.f32 [tilespmem:s18], [sflag:$0x8], $0x40, s21, s14, $0xb8;
	[tilespmem:$0x1E000] =	vst v63  }
0x34: {  	_ =	swait.ge [sflag:s26], $0x2000  }
0x35: {  	[sflag:s26] =	ssyncset.done $0x0  }
0x36: {  	s13 =	simm.s32 $0x5180;
	[sflag:s26] =	ssyncadd.s32 $0xFFFFE000  }
0x37: {  	[spmem:s2] =	stream.indirect.scatter.add.f32 [tilespmem:s20], [sflag:$0x9], $0x40, s13, s14, $0xb8;
	[tilespmem:$0x1E000] =	vst v63  }
0x38: {  	_ =	swait.ge [sflag:s28], $0x2000  }
0x39: {  	[sflag:s28] =	ssyncset.done $0x0  }
0x3a: {  	s21 =	simm.s32 $0x5200;
	[sflag:s28] =	ssyncadd.s32 $0xFFFFE000  }
0x3b: {  	[spmem:s2] =	stream.indirect.scatter.add.f32 [tilespmem:s22], [sflag:$0xA], $0x40, s21, s14, $0xb8;
	[tilespmem:$0x1E000] =	vst v63  }
0x3c: {  	_ =	swait.ge [sflag:s29], $0x2000  }
0x3d: {  	[sflag:s29] =	ssyncset.done $0x0  }
0x3e: {  	s13 =	simm.s32 $0x280;
	[sflag:s29] =	ssyncadd.s32 $0xFFFFE000  }
0x3f: {  	[tilespmem:s15], [sflag:$0x1] =	stream.indirect.gather [hbm4b:s8+s14], $0x40, s13, s14, $0xb8;
	[tilespmem:$0x1E000] =	vst v63  }
0x40: {  	_ =	swait.ge [sflag:s30], $0x2000  }
0x41: {  	[sflag:s30] =	ssyncset.done $0x0  }
0x42: {  	s21 =	simm.s32 $0x300;
	[sflag:s30] =	ssyncadd.s32 $0xFFFFE000  }
0x43: {  	[tilespmem:s16], [sflag:$0x2] =	stream.indirect.gather [hbm4b:s8+s14], $0x40, s21, s14, $0xb8;
	[tilespmem:$0x1E000] =	vst v63  }
0x44: {  	_ =	swait.ge [sflag:s31], $0x2000  }
0x45: {  	[sflag:s31] =	ssyncset.done $0x0  }
0x46: {  	s13 =	simm.s32 $0x380;
	[sflag:s31] =	ssyncadd.s32 $0xFFFFE000  }
0x47: {  	[tilespmem:s18], [sflag:$0x3] =	stream.indirect.gather [hbm4b:s8+s14], $0x40, s13, s14, $0xb8;
	[tilespmem:$0x1E000] =	vst v63  }
0x48: {  	_ =	swait.ge [sflag:s0], $0x2000  }
0x49: {  	[sflag:s0] =	ssyncset.done $0x0  }
0x4a: {  	s21 =	simm.s32 $0x400;
	[sflag:s0] =	ssyncadd.s32 $0xFFFFE000  }
0x4b: {  	[tilespmem:s20], [sflag:$0x4] =	stream.indirect.gather [hbm4b:s8+s14], $0x40, s21, s14, $0xb8;
	[tilespmem:$0x1E000] =	vst v63  }
0x4c: {  	_ =	swait.ge [sflag:s1], $0x2000  }
0x4d: {  	[sflag:s1] =	ssyncset.done $0x0  }
0x4e: {  	s19 =	simm.s32 $0xA00;
	s21 =	simm.s32 $0x480;
	[sflag:s1] =	ssyncadd.s32 $0xFFFFE000  }
.LBB2_2:
0x4f: {  	[tilespmem:s22], [sflag:$0x5] =	stream.indirect.gather [hbm4b:s8+s14], $0x40, s21, s14, $0xb8;
	[tilespmem:$0x1E000] =	vst v63  }
0x50: {  	s21 =	smov.u32 s19  }
0x51: {  	p0 =	sne.s32 s19, $0x12C00;
	s19 =	sadd.s32 $0xA00, s19;
	_ =	swait.ge [sflag:s23], $0x2000  }
0x52: {  	s21 =	sshra.s32 s21, $0x2;
	[sflag:s23] =	ssyncset.done $0x0  }
0x53: {  	s13 =	sadd.s32 $0x5000, s21;
	[sflag:s23] =	ssyncadd.s32 $0xFFFFE000  }
0x54: {  	[spmem:s2] =	stream.indirect.scatter.add.f32 [tilespmem:s15], [sflag:$0x6], $0x40, s13, s14, $0xb8;
	[tilespmem:$0x1E000] =	vst v63  }
0x55: {  	_ =	swait.ge [sflag:s24], $0x2000  }
0x56: {  	[sflag:s24] =	ssyncset.done $0x0  }
0x57: {  	s13 =	sadd.s32 $0x5080, s21;
	[sflag:s24] =	ssyncadd.s32 $0xFFFFE000  }
0x58: {  	[spmem:s2] =	stream.indirect.scatter.add.f32 [tilespmem:s16], [sflag:$0x7], $0x40, s13, s14, $0xb8;
	[tilespmem:$0x1E000] =	vst v63  }
0x59: {  	_ =	swait.ge [sflag:s25], $0x2000  }
0x5a: {  	[sflag:s25] =	ssyncset.done $0x0  }
0x5b: {  	s13 =	sadd.s32 $0x5100, s21;
	[sflag:s25] =	ssyncadd.s32 $0xFFFFE000  }
0x5c: {  	[spmem:s2] =	stream.indirect.scatter.add.f32 [tilespmem:s18], [sflag:$0x8], $0x40, s13, s14, $0xb8;
	[tilespmem:$0x1E000] =	vst v63  }
0x5d: {  	_ =	swait.ge [sflag:s26], $0x2000  }
0x5e: {  	[sflag:s26] =	ssyncset.done $0x0  }
0x5f: {  	s13 =	sadd.s32 $0x5180, s21;
	[sflag:s26] =	ssyncadd.s32 $0xFFFFE000  }
0x60: {  	[spmem:s2] =	stream.indirect.scatter.add.f32 [tilespmem:s20], [sflag:$0x9], $0x40, s13, s14, $0xb8;
	[tilespmem:$0x1E000] =	vst v63  }
0x61: {  	_ =	swait.ge [sflag:s28], $0x2000  }
0x62: {  	[sflag:s28] =	ssyncset.done $0x0  }
0x63: {  	s13 =	sadd.s32 $0x5200, s21;
	[sflag:s28] =	ssyncadd.s32 $0xFFFFE000  }
0x64: {  	[spmem:s2] =	stream.indirect.scatter.add.f32 [tilespmem:s22], [sflag:$0xA], $0x40, s13, s14, $0xb8;
	[tilespmem:$0x1E000] =	vst v63  }
0x65: {  	_ =	swait.ge [sflag:s29], $0x2000  }
0x66: {  	[sflag:s29] =	ssyncset.done $0x0  }
0x67: {  	s13 =	sadd.s32 $0x280, s21;
	[sflag:s29] =	ssyncadd.s32 $0xFFFFE000  }
0x68: {  	[tilespmem:s15], [sflag:$0x1] =	stream.indirect.gather [hbm4b:s8+s14], $0x40, s13, s14, $0xb8;
	[tilespmem:$0x1E000] =	vst v63  }
0x69: {  	_ =	swait.ge [sflag:s30], $0x2000  }
0x6a: {  	[sflag:s30] =	ssyncset.done $0x0  }
0x6b: {  	s13 =	sadd.s32 $0x300, s21;
	[sflag:s30] =	ssyncadd.s32 $0xFFFFE000  }
0x6c: {  	[tilespmem:s16], [sflag:$0x2] =	stream.indirect.gather [hbm4b:s8+s14], $0x40, s13, s14, $0xb8;
	[tilespmem:$0x1E000] =	vst v63  }
0x6d: {  	_ =	swait.ge [sflag:s31], $0x2000  }
0x6e: {  	[sflag:s31] =	ssyncset.done $0x0  }
0x6f: {  	s13 =	sadd.s32 $0x380, s21;
	[sflag:s31] =	ssyncadd.s32 $0xFFFFE000  }
0x70: {  	[tilespmem:s18], [sflag:$0x3] =	stream.indirect.gather [hbm4b:s8+s14], $0x40, s13, s14, $0xb8;
	[tilespmem:$0x1E000] =	vst v63  }
0x71: {  	_ =	swait.ge [sflag:s0], $0x2000  }
0x72: {  	[sflag:s0] =	ssyncset.done $0x0  }
.Ltmp0:
0x73: {  	s13 =	sadd.s32 $0x400, s21;
	[sflag:s0] =	ssyncadd.s32 $0xFFFFE000;
	(pc) =	sbr.rel @p0 .LBB2_2-.Ltmp0, $4  }
0x74: {  	[tilespmem:s20], [sflag:$0x4] =	stream.indirect.gather [hbm4b:s8+s14], $0x40, s13, s14, $0xb8;
	[tilespmem:$0x1E000] =	vst v63  }
0x75: {  	_ =	swait.ge [sflag:s1], $0x2000  }
0x76: {  	[sflag:s1] =	ssyncset.done $0x0  }
0x77: {  	s21 =	sadd.s32 $0x480, s21;
	[sflag:s1] =	ssyncadd.s32 $0xFFFFE000  }
0x78: {  	[tilespmem:s22], [sflag:$0x5] =	stream.indirect.gather [hbm4b:s8+s14], $0x40, s21, s14, $0xb8;
	[tilespmem:$0x1E000] =	vst v63  }
0x79: {  	_ =	swait.ge [sflag:s23], $0x2000  }
0x7a: {  	[sflag:s23] =	ssyncset.done $0x0  }
0x7b: {  	s13 =	simm.s32 $0x9D80;
	[sflag:s23] =	ssyncadd.s32 $0xFFFFE000  }
0x7c: {  	[spmem:s2] =	stream.indirect.scatter.add.f32 [tilespmem:s15], [sflag:$0x6], $0x40, s13, s14, $0xb8;
	[tilespmem:$0x1E000] =	vst v63  }
0x7d: {  	_ =	swait.ge [sflag:s24], $0x2000  }
0x7e: {  	[sflag:s24] =	ssyncset.done $0x0  }
0x7f: {  	s19 =	simm.s32 $0x9E00;
	[sflag:s24] =	ssyncadd.s32 $0xFFFFE000  }
0x80: {  	[spmem:s2] =	stream.indirect.scatter.add.f32 [tilespmem:s16], [sflag:$0x7], $0x40, s19, s14, $0xb8;
	[tilespmem:$0x1E000] =	vst v63  }
0x81: {  	_ =	swait.ge [sflag:s25], $0x2000  }
0x82: {  	[sflag:s25] =	ssyncset.done $0x0  }
0x83: {  	s21 =	simm.s32 $0x9E80;
	[sflag:s25] =	ssyncadd.s32 $0xFFFFE000  }
0x84: {  	[spmem:s2] =	stream.indirect.scatter.add.f32 [tilespmem:s18], [sflag:$0x8], $0x40, s21, s14, $0xb8;
	[tilespmem:$0x1E000] =	vst v63  }
0x85: {  	_ =	swait.ge [sflag:s26], $0x2000  }
0x86: {  	[sflag:s26] =	ssyncset.done $0x0  }
0x87: {  	s19 =	simm.s32 $0x9F00;
	[sflag:s26] =	ssyncadd.s32 $0xFFFFE000  }
0x88: {  	[spmem:s2] =	stream.indirect.scatter.add.f32 [tilespmem:s20], [sflag:$0x9], $0x40, s19, s14, $0xb8;
	[tilespmem:$0x1E000] =	vst v63  }
0x89: {  	_ =	swait.ge [sflag:s28], $0x2000  }
0x8a: {  	[sflag:s28] =	ssyncset.done $0x0  }
0x8b: {  	s21 =	simm.s32 $0x9F80;
	[sflag:s28] =	ssyncadd.s32 $0xFFFFE000  }
0x8c: {  	[spmem:s2] =	stream.indirect.scatter.add.f32 [tilespmem:s22], [sflag:$0xA], $0x40, s21, s14, $0xb8;
	[tilespmem:$0x1E000] =	vst v63  }
0x8d: {  	_ =	swait.ge [sflag:s29], $0x2000  }
0x8e: {  	[sflag:s29] =	ssyncset.done $0x0  }
0x8f: {  	[sflag:s29] =	ssyncadd.s32 $0xFFFFE000  }
0x90: {  	_ =	swait.ge [sflag:s30], $0x2000  }
0x91: {  	[sflag:s30] =	ssyncset.done $0x0  }
0x92: {  	[sflag:s30] =	ssyncadd.s32 $0xFFFFE000  }
0x93: {  	_ =	swait.ge [sflag:s31], $0x2000  }
0x94: {  	[sflag:s31] =	ssyncset.done $0x0  }
0x95: {  	[sflag:s31] =	ssyncadd.s32 $0xFFFFE000  }
0x96: {  	_ =	swait.ge [sflag:s0], $0x2000  }
0x97: {  	[sflag:s0] =	ssyncset.done $0x0  }
0x98: {  	[sflag:s0] =	ssyncadd.s32 $0xFFFFE000  }
0x99: {  	_ =	swait.ge [sflag:s1], $0x2000  }
0x9a: {  	s17 =	sadd.s32 $0x1, s17;
	[sflag:s1] =	ssyncset.done $0x0  }
0x9b: {  	p0 =	sne.s32 s17, s10;
	[sflag:s1] =	ssyncadd.s32 $0xFFFFE000  }
.Ltmp1:
0x9c: {  	[bflag:$0x0] =	sbarrier.arrive $0xFFFF;
	(pc) =	sbr.rel @p0 .LBB2_1-.Ltmp1, $4  }
0x9d: {  	[hbm:s9], [sflag:s5] =	dma.local [spmem:s11], $0x1400  }
0x9e: {  	_ =	swait.ge [sflag:s12], $0x1400  }
0x9f: {  	[sflag:s12] =	ssyncset.done $0x0  }
0xa0: {  	[sflag:s12] =	ssyncadd.s32 $0xFFFFEC00  }
0xa1: {  	_ =	sfence.sel $0x180000  }
0xa2: {  	[bflag:$0x0] =	sbarrier.arrive $0xFFFF  }
0xa3: {  	_ =	strace $0x9000004A  }
0xa4: {  	s0 =	stileid.u32;
	[bflag:$0x2] =	sbarrier.arrive $0xFFFF  }
0xa5: {  	p0 =	sne.s32 s0, $0x0;
	s0 =	rddreg [dreg:$0x2]  }
0xa6: {  	s0 =	sadd.s32 @!p0 $0x100000, s0  }
0xa7: {  	[sflag:s0] =	ssyncadd.tile.s32 @!p0 $0x1;
	_ =	shalt  }
.Lfunc_end2:
_tile_overlayer_lowered:
.L_overlay_start_2:
0xa8: {  	(tag) =	ssettag $0x2  }
0xa9: {  	s0 =	rddreg [dreg:$0x0];
	s2 =	stileid.u32  }
0xaa: {  	s1 =	rddreg [dreg:$0x1];
	p0 =	sne.s32 s2, $0x0  }
0xab: {  	s3 =	rddreg [dreg:$0x2];
	[bflag:$0x3] =	sbarrier.arrive $0xFFFF;
	s2 =	simm.s32 @!p0 $0x1C0B  }
0xac: {  	[timem:s3], [sflag:s2] =	dma.local @!p0 [hbm:s0], s1  }
0xad: {  	s0 =	simm.s32 @!p0 $0xB  }
0xae: {  	_ =	swait.ge @!p0 [sflag:s0], s1  }
0xaf: {  	s1 =	ssub.s32 @!p0 $0x0, s1;
	[sflag:s0] =	ssyncset.done @!p0 $0x0  }
0xb0: {  	[sflag:s0] =	ssyncadd.s32 @!p0 s1  }
0xb1: {  	[bflag:$0x3] =	sbarrier.arrive $0xFFFF  }
0xb2: {  	_ =	shalt  }

// kernel: kernel.17.cloned.1.call-start
scs
__scs_entry_jumppad:
0x0: {  	(pc) =	sbr.rel $0x88, $3  }
0x1: {  	(tag) =	ssettag $0x0;
	lr =	simm.s32 $0x1  }
0x2: {  	[smem:$0x3F9A] =	sst lr;
	_ =	strace $0xD0000000  }
0x3: {  	_ = 	snop  }
0x4: {  	_ = 	snop  }
0x5: {  	_ = 	snop  }
0x6: {  	_ = 	snop  }
0x7: {  	_ = 	snop  }
__scs_overlays_trampoline_lowered:
0x8: {  	[smem:$0x3FA9] =	sst s0  }
0x9: {  	[smem:$0x3FAA] =	sst s1  }
0xa: {  	[smem:$0x3FAB] =	sst s2  }
0xb: {  	[smem:$0x3FAC] =	sst s3  }
0xc: {  	[smem:$0x3FAD] =	sst s4  }
0xd: {  	[smem:$0x3FAE] =	sst s5  }
0xe: {  	[smem:$0x3FAF] =	sst s6  }
0xf: {  	[smem:$0x3FB0] =	sst s7  }
0x10: {  	[smem:$0x3FB1] =	sst s8  }
0x11: {  	[smem:$0x3FB2] =	sst s9;
	s0 =	simm.s32 @!p0 $0x0  }
0x12: {  	s1 =	sld [smem:$0x3F98];
	s0 =	simm.s32 @p0 $0x1  }
0x13: {  	[smem:$0x3FB3] =	sst s0;
	s0 =	simm.s32 @!p1 $0x0  }
0x14: {  	s2 =	sld [smem:$0x3F97];
	s0 =	simm.s32 @p1 $0x1  }
0x15: {  	[smem:$0x3FB4] =	sst s0;
	s0 =	simm.s32 @!p2 $0x0  }
0x16: {  	s3 =	sld [smem:$0x3FDB];
	s0 =	simm.s32 @p2 $0x1  }
0x17: {  	s4 =	simm.s32 $0x1BF5;
	[smem:$0x3FB6] =	sst s0  }
0x18: {  	s0 =	sld [smem:$0x3F99];
	_ =	swait.ge [sflag:s4], $0x0  }
0x19: {  	s7 =	sld [smem:$0x3F9A]  }
0x1a: {  	s8 =	sadd.s32 $0xFFFFE003, lr  }
0x1b: {  	s9 =	sadd.s32 $0xFFFFFEF7, lr;
	s5 =	simm.s32 $0xFFFFFFFF;
	p2 =	slt.u32 s8, $0xFFFFF086  }
0x1c: {  	p1 =	slt.u32 s9, $0xF7A;
	s5 =	simm.s32 @!p2 $0x0  }
0x1d: {  	s5 =	simm.s32 @p1 $0x1;
	p0 =	seq.s32 s7, s2  }
0x1e: {  	s7 =	smul.u32 @!p0 $0xF7A, s2;
	p2 =	seq.s32 @!p0 s5, $0x0  }
0x1f: {  	s9 =	smul.u32 $0xF7A, s1;
	s8 =	simm.s32 @!p0 $0x1BF5;
	p2 =	por !p2, p0  }
0x20: {  	[sflag:s8] =	ssyncset.s32 @!p0 $0xFFFFF086;
	s6 =	sadd.s32 @!p0 s3, s7;
	s7 =	simm.s32 @!p0 $0x108  }
0x21: {  	s3 =	sadd.s32 s3, s9;
	s6 =	sadd.s32 @!p0 $0x88, s6;
	s7 =	simm.s32 @p2 $0x1082  }
0x22: {  	[simem:s7], [sflag:s8] =	dma.local @!p0 [hbm:s6], $0xF7A  }
0x23: {  	s9 =	sor.u32 $0xD0000000, s2;
	s6 =	simm.s32 $0x108;
	_ =	swait.ge @!p0 [sflag:s8], $0x0  }
0x24: {  	s3 =	sadd.s32 $0x88, s3;
	s6 =	simm.s32 @!p1 $0x1082;
	[sflag:s4] =	ssyncset.s32 $0xFFFFF086  }
0x25: {  	[simem:s6], [sflag:s4] =	dma.local [hbm:s3], $0xF7A  }
0x26: {  	[smem:$0x3F9A] =	sst s1;
	(tag) =	ssettag s2;
	_ =	strace s9  }
0x27: {  	s1 =	sld [smem:$0x3FAA]  }
0x28: {  	s2 =	sld [smem:$0x3FAB]  }
0x29: {  	s4 =	sld [smem:$0x3FAD]  }
0x2a: {  	p0 =	seq.s32 s5, $0x0;
	s5 =	sld [smem:$0x3FAE]  }
0x2b: {  	s6 =	sld [smem:$0x3FAF]  }
0x2c: {  	s7 =	sld [smem:$0x3FB0]  }
0x2d: {  	s3 =	simm.s32 $0x108;
	s8 =	sld [smem:$0x3FB1]  }
0x2e: {  	s3 =	simm.s32 @!p0 $0x1082;
	s9 =	sld [smem:$0x3FB2]  }
0x2f: {  	lr =	sadd.s32 s0, s3;
	s0 =	sld [smem:$0x3FA9]  }
0x30: {  	s3 =	sld [smem:$0x3FAC]  }
0x31: {  	[smem:$0x3FB5] =	sst s10  }
0x32: {  	s10 =	sld [smem:$0x3FB3];
	_ =	sdelay $0x3  }
0x33: {  	p0 =	seq.s32 s10, $0x1;
	s10 =	sld [smem:$0x3FB5];
	_ =	sdelay $0x3  }
0x34: {  	[smem:$0x3FB5] =	sst s10  }
0x35: {  	s10 =	sld [smem:$0x3FB4];
	_ =	sdelay $0x3  }
0x36: {  	p1 =	seq.s32 s10, $0x1;
	s10 =	sld [smem:$0x3FB5];
	_ =	sdelay $0x3  }
0x37: {  	[smem:$0x3FB5] =	sst s10  }
0x38: {  	s10 =	sld [smem:$0x3FB6]  }
0x39: {  	_ = 	snop;
	(pc) =	sbr.ind lr, $3  }
0x3a: {  	_ = 	snop  }
0x3b: {  	_ = 	snop  }
0x3c: {  	p2 =	seq.s32 s10, $0x1;
	s10 =	sld [smem:$0x3FB5]  }
0x3d: {  	_ =	shalt  }
0x3e: {  	_ =	shalt  }
0x3f: {  	_ =	shalt  }
0x40: {  	_ =	shalt  }
0x41: {  	_ =	shalt  }
0x42: {  	_ =	shalt  }
0x43: {  	_ =	shalt  }
0x44: {  	_ =	shalt  }
0x45: {  	_ =	shalt  }
0x46: {  	_ =	shalt  }
0x47: {  	_ =	shalt  }
0x48: {  	_ =	shalt  }
0x49: {  	_ =	shalt  }
0x4a: {  	_ =	shalt  }
0x4b: {  	_ =	shalt  }
0x4c: {  	_ =	shalt  }
0x4d: {  	_ =	shalt  }
0x4e: {  	_ =	shalt  }
0x4f: {  	_ =	shalt  }
0x50: {  	_ =	shalt  }
0x51: {  	_ =	shalt  }
0x52: {  	_ =	shalt  }
0x53: {  	_ =	shalt  }
0x54: {  	_ =	shalt  }
0x55: {  	_ =	shalt  }
0x56: {  	_ =	shalt  }
0x57: {  	_ =	shalt  }
0x58: {  	_ =	shalt  }
0x59: {  	_ =	shalt  }
0x5a: {  	_ =	shalt  }
0x5b: {  	_ =	shalt  }
0x5c: {  	_ =	shalt  }
0x5d: {  	_ =	shalt  }
0x5e: {  	_ =	shalt  }
0x5f: {  	_ =	shalt  }
0x60: {  	_ =	shalt  }
0x61: {  	_ =	shalt  }
0x62: {  	_ =	shalt  }
0x63: {  	_ =	shalt  }
0x64: {  	_ =	shalt  }
0x65: {  	_ =	shalt  }
0x66: {  	_ =	shalt  }
0x67: {  	_ =	shalt  }
0x68: {  	_ =	shalt  }
0x69: {  	_ =	shalt  }
0x6a: {  	_ =	shalt  }
0x6b: {  	_ =	shalt  }
0x6c: {  	_ =	shalt  }
0x6d: {  	_ =	shalt  }
0x6e: {  	_ =	shalt  }
0x6f: {  	_ =	shalt  }
0x70: {  	_ =	shalt  }
0x71: {  	_ =	shalt  }
0x72: {  	_ =	shalt  }
0x73: {  	_ =	shalt  }
0x74: {  	_ =	shalt  }
0x75: {  	_ =	shalt  }
0x76: {  	_ =	shalt  }
0x77: {  	_ =	shalt  }
0x78: {  	_ =	shalt  }
0x79: {  	_ =	shalt  }
0x7a: {  	_ =	shalt  }
0x7b: {  	_ =	shalt  }
0x7c: {  	_ =	shalt  }
0x7d: {  	_ =	shalt  }
0x7e: {  	_ =	shalt  }
0x7f: {  	_ =	shalt  }
0x80: {  	_ =	shalt  }
0x81: {  	_ =	shalt  }
0x82: {  	_ =	shalt  }
0x83: {  	_ =	shalt  }
0x84: {  	_ =	shalt  }
0x85: {  	_ =	shalt  }
0x86: {  	_ =	shalt  }
0x87: {  	_ =	shalt  }
.Lfunc_end0:
.L_simem_size_0:
called_computation.2_lowered:
.L_overlay_start_0:
0x88: {  	s2 =	sld [smem:$0x3FD9]  }
0x89: {  	s3 =	sld [smem:$0x3FFE];
	_ =	sdelay $0x1  }
0x8a: {  	s1 =	srdreg.scid  }
0x8b: {  	s0 =	sand.u32 $0x1, s1  }
0x8c: {  	s16 =	sshll.u32 s0, $0xA;
	s2 =	sadd.s32 s3, s2  }
0x8d: {  	s2 =	sadd.s32 s2, s16  }
0x8e: {  	[smem:$0x3FC1] =	sst s2  }
0x8f: {  	_ = 	snop  }
0x90: {  	(tm) =	ssettm $0x1  }
0x91: {  	s17 =	sld [smem:$0x3FFB];
	_ =	sdelay $0x3  }
0x92: {  	_ =	strace s17  }
0x93: {  	s2 =	sld [smem:$0x3FFC];
	_ =	sdelay $0x3  }
0x94: {  	_ =	strace s2  }
0x95: {  	s2 =	sld [smem:$0x3FFD];
	_ =	sdelay $0x3  }
0x96: {  	_ =	strace s2  }
0x97: {  	_ =	strace $0x8FFFFFFF  }
0x98: {  	s18 =	sld [smem:$0x3FDB];
	_ =	sdelay $0x1  }
0x99: {  	s19 =	simm.s32 $_scs_section_size  }
0x9a: {  	s4 =	simm.s32 $_size__tile_overlayer_lowered;
	s5 =	simm.s32 $_tile_overlayer_lowered  }
0x9b: {  	s22 =	simm.s32 $0x1BFF;
	s21 =	sshll.u32 s5, $0x1;
	s2 =	sadd.s32 s19, s18  }
0x9c: {  	s6 =	simm.s32 $0x0;
	s20 =	sshll.u32 s4, $0x1;
	s4 =	sadd.s32 s21, s2  }
0x9d: {  	[timem:s6], [sflag:s22] =	dma.local [hbm:s4], s20  }
0x9e: {  	_ =	swait.ge [sflag:s22], s20  }
0x9f: {  	s3 =	ssub.s32 $0x0, s20;
	[sflag:s22] =	ssyncset.done $0x0  }
0xa0: {  	[sflag:s22] =	ssyncadd.s32 s3;
	_ =	sdelay $0x1  }
0xa1: {  	s23 =	simm.s32 $0x1B8B  }
0xa2: {  	_ =	swait.ge [sflag:s23], $0x1  }
0xa3: {  	[sflag:s23] =	ssyncset.done $0x0  }
0xa4: {  	s25 =	simm.s32 $0x1B8E;
	s24 =	sld [smem:$0x3FFE];
	[sflag:s23] =	ssyncadd.s32 $0xFFFFFFFF  }
0xa5: {  	s26 =	simm.s32 $execute0_lowered;
	[smem:$0x3FD2] =	sst s25  }
0xa6: {  	s4 =	sshll.u32 s26, $0x1;
	_ =	strace $0x8000004C;
	[dreg:$0x1] =	wrdreg $0xFFFFFFFF  }
0xa7: {  	s28 =	simm.s32 $_size_execute0_lowered;
	s2 =	sadd.s32 s2, s4;
	[dreg:$0x0] =	wrdreg $0x0  }
0xa8: {  	s4 =	sshll.u32 s28, $0x1;
	[dreg:$0x2] =	wrdreg s2  }
0xa9: {  	[dreg:$0x3] =	wrdreg s4  }
0xaa: {  	[dreg:$0x4] =	wrdreg $0xC0  }
0xab: {  	_ =	task [dreg:s6], $0x5FFFF  }
0xac: {  	[dreg:$0x1] =	wrdreg $0xFFFFFFFF  }
0xad: {  	[dreg:$0x0] =	wrdreg $0x60  }
0xae: {  	[dreg:$0x2] =	wrdreg s24  }
0xaf: {  	[dreg:$0x3] =	wrdreg $0x140000  }
0xb0: {  	[dreg:$0x4] =	wrdreg $0x9  }
0xb1: {  	_ =	task.clear_ibuf [dreg:s6], $0x5FFFF;
	_ =	strace $0x9000004C  }
0xb2: {  	s29 =	simm.s32 $0x9;
	_ =	strace $0x8000004E  }
0xb3: {  	_ =	swait.ge [sflag:s29], $0x1  }
0xb4: {  	[sflag:s29] =	ssyncadd.s32 $0xFFFFFFFF  }
0xb5: {  	_ =	strace $0x9000004E  }
0xb6: {  	_ =	sfence  }
0xb7: {  	s30 =	sld [smem:$0x0];
	_ =	sdelay $0x2  }
0xb8: {  	s31 =	sshll.u32 s1, $0xD;
	s1 =	sshrl.u32 s1, $0x2  }
0xb9: {  	s3 =	sand.u32 $0x4000, s31;
	s1 =	sadd.s32 s1, s30  }
0xba: {  	s0 =	sor.u32 s3, s0;
	s1 =	sshll.u32 s1, $0x11  }
0xbb: {  	s0 =	sor.u32 s1, s0  }
0xbc: {  	s0 =	sadd.s32 $0x8F2B, s0  }
0xbd: {  	[sflag:s0] =	ssyncadd.remote.s32 $0x1  }
0xbe: {  	_ =	sfence.sel $0xFFFF  }
0xbf: {  	[dreg:$0x0] =	wrdreg $0xFFFFFFFF;
	(pc) =	sbr.abs _section_cstart, $3  }
0xc0: {  	[dreg:$0x1] =	wrdreg $0xFFFFFFFF  }
0xc1: {  	_ =	task.clear_ibuf [dreg:s6], $0x2FFFF;
	_ =	strace $0x9FFFFFFF  }
0xc2: {  	(tm) =	ssettm $0x7FFFFFFF  }
0xc3: {  	_ =	shalt  }
tec
execute0_lowered:
.L_overlay_start_1:
0x0: {  	(tag) =	ssettag $0x1  }
0x1: {  	s0 =	rddreg [dreg:$0x0];
	s1 =	srdreg.scid  }
0x2: {  	s2 =	rddreg [dreg:$0x1];
	s10 =	stileid.u32;
	s3 =	simm.s32 $0x0  }
0x3: {  	s12 =	simm.s32 $0xB;
	s14 =	simm.s32 $0x80;
	s15 =	simm.s32 $0xA000  }
0x4: {  	s16 =	simm.s32 $0xC000;
	s18 =	simm.s32 $0xE000;
	s20 =	simm.s32 $0x10000  }
0x5: {  	s22 =	simm.s32 $0x12000;
	s23 =	simm.s32 $0x1;
	s28 =	simm.s32 $0x5  }
0x6: {  	s29 =	simm.s32 $0x6;
	s30 =	simm.s32 $0x7;
	s31 =	simm.s32 $0x8  }
0x7: {  	s17 =	simm.s32 $0x0;
	s1 =	sand.u32 $0x1, s1;
	s5 =	smul.u32 $0xA00, s10  }
0x8: {  	[smem:$0x7FF] =	sst s3;
	s7 =	smul.u32 $0xA000, s10;
	s26 =	sshll.u32 s10, $0x6  }
0x9: {  	s4 =	smul.u32 $0xA0000, s1;
	_ =	strace $0x8000004D;
	s1 =	ssub.s32 $0x2, s1  }
0xa: {  	s9 =	sadd.s32 s5, s0;
	s24 =	sshrl.u32 s7, $0x3;
	s25 =	sshrl.u32 s1, $0x1  }
0xb: {  	s11 =	sadd.s32 s7, s2;
	s6 =	sshrl.u32 s4, $0x3;
	s4 =	sadd.s32 s7, s4  }
0xc: {  	s5 =	sadd.s32 s24, s0;
	s1 =	ssub.s32 s1, s25;
	s7 =	sadd.s32 $0xC000, s9  }
0xd: {  	s11 =	sshrl.u32 s11, $0x3;
	s24 =	simm.s32 $0x2;
	s25 =	simm.s32 $0x3  }
0xe: {  	s8 =	sadd.s32 s6, s0;
	s4 =	sshrl.u32 s4, $0x3;
	s6 =	sadd.s32 $0x20000, s9  }
0xf: {  	s10 =	smax.u32 s1, $0x1;
	s1 =	simm.s32 $0xA;
	s0 =	sadd.s32 s4, s0  }
0x10: {  	s4 =	sadd.s32 $0xCA000, s5;
	s5 =	sor.u32 $0x1C0B, s26;
	s8 =	sadd.s32 $0xA2000, s8  }
0x11: {  	s26 =	simm.s32 $0x4;
	s9 =	sadd.s32 $0xDE000, s0;
	s0 =	simm.s32 $0x9  }
.LBB2_1:
0x12: {  	[spmem:s11], [sflag:s5] =	dma.local [hbm:s4], $0x1400  }
0x13: {  	_ =	swait.ge [sflag:s12], $0x1400  }
0x14: {  	[sflag:s12] =	ssyncset.done $0x0  }
0x15: {  	[sflag:s12] =	ssyncadd.s32 $0xFFFFEC00  }
0x16: {  	[tilespmem:s3], [sflag:$0xB] =	stream.linear.gather [hbm4b:s6+s3], $0x5000, $0x38;
	[tilespmem:$0x1E000] =	vst v63  }
0x17: {  	_ =	swait.ge [sflag:s12], $0x5000  }
0x18: {  	[sflag:s12] =	ssyncset.done $0x0  }
0x19: {  	s13 =	simm.s32 $0x5000;
	[sflag:s12] =	ssyncadd.s32 $0xFFFFB000  }
0x1a: {  	[tilespmem:s13], [sflag:$0xB] =	stream.linear.gather [hbm4b:s7+s3], $0x5000, $0x38;
	[tilespmem:$0x1E000] =	vst v63  }
0x1b: {  	_ =	swait.ge [sflag:s12], $0x5000  }
0x1c: {  	[sflag:s12] =	ssyncset.done $0x0  }
0x1d: {  	[sflag:s12] =	ssyncadd.s32 $0xFFFFB000  }
0x1e: {  	[bflag:$0x0] =	sbarrier.arrive $0xFFFF  }
0x1f: {  	[tilespmem:s15], [sflag:$0x1] =	stream.indirect.gather [hbm4b:s8+s14], $0x40, s3, s14, $0xb8;
	[tilespmem:$0x1E000] =	vst v63  }
0x20: {  	_ = 	snop  }
0x21: {  	[tilespmem:s16], [sflag:$0x2] =	stream.indirect.gather [hbm4b:s8+s14], $0x40, s14, s14, $0xb8;
	[tilespmem:$0x1E000] =	vst v63  }
0x22: {  	s21 =	simm.s32 $0x100  }
0x23: {  	[tilespmem:s18], [sflag:$0x3] =	stream.indirect.gather [hbm4b:s8+s14], $0x40, s21, s14, $0xb8;
	[tilespmem:$0x1E000] =	vst v63  }
0x24: {  	s19 =	simm.s32 $0x180  }
0x25: {  	[tilespmem:s20], [sflag:$0x4] =	stream.indirect.gather [hbm4b:s8+s14], $0x40, s19, s14, $0xb8;
	[tilespmem:$0x1E000] =	vst v63  }
0x26: {  	s21 =	simm.s32 $0x200  }
0x27: {  	[tilespmem:s22], [sflag:$0x5] =	stream.indirect.gather [hbm4b:s8+s14], $0x40, s21, s14, $0xb8;
	[tilespmem:$0x1E000] =	vst v63  }
0x28: {  	_ =	swait.ge [sflag:s23], $0x2000  }
0x29: {  	[sflag:s23] =	ssyncset.done $0x0  }
0x2a: {  	s19 =	simm.s32 $0x5000;
	[sflag:s23] =	ssyncadd.s32 $0xFFFFE000  }
0x2b: {  	[spmem:s2] =	stream.indirect.scatter.add.f32 [tilespmem:s15], [sflag:$0x6], $0x40, s19, s14, $0xb8;
	[tilespmem:$0x1E000] =	vst v63  }
0x2c: {  	_ =	swait.ge [sflag:s24], $0x2000  }
0x2d: {  	[sflag:s24] =	ssyncset.done $0x0  }
0x2e: {  	s13 =	simm.s32 $0x5080;
	[sflag:s24] =	ssyncadd.s32 $0xFFFFE000  }
0x2f: {  	[spmem:s2] =	stream.indirect.scatter.add.f32 [tilespmem:s16], [sflag:$0x7], $0x40, s13, s14, $0xb8;
	[tilespmem:$0x1E000] =	vst v63  }
0x30: {  	_ =	swait.ge [sflag:s25], $0x2000  }
0x31: {  	[sflag:s25] =	ssyncset.done $0x0  }
0x32: {  	s21 =	simm.s32 $0x5100;
	[sflag:s25] =	ssyncadd.s32 $0xFFFFE000  }
0x33: {  	[spmem:s2] =	stream.indirect.scatter.add.f32 [tilespmem:s18], [sflag:$0x8], $0x40, s21, s14, $0xb8;
	[tilespmem:$0x1E000] =	vst v63  }
0x34: {  	_ =	swait.ge [sflag:s26], $0x2000  }
0x35: {  	[sflag:s26] =	ssyncset.done $0x0  }
0x36: {  	s13 =	simm.s32 $0x5180;
	[sflag:s26] =	ssyncadd.s32 $0xFFFFE000  }
0x37: {  	[spmem:s2] =	stream.indirect.scatter.add.f32 [tilespmem:s20], [sflag:$0x9], $0x40, s13, s14, $0xb8;
	[tilespmem:$0x1E000] =	vst v63  }
0x38: {  	_ =	swait.ge [sflag:s28], $0x2000  }
0x39: {  	[sflag:s28] =	ssyncset.done $0x0  }
0x3a: {  	s21 =	simm.s32 $0x5200;
	[sflag:s28] =	ssyncadd.s32 $0xFFFFE000  }
0x3b: {  	[spmem:s2] =	stream.indirect.scatter.add.f32 [tilespmem:s22], [sflag:$0xA], $0x40, s21, s14, $0xb8;
	[tilespmem:$0x1E000] =	vst v63  }
0x3c: {  	_ =	swait.ge [sflag:s29], $0x2000  }
0x3d: {  	[sflag:s29] =	ssyncset.done $0x0  }
0x3e: {  	s13 =	simm.s32 $0x280;
	[sflag:s29] =	ssyncadd.s32 $0xFFFFE000  }
0x3f: {  	[tilespmem:s15], [sflag:$0x1] =	stream.indirect.gather [hbm4b:s8+s14], $0x40, s13, s14, $0xb8;
	[tilespmem:$0x1E000] =	vst v63  }
0x40: {  	_ =	swait.ge [sflag:s30], $0x2000  }
0x41: {  	[sflag:s30] =	ssyncset.done $0x0  }
0x42: {  	s21 =	simm.s32 $0x300;
	[sflag:s30] =	ssyncadd.s32 $0xFFFFE000  }
0x43: {  	[tilespmem:s16], [sflag:$0x2] =	stream.indirect.gather [hbm4b:s8+s14], $0x40, s21, s14, $0xb8;
	[tilespmem:$0x1E000] =	vst v63  }
0x44: {  	_ =	swait.ge [sflag:s31], $0x2000  }
0x45: {  	[sflag:s31] =	ssyncset.done $0x0  }
0x46: {  	s13 =	simm.s32 $0x380;
	[sflag:s31] =	ssyncadd.s32 $0xFFFFE000  }
0x47: {  	[tilespmem:s18], [sflag:$0x3] =	stream.indirect.gather [hbm4b:s8+s14], $0x40, s13, s14, $0xb8;
	[tilespmem:$0x1E000] =	vst v63  }
0x48: {  	_ =	swait.ge [sflag:s0], $0x2000  }
0x49: {  	[sflag:s0] =	ssyncset.done $0x0  }
0x4a: {  	s21 =	simm.s32 $0x400;
	[sflag:s0] =	ssyncadd.s32 $0xFFFFE000  }
0x4b: {  	[tilespmem:s20], [sflag:$0x4] =	stream.indirect.gather [hbm4b:s8+s14], $0x40, s21, s14, $0xb8;
	[tilespmem:$0x1E000] =	vst v63  }
0x4c: {  	_ =	swait.ge [sflag:s1], $0x2000  }
0x4d: {  	[sflag:s1] =	ssyncset.done $0x0  }
0x4e: {  	s19 =	simm.s32 $0xA00;
	s21 =	simm.s32 $0x480;
	[sflag:s1] =	ssyncadd.s32 $0xFFFFE000  }
.LBB2_2:
0x4f: {  	[tilespmem:s22], [sflag:$0x5] =	stream.indirect.gather [hbm4b:s8+s14], $0x40, s21, s14, $0xb8;
	[tilespmem:$0x1E000] =	vst v63  }
0x50: {  	s21 =	smov.u32 s19  }
0x51: {  	p0 =	sne.s32 s19, $0x12C00;
	s19 =	sadd.s32 $0xA00, s19;
	_ =	swait.ge [sflag:s23], $0x2000  }
0x52: {  	s21 =	sshra.s32 s21, $0x2;
	[sflag:s23] =	ssyncset.done $0x0  }
0x53: {  	s13 =	sadd.s32 $0x5000, s21;
	[sflag:s23] =	ssyncadd.s32 $0xFFFFE000  }
0x54: {  	[spmem:s2] =	stream.indirect.scatter.add.f32 [tilespmem:s15], [sflag:$0x6], $0x40, s13, s14, $0xb8;
	[tilespmem:$0x1E000] =	vst v63  }
0x55: {  	_ =	swait.ge [sflag:s24], $0x2000  }
0x56: {  	[sflag:s24] =	ssyncset.done $0x0  }
0x57: {  	s13 =	sadd.s32 $0x5080, s21;
	[sflag:s24] =	ssyncadd.s32 $0xFFFFE000  }
0x58: {  	[spmem:s2] =	stream.indirect.scatter.add.f32 [tilespmem:s16], [sflag:$0x7], $0x40, s13, s14, $0xb8;
	[tilespmem:$0x1E000] =	vst v63  }
0x59: {  	_ =	swait.ge [sflag:s25], $0x2000  }
0x5a: {  	[sflag:s25] =	ssyncset.done $0x0  }
0x5b: {  	s13 =	sadd.s32 $0x5100, s21;
	[sflag:s25] =	ssyncadd.s32 $0xFFFFE000  }
0x5c: {  	[spmem:s2] =	stream.indirect.scatter.add.f32 [tilespmem:s18], [sflag:$0x8], $0x40, s13, s14, $0xb8;
	[tilespmem:$0x1E000] =	vst v63  }
0x5d: {  	_ =	swait.ge [sflag:s26], $0x2000  }
0x5e: {  	[sflag:s26] =	ssyncset.done $0x0  }
0x5f: {  	s13 =	sadd.s32 $0x5180, s21;
	[sflag:s26] =	ssyncadd.s32 $0xFFFFE000  }
0x60: {  	[spmem:s2] =	stream.indirect.scatter.add.f32 [tilespmem:s20], [sflag:$0x9], $0x40, s13, s14, $0xb8;
	[tilespmem:$0x1E000] =	vst v63  }
0x61: {  	_ =	swait.ge [sflag:s28], $0x2000  }
0x62: {  	[sflag:s28] =	ssyncset.done $0x0  }
0x63: {  	s13 =	sadd.s32 $0x5200, s21;
	[sflag:s28] =	ssyncadd.s32 $0xFFFFE000  }
0x64: {  	[spmem:s2] =	stream.indirect.scatter.add.f32 [tilespmem:s22], [sflag:$0xA], $0x40, s13, s14, $0xb8;
	[tilespmem:$0x1E000] =	vst v63  }
0x65: {  	_ =	swait.ge [sflag:s29], $0x2000  }
0x66: {  	[sflag:s29] =	ssyncset.done $0x0  }
0x67: {  	s13 =	sadd.s32 $0x280, s21;
	[sflag:s29] =	ssyncadd.s32 $0xFFFFE000  }
0x68: {  	[tilespmem:s15], [sflag:$0x1] =	stream.indirect.gather [hbm4b:s8+s14], $0x40, s13, s14, $0xb8;
	[tilespmem:$0x1E000] =	vst v63  }
0x69: {  	_ =	swait.ge [sflag:s30], $0x2000  }
0x6a: {  	[sflag:s30] =	ssyncset.done $0x0  }
0x6b: {  	s13 =	sadd.s32 $0x300, s21;
	[sflag:s30] =	ssyncadd.s32 $0xFFFFE000  }
0x6c: {  	[tilespmem:s16], [sflag:$0x2] =	stream.indirect.gather [hbm4b:s8+s14], $0x40, s13, s14, $0xb8;
	[tilespmem:$0x1E000] =	vst v63  }
0x6d: {  	_ =	swait.ge [sflag:s31], $0x2000  }
0x6e: {  	[sflag:s31] =	ssyncset.done $0x0  }
0x6f: {  	s13 =	sadd.s32 $0x380, s21;
	[sflag:s31] =	ssyncadd.s32 $0xFFFFE000  }
0x70: {  	[tilespmem:s18], [sflag:$0x3] =	stream.indirect.gather [hbm4b:s8+s14], $0x40, s13, s14, $0xb8;
	[tilespmem:$0x1E000] =	vst v63  }
0x71: {  	_ =	swait.ge [sflag:s0], $0x2000  }
0x72: {  	[sflag:s0] =	ssyncset.done $0x0  }
.Ltmp0:
0x73: {  	s13 =	sadd.s32 $0x400, s21;
	[sflag:s0] =	ssyncadd.s32 $0xFFFFE000;
	(pc) =	sbr.rel @p0 .LBB2_2-.Ltmp0, $4  }
0x74: {  	[tilespmem:s20], [sflag:$0x4] =	stream.indirect.gather [hbm4b:s8+s14], $0x40, s13, s14, $0xb8;
	[tilespmem:$0x1E000] =	vst v63  }
0x75: {  	_ =	swait.ge [sflag:s1], $0x2000  }
0x76: {  	[sflag:s1] =	ssyncset.done $0x0  }
0x77: {  	s21 =	sadd.s32 $0x480, s21;
	[sflag:s1] =	ssyncadd.s32 $0xFFFFE000  }
0x78: {  	[tilespmem:s22], [sflag:$0x5] =	stream.indirect.gather [hbm4b:s8+s14], $0x40, s21, s14, $0xb8;
	[tilespmem:$0x1E000] =	vst v63  }
0x79: {  	_ =	swait.ge [sflag:s23], $0x2000  }
0x7a: {  	[sflag:s23] =	ssyncset.done $0x0  }
0x7b: {  	s13 =	simm.s32 $0x9D80;
	[sflag:s23] =	ssyncadd.s32 $0xFFFFE000  }
0x7c: {  	[spmem:s2] =	stream.indirect.scatter.add.f32 [tilespmem:s15], [sflag:$0x6], $0x40, s13, s14, $0xb8;
	[tilespmem:$0x1E000] =	vst v63  }
0x7d: {  	_ =	swait.ge [sflag:s24], $0x2000  }
0x7e: {  	[sflag:s24] =	ssyncset.done $0x0  }
0x7f: {  	s19 =	simm.s32 $0x9E00;
	[sflag:s24] =	ssyncadd.s32 $0xFFFFE000  }
0x80: {  	[spmem:s2] =	stream.indirect.scatter.add.f32 [tilespmem:s16], [sflag:$0x7], $0x40, s19, s14, $0xb8;
	[tilespmem:$0x1E000] =	vst v63  }
0x81: {  	_ =	swait.ge [sflag:s25], $0x2000  }
0x82: {  	[sflag:s25] =	ssyncset.done $0x0  }
0x83: {  	s21 =	simm.s32 $0x9E80;
	[sflag:s25] =	ssyncadd.s32 $0xFFFFE000  }
0x84: {  	[spmem:s2] =	stream.indirect.scatter.add.f32 [tilespmem:s18], [sflag:$0x8], $0x40, s21, s14, $0xb8;
	[tilespmem:$0x1E000] =	vst v63  }
0x85: {  	_ =	swait.ge [sflag:s26], $0x2000  }
0x86: {  	[sflag:s26] =	ssyncset.done $0x0  }
0x87: {  	s19 =	simm.s32 $0x9F00;
	[sflag:s26] =	ssyncadd.s32 $0xFFFFE000  }
0x88: {  	[spmem:s2] =	stream.indirect.scatter.add.f32 [tilespmem:s20], [sflag:$0x9], $0x40, s19, s14, $0xb8;
	[tilespmem:$0x1E000] =	vst v63  }
0x89: {  	_ =	swait.ge [sflag:s28], $0x2000  }
0x8a: {  	[sflag:s28] =	ssyncset.done $0x0  }
0x8b: {  	s21 =	simm.s32 $0x9F80;
	[sflag:s28] =	ssyncadd.s32 $0xFFFFE000  }
0x8c: {  	[spmem:s2] =	stream.indirect.scatter.add.f32 [tilespmem:s22], [sflag:$0xA], $0x40, s21, s14, $0xb8;
	[tilespmem:$0x1E000] =	vst v63  }
0x8d: {  	_ =	swait.ge [sflag:s29], $0x2000  }
0x8e: {  	[sflag:s29] =	ssyncset.done $0x0  }
0x8f: {  	[sflag:s29] =	ssyncadd.s32 $0xFFFFE000  }
0x90: {  	_ =	swait.ge [sflag:s30], $0x2000  }
0x91: {  	[sflag:s30] =	ssyncset.done $0x0  }
0x92: {  	[sflag:s30] =	ssyncadd.s32 $0xFFFFE000  }
0x93: {  	_ =	swait.ge [sflag:s31], $0x2000  }
0x94: {  	[sflag:s31] =	ssyncset.done $0x0  }
0x95: {  	[sflag:s31] =	ssyncadd.s32 $0xFFFFE000  }
0x96: {  	_ =	swait.ge [sflag:s0], $0x2000  }
0x97: {  	[sflag:s0] =	ssyncset.done $0x0  }
0x98: {  	[sflag:s0] =	ssyncadd.s32 $0xFFFFE000  }
0x99: {  	_ =	swait.ge [sflag:s1], $0x2000  }
0x9a: {  	s17 =	sadd.s32 $0x1, s17;
	[sflag:s1] =	ssyncset.done $0x0  }
0x9b: {  	p0 =	sne.s32 s17, s10;
	[sflag:s1] =	ssyncadd.s32 $0xFFFFE000  }
.Ltmp1:
0x9c: {  	[bflag:$0x0] =	sbarrier.arrive $0xFFFF;
	(pc) =	sbr.rel @p0 .LBB2_1-.Ltmp1, $4  }
0x9d: {  	[hbm:s9], [sflag:s5] =	dma.local [spmem:s11], $0x1400  }
0x9e: {  	_ =	swait.ge [sflag:s12], $0x1400  }
0x9f: {  	[sflag:s12] =	ssyncset.done $0x0  }
0xa0: {  	[sflag:s12] =	ssyncadd.s32 $0xFFFFEC00  }
0xa1: {  	_ =	sfence.sel $0x180000  }
0xa2: {  	[bflag:$0x0] =	sbarrier.arrive $0xFFFF  }
0xa3: {  	_ =	strace $0x9000004D  }
0xa4: {  	s0 =	stileid.u32;
	[bflag:$0x2] =	sbarrier.arrive $0xFFFF  }
0xa5: {  	p0 =	sne.s32 s0, $0x0;
	s0 =	rddreg [dreg:$0x2]  }
0xa6: {  	s0 =	sadd.s32 @!p0 $0x100000, s0  }
0xa7: {  	[sflag:s0] =	ssyncadd.tile.s32 @!p0 $0x1;
	_ =	shalt  }
.Lfunc_end2:
_tile_overlayer_lowered:
.L_overlay_start_2:
0xa8: {  	(tag) =	ssettag $0x2  }
0xa9: {  	s0 =	rddreg [dreg:$0x0];
	s2 =	stileid.u32  }
0xaa: {  	s1 =	rddreg [dreg:$0x1];
	p0 =	sne.s32 s2, $0x0  }
0xab: {  	s3 =	rddreg [dreg:$0x2];
	[bflag:$0x3] =	sbarrier.arrive $0xFFFF;
	s2 =	simm.s32 @!p0 $0x1C0B  }
0xac: {  	[timem:s3], [sflag:s2] =	dma.local @!p0 [hbm:s0], s1  }
0xad: {  	s0 =	simm.s32 @!p0 $0xB  }
0xae: {  	_ =	swait.ge @!p0 [sflag:s0], s1  }
0xaf: {  	s1 =	ssub.s32 @!p0 $0x0, s1;
	[sflag:s0] =	ssyncset.done @!p0 $0x0  }
0xb0: {  	[sflag:s0] =	ssyncadd.s32 @!p0 s1  }
0xb1: {  	[bflag:$0x3] =	sbarrier.arrive $0xFFFF  }
0xb2: {  	_ =	shalt  }

// kernel: kernel.20.cloned.1.call-start
scs
__scs_entry_jumppad:
0x0: {  	(pc) =	sbr.rel $0x88, $3  }
0x1: {  	(tag) =	ssettag $0x0;
	lr =	simm.s32 $0x1  }
0x2: {  	[smem:$0x3F9A] =	sst lr;
	_ =	strace $0xD0000000  }
0x3: {  	_ = 	snop  }
0x4: {  	_ = 	snop  }
0x5: {  	_ = 	snop  }
0x6: {  	_ = 	snop  }
0x7: {  	_ = 	snop  }
__scs_overlays_trampoline_lowered:
0x8: {  	[smem:$0x3FA9] =	sst s0  }
0x9: {  	[smem:$0x3FAA] =	sst s1  }
0xa: {  	[smem:$0x3FAB] =	sst s2  }
0xb: {  	[smem:$0x3FAC] =	sst s3  }
0xc: {  	[smem:$0x3FAD] =	sst s4  }
0xd: {  	[smem:$0x3FAE] =	sst s5  }
0xe: {  	[smem:$0x3FAF] =	sst s6  }
0xf: {  	[smem:$0x3FB0] =	sst s7  }
0x10: {  	[smem:$0x3FB1] =	sst s8  }
0x11: {  	[smem:$0x3FB2] =	sst s9;
	s0 =	simm.s32 @!p0 $0x0  }
0x12: {  	s1 =	sld [smem:$0x3F98];
	s0 =	simm.s32 @p0 $0x1  }
0x13: {  	[smem:$0x3FB3] =	sst s0;
	s0 =	simm.s32 @!p1 $0x0  }
0x14: {  	s2 =	sld [smem:$0x3F97];
	s0 =	simm.s32 @p1 $0x1  }
0x15: {  	[smem:$0x3FB4] =	sst s0;
	s0 =	simm.s32 @!p2 $0x0  }
0x16: {  	s3 =	sld [smem:$0x3FDB];
	s0 =	simm.s32 @p2 $0x1  }
0x17: {  	s4 =	simm.s32 $0x1BF5;
	[smem:$0x3FB6] =	sst s0  }
0x18: {  	s0 =	sld [smem:$0x3F99];
	_ =	swait.ge [sflag:s4], $0x0  }
0x19: {  	s7 =	sld [smem:$0x3F9A]  }
0x1a: {  	s8 =	sadd.s32 $0xFFFFE003, lr  }
0x1b: {  	s9 =	sadd.s32 $0xFFFFFEF7, lr;
	s5 =	simm.s32 $0xFFFFFFFF;
	p2 =	slt.u32 s8, $0xFFFFF086  }
0x1c: {  	p1 =	slt.u32 s9, $0xF7A;
	s5 =	simm.s32 @!p2 $0x0  }
0x1d: {  	s5 =	simm.s32 @p1 $0x1;
	p0 =	seq.s32 s7, s2  }
0x1e: {  	s7 =	smul.u32 @!p0 $0xF7A, s2;
	p2 =	seq.s32 @!p0 s5, $0x0  }
0x1f: {  	s9 =	smul.u32 $0xF7A, s1;
	s8 =	simm.s32 @!p0 $0x1BF5;
	p2 =	por !p2, p0  }
0x20: {  	[sflag:s8] =	ssyncset.s32 @!p0 $0xFFFFF086;
	s6 =	sadd.s32 @!p0 s3, s7;
	s7 =	simm.s32 @!p0 $0x108  }
0x21: {  	s3 =	sadd.s32 s3, s9;
	s6 =	sadd.s32 @!p0 $0x88, s6;
	s7 =	simm.s32 @p2 $0x1082  }
0x22: {  	[simem:s7], [sflag:s8] =	dma.local @!p0 [hbm:s6], $0xF7A  }
0x23: {  	s9 =	sor.u32 $0xD0000000, s2;
	s6 =	simm.s32 $0x108;
	_ =	swait.ge @!p0 [sflag:s8], $0x0  }
0x24: {  	s3 =	sadd.s32 $0x88, s3;
	s6 =	simm.s32 @!p1 $0x1082;
	[sflag:s4] =	ssyncset.s32 $0xFFFFF086  }
0x25: {  	[simem:s6], [sflag:s4] =	dma.local [hbm:s3], $0xF7A  }
0x26: {  	[smem:$0x3F9A] =	sst s1;
	(tag) =	ssettag s2;
	_ =	strace s9  }
0x27: {  	s1 =	sld [smem:$0x3FAA]  }
0x28: {  	s2 =	sld [smem:$0x3FAB]  }
0x29: {  	s4 =	sld [smem:$0x3FAD]  }
0x2a: {  	p0 =	seq.s32 s5, $0x0;
	s5 =	sld [smem:$0x3FAE]  }
0x2b: {  	s6 =	sld [smem:$0x3FAF]  }
0x2c: {  	s7 =	sld [smem:$0x3FB0]  }
0x2d: {  	s3 =	simm.s32 $0x108;
	s8 =	sld [smem:$0x3FB1]  }
0x2e: {  	s3 =	simm.s32 @!p0 $0x1082;
	s9 =	sld [smem:$0x3FB2]  }
0x2f: {  	lr =	sadd.s32 s0, s3;
	s0 =	sld [smem:$0x3FA9]  }
0x30: {  	s3 =	sld [smem:$0x3FAC]  }
0x31: {  	[smem:$0x3FB5] =	sst s10  }
0x32: {  	s10 =	sld [smem:$0x3FB3];
	_ =	sdelay $0x3  }
0x33: {  	p0 =	seq.s32 s10, $0x1;
	s10 =	sld [smem:$0x3FB5];
	_ =	sdelay $0x3  }
0x34: {  	[smem:$0x3FB5] =	sst s10  }
0x35: {  	s10 =	sld [smem:$0x3FB4];
	_ =	sdelay $0x3  }
0x36: {  	p1 =	seq.s32 s10, $0x1;
	s10 =	sld [smem:$0x3FB5];
	_ =	sdelay $0x3  }
0x37: {  	[smem:$0x3FB5] =	sst s10  }
0x38: {  	s10 =	sld [smem:$0x3FB6]  }
0x39: {  	_ = 	snop;
	(pc) =	sbr.ind lr, $3  }
0x3a: {  	_ = 	snop  }
0x3b: {  	_ = 	snop  }
0x3c: {  	p2 =	seq.s32 s10, $0x1;
	s10 =	sld [smem:$0x3FB5]  }
0x3d: {  	_ =	shalt  }
0x3e: {  	_ =	shalt  }
0x3f: {  	_ =	shalt  }
0x40: {  	_ =	shalt  }
0x41: {  	_ =	shalt  }
0x42: {  	_ =	shalt  }
0x43: {  	_ =	shalt  }
0x44: {  	_ =	shalt  }
0x45: {  	_ =	shalt  }
0x46: {  	_ =	shalt  }
0x47: {  	_ =	shalt  }
0x48: {  	_ =	shalt  }
0x49: {  	_ =	shalt  }
0x4a: {  	_ =	shalt  }
0x4b: {  	_ =	shalt  }
0x4c: {  	_ =	shalt  }
0x4d: {  	_ =	shalt  }
0x4e: {  	_ =	shalt  }
0x4f: {  	_ =	shalt  }
0x50: {  	_ =	shalt  }
0x51: {  	_ =	shalt  }
0x52: {  	_ =	shalt  }
0x53: {  	_ =	shalt  }
0x54: {  	_ =	shalt  }
0x55: {  	_ =	shalt  }
0x56: {  	_ =	shalt  }
0x57: {  	_ =	shalt  }
0x58: {  	_ =	shalt  }
0x59: {  	_ =	shalt  }
0x5a: {  	_ =	shalt  }
0x5b: {  	_ =	shalt  }
0x5c: {  	_ =	shalt  }
0x5d: {  	_ =	shalt  }
0x5e: {  	_ =	shalt  }
0x5f: {  	_ =	shalt  }
0x60: {  	_ =	shalt  }
0x61: {  	_ =	shalt  }
0x62: {  	_ =	shalt  }
0x63: {  	_ =	shalt  }
0x64: {  	_ =	shalt  }
0x65: {  	_ =	shalt  }
0x66: {  	_ =	shalt  }
0x67: {  	_ =	shalt  }
0x68: {  	_ =	shalt  }
0x69: {  	_ =	shalt  }
0x6a: {  	_ =	shalt  }
0x6b: {  	_ =	shalt  }
0x6c: {  	_ =	shalt  }
0x6d: {  	_ =	shalt  }
0x6e: {  	_ =	shalt  }
0x6f: {  	_ =	shalt  }
0x70: {  	_ =	shalt  }
0x71: {  	_ =	shalt  }
0x72: {  	_ =	shalt  }
0x73: {  	_ =	shalt  }
0x74: {  	_ =	shalt  }
0x75: {  	_ =	shalt  }
0x76: {  	_ =	shalt  }
0x77: {  	_ =	shalt  }
0x78: {  	_ =	shalt  }
0x79: {  	_ =	shalt  }
0x7a: {  	_ =	shalt  }
0x7b: {  	_ =	shalt  }
0x7c: {  	_ =	shalt  }
0x7d: {  	_ =	shalt  }
0x7e: {  	_ =	shalt  }
0x7f: {  	_ =	shalt  }
0x80: {  	_ =	shalt  }
0x81: {  	_ =	shalt  }
0x82: {  	_ =	shalt  }
0x83: {  	_ =	shalt  }
0x84: {  	_ =	shalt  }
0x85: {  	_ =	shalt  }
0x86: {  	_ =	shalt  }
0x87: {  	_ =	shalt  }
.Lfunc_end0:
.L_simem_size_0:
called_computation.3_lowered:
.L_overlay_start_0:
0x88: {  	s2 =	sld [smem:$0x3FD9]  }
0x89: {  	s3 =	sld [smem:$0x3FFE];
	_ =	sdelay $0x1  }
0x8a: {  	s1 =	srdreg.scid  }
0x8b: {  	s0 =	sand.u32 $0x1, s1  }
0x8c: {  	s16 =	sshll.u32 s0, $0xA;
	s2 =	sadd.s32 s3, s2  }
0x8d: {  	s2 =	sadd.s32 s2, s16  }
0x8e: {  	[smem:$0x3FC1] =	sst s2  }
0x8f: {  	_ = 	snop  }
0x90: {  	(tm) =	ssettm $0x1  }
0x91: {  	s17 =	sld [smem:$0x3FFB];
	_ =	sdelay $0x3  }
0x92: {  	_ =	strace s17  }
0x93: {  	s2 =	sld [smem:$0x3FFC];
	_ =	sdelay $0x3  }
0x94: {  	_ =	strace s2  }
0x95: {  	s2 =	sld [smem:$0x3FFD];
	_ =	sdelay $0x3  }
0x96: {  	_ =	strace s2  }
0x97: {  	_ =	strace $0x8FFFFFFF  }
0x98: {  	s18 =	sld [smem:$0x3FDB];
	_ =	sdelay $0x1  }
0x99: {  	s19 =	simm.s32 $_scs_section_size  }
0x9a: {  	s4 =	simm.s32 $_size__tile_overlayer_lowered;
	s5 =	simm.s32 $_tile_overlayer_lowered  }
0x9b: {  	s22 =	simm.s32 $0x1BFF;
	s21 =	sshll.u32 s5, $0x1;
	s2 =	sadd.s32 s19, s18  }
0x9c: {  	s6 =	simm.s32 $0x0;
	s20 =	sshll.u32 s4, $0x1;
	s4 =	sadd.s32 s21, s2  }
0x9d: {  	[timem:s6], [sflag:s22] =	dma.local [hbm:s4], s20  }
0x9e: {  	_ =	swait.ge [sflag:s22], s20  }
0x9f: {  	s3 =	ssub.s32 $0x0, s20;
	[sflag:s22] =	ssyncset.done $0x0  }
0xa0: {  	[sflag:s22] =	ssyncadd.s32 s3;
	_ =	sdelay $0x1  }
0xa1: {  	s23 =	simm.s32 $0x1B8B  }
0xa2: {  	_ =	swait.ge [sflag:s23], $0x1  }
0xa3: {  	[sflag:s23] =	ssyncset.done $0x0  }
0xa4: {  	s25 =	simm.s32 $0x1B8E;
	s24 =	sld [smem:$0x3FFE];
	[sflag:s23] =	ssyncadd.s32 $0xFFFFFFFF  }
0xa5: {  	s26 =	simm.s32 $execute0_lowered;
	[smem:$0x3FD2] =	sst s25  }
0xa6: {  	s4 =	sshll.u32 s26, $0x1;
	_ =	strace $0x8000004F;
	[dreg:$0x1] =	wrdreg $0xFFFFFFFF  }
0xa7: {  	s28 =	simm.s32 $_size_execute0_lowered;
	s2 =	sadd.s32 s2, s4;
	[dreg:$0x0] =	wrdreg $0x0  }
0xa8: {  	s4 =	sshll.u32 s28, $0x1;
	[dreg:$0x2] =	wrdreg s2  }
0xa9: {  	[dreg:$0x3] =	wrdreg s4  }
0xaa: {  	[dreg:$0x4] =	wrdreg $0xC0  }
0xab: {  	_ =	task [dreg:s6], $0x5FFFF  }
0xac: {  	[dreg:$0x1] =	wrdreg $0xFFFFFFFF  }
0xad: {  	[dreg:$0x0] =	wrdreg $0x60  }
0xae: {  	[dreg:$0x2] =	wrdreg s24  }
0xaf: {  	[dreg:$0x3] =	wrdreg $0x9  }
0xb0: {  	_ =	task.clear_ibuf [dreg:s6], $0x4FFFF;
	_ =	strace $0x9000004F  }
0xb1: {  	s29 =	simm.s32 $0x9;
	_ =	strace $0x80000051  }
0xb2: {  	_ =	swait.ge [sflag:s29], $0x1  }
0xb3: {  	[sflag:s29] =	ssyncadd.s32 $0xFFFFFFFF  }
0xb4: {  	_ =	strace $0x90000051  }
0xb5: {  	_ =	sfence  }
0xb6: {  	s30 =	sld [smem:$0x0];
	_ =	sdelay $0x2  }
0xb7: {  	s31 =	sshll.u32 s1, $0xD;
	s1 =	sshrl.u32 s1, $0x2  }
0xb8: {  	s3 =	sand.u32 $0x4000, s31;
	s1 =	sadd.s32 s1, s30  }
0xb9: {  	s0 =	sor.u32 s3, s0;
	s1 =	sshll.u32 s1, $0x11  }
0xba: {  	s0 =	sor.u32 s1, s0  }
0xbb: {  	s0 =	sadd.s32 $0x8F2B, s0  }
0xbc: {  	[sflag:s0] =	ssyncadd.remote.s32 $0x1  }
0xbd: {  	_ =	sfence.sel $0xFFFF  }
0xbe: {  	[dreg:$0x0] =	wrdreg $0xFFFFFFFF;
	(pc) =	sbr.abs _section_cstart, $3  }
0xbf: {  	[dreg:$0x1] =	wrdreg $0xFFFFFFFF  }
0xc0: {  	_ =	task.clear_ibuf [dreg:s6], $0x2FFFF;
	_ =	strace $0x9FFFFFFF  }
0xc1: {  	(tm) =	ssettm $0x7FFFFFFF  }
tec
execute0_lowered:
.L_overlay_start_1:
0x0: {  	(tag) =	ssettag $0x1  }
0x1: {  	s0 =	srdreg.scid;
	s1 =	rddreg [dreg:$0x0]  }
0x2: {  	s11 =	stileid.u32;
	s2 =	simm.s32 $0x0;
	s28 =	simm.s32 $0x7  }
0x3: {  	s30 =	simm.s32 $0x4;
	s31 =	simm.s32 $0xF400;
	s10 =	smul.u32 $0x68, s11  }
0x4: {  	s0 =	sand.u32 $0x1, s0;
	[smem:$0x7FF] =	sst s2;
	s23 =	smul.u32 $0x1A000, s11  }
0x5: {  	s6 =	sadd.s32 $0x44800, s1;
	s3 =	sshll.u32 s0, $0x4;
	s9 =	smul.u32 $0x680, s0  }
0x6: {  	_ =	strace $0x80000050;
	s7 =	ssub.s32 $0x2, s0;
	s0 =	smul.u32 $0x1A0000, s0  }
0x7: {  	s4 =	sor.u32 s11, s3;
	s3 =	sadd.s32 $0x1C800, s1;
	s8 =	sshrl.u32 s7, $0x1  }
0x8: {  	s11 =	simm.s32 $0xC;
	s5 =	smul.u32 $0x340, s4;
	s16 =	sadd.s32 s10, s9  }
0x9: {  	s4 =	smul.u32 $0xD0000, s4;
	s7 =	ssub.s32 s7, s8;
	s8 =	sshll.u32 s16, $0xA  }
0xa: {  	s10 =	simm.s32 $0xF;
	s5 =	sadd.s32 s5, s1;
	s20 =	sadd.s32 s8, s6  }
0xb: {  	s1 =	sadd.s32 $0x384800, s1;
	s12 =	sadd.s32 $0x16000, s5;
	[dreg:$0x2] =	wrdreg s20  }
0xc: {  	s4 =	sshrl.u32 s4, $0x3;
	s5 =	sadd.s32 $0x2000, s5;
	[dreg:$0x8] =	wrdreg s12  }
0xd: {  	s29 =	sadd.s32 $0x19000, s4;
	s21 =	sadd.s32 s8, s1;
	[dreg:$0x9] =	wrdreg s5  }
0xe: {  	s15 =	sadd.s32 $0x19400, s4;
	s13 =	sadd.s32 s6, s29;
	[dreg:$0x3] =	wrdreg s21  }
0xf: {  	s18 =	sadd.s32 $0x19800, s4;
	s14 =	sadd.s32 s1, s29;
	[dreg:$0xa] =	wrdreg s13  }
0x10: {  	s4 =	sadd.s32 $0x19C00, s4;
	s17 =	sadd.s32 s6, s15;
	[dreg:$0xb] =	wrdreg s14  }
0x11: {  	s8 =	sor.u32 $0x800, s8;
	s5 =	sadd.s32 s1, s15;
	[dreg:$0xc] =	wrdreg s17  }
0x12: {  	s25 =	sadd.s32 s0, s1;
	s19 =	sadd.s32 s6, s18;
	[dreg:$0xd] =	wrdreg s5  }
0x13: {  	s0 =	sadd.s32 s0, s6;
	s9 =	sadd.s32 s1, s18;
	[dreg:$0xe] =	wrdreg s19  }
0x14: {  	s22 =	sadd.s32 s8, s6;
	s24 =	sadd.s32 s8, s1;
	[dreg:$0xf] =	wrdreg s9  }
0x15: {  	s26 =	sadd.s32 s23, s25;
	s6 =	sadd.s32 s6, s4;
	[dreg:$0x4] =	wrdreg s22  }
0x16: {  	s0 =	sadd.s32 s23, s0;
	s1 =	sadd.s32 s1, s4;
	[dreg:$0x5] =	wrdreg s24  }
0x17: {  	s29 =	smax.u32 s7, $0x1;
	s21 =	simm.s32 $0x2;
	[dreg:$0x10] =	wrdreg s6  }
0x18: {  	s23 =	simm.s32 $0x6;
	s25 =	simm.s32 $0x3;
	[dreg:$0x6] =	wrdreg s26  }
0x19: {  	s4 =	simm.s32 $0x8;
	s7 =	simm.s32 $0xA;
	[dreg:$0x11] =	wrdreg s1  }
0x1a: {  	s8 =	simm.s32 $0xE;
	s12 =	simm.s32 $0x10;
	[dreg:$0x12] =	wrdreg s29  }
0x1b: {  	[dreg:$0x7] =	wrdreg s0;
	s17 =	simm.s32 $0x40;
	s5 =	simm.s32 $0x9  }
0x1c: {  	s6 =	simm.s32 $0xD;
	s9 =	simm.s32 $0xB;
	s0 =	simm.s32 $0x0  }
.LBB2_1:
0x1d: {  	[dreg:$0x13] =	wrdreg s0  }
0x1e: {  	s13 =	rddreg [dreg:$0x8];
	s14 =	simm.s32 $0x11  }
0x1f: {  	[tilespmem:s2], [sflag:$0x11] =	stream.linear.gather [hbm4b:s13+s2], $0x1A00, $0x38;
	[tilespmem:$0x13400] =	vst v63  }
0x20: {  	_ =	swait.ge [sflag:s14], $0x1A00  }
0x21: {  	[sflag:s14] =	ssyncset.done $0x0  }
0x22: {  	s15 =	simm.s32 $0x1A00;
	s29 =	rddreg [dreg:$0x9];
	[sflag:s14] =	ssyncadd.s32 $0xFFFFE600  }
0x23: {  	[tilespmem:s15], [sflag:$0x11] =	stream.linear.gather [hbm4b:s29+s2], $0x1A00, $0x38;
	[tilespmem:$0x13400] =	vst v63  }
0x24: {  	_ =	swait.ge [sflag:s14], $0x1A00  }
0x25: {  	[sflag:s14] =	ssyncset.done $0x0  }
0x26: {  	s16 =	simm.s32 $0x3400;
	[sflag:s14] =	ssyncadd.s32 $0xFFFFE600  }
0x27: {  	[tilespmem:s16], [sflag:$0x1] =	stream.indirect.gather [hbm4b:s3+s17], $0x80, s2, s17, $0xb8;
	[tilespmem:$0x13400] =	vst v63  }
0x28: {  	s18 =	simm.s32 $0xB400  }
0x29: {  	[tilespmem:s18], [sflag:$0x5] =	stream.indirect.gather [hbm4b:s3+s17], $0x80, s15, s17, $0xb8;
	[tilespmem:$0x13400] =	vst v63  }
0x2a: {  	s19 =	simm.s32 $0x5400  }
0x2b: {  	[tilespmem:s19], [sflag:$0x2] =	stream.indirect.gather [hbm4b:s3+s17], $0x80, s17, s17, $0xb8;
	[tilespmem:$0x13400] =	vst v63  }
0x2c: {  	s0 =	simm.s32 $0x1A40;
	s20 =	simm.s32 $0xD400  }
0x2d: {  	[tilespmem:s20], [sflag:$0x6] =	stream.indirect.gather [hbm4b:s3+s17], $0x80, s0, s17, $0xb8;
	[tilespmem:$0x13400] =	vst v63  }
0x2e: {  	s1 =	simm.s32 $0x80;
	s22 =	simm.s32 $0x7400  }
0x2f: {  	[tilespmem:s22], [sflag:$0x3] =	stream.indirect.gather [hbm4b:s3+s17], $0x80, s1, s17, $0xb8;
	[tilespmem:$0x13400] =	vst v63  }
0x30: {  	s24 =	simm.s32 $0xF400;
	s14 =	simm.s32 $0x1A80  }
0x31: {  	[tilespmem:s24], [sflag:$0x7] =	stream.indirect.gather [hbm4b:s3+s17], $0x80, s14, s17, $0xb8;
	[tilespmem:$0x13400] =	vst v63  }
0x32: {  	s26 =	simm.s32 $0x9400;
	s15 =	simm.s32 $0xC0  }
0x33: {  	[tilespmem:s26], [sflag:$0x4] =	stream.indirect.gather [hbm4b:s3+s17], $0x80, s15, s17, $0xb8;
	[tilespmem:$0x13400] =	vst v63  }
0x34: {  	s13 =	simm.s32 $0x1;
	s29 =	simm.s32 $0x1AC0;
	s1 =	simm.s32 $0x11400  }
0x35: {  	[tilespmem:s1], [sflag:$0x8] =	stream.indirect.gather [hbm4b:s3+s17], $0x80, s29, s17, $0xb8;
	[tilespmem:$0x13400] =	vst v63  }
0x36: {  	_ =	swait.ge [sflag:s13], $0x2000  }
0x37: {  	s14 =	rddreg [dreg:$0x7];
	[sflag:s13] =	ssyncset.done $0x0  }
0x38: {  	s15 =	simm.s32 $0x5;
	[sflag:s13] =	ssyncadd.s32 $0xFFFFE000;
	s13 =	sadd.s32 $0x0, s14  }
0x39: {  	[hbm4b:s13+s2] =	stream.linear.scatter [tilespmem:s16], [sflag:$0x9], $0x2000, $0x38;
	[tilespmem:$0x13400] =	vst v63  }
0x3a: {  	_ =	swait.ge [sflag:s15], $0x2000  }
0x3b: {  	s29 =	rddreg [dreg:$0x6];
	[sflag:s15] =	ssyncset.done $0x0  }
0x3c: {  	[sflag:s15] =	ssyncadd.s32 $0xFFFFE000;
	s13 =	sadd.s32 $0x0, s29  }
0x3d: {  	[hbm4b:s13+s2] =	stream.linear.scatter [tilespmem:s18], [sflag:$0xD], $0x2000, $0x38;
	[tilespmem:$0x13400] =	vst v63  }
0x3e: {  	_ =	swait.ge [sflag:s21], $0x2000  }
0x3f: {  	s14 =	rddreg [dreg:$0x2]  }
0x40: {  	[sflag:s21] =	ssyncset.done $0x0;
	s13 =	sadd.s32 $0x0, s14  }
0x41: {  	[sflag:s21] =	ssyncadd.s32 $0xFFFFE000;
	s15 =	sadd.s32 $0x400, s13  }
0x42: {  	[hbm4b:s15+s2] =	stream.linear.scatter [tilespmem:s19], [sflag:$0xA], $0x2000, $0x38;
	[tilespmem:$0x13400] =	vst v63  }
0x43: {  	_ =	swait.ge [sflag:s23], $0x2000  }
0x44: {  	s29 =	rddreg [dreg:$0x3]  }
0x45: {  	[sflag:s23] =	ssyncset.done $0x0;
	s14 =	sadd.s32 $0x0, s29  }
0x46: {  	[sflag:s23] =	ssyncadd.s32 $0xFFFFE000;
	s0 =	sadd.s32 $0x400, s14  }
0x47: {  	[hbm4b:s0+s2] =	stream.linear.scatter [tilespmem:s20], [sflag:$0xE], $0x2000, $0x38;
	[tilespmem:$0x13400] =	vst v63  }
0x48: {  	_ =	swait.ge [sflag:s25], $0x2000  }
0x49: {  	s29 =	rddreg [dreg:$0x4];
	[sflag:s25] =	ssyncset.done $0x0  }
0x4a: {  	[sflag:s25] =	ssyncadd.s32 $0xFFFFE000;
	s15 =	sadd.s32 $0x0, s29  }
0x4b: {  	[hbm4b:s15+s2] =	stream.linear.scatter [tilespmem:s22], [sflag:$0xB], $0x2000, $0x38;
	[tilespmem:$0x13400] =	vst v63  }
0x4c: {  	_ =	swait.ge [sflag:s28], $0x2000  }
0x4d: {  	s0 =	rddreg [dreg:$0x5];
	[sflag:s28] =	ssyncset.done $0x0  }
0x4e: {  	[sflag:s28] =	ssyncadd.s32 $0xFFFFE000;
	s15 =	sadd.s32 $0x0, s0  }
0x4f: {  	[hbm4b:s15+s2] =	stream.linear.scatter [tilespmem:s24], [sflag:$0xF], $0x2000, $0x38;
	[tilespmem:$0x13400] =	vst v63  }
0x50: {  	_ =	swait.ge [sflag:s30], $0x2000  }
0x51: {  	[sflag:s30] =	ssyncset.done $0x0  }
0x52: {  	s13 =	sadd.s32 $0xC00, s13;
	[sflag:s30] =	ssyncadd.s32 $0xFFFFE000  }
0x53: {  	[hbm4b:s13+s2] =	stream.linear.scatter [tilespmem:s26], [sflag:$0xC], $0x2000, $0x38;
	[tilespmem:$0x13400] =	vst v63  }
0x54: {  	_ =	swait.ge [sflag:s4], $0x2000  }
0x55: {  	[sflag:s4] =	ssyncset.done $0x0  }
0x56: {  	s14 =	sadd.s32 $0xC00, s14;
	[sflag:s4] =	ssyncadd.s32 $0xFFFFE000  }
0x57: {  	[hbm4b:s14+s2] =	stream.linear.scatter [tilespmem:s1], [sflag:$0x10], $0x2000, $0x38;
	[tilespmem:$0x13400] =	vst v63  }
0x58: {  	_ =	swait.ge [sflag:s5], $0x2000  }
0x59: {  	[sflag:s5] =	ssyncset.done $0x0  }
0x5a: {  	[sflag:s5] =	ssyncadd.s32 $0xFFFFE000  }
0x5b: {  	_ =	swait.ge [sflag:s6], $0x2000  }
0x5c: {  	[sflag:s6] =	ssyncset.done $0x0  }
0x5d: {  	s15 =	simm.s32 $0x100;
	[sflag:s6] =	ssyncadd.s32 $0xFFFFE000  }
0x5e: {  	[tilespmem:s16], [sflag:$0x1] =	stream.indirect.gather [hbm4b:s3+s17], $0x80, s15, s17, $0xb8;
	[tilespmem:$0x13400] =	vst v63  }
0x5f: {  	s16 =	simm.s32 $0x1B00  }
0x60: {  	[tilespmem:s18], [sflag:$0x5] =	stream.indirect.gather [hbm4b:s3+s17], $0x80, s16, s17, $0xb8;
	[tilespmem:$0x13400] =	vst v63  }
0x61: {  	_ =	swait.ge [sflag:s7], $0x2000  }
0x62: {  	[sflag:s7] =	ssyncset.done $0x0  }
0x63: {  	[sflag:s7] =	ssyncadd.s32 $0xFFFFE000  }
0x64: {  	_ =	swait.ge [sflag:s8], $0x2000  }
0x65: {  	[sflag:s8] =	ssyncset.done $0x0  }
0x66: {  	s18 =	simm.s32 $0x140;
	[sflag:s8] =	ssyncadd.s32 $0xFFFFE000  }
0x67: {  	[tilespmem:s19], [sflag:$0x2] =	stream.indirect.gather [hbm4b:s3+s17], $0x80, s18, s17, $0xb8;
	[tilespmem:$0x13400] =	vst v63  }
0x68: {  	s19 =	simm.s32 $0x1B40  }
0x69: {  	[tilespmem:s20], [sflag:$0x6] =	stream.indirect.gather [hbm4b:s3+s17], $0x80, s19, s17, $0xb8;
	[tilespmem:$0x13400] =	vst v63  }
0x6a: {  	_ =	swait.ge [sflag:s9], $0x2000  }
0x6b: {  	[sflag:s9] =	ssyncset.done $0x0  }
0x6c: {  	[sflag:s9] =	ssyncadd.s32 $0xFFFFE000  }
0x6d: {  	_ =	swait.ge [sflag:s10], $0x2000  }
0x6e: {  	[sflag:s10] =	ssyncset.done $0x0  }
0x6f: {  	s20 =	simm.s32 $0x180;
	[sflag:s10] =	ssyncadd.s32 $0xFFFFE000  }
0x70: {  	[tilespmem:s22], [sflag:$0x3] =	stream.indirect.gather [hbm4b:s3+s17], $0x80, s20, s17, $0xb8;
	[tilespmem:$0x13400] =	vst v63  }
0x71: {  	s22 =	simm.s32 $0x1B80  }
0x72: {  	[tilespmem:s24], [sflag:$0x7] =	stream.indirect.gather [hbm4b:s3+s17], $0x80, s22, s17, $0xb8;
	[tilespmem:$0x13400] =	vst v63  }
0x73: {  	_ =	swait.ge [sflag:s11], $0x2000  }
0x74: {  	[sflag:s11] =	ssyncset.done $0x0  }
0x75: {  	[sflag:s11] =	ssyncadd.s32 $0xFFFFE000  }
0x76: {  	_ =	swait.ge [sflag:s12], $0x2000  }
0x77: {  	s29 =	simm.s32 $0x1C0;
	s13 =	simm.s32 $0x400;
	[sflag:s12] =	ssyncset.done $0x0  }
0x78: {  	s14 =	simm.s32 $0x1000;
	s15 =	simm.s32 $0x1BC0;
	[sflag:s12] =	ssyncadd.s32 $0xFFFFE000  }
0x79: {  	[tilespmem:s26], [sflag:$0x4] =	stream.indirect.gather [hbm4b:s3+s17], $0x80, s29, s17, $0xb8;
	[tilespmem:$0x13400] =	vst v63  }
.LBB2_2:
0x7a: {  	s1 =	simm.s32 $0x11400;
	s0 =	simm.s32 $0x1  }
0x7b: {  	[tilespmem:s1], [sflag:$0x8] =	stream.indirect.gather [hbm4b:s3+s17], $0x80, s15, s17, $0xb8;
	[tilespmem:$0x13400] =	vst v63  }
0x7c: {  	_ =	swait.ge [sflag:s0], $0x2000  }
0x7d: {  	s20 =	simm.s32 $0x3400;
	s16 =	rddreg [dreg:$0x7];
	[sflag:s0] =	ssyncset.done $0x0  }
0x7e: {  	s19 =	simm.s32 $0x5;
	[sflag:s0] =	ssyncadd.s32 $0xFFFFE000;
	s16 =	sadd.s32 s14, s16  }
0x7f: {  	[hbm4b:s16+s2] =	stream.linear.scatter [tilespmem:s20], [sflag:$0x9], $0x2000, $0x38;
	[tilespmem:$0x13400] =	vst v63  }
0x80: {  	_ =	swait.ge [sflag:s19], $0x2000  }
0x81: {  	s22 =	rddreg [dreg:$0x6];
	[sflag:s19] =	ssyncset.done $0x0  }
0x82: {  	[sflag:s19] =	ssyncadd.s32 $0xFFFFE000;
	s16 =	sadd.s32 s14, s22;
	s22 =	simm.s32 $0xB400  }
0x83: {  	[hbm4b:s16+s2] =	stream.linear.scatter [tilespmem:s22], [sflag:$0xD], $0x2000, $0x38;
	[tilespmem:$0x13400] =	vst v63  }
0x84: {  	_ =	swait.ge [sflag:s21], $0x2000  }
0x85: {  	s24 =	rddreg [dreg:$0x2]  }
0x86: {  	[sflag:s21] =	ssyncset.done $0x0;
	s16 =	sadd.s32 s14, s24  }
0x87: {  	[sflag:s21] =	ssyncadd.s32 $0xFFFFE000;
	s24 =	simm.s32 $0x5400;
	s18 =	sadd.s32 $0x400, s16  }
0x88: {  	[hbm4b:s18+s2] =	stream.linear.scatter [tilespmem:s24], [sflag:$0xA], $0x2000, $0x38;
	[tilespmem:$0x13400] =	vst v63  }
0x89: {  	_ =	swait.ge [sflag:s23], $0x2000  }
0x8a: {  	s26 =	rddreg [dreg:$0x3]  }
0x8b: {  	[sflag:s23] =	ssyncset.done $0x0;
	s18 =	sadd.s32 s14, s26  }
0x8c: {  	[sflag:s23] =	ssyncadd.s32 $0xFFFFE000;
	s26 =	simm.s32 $0xD400;
	s19 =	sadd.s32 $0x400, s18  }
0x8d: {  	[hbm4b:s19+s2] =	stream.linear.scatter [tilespmem:s26], [sflag:$0xE], $0x2000, $0x38;
	[tilespmem:$0x13400] =	vst v63  }
0x8e: {  	_ =	swait.ge [sflag:s25], $0x2000  }
0x8f: {  	s0 =	rddreg [dreg:$0x4];
	[sflag:s25] =	ssyncset.done $0x0  }
0x90: {  	s29 =	simm.s32 $0x7400;
	[sflag:s25] =	ssyncadd.s32 $0xFFFFE000;
	s19 =	sadd.s32 s14, s0  }
0x91: {  	[hbm4b:s19+s2] =	stream.linear.scatter [tilespmem:s29], [sflag:$0xB], $0x2000, $0x38;
	[tilespmem:$0x13400] =	vst v63  }
0x92: {  	_ =	swait.ge [sflag:s28], $0x2000  }
0x93: {  	s0 =	rddreg [dreg:$0x5];
	[sflag:s28] =	ssyncset.done $0x0  }
0x94: {  	[sflag:s28] =	ssyncadd.s32 $0xFFFFE000;
	s19 =	sadd.s32 s14, s0  }
0x95: {  	[hbm4b:s19+s2] =	stream.linear.scatter [tilespmem:s31], [sflag:$0xF], $0x2000, $0x38;
	[tilespmem:$0x13400] =	vst v63  }
0x96: {  	_ =	swait.ge [sflag:s30], $0x2000  }
0x97: {  	[sflag:s30] =	ssyncset.done $0x0  }
0x98: {  	s16 =	sadd.s32 $0xC00, s16;
	s0 =	simm.s32 $0x9400;
	[sflag:s30] =	ssyncadd.s32 $0xFFFFE000  }
0x99: {  	[hbm4b:s16+s2] =	stream.linear.scatter [tilespmem:s0], [sflag:$0xC], $0x2000, $0x38;
	[tilespmem:$0x13400] =	vst v63  }
0x9a: {  	_ =	swait.ge [sflag:s4], $0x2000  }
0x9b: {  	[sflag:s4] =	ssyncset.done $0x0  }
0x9c: {  	s18 =	sadd.s32 $0xC00, s18;
	[sflag:s4] =	ssyncadd.s32 $0xFFFFE000  }
0x9d: {  	[hbm4b:s18+s2] =	stream.linear.scatter [tilespmem:s1], [sflag:$0x10], $0x2000, $0x38;
	[tilespmem:$0x13400] =	vst v63  }
0x9e: {  	_ =	swait.ge [sflag:s5], $0x2000  }
0x9f: {  	[sflag:s5] =	ssyncset.done $0x0  }
0xa0: {  	[sflag:s5] =	ssyncadd.s32 $0xFFFFE000  }
0xa1: {  	s15 =	smov.u32 s13;
	_ =	swait.ge [sflag:s6], $0x2000  }
0xa2: {  	s15 =	sshra.s32 s15, $0x2;
	[sflag:s6] =	ssyncset.done $0x0  }
0xa3: {  	s19 =	sadd.s32 $0x100, s15;
	[sflag:s6] =	ssyncadd.s32 $0xFFFFE000  }
0xa4: {  	[tilespmem:s20], [sflag:$0x1] =	stream.indirect.gather [hbm4b:s3+s17], $0x80, s19, s17, $0xb8;
	[tilespmem:$0x13400] =	vst v63  }
0xa5: {  	s20 =	sadd.s32 $0x1B00, s15  }
0xa6: {  	[tilespmem:s22], [sflag:$0x5] =	stream.indirect.gather [hbm4b:s3+s17], $0x80, s20, s17, $0xb8;
	[tilespmem:$0x13400] =	vst v63  }
0xa7: {  	_ =	swait.ge [sflag:s7], $0x2000  }
0xa8: {  	[sflag:s7] =	ssyncset.done $0x0  }
0xa9: {  	[sflag:s7] =	ssyncadd.s32 $0xFFFFE000  }
0xaa: {  	_ =	swait.ge [sflag:s8], $0x2000  }
0xab: {  	[sflag:s8] =	ssyncset.done $0x0  }
0xac: {  	s22 =	sadd.s32 $0x140, s15;
	[sflag:s8] =	ssyncadd.s32 $0xFFFFE000  }
0xad: {  	[tilespmem:s24], [sflag:$0x2] =	stream.indirect.gather [hbm4b:s3+s17], $0x80, s22, s17, $0xb8;
	[tilespmem:$0x13400] =	vst v63  }
0xae: {  	s24 =	sadd.s32 $0x1B40, s15  }
0xaf: {  	[tilespmem:s26], [sflag:$0x6] =	stream.indirect.gather [hbm4b:s3+s17], $0x80, s24, s17, $0xb8;
	[tilespmem:$0x13400] =	vst v63  }
0xb0: {  	_ =	swait.ge [sflag:s9], $0x2000  }
0xb1: {  	[sflag:s9] =	ssyncset.done $0x0  }
0xb2: {  	[sflag:s9] =	ssyncadd.s32 $0xFFFFE000  }
0xb3: {  	_ =	swait.ge [sflag:s10], $0x2000  }
0xb4: {  	[sflag:s10] =	ssyncset.done $0x0  }
0xb5: {  	s26 =	sadd.s32 $0x180, s15;
	[sflag:s10] =	ssyncadd.s32 $0xFFFFE000  }
0xb6: {  	[tilespmem:s29], [sflag:$0x3] =	stream.indirect.gather [hbm4b:s3+s17], $0x80, s26, s17, $0xb8;
	[tilespmem:$0x13400] =	vst v63  }
0xb7: {  	p0 =	sne.s32 s13, $0x6000;
	s1 =	sadd.s32 $0x1B80, s15  }
0xb8: {  	[tilespmem:s31], [sflag:$0x7] =	stream.indirect.gather [hbm4b:s3+s17], $0x80, s1, s17, $0xb8;
	[tilespmem:$0x13400] =	vst v63  }
0xb9: {  	s13 =	sadd.s32 $0x400, s13;
	s14 =	sadd.s32 $0x1000, s14;
	_ =	swait.ge [sflag:s11], $0x2000  }
0xba: {  	s18 =	simm.s32 $0x3400;
	s19 =	simm.s32 $0xB400;
	[sflag:s11] =	ssyncset.done $0x0  }
.Ltmp0:
0xbb: {  	s20 =	simm.s32 $0x5400;
	[sflag:s11] =	ssyncadd.s32 $0xFFFFE000;
	(pc) =	sbr.rel @p0 .LBB2_2-.Ltmp0, $4  }
0xbc: {  	s22 =	simm.s32 $0xD400;
	s24 =	simm.s32 $0x7400;
	_ =	swait.ge [sflag:s12], $0x2000  }
0xbd: {  	s26 =	simm.s32 $0xF400;
	s29 =	simm.s32 $0x9400;
	[sflag:s12] =	ssyncset.done $0x0  }
0xbe: {  	s1 =	sadd.s32 $0x1C0, s15;
	s15 =	sadd.s32 $0x1BC0, s15;
	[sflag:s12] =	ssyncadd.s32 $0xFFFFE000  }
0xbf: {  	[tilespmem:s0], [sflag:$0x4] =	stream.indirect.gather [hbm4b:s3+s17], $0x80, s1, s17, $0xb8;
	[tilespmem:$0x13400] =	vst v63  }
0xc0: {  	s0 =	simm.s32 $0x11400;
	s1 =	simm.s32 $0x1  }
0xc1: {  	[tilespmem:s0], [sflag:$0x8] =	stream.indirect.gather [hbm4b:s3+s17], $0x80, s15, s17, $0xb8;
	[tilespmem:$0x13400] =	vst v63  }
0xc2: {  	_ =	swait.ge [sflag:s1], $0x2000  }
0xc3: {  	[sflag:s1] =	ssyncset.done $0x0  }
0xc4: {  	s14 =	simm.s32 $0x5;
	s13 =	rddreg [dreg:$0xa];
	[sflag:s1] =	ssyncadd.s32 $0xFFFFE000  }
0xc5: {  	[hbm4b:s13+s2] =	stream.linear.scatter [tilespmem:s18], [sflag:$0x9], $0x2000, $0x38;
	[tilespmem:$0x13400] =	vst v63  }
0xc6: {  	_ =	swait.ge [sflag:s14], $0x2000  }
0xc7: {  	[sflag:s14] =	ssyncset.done $0x0  }
0xc8: {  	s15 =	rddreg [dreg:$0xb];
	[sflag:s14] =	ssyncadd.s32 $0xFFFFE000  }
0xc9: {  	[hbm4b:s15+s2] =	stream.linear.scatter [tilespmem:s19], [sflag:$0xD], $0x2000, $0x38;
	[tilespmem:$0x13400] =	vst v63  }
0xca: {  	_ =	swait.ge [sflag:s21], $0x2000  }
0xcb: {  	[sflag:s21] =	ssyncset.done $0x0  }
0xcc: {  	s16 =	rddreg [dreg:$0xc];
	[sflag:s21] =	ssyncadd.s32 $0xFFFFE000  }
0xcd: {  	[hbm4b:s16+s2] =	stream.linear.scatter [tilespmem:s20], [sflag:$0xA], $0x2000, $0x38;
	[tilespmem:$0x13400] =	vst v63  }
0xce: {  	_ =	swait.ge [sflag:s23], $0x2000  }
0xcf: {  	[sflag:s23] =	ssyncset.done $0x0  }
0xd0: {  	s18 =	rddreg [dreg:$0xd];
	[sflag:s23] =	ssyncadd.s32 $0xFFFFE000  }
0xd1: {  	[hbm4b:s18+s2] =	stream.linear.scatter [tilespmem:s22], [sflag:$0xE], $0x2000, $0x38;
	[tilespmem:$0x13400] =	vst v63  }
0xd2: {  	_ =	swait.ge [sflag:s25], $0x2000  }
0xd3: {  	[sflag:s25] =	ssyncset.done $0x0  }
0xd4: {  	s19 =	rddreg [dreg:$0xe];
	[sflag:s25] =	ssyncadd.s32 $0xFFFFE000  }
0xd5: {  	[hbm4b:s19+s2] =	stream.linear.scatter [tilespmem:s24], [sflag:$0xB], $0x2000, $0x38;
	[tilespmem:$0x13400] =	vst v63  }
0xd6: {  	_ =	swait.ge [sflag:s28], $0x2000  }
0xd7: {  	[sflag:s28] =	ssyncset.done $0x0  }
0xd8: {  	s20 =	rddreg [dreg:$0xf];
	[sflag:s28] =	ssyncadd.s32 $0xFFFFE000  }
0xd9: {  	[hbm4b:s20+s2] =	stream.linear.scatter [tilespmem:s26], [sflag:$0xF], $0x2000, $0x38;
	[tilespmem:$0x13400] =	vst v63  }
0xda: {  	_ =	swait.ge [sflag:s30], $0x2000  }
0xdb: {  	[sflag:s30] =	ssyncset.done $0x0  }
0xdc: {  	s22 =	rddreg [dreg:$0x10];
	[sflag:s30] =	ssyncadd.s32 $0xFFFFE000  }
0xdd: {  	[hbm4b:s22+s2] =	stream.linear.scatter [tilespmem:s29], [sflag:$0xC], $0x2000, $0x38;
	[tilespmem:$0x13400] =	vst v63  }
0xde: {  	_ =	swait.ge [sflag:s4], $0x2000  }
0xdf: {  	[sflag:s4] =	ssyncset.done $0x0  }
0xe0: {  	s24 =	rddreg [dreg:$0x11];
	[sflag:s4] =	ssyncadd.s32 $0xFFFFE000  }
0xe1: {  	[hbm4b:s24+s2] =	stream.linear.scatter [tilespmem:s0], [sflag:$0x10], $0x2000, $0x38;
	[tilespmem:$0x13400] =	vst v63  }
0xe2: {  	_ =	swait.ge [sflag:s5], $0x2000  }
0xe3: {  	[sflag:s5] =	ssyncset.done $0x0  }
0xe4: {  	[sflag:s5] =	ssyncadd.s32 $0xFFFFE000  }
0xe5: {  	_ =	swait.ge [sflag:s6], $0x2000  }
0xe6: {  	[sflag:s6] =	ssyncset.done $0x0  }
0xe7: {  	[sflag:s6] =	ssyncadd.s32 $0xFFFFE000  }
0xe8: {  	_ =	swait.ge [sflag:s7], $0x2000  }
0xe9: {  	[sflag:s7] =	ssyncset.done $0x0  }
0xea: {  	[sflag:s7] =	ssyncadd.s32 $0xFFFFE000  }
0xeb: {  	_ =	swait.ge [sflag:s8], $0x2000  }
0xec: {  	[sflag:s8] =	ssyncset.done $0x0  }
0xed: {  	[sflag:s8] =	ssyncadd.s32 $0xFFFFE000  }
0xee: {  	_ =	swait.ge [sflag:s9], $0x2000  }
0xef: {  	[sflag:s9] =	ssyncset.done $0x0  }
0xf0: {  	[sflag:s9] =	ssyncadd.s32 $0xFFFFE000  }
0xf1: {  	_ =	swait.ge [sflag:s10], $0x2000  }
0xf2: {  	[sflag:s10] =	ssyncset.done $0x0  }
0xf3: {  	[sflag:s10] =	ssyncadd.s32 $0xFFFFE000  }
0xf4: {  	_ =	swait.ge [sflag:s11], $0x2000  }
0xf5: {  	[sflag:s11] =	ssyncset.done $0x0  }
0xf6: {  	[sflag:s11] =	ssyncadd.s32 $0xFFFFE000  }
0xf7: {  	_ =	swait.ge [sflag:s12], $0x2000  }
0xf8: {  	s26 =	rddreg [dreg:$0x13]  }
0xf9: {  	s29 =	rddreg [dreg:$0x12];
	s0 =	sadd.s32 $0x1, s26  }
0xfa: {  	p0 =	sne.s32 s0, s29  }
.Ltmp1:
0xfb: {  	_ = 	snop;
	(pc) =	sbr.rel @p0 .LBB2_1-.Ltmp1, $3  }
0xfc: {  	_ =	sdelay $0x1  }
0xfd: {  	[sflag:s12] =	ssyncset.done $0x0  }
0xfe: {  	[sflag:s12] =	ssyncadd.s32 $0xFFFFE000  }
0xff: {  	_ =	sfence.sel $0x180000  }
0x100: {  	[bflag:$0x0] =	sbarrier.arrive $0xFFFF  }
0x101: {  	_ =	strace $0x90000050  }
0x102: {  	s0 =	stileid.u32;
	[bflag:$0x2] =	sbarrier.arrive $0xFFFF  }
0x103: {  	p0 =	sne.s32 s0, $0x0;
	s0 =	rddreg [dreg:$0x1]  }
0x104: {  	s0 =	sadd.s32 @!p0 $0x100000, s0  }
0x105: {  	[sflag:s0] =	ssyncadd.tile.s32 @!p0 $0x1;
	_ =	shalt  }
.Lfunc_end2:
_tile_overlayer_lowered:
.L_overlay_start_2:
0x106: {  	(tag) =	ssettag $0x2  }
0x107: {  	s0 =	rddreg [dreg:$0x0];
	s2 =	stileid.u32  }
0x108: {  	s1 =	rddreg [dreg:$0x1];
	p0 =	sne.s32 s2, $0x0  }
0x109: {  	s3 =	rddreg [dreg:$0x2];
	[bflag:$0x3] =	sbarrier.arrive $0xFFFF;
	s2 =	simm.s32 @!p0 $0x1C11  }
0x10a: {  	[timem:s3], [sflag:s2] =	dma.local @!p0 [hbm:s0], s1  }
0x10b: {  	s0 =	simm.s32 @!p0 $0x11  }
0x10c: {  	_ =	swait.ge @!p0 [sflag:s0], s1  }
0x10d: {  	s1 =	ssub.s32 @!p0 $0x0, s1;
	[sflag:s0] =	ssyncset.done @!p0 $0x0  }
0x10e: {  	[sflag:s0] =	ssyncadd.s32 @!p0 s1  }
0x10f: {  	[bflag:$0x3] =	sbarrier.arrive $0xFFFF  }
0x110: {  	_ =	shalt  }

</sc_bundles>
